<compile_context>
chip_gen: v7x
topology: tpu7x:2x2x1
jax: 0.10.2.dev20260603
libtpu: 0.0.44.dev20260713+nightly
codegen_flags: <defaults>
</compile_context>

<pallas_src>
import functools

import jax
import jax.numpy as jnp
from jax import lax
from jax.experimental import pallas as pl
from jax.experimental.pallas import tpu as pltpu
from jax.experimental.pallas import tpu_sc as plsc

_N = 10000
_E = 320000
_HID = 64
_F32 = jnp.float32

_NC, _NS, _L = 2, 16, 16
_NW = _NC * _NS
_EB = 128
_EPW = 10240
_GCHUNKS = _EPW // _EB
_E_PAD = _NW * _EPW
_EPT = _E_PAD // _NS
_ECHUNKS = _EPT // _EB
_N_PAD = 10240
_NHALF = _N_PAD // 2
_AROWS = 6144
_ARPT = _AROWS // _NS
_RPT = _N_PAD // _NS
_BE = 4096


def _silu(v):
    return v * jax.nn.sigmoid(v)



def _enc_body(x_ref, w1_ref, b1_ref, w2_ref, b2_ref, o_ref):
    h = _silu(jnp.dot(x_ref[...], w1_ref[...], preferred_element_type=_F32)
              + b1_ref[...])
    o_ref[...] = jnp.dot(h, w2_ref[...], preferred_element_type=_F32) + b2_ref[...]


def _hef_body(rel_ref, w_ref, w4_ref, b_ref, o_ref):
    r = rel_ref[...]
    d = jnp.sqrt(jnp.sum(r * r, axis=1, keepdims=True))
    pre = (jnp.dot(r, w_ref[...], preferred_element_type=_F32)
           + d * w4_ref[...] + b_ref[...])
    o_ref[...] = _silu(pre)


def _cmat_body(hef_ref, m_ref, o_ref):
    o_ref[...] = jnp.dot(hef_ref[...], m_ref[...], preferred_element_type=_F32)


def _pre_body(h_ref, wi_ref, wj_ref, we_ref, we2_ref, b0_ref, be2_ref,
              t_ref, m_ref):
    we = we_ref[...]
    m_ref[...] = jnp.dot(we2_ref[...], we, preferred_element_type=_F32)
    cvec = b0_ref[...] + jnp.dot(be2_ref[...], we, preferred_element_type=_F32)
    h = h_ref[...]
    a = jnp.dot(h, wi_ref[...], preferred_element_type=_F32) + cvec
    b = jnp.dot(h, wj_ref[...], preferred_element_type=_F32)
    t_ref[...] = jnp.concatenate([a, b], axis=1)


def _upd_body(acc_ref, h_ref, w2_ref, b2_ref,
              u1a_ref, u1b_ref, u1bias_ref, u2_ref, u2bias_ref,
              g_ref, gb_ref, o_ref):
    ss = jnp.concatenate([acc_ref[0, 0:_NHALF, 0:_HID],
                          acc_ref[1, 0:_NHALF, 0:_HID]], axis=0)
    cnt = jnp.concatenate([acc_ref[0, 0:_NHALF, _HID:_HID + 1],
                           acc_ref[1, 0:_NHALF, _HID:_HID + 1]], axis=0)
    invd = 1.0 / jnp.maximum(cnt, 1.0)
    alpha = jnp.minimum(cnt, 1.0)
    h = h_ref[...]
    agg = (jnp.dot(ss, w2_ref[...], preferred_element_type=_F32) * invd
           + alpha * b2_ref[...])
    t = _silu(jnp.dot(h, u1a_ref[...], preferred_element_type=_F32)
              + jnp.dot(agg, u1b_ref[...], preferred_element_type=_F32)
              + u1bias_ref[...])
    r = jnp.dot(t, u2_ref[...], preferred_element_type=_F32) + u2bias_ref[...] + h
    m = jnp.mean(r, axis=1, keepdims=True)
    v = jnp.mean(r * r, axis=1, keepdims=True) - m * m
    o_ref[...] = (r - m) * lax.rsqrt(v + 1e-5) * g_ref[...] + gb_ref[...]


_enc_call = pl.pallas_call(
    _enc_body, out_shape=jax.ShapeDtypeStruct((_N_PAD, _HID), _F32))

_dec_call = pl.pallas_call(
    _enc_body, out_shape=jax.ShapeDtypeStruct((_N_PAD, 16), _F32))

_hef_call = pl.pallas_call(
    _hef_body,
    grid=(_E_PAD // _BE,),
    in_specs=[pl.BlockSpec((_BE, 16), lambda i: (i, 0)),
              pl.BlockSpec((16, _HID), lambda i: (0, 0)),
              pl.BlockSpec((1, _HID), lambda i: (0, 0)),
              pl.BlockSpec((1, _HID), lambda i: (0, 0))],
    out_specs=pl.BlockSpec((_BE, _HID), lambda i: (i, 0)),
    out_shape=jax.ShapeDtypeStruct((_E_PAD, _HID), _F32))

_cmat_call = pl.pallas_call(
    _cmat_body,
    grid=(_E_PAD // _BE,),
    in_specs=[pl.BlockSpec((_BE, _HID), lambda i: (i, 0)),
              pl.BlockSpec((_HID, _HID), lambda i: (0, 0))],
    out_specs=pl.BlockSpec((_BE, _HID), lambda i: (i, 0)),
    out_shape=jax.ShapeDtypeStruct((_E_PAD, _HID), _F32))

_pre_call = pl.pallas_call(
    _pre_body,
    out_shape=[jax.ShapeDtypeStruct((_N_PAD, 2 * _HID), _F32),
               jax.ShapeDtypeStruct((_HID, _HID), _F32)])

_upd_call = pl.pallas_call(
    _upd_body, out_shape=jax.ShapeDtypeStruct((_N_PAD, _HID), _F32))




@functools.cache
def _sc_kernels():
    mesh = plsc.VectorSubcoreMesh(core_axis_name="c", subcore_axis_name="s",
                                  num_cores=_NC, num_subcores=_NS)

    @functools.partial(
        pl.kernel,
        out_type=jax.ShapeDtypeStruct((_E_PAD, 16), _F32),
        mesh=mesh,
        scratch_types=[
            pltpu.VMEM((_EB,), jnp.int32),
            pltpu.VMEM((_EB,), jnp.int32),
            pltpu.VMEM((_EB,), jnp.int32),
            pltpu.VMEM((_EB,), jnp.int32),
            pltpu.VMEM((_EB, 128), _F32),
            pltpu.VMEM((_EB, 128), _F32),
            pltpu.VMEM((_EB, 128), _F32),
            pltpu.VMEM((_EB, 128), _F32),
            pltpu.VMEM((_EB, 16), _F32),
            pltpu.VMEM((_EB, 16), _F32),
            pltpu.SemaphoreType.DMA,
            pltpu.SemaphoreType.DMA,
            pltpu.SemaphoreType.DMA,
            pltpu.SemaphoreType.DMA,
            pltpu.SemaphoreType.DMA,
            pltpu.SemaphoreType.DMA,
            pltpu.SemaphoreType.DMA,
            pltpu.SemaphoreType.DMA,
        ])
    def _geom_kernel(coords_hbm, src_hbm, dst_hbm, rel_hbm,
                     dstv0, dstv1, srcv0, srcv1, cs0, cs1, cd0, cd1,
                     rel0, rel1, si0, si1, st0, st1, ss0, ss1, so0, so1):
        cid = lax.axis_index("c")
        sid = lax.axis_index("s")
        wid = sid * _NC + cid
        dstv = (dstv0, dstv1)
        srcv = (srcv0, srcv1)
        cs = (cs0, cs1)
        cd = (cd0, cd1)
        rel16 = (rel0, rel1)
        si = (si0, si1)
        st = (st0, st1)
        ss = (ss0, ss1)
        so = (so0, so1)
        base0 = wid * _EPW

        def _issue_idx(base, b):
            pltpu.async_copy(dst_hbm.at[pl.ds(base, _EB)], dstv[b], si[b])
            pltpu.async_copy(src_hbm.at[pl.ds(base, _EB)], srcv[b], si[b])

        def _wait_idx(b):
            pltpu.make_async_copy(dst_hbm.at[pl.ds(base0, _EB)], dstv[b],
                                  si[b]).wait()
            pltpu.make_async_copy(src_hbm.at[pl.ds(base0, _EB)], srcv[b],
                                  si[b]).wait()

        def _issue_gather(b):
            pltpu.async_copy(coords_hbm.at[srcv[b]], cs[b], st[b])
            pltpu.async_copy(coords_hbm.at[dstv[b]], cd[b], ss[b])

        def _wait_gather(b):
            pltpu.make_async_copy(coords_hbm.at[srcv[b]], cs[b], st[b]).wait()
            pltpu.make_async_copy(coords_hbm.at[dstv[b]], cd[b], ss[b]).wait()

        def _wait_store(b):
            pltpu.make_async_copy(rel16[b], rel_hbm.at[pl.ds(base0, _EB)],
                                  so[b]).wait()

        _issue_idx(base0, 0)
        _wait_idx(0)
        _issue_gather(0)
        _issue_idx(base0 + _EB, 1)
        pltpu.async_copy(rel16[0], rel_hbm.at[pl.ds(base0, _EB)], so[0])
        pltpu.async_copy(rel16[1], rel_hbm.at[pl.ds(base0 + _EB, _EB)], so[1])

        def pair(c2, carry):
            for b in (0, 1):
                idx = 2 * c2 + b
                nxt2 = jnp.where(idx + 2 >= _GCHUNKS, idx + 2 - _GCHUNKS,
                                 idx + 2)
                _wait_idx(1 - b)
                _issue_gather(1 - b)
                _wait_gather(b)
                _issue_idx(base0 + nxt2 * _EB, b)
                _wait_store(b)

                @plsc.parallel_loop(0, _EB, unroll=4)
                def _rows(r, _b=b):
                    rel16[_b][r, :] = (cd[_b][r, pl.ds(0, 16)]
                                       - cs[_b][r, pl.ds(0, 16)])
                pltpu.async_copy(rel16[b],
                                 rel_hbm.at[pl.ds(base0 + idx * _EB, _EB)],
                                 so[b])
            return carry
        lax.fori_loop(0, _GCHUNKS // 2, pair, 0)
        _wait_idx(1)
        _wait_gather(0)
        _wait_store(0)
        _wait_store(1)

    @functools.partial(
        pl.kernel,
        out_type=jax.ShapeDtypeStruct((_E_PAD, 2 * _HID), _F32),
        mesh=mesh,
        scratch_types=[
            pltpu.VMEM((_EB,), jnp.int32),
            pltpu.VMEM((_EB,), jnp.int32),
            pltpu.VMEM((_EB,), jnp.int32),
            pltpu.VMEM((_EB,), jnp.int32),
            pltpu.VMEM((_EB, 2 * _HID), _F32),
            pltpu.VMEM((_EB, 2 * _HID), _F32),
            pltpu.VMEM((_EB, 2 * _HID), _F32),
            pltpu.VMEM((_EB, 2 * _HID), _F32),
            pltpu.VMEM((_EB, _HID), _F32),
            pltpu.VMEM((_EB, 2 * _HID), _F32),
            pltpu.VMEM((_EB, 2 * _HID), _F32),
            pltpu.SemaphoreType.DMA,
            pltpu.SemaphoreType.DMA,
            pltpu.SemaphoreType.DMA,
            pltpu.SemaphoreType.DMA,
            pltpu.SemaphoreType.DMA,
            pltpu.SemaphoreType.DMA,
            pltpu.SemaphoreType.DMA,
            pltpu.SemaphoreType.DMA,
        ])
    def _msg_kernel(t_hbm, cmat_hbm, src_hbm, dst_hbm, zeros_hbm, s_hbm,
                    dstv0, dstv1, srcv0, srcv1, td0, td1, ts0, ts1,
                    cm, sm0, sm1,
                    si0, si1, st0, st1, ss0, ss1, so0, so1):
        cid = lax.axis_index("c")
        sid = lax.axis_index("s")
        wid = sid * _NC + cid
        dstv = (dstv0, dstv1)
        srcv = (srcv0, srcv1)
        td = (td0, td1)
        ts = (ts0, ts1)
        sm = (sm0, sm1)
        si = (si0, si1)
        st = (st0, st1)
        ss = (ss0, ss1)
        so = (so0, so1)
        one0 = jnp.where(lax.iota(jnp.int32, _L) == 0, 1.0, 0.0).astype(_F32)
        for b in (0, 1):
            pltpu.sync_copy(zeros_hbm, sm[b])

            def init_row(r, rc, _b=b):
                sm[_b][r, pl.ds(_HID, _L)] = one0
                return rc
            lax.fori_loop(0, _EB, init_row, 0)

        base0 = wid * _EPW

        def _issue_idx(base, b):
            pltpu.async_copy(dst_hbm.at[pl.ds(base, _EB)], dstv[b], si[b])
            pltpu.async_copy(src_hbm.at[pl.ds(base, _EB)], srcv[b], si[b])

        def _wait_idx(b):
            pltpu.make_async_copy(dst_hbm.at[pl.ds(base0, _EB)], dstv[b],
                                  si[b]).wait()
            pltpu.make_async_copy(src_hbm.at[pl.ds(base0, _EB)], srcv[b],
                                  si[b]).wait()

        def _issue_gather(base, b):
            pltpu.async_copy(t_hbm.at[dstv[b]], td[b], st[b])
            pltpu.async_copy(t_hbm.at[srcv[b]], ts[b], ss[b])

        def _wait_gather(b):
            pltpu.make_async_copy(t_hbm.at[dstv[b]], td[b], st[b]).wait()
            pltpu.make_async_copy(t_hbm.at[srcv[b]], ts[b], ss[b]).wait()

        def _wait_store(b):
            pltpu.make_async_copy(sm[b], s_hbm.at[pl.ds(base0, _EB)],
                                  so[b]).wait()

        _issue_idx(base0, 0)
        _wait_idx(0)
        _issue_gather(base0, 0)
        _issue_idx(base0 + _EB, 1)
        pltpu.async_copy(sm[0], s_hbm.at[pl.ds(base0, _EB)], so[0])
        pltpu.async_copy(sm[1], s_hbm.at[pl.ds(base0 + _EB, _EB)], so[1])

        def pair(c2, carry):
            for b in (0, 1):
                idx = 2 * c2 + b
                nxt1 = jnp.where(idx + 1 == _GCHUNKS, 0, idx + 1)
                nxt2 = jnp.where(idx + 2 >= _GCHUNKS, idx + 2 - _GCHUNKS,
                                 idx + 2)
                _wait_idx(1 - b)
                _issue_gather(base0 + nxt1 * _EB, 1 - b)
                pltpu.sync_copy(cmat_hbm.at[pl.ds(base0 + idx * _EB, _EB)], cm)
                _wait_gather(b)
                _issue_idx(base0 + nxt2 * _EB, b)
                _wait_store(b)

                @plsc.parallel_loop(0, _EB, unroll=4)
                def _rows(r, _b=b):
                    for kk in range(_HID // _L):
                        sl = pl.ds(kk * _L, _L)
                        sl2 = pl.ds(_HID + kk * _L, _L)
                        v = cm[r, sl] + td[_b][r, sl] + ts[_b][r, sl2]
                        sm[_b][r, sl] = v / (1.0 + jnp.exp(-v))
                pltpu.async_copy(sm[b], s_hbm.at[pl.ds(base0 + idx * _EB, _EB)],
                                 so[b])
            return carry
        lax.fori_loop(0, _GCHUNKS // 2, pair, 0)
        _wait_idx(1)
        _wait_gather(0)
        _wait_store(0)
        _wait_store(1)

    @functools.partial(
        pl.kernel,
        out_type=jax.ShapeDtypeStruct((_NC, _AROWS, 2 * _HID), _F32),
        mesh=mesh,
        scratch_types=[
            pltpu.VMEM((_EB,), jnp.int32),
            pltpu.VMEM((_EB,), jnp.int32),
            pltpu.VMEM((_EB, 2 * _HID), _F32),
            pltpu.VMEM((_EB, 2 * _HID), _F32),
            pltpu.VMEM((_EB, 2 * _HID), _F32),
            pltpu.VMEM_SHARED((_AROWS, 2 * _HID), _F32),
            pltpu.SemaphoreType.DMA,
            pltpu.SemaphoreType.DMA,
            pltpu.SemaphoreType.DMA,
            pltpu.SemaphoreType.DMA,
        ])
    def _scat_kernel(s_hbm, dsth_hbm, zeros_hbm,
                     out_hbm, dstl0, dstl1, cm0, cm1, zb, acc,
                     sd0, sd1, sc0, sc1):
        cid = lax.axis_index("c")
        sid = lax.axis_index("s")
        dstl = (dstl0, dstl1)
        cm = (cm0, cm1)
        sd = (sd0, sd1)
        sc = (sc0, sc1)
        pltpu.sync_copy(zeros_hbm, zb)
        for t in range(_ARPT // _EB):
            pltpu.sync_copy(zb, acc.at[pl.ds(sid * _ARPT + t * _EB, _EB)])
        plsc.subcore_barrier()

        base0 = sid * _EPT
        pltpu.async_copy(dsth_hbm.at[cid, pl.ds(base0, _EB)], dstl[0], sd[0])
        pltpu.async_copy(s_hbm.at[pl.ds(base0, _EB)], cm[0], sc[0])

        def pair(c2, carry):
            for b in (0, 1):
                idx = 2 * c2 + b
                pltpu.make_async_copy(
                    dsth_hbm.at[cid, pl.ds(base0, _EB)], dstl[b], sd[b]).wait()
                pltpu.make_async_copy(
                    s_hbm.at[pl.ds(base0, _EB)], cm[b], sc[b]).wait()
                nidx = jnp.where(idx + 1 == _ECHUNKS, 0, idx + 1)
                nbase = sid * _EPT + nidx * _EB
                pltpu.async_copy(dsth_hbm.at[cid, pl.ds(nbase, _EB)],
                                 dstl[1 - b], sd[1 - b])
                pltpu.async_copy(s_hbm.at[pl.ds(nbase, _EB)],
                                 cm[1 - b], sc[1 - b])
                pltpu.sync_copy(cm[b], acc.at[dstl[b]], add=True)
            return carry
        lax.fori_loop(0, _ECHUNKS // 2, pair, 0)
        pltpu.make_async_copy(
            dsth_hbm.at[cid, pl.ds(base0, _EB)], dstl[0], sd[0]).wait()
        pltpu.make_async_copy(
            s_hbm.at[pl.ds(base0, _EB)], cm[0], sc[0]).wait()
        plsc.subcore_barrier()
        for t in range(_ARPT // _EB):
            r0 = sid * _ARPT + t * _EB
            pltpu.sync_copy(acc.at[pl.ds(r0, _EB)], zb)
            pltpu.sync_copy(zb, out_hbm.at[cid, pl.ds(r0, _EB)])

    return _geom_kernel, _msg_kernel, _scat_kernel



def kernel(x, coords, edge_index, params):
    p = params
    src = edge_index[0].astype(jnp.int32)
    dst = edge_index[1].astype(jnp.int32)
    srcp = jnp.concatenate([src, jnp.zeros((_E_PAD - _E,), jnp.int32)])
    dstp = jnp.concatenate([dst, jnp.full((_E_PAD - _E,), _N_PAD - 1, jnp.int32)])
    coords_p = jnp.pad(coords.astype(_F32), ((0, _N_PAD - _N), (0, 125)))
    xp = jnp.pad(x.astype(_F32), ((0, _N_PAD - _N), (0, 5)))

    enc1, enc2 = p["node_enc"]
    ee1, ee2 = p["edge_enc"]
    dec1, dec2 = p["dec"]

    dsth = jnp.stack([
        jnp.where(dstp < _NHALF, dstp, _AROWS - 1),
        jnp.where(dstp >= _NHALF, dstp - _NHALF, _AROWS - 1),
    ])
    zeros128 = jnp.zeros((_EB, 2 * _HID), _F32)

    _geom_kernel, _msg_kernel, _scat_kernel = _sc_kernels()
    relp = _geom_kernel(coords_p, srcp, dstp)

    we1p = jnp.pad(ee1["W"][:3], ((0, 13), (0, 0)))
    hef = _hef_call(relp, we1p, ee1["W"][3:4], ee1["b"].reshape(1, -1))

    w1p = jnp.pad(enc1["W"], ((0, 5), (0, 0)))
    h = _enc_call(xp, w1p, enc1["b"].reshape(1, -1),
                  enc2["W"], enc2["b"].reshape(1, -1))

    lyr = p["layers"]
    stk = (
        jnp.stack([l["edge_mlp"][0]["W"] for l in lyr]),
        jnp.stack([l["edge_mlp"][0]["b"].reshape(1, -1) for l in lyr]),
        jnp.stack([l["edge_mlp"][1]["W"] for l in lyr]),
        jnp.stack([l["edge_mlp"][1]["b"].reshape(1, -1) for l in lyr]),
        jnp.stack([l["node_mlp"][0]["W"] for l in lyr]),
        jnp.stack([l["node_mlp"][0]["b"].reshape(1, -1) for l in lyr]),
        jnp.stack([l["node_mlp"][1]["W"] for l in lyr]),
        jnp.stack([l["node_mlp"][1]["b"].reshape(1, -1) for l in lyr]),
        jnp.stack([l["ln_g"].reshape(1, -1) for l in lyr]),
        jnp.stack([l["ln_b"].reshape(1, -1) for l in lyr]),
    )
    we2 = ee2["W"]
    be2 = ee2["b"].reshape(1, -1)

    def _step(hc, w):
        em1w, em1b, em2w, em2b, nm1w, nm1b, nm2w, nm2b, lng, lnb = w
        t_t, m_t = _pre_call(hc, em1w[:_HID], em1w[_HID:2 * _HID],
                             em1w[2 * _HID:], we2, em1b, be2)
        cmat = _cmat_call(hef, m_t)
        s_t = _msg_kernel(t_t, cmat, srcp, dstp, zeros128)
        acc2 = _scat_kernel(s_t, dsth, zeros128)
        h2 = _upd_call(acc2, hc, em2w, em2b,
                       nm1w[:_HID], nm1w[_HID:], nm1b,
                       nm2w, nm2b, lng, lnb)
        return h2, jnp.float32(0)

    h, _ = lax.scan(_step, h, stk)

    d2p = jnp.pad(dec2["W"], ((0, 0), (0, 16 - 9)))
    d2bp = jnp.pad(dec2["b"], (0, 16 - 9)).reshape(1, -1)
    out16 = _dec_call(h, dec1["W"], dec1["b"].reshape(1, -1), d2p, d2bp)
    return out16[:_N, :9]

# --- scband reference (transcript-rebuilt; emitter-appended) ---
"""Pipeline reference for scband-eagnn-14121852469804 (READ-ONLY COPY).

The authoritative reference and input builder live on the scoring server;
editing this copy changes nothing except your own understanding.
"""

import jax, jax.numpy as jnp
import numpy as np

N = 10000
E = 320000
IN_DIM = 3
OUT_DIM = 9
HID = 64
EDGE_FEAT_DIM = 4
N_LAYERS = 6

def _lin(key, din, dout):
    return {"W": jax.random.normal(key, (din, dout), dtype=jnp.float32) * (1.0 / np.sqrt(din)),
            "b": jnp.zeros((dout,), dtype=jnp.float32)}

def setup_inputs(seed: int = 0):
    key = jax.random.key(seed)
    ks = jax.random.split(key, 40)
    x = jax.random.normal(ks[0], (N, IN_DIM), dtype=jnp.float32)
    coords = jax.random.uniform(ks[1], (N, 3), dtype=jnp.float32)
    edge_index = jax.random.randint(ks[2], (2, E), 0, N, dtype=jnp.int32)
    params = {}
    params["node_enc"] = [_lin(ks[3], IN_DIM, HID), _lin(ks[4], HID, HID)]
    params["edge_enc"] = [_lin(ks[5], EDGE_FEAT_DIM, HID), _lin(ks[6], HID, HID)]
    layers = []
    k = 7
    for i in range(N_LAYERS):
        layers.append({
            "edge_mlp": [_lin(ks[k], 3 * HID, HID), _lin(ks[k + 1], HID, HID)],
            "node_mlp": [_lin(ks[k + 2], 2 * HID, HID), _lin(ks[k + 3], HID, HID)],
            "ln_g": jnp.ones((HID,), dtype=jnp.float32),
            "ln_b": jnp.zeros((HID,), dtype=jnp.float32),
        })
        k += 4
    params["layers"] = layers
    params["dec"] = [_lin(ks[k], HID, HID), _lin(ks[k + 1], HID, OUT_DIM)]
    return {"x": x, "coords": coords, "edge_index": edge_index, "params": params}

def _mlp2(h, lins):
    h = jax.nn.silu(h @ lins[0]["W"] + lins[0]["b"])
    return h @ lins[1]["W"] + lins[1]["b"]

def _layernorm(h, g, b):
    m = jnp.mean(h, axis=-1, keepdims=True)
    v = jnp.var(h, axis=-1, keepdims=True)
    return (h - m) / jnp.sqrt(v + 1e-5) * g + b

def reference(x, coords, edge_index, params):
    src = edge_index[0]
    dst = edge_index[1]
    rel = coords[dst] - coords[src]
    d = jnp.linalg.norm(rel, axis=-1, keepdims=True)
    ef = jnp.concatenate([rel, d], axis=-1)
    edge_attr = _mlp2(ef, params["edge_enc"])
    h = _mlp2(x, params["node_enc"])
    counts = jax.ops.segment_sum(jnp.ones((E,), dtype=jnp.float32), dst, num_segments=N)
    denom = jnp.maximum(counts, 1.0)[:, None]
    for lp in params["layers"]:
        x_i = h[dst]
        x_j = h[src]
        msg = _mlp2(jnp.concatenate([x_i, x_j, edge_attr], axis=-1), lp["edge_mlp"])
        agg = jax.ops.segment_sum(msg, dst, num_segments=N) / denom
        upd = _mlp2(jnp.concatenate([h, agg], axis=-1), lp["node_mlp"])
        h = _layernorm(upd + h, lp["ln_g"], lp["ln_b"])
    return _mlp2(h, params["dec"])

if __name__ == "__main__":
    import jax
    _d = setup_inputs()
    print(jax.jit(kernel)(*tuple(_d.values())))

</pallas_src>

<mosaic_0001>
#map = affine_map<(d0, d1) -> (0, 0)>
#map1 = affine_map<(d0, d1) -> (0, 0, 0)>
module attributes {stable_mosaic.version = 14 : i64} {
  func.func @_scat_kernel(%arg0: i32, %arg1: i32, %arg2: memref<327680x128xf32, #tpu.memory_space<hbm>>, %arg3: memref<2x327680xi32, #tpu.memory_space<hbm>>, %arg4: memref<128x128xf32, #tpu.memory_space<hbm>>, %arg5: memref<2x6144x128xf32, #tpu.memory_space<hbm>>, %arg6: memref<128xi32, #tpu.memory_space<vmem>>, %arg7: memref<128xi32, #tpu.memory_space<vmem>>, %arg8: memref<128x128xf32, #tpu.memory_space<vmem>>, %arg9: memref<128x128xf32, #tpu.memory_space<vmem>>, %arg10: memref<128x128xf32, #tpu.memory_space<vmem>>, %arg11: memref<6144x128xf32, #tpu.memory_space<vmem_shared>>, %arg12: memref<!tpu.dma_semaphore, #tpu.memory_space<semaphore_mem>>, %arg13: memref<!tpu.dma_semaphore, #tpu.memory_space<semaphore_mem>>, %arg14: memref<!tpu.dma_semaphore, #tpu.memory_space<semaphore_mem>>, %arg15: memref<!tpu.dma_semaphore, #tpu.memory_space<semaphore_mem>>) attributes {dimension_semantics = [#tpu.dimension_semantics<core_parallel>, #tpu.dimension_semantics<subcore_parallel>], iteration_bounds = array<i64: 2, 16>, scalar_prefetch = 0 : i64, scratch_operands = 10 : i64, tpu.core_type = #tpu.core_type<sc_vector_subcore>, window_params = [{transform_indices = #map}, {transform_indices = #map}, {transform_indices = #map}, {transform_indices = #map1}]} {
    "tpu.region"() ({
      %run_scoped3A = tpu.sem_alloc : memref<!tpu.dma_semaphore, #tpu.memory_space<semaphore_mem>>
      tpu.enqueue_dma source(%arg4 : memref<128x128xf32, #tpu.memory_space<hbm>>) target(%arg10 : memref<128x128xf32, #tpu.memory_space<vmem>>) target_semaphore(%run_scoped3A : memref<!tpu.dma_semaphore, #tpu.memory_space<semaphore_mem>>)
      tpu.wait_dma2 semaphore(%run_scoped3A : memref<!tpu.dma_semaphore, #tpu.memory_space<semaphore_mem>>) src(%arg4 : memref<128x128xf32, #tpu.memory_space<hbm>>) dst(%arg10 : memref<128x128xf32, #tpu.memory_space<vmem>>)
      tpu.yield
    }) : () -> ()
    %mul3A = arith.constant 384 : i32
    %mul3A_0 = arith.muli %arg1, %mul3A : i32
    %add3A = arith.constant 0 : i32
    %add3A_1 = arith.addi %mul3A_0, %add3A : i32
    "tpu.region"() ({
      %run_scoped3A = tpu.sem_alloc : memref<!tpu.dma_semaphore, #tpu.memory_space<semaphore_mem>>
      %dma_start3A_44 = arith.constant 0 : i32
      %dma_start3A_45 = tpu.memref_slice %arg11[%add3A_1, %dma_start3A_44] : memref<6144x128xf32, #tpu.memory_space<vmem_shared>> -> memref<128x128xf32, #tpu.memory_space<vmem_shared>>
      %dma_start3A_46 = arith.constant 0 : i32
      %dma_start3A_47 = tpu.memref_slice %arg11[%add3A_1, %dma_start3A_46] : memref<6144x128xf32, #tpu.memory_space<vmem_shared>> -> memref<128x128xf32, #tpu.memory_space<vmem_shared>>
      tpu.enqueue_dma source(%arg10 : memref<128x128xf32, #tpu.memory_space<vmem>>) target(%dma_start3A_47 : memref<128x128xf32, #tpu.memory_space<vmem_shared>>) target_semaphore(%run_scoped3A : memref<!tpu.dma_semaphore, #tpu.memory_space<semaphore_mem>>)
      %dma_wait3A_48 = arith.constant 0 : i32
      %dma_wait3A_49 = tpu.memref_slice %arg11[%add3A_1, %dma_wait3A_48] : memref<6144x128xf32, #tpu.memory_space<vmem_shared>> -> memref<128x128xf32, #tpu.memory_space<vmem_shared>>
      %dma_wait3A_50 = arith.constant 0 : i32
      %dma_wait3A_51 = tpu.memref_slice %arg11[%add3A_1, %dma_wait3A_50] : memref<6144x128xf32, #tpu.memory_space<vmem_shared>> -> memref<128x128xf32, #tpu.memory_space<vmem_shared>>
      tpu.wait_dma2 semaphore(%run_scoped3A : memref<!tpu.dma_semaphore, #tpu.memory_space<semaphore_mem>>) src(%arg10 : memref<128x128xf32, #tpu.memory_space<vmem>>) dst(%dma_wait3A_51 : memref<128x128xf32, #tpu.memory_space<vmem_shared>>)
      tpu.yield
    }) : () -> ()
    %mul3A_2 = arith.constant 384 : i32
    %mul3A_3 = arith.muli %arg1, %mul3A_2 : i32
    %add3A_4 = arith.constant 128 : i32
    %add3A_5 = arith.addi %mul3A_3, %add3A_4 : i32
    "tpu.region"() ({
      %run_scoped3A = tpu.sem_alloc : memref<!tpu.dma_semaphore, #tpu.memory_space<semaphore_mem>>
      %dma_start3A_44 = arith.constant 0 : i32
      %dma_start3A_45 = tpu.memref_slice %arg11[%add3A_5, %dma_start3A_44] : memref<6144x128xf32, #tpu.memory_space<vmem_shared>> -> memref<128x128xf32, #tpu.memory_space<vmem_shared>>
      %dma_start3A_46 = arith.constant 0 : i32
      %dma_start3A_47 = tpu.memref_slice %arg11[%add3A_5, %dma_start3A_46] : memref<6144x128xf32, #tpu.memory_space<vmem_shared>> -> memref<128x128xf32, #tpu.memory_space<vmem_shared>>
      tpu.enqueue_dma source(%arg10 : memref<128x128xf32, #tpu.memory_space<vmem>>) target(%dma_start3A_47 : memref<128x128xf32, #tpu.memory_space<vmem_shared>>) target_semaphore(%run_scoped3A : memref<!tpu.dma_semaphore, #tpu.memory_space<semaphore_mem>>)
      %dma_wait3A_48 = arith.constant 0 : i32
      %dma_wait3A_49 = tpu.memref_slice %arg11[%add3A_5, %dma_wait3A_48] : memref<6144x128xf32, #tpu.memory_space<vmem_shared>> -> memref<128x128xf32, #tpu.memory_space<vmem_shared>>
      %dma_wait3A_50 = arith.constant 0 : i32
      %dma_wait3A_51 = tpu.memref_slice %arg11[%add3A_5, %dma_wait3A_50] : memref<6144x128xf32, #tpu.memory_space<vmem_shared>> -> memref<128x128xf32, #tpu.memory_space<vmem_shared>>
      tpu.wait_dma2 semaphore(%run_scoped3A : memref<!tpu.dma_semaphore, #tpu.memory_space<semaphore_mem>>) src(%arg10 : memref<128x128xf32, #tpu.memory_space<vmem>>) dst(%dma_wait3A_51 : memref<128x128xf32, #tpu.memory_space<vmem_shared>>)
      tpu.yield
    }) : () -> ()
    %mul3A_6 = arith.constant 384 : i32
    %mul3A_7 = arith.muli %arg1, %mul3A_6 : i32
    %add3A_8 = arith.constant 256 : i32
    %add3A_9 = arith.addi %mul3A_7, %add3A_8 : i32
    "tpu.region"() ({
      %run_scoped3A = tpu.sem_alloc : memref<!tpu.dma_semaphore, #tpu.memory_space<semaphore_mem>>
      %dma_start3A_44 = arith.constant 0 : i32
      %dma_start3A_45 = tpu.memref_slice %arg11[%add3A_9, %dma_start3A_44] : memref<6144x128xf32, #tpu.memory_space<vmem_shared>> -> memref<128x128xf32, #tpu.memory_space<vmem_shared>>
      %dma_start3A_46 = arith.constant 0 : i32
      %dma_start3A_47 = tpu.memref_slice %arg11[%add3A_9, %dma_start3A_46] : memref<6144x128xf32, #tpu.memory_space<vmem_shared>> -> memref<128x128xf32, #tpu.memory_space<vmem_shared>>
      tpu.enqueue_dma source(%arg10 : memref<128x128xf32, #tpu.memory_space<vmem>>) target(%dma_start3A_47 : memref<128x128xf32, #tpu.memory_space<vmem_shared>>) target_semaphore(%run_scoped3A : memref<!tpu.dma_semaphore, #tpu.memory_space<semaphore_mem>>)
      %dma_wait3A_48 = arith.constant 0 : i32
      %dma_wait3A_49 = tpu.memref_slice %arg11[%add3A_9, %dma_wait3A_48] : memref<6144x128xf32, #tpu.memory_space<vmem_shared>> -> memref<128x128xf32, #tpu.memory_space<vmem_shared>>
      %dma_wait3A_50 = arith.constant 0 : i32
      %dma_wait3A_51 = tpu.memref_slice %arg11[%add3A_9, %dma_wait3A_50] : memref<6144x128xf32, #tpu.memory_space<vmem_shared>> -> memref<128x128xf32, #tpu.memory_space<vmem_shared>>
      tpu.wait_dma2 semaphore(%run_scoped3A : memref<!tpu.dma_semaphore, #tpu.memory_space<semaphore_mem>>) src(%arg10 : memref<128x128xf32, #tpu.memory_space<vmem>>) dst(%dma_wait3A_51 : memref<128x128xf32, #tpu.memory_space<vmem_shared>>)
      tpu.yield
    }) : () -> ()
    %barrier3A = arith.constant 0 : index
    tpu.barrier barrier_id(%barrier3A)
    %mul3A_10 = arith.constant 20480 : i32
    %mul3A_11 = arith.muli %arg1, %mul3A_10 : i32
    %dma_start3A = tpu.memref_slice %arg3[%arg0, %mul3A_11] : memref<2x327680xi32, #tpu.memory_space<hbm>> -> memref<1x128xi32, #tpu.memory_space<hbm>>
    %dma_start3A_12 = tpu.memref_squeeze %dma_start3A : memref<1x128xi32, #tpu.memory_space<hbm>> -> memref<128xi32, #tpu.memory_space<hbm>>
    %dma_start3A_13 = tpu.memref_slice %arg3[%arg0, %mul3A_11] : memref<2x327680xi32, #tpu.memory_space<hbm>> -> memref<1x128xi32, #tpu.memory_space<hbm>>
    %dma_start3A_14 = tpu.memref_squeeze %dma_start3A_13 : memref<1x128xi32, #tpu.memory_space<hbm>> -> memref<128xi32, #tpu.memory_space<hbm>>
    tpu.enqueue_dma source(%dma_start3A_14 : memref<128xi32, #tpu.memory_space<hbm>>) target(%arg6 : memref<128xi32, #tpu.memory_space<vmem>>) target_semaphore(%arg12 : memref<!tpu.dma_semaphore, #tpu.memory_space<semaphore_mem>>)
    %dma_start3A_15 = arith.constant 0 : i32
    %dma_start3A_16 = tpu.memref_slice %arg2[%mul3A_11, %dma_start3A_15] : memref<327680x128xf32, #tpu.memory_space<hbm>> -> memref<128x128xf32, #tpu.memory_space<hbm>>
    %dma_start3A_17 = arith.constant 0 : i32
    %dma_start3A_18 = tpu.memref_slice %arg2[%mul3A_11, %dma_start3A_17] : memref<327680x128xf32, #tpu.memory_space<hbm>> -> memref<128x128xf32, #tpu.memory_space<hbm>>
    tpu.enqueue_dma source(%dma_start3A_18 : memref<128x128xf32, #tpu.memory_space<hbm>>) target(%arg8 : memref<128x128xf32, #tpu.memory_space<vmem>>) target_semaphore(%arg14 : memref<!tpu.dma_semaphore, #tpu.memory_space<semaphore_mem>>)
    %scan3A = arith.constant 0 : i32
    %scan3A_19 = arith.constant 0 : i32
    %scan3A_20 = arith.constant 80 : i32
    %scan3A_21 = arith.addi %scan3A_19, %scan3A_20 : i32
    %scan3A_22 = arith.constant 1 : i32
    scf.for %scan3A_44 = %scan3A_19 to %scan3A_21 step %scan3A_22  : i32 {
      %mul3A_45 = arith.constant 2 : i32
      %mul3A_46 = arith.muli %mul3A_45, %scan3A_44 : i32
      %add3A_47 = arith.constant 0 : i32
      %add3A_48 = arith.addi %mul3A_46, %add3A_47 : i32
      %dma_wait3A_49 = tpu.memref_slice %arg3[%arg0, %mul3A_11] : memref<2x327680xi32, #tpu.memory_space<hbm>> -> memref<1x128xi32, #tpu.memory_space<hbm>>
      %dma_wait3A_50 = tpu.memref_squeeze %dma_wait3A_49 : memref<1x128xi32, #tpu.memory_space<hbm>> -> memref<128xi32, #tpu.memory_space<hbm>>
      %dma_wait3A_51 = tpu.memref_slice %arg3[%arg0, %mul3A_11] : memref<2x327680xi32, #tpu.memory_space<hbm>> -> memref<1x128xi32, #tpu.memory_space<hbm>>
      %dma_wait3A_52 = tpu.memref_squeeze %dma_wait3A_51 : memref<1x128xi32, #tpu.memory_space<hbm>> -> memref<128xi32, #tpu.memory_space<hbm>>
      tpu.wait_dma2 semaphore(%arg12 : memref<!tpu.dma_semaphore, #tpu.memory_space<semaphore_mem>>) src(%dma_wait3A_52 : memref<128xi32, #tpu.memory_space<hbm>>) dst(%arg6 : memref<128xi32, #tpu.memory_space<vmem>>)
      %dma_wait3A_53 = arith.constant 0 : i32
      %dma_wait3A_54 = tpu.memref_slice %arg2[%mul3A_11, %dma_wait3A_53] : memref<327680x128xf32, #tpu.memory_space<hbm>> -> memref<128x128xf32, #tpu.memory_space<hbm>>
      %dma_wait3A_55 = arith.constant 0 : i32
      %dma_wait3A_56 = tpu.memref_slice %arg2[%mul3A_11, %dma_wait3A_55] : memref<327680x128xf32, #tpu.memory_space<hbm>> -> memref<128x128xf32, #tpu.memory_space<hbm>>
      tpu.wait_dma2 semaphore(%arg14 : memref<!tpu.dma_semaphore, #tpu.memory_space<semaphore_mem>>) src(%dma_wait3A_56 : memref<128x128xf32, #tpu.memory_space<hbm>>) dst(%arg8 : memref<128x128xf32, #tpu.memory_space<vmem>>)
      %add3A_57 = arith.constant 1 : i32
      %add3A_58 = arith.addi %add3A_48, %add3A_57 : i32
      %eq3A = arith.constant 160 : i32
      %eq3A_59 = arith.cmpi eq, %add3A_58, %eq3A : i32
      %add3A_60 = arith.constant 1 : i32
      %add3A_61 = arith.addi %add3A_48, %add3A_60 : i32
      %jit3A = arith.constant 0 : i32
      %select_n3A = arith.select %eq3A_59, %jit3A, %add3A_61 : i32
      %mul3A_62 = arith.constant 20480 : i32
      %mul3A_63 = arith.muli %arg1, %mul3A_62 : i32
      %mul3A_64 = arith.constant 128 : i32
      %mul3A_65 = arith.muli %select_n3A, %mul3A_64 : i32
      %add3A_66 = arith.addi %mul3A_63, %mul3A_65 : i32
      %dma_start3A_67 = tpu.memref_slice %arg3[%arg0, %add3A_66] : memref<2x327680xi32, #tpu.memory_space<hbm>> -> memref<1x128xi32, #tpu.memory_space<hbm>>
      %dma_start3A_68 = tpu.memref_squeeze %dma_start3A_67 : memref<1x128xi32, #tpu.memory_space<hbm>> -> memref<128xi32, #tpu.memory_space<hbm>>
      %dma_start3A_69 = tpu.memref_slice %arg3[%arg0, %add3A_66] : memref<2x327680xi32, #tpu.memory_space<hbm>> -> memref<1x128xi32, #tpu.memory_space<hbm>>
      %dma_start3A_70 = tpu.memref_squeeze %dma_start3A_69 : memref<1x128xi32, #tpu.memory_space<hbm>> -> memref<128xi32, #tpu.memory_space<hbm>>
      tpu.enqueue_dma source(%dma_start3A_70 : memref<128xi32, #tpu.memory_space<hbm>>) target(%arg7 : memref<128xi32, #tpu.memory_space<vmem>>) target_semaphore(%arg13 : memref<!tpu.dma_semaphore, #tpu.memory_space<semaphore_mem>>)
      %dma_start3A_71 = arith.constant 0 : i32
      %dma_start3A_72 = tpu.memref_slice %arg2[%add3A_66, %dma_start3A_71] : memref<327680x128xf32, #tpu.memory_space<hbm>> -> memref<128x128xf32, #tpu.memory_space<hbm>>
      %dma_start3A_73 = arith.constant 0 : i32
      %dma_start3A_74 = tpu.memref_slice %arg2[%add3A_66, %dma_start3A_73] : memref<327680x128xf32, #tpu.memory_space<hbm>> -> memref<128x128xf32, #tpu.memory_space<hbm>>
      tpu.enqueue_dma source(%dma_start3A_74 : memref<128x128xf32, #tpu.memory_space<hbm>>) target(%arg9 : memref<128x128xf32, #tpu.memory_space<vmem>>) target_semaphore(%arg15 : memref<!tpu.dma_semaphore, #tpu.memory_space<semaphore_mem>>)
      "tpu.region"() ({
        %run_scoped3A = tpu.sem_alloc : memref<!tpu.dma_semaphore, #tpu.memory_space<semaphore_mem>>
        %dma_start3A_108 = arith.constant 0 : i32
        %dma_start3A_109 = arith.constant 0 : i32
        %dma_start3A_110 = tpu.memref_slice %arg11[%dma_start3A_108, %dma_start3A_109] : memref<6144x128xf32, #tpu.memory_space<vmem_shared>> -> memref<6144x128xf32, #tpu.memory_space<vmem_shared>>
        tpu.enqueue_indirect_dma source(%arg8 : memref<128x128xf32, #tpu.memory_space<vmem>>) target(%dma_start3A_110 : memref<6144x128xf32, #tpu.memory_space<vmem_shared>>) offsets(%arg6 : memref<128xi32, #tpu.memory_space<vmem>>) semaphore(%run_scoped3A : memref<!tpu.dma_semaphore, #tpu.memory_space<semaphore_mem>>) {add = true}
        %dma_wait3A_111 = arith.constant 0 : i32
        %dma_wait3A_112 = arith.constant 0 : i32
        %dma_wait3A_113 = tpu.memref_slice %arg11[%dma_wait3A_111, %dma_wait3A_112] : memref<6144x128xf32, #tpu.memory_space<vmem_shared>> -> memref<6144x128xf32, #tpu.memory_space<vmem_shared>>
        tpu.wait_indirect_dma semaphore(%run_scoped3A : memref<!tpu.dma_semaphore, #tpu.memory_space<semaphore_mem>>) src(%arg8 : memref<128x128xf32, #tpu.memory_space<vmem>>) dst(%dma_wait3A_113 : memref<6144x128xf32, #tpu.memory_space<vmem_shared>>)
        tpu.yield
      }) : () -> ()
      %mul3A_75 = arith.constant 2 : i32
      %mul3A_76 = arith.muli %mul3A_75, %scan3A_44 : i32
      %add3A_77 = arith.constant 1 : i32
      %add3A_78 = arith.addi %mul3A_76, %add3A_77 : i32
      %dma_wait3A_79 = tpu.memref_slice %arg3[%arg0, %mul3A_11] : memref<2x327680xi32, #tpu.memory_space<hbm>> -> memref<1x128xi32, #tpu.memory_space<hbm>>
      %dma_wait3A_80 = tpu.memref_squeeze %dma_wait3A_79 : memref<1x128xi32, #tpu.memory_space<hbm>> -> memref<128xi32, #tpu.memory_space<hbm>>
      %dma_wait3A_81 = tpu.memref_slice %arg3[%arg0, %mul3A_11] : memref<2x327680xi32, #tpu.memory_space<hbm>> -> memref<1x128xi32, #tpu.memory_space<hbm>>
      %dma_wait3A_82 = tpu.memref_squeeze %dma_wait3A_81 : memref<1x128xi32, #tpu.memory_space<hbm>> -> memref<128xi32, #tpu.memory_space<hbm>>
      tpu.wait_dma2 semaphore(%arg13 : memref<!tpu.dma_semaphore, #tpu.memory_space<semaphore_mem>>) src(%dma_wait3A_82 : memref<128xi32, #tpu.memory_space<hbm>>) dst(%arg7 : memref<128xi32, #tpu.memory_space<vmem>>)
      %dma_wait3A_83 = arith.constant 0 : i32
      %dma_wait3A_84 = tpu.memref_slice %arg2[%mul3A_11, %dma_wait3A_83] : memref<327680x128xf32, #tpu.memory_space<hbm>> -> memref<128x128xf32, #tpu.memory_space<hbm>>
      %dma_wait3A_85 = arith.constant 0 : i32
      %dma_wait3A_86 = tpu.memref_slice %arg2[%mul3A_11, %dma_wait3A_85] : memref<327680x128xf32, #tpu.memory_space<hbm>> -> memref<128x128xf32, #tpu.memory_space<hbm>>
      tpu.wait_dma2 semaphore(%arg15 : memref<!tpu.dma_semaphore, #tpu.memory_space<semaphore_mem>>) src(%dma_wait3A_86 : memref<128x128xf32, #tpu.memory_space<hbm>>) dst(%arg9 : memref<128x128xf32, #tpu.memory_space<vmem>>)
      %add3A_87 = arith.constant 1 : i32
      %add3A_88 = arith.addi %add3A_78, %add3A_87 : i32
      %eq3A_89 = arith.constant 160 : i32
      %eq3A_90 = arith.cmpi eq, %add3A_88, %eq3A_89 : i32
      %add3A_91 = arith.constant 1 : i32
      %add3A_92 = arith.addi %add3A_78, %add3A_91 : i32
      %jit3A_93 = arith.constant 0 : i32
      %select_n3A_94 = arith.select %eq3A_90, %jit3A_93, %add3A_92 : i32
      %mul3A_95 = arith.constant 20480 : i32
      %mul3A_96 = arith.muli %arg1, %mul3A_95 : i32
      %mul3A_97 = arith.constant 128 : i32
      %mul3A_98 = arith.muli %select_n3A_94, %mul3A_97 : i32
      %add3A_99 = arith.addi %mul3A_96, %mul3A_98 : i32
      %dma_start3A_100 = tpu.memref_slice %arg3[%arg0, %add3A_99] : memref<2x327680xi32, #tpu.memory_space<hbm>> -> memref<1x128xi32, #tpu.memory_space<hbm>>
      %dma_start3A_101 = tpu.memref_squeeze %dma_start3A_100 : memref<1x128xi32, #tpu.memory_space<hbm>> -> memref<128xi32, #tpu.memory_space<hbm>>
      %dma_start3A_102 = tpu.memref_slice %arg3[%arg0, %add3A_99] : memref<2x327680xi32, #tpu.memory_space<hbm>> -> memref<1x128xi32, #tpu.memory_space<hbm>>
      %dma_start3A_103 = tpu.memref_squeeze %dma_start3A_102 : memref<1x128xi32, #tpu.memory_space<hbm>> -> memref<128xi32, #tpu.memory_space<hbm>>
      tpu.enqueue_dma source(%dma_start3A_103 : memref<128xi32, #tpu.memory_space<hbm>>) target(%arg6 : memref<128xi32, #tpu.memory_space<vmem>>) target_semaphore(%arg12 : memref<!tpu.dma_semaphore, #tpu.memory_space<semaphore_mem>>)
      %dma_start3A_104 = arith.constant 0 : i32
      %dma_start3A_105 = tpu.memref_slice %arg2[%add3A_99, %dma_start3A_104] : memref<327680x128xf32, #tpu.memory_space<hbm>> -> memref<128x128xf32, #tpu.memory_space<hbm>>
      %dma_start3A_106 = arith.constant 0 : i32
      %dma_start3A_107 = tpu.memref_slice %arg2[%add3A_99, %dma_start3A_106] : memref<327680x128xf32, #tpu.memory_space<hbm>> -> memref<128x128xf32, #tpu.memory_space<hbm>>
      tpu.enqueue_dma source(%dma_start3A_107 : memref<128x128xf32, #tpu.memory_space<hbm>>) target(%arg8 : memref<128x128xf32, #tpu.memory_space<vmem>>) target_semaphore(%arg14 : memref<!tpu.dma_semaphore, #tpu.memory_space<semaphore_mem>>)
      "tpu.region"() ({
        %run_scoped3A = tpu.sem_alloc : memref<!tpu.dma_semaphore, #tpu.memory_space<semaphore_mem>>
        %dma_start3A_108 = arith.constant 0 : i32
        %dma_start3A_109 = arith.constant 0 : i32
        %dma_start3A_110 = tpu.memref_slice %arg11[%dma_start3A_108, %dma_start3A_109] : memref<6144x128xf32, #tpu.memory_space<vmem_shared>> -> memref<6144x128xf32, #tpu.memory_space<vmem_shared>>
        tpu.enqueue_indirect_dma source(%arg9 : memref<128x128xf32, #tpu.memory_space<vmem>>) target(%dma_start3A_110 : memref<6144x128xf32, #tpu.memory_space<vmem_shared>>) offsets(%arg7 : memref<128xi32, #tpu.memory_space<vmem>>) semaphore(%run_scoped3A : memref<!tpu.dma_semaphore, #tpu.memory_space<semaphore_mem>>) {add = true}
        %dma_wait3A_111 = arith.constant 0 : i32
        %dma_wait3A_112 = arith.constant 0 : i32
        %dma_wait3A_113 = tpu.memref_slice %arg11[%dma_wait3A_111, %dma_wait3A_112] : memref<6144x128xf32, #tpu.memory_space<vmem_shared>> -> memref<6144x128xf32, #tpu.memory_space<vmem_shared>>
        tpu.wait_indirect_dma semaphore(%run_scoped3A : memref<!tpu.dma_semaphore, #tpu.memory_space<semaphore_mem>>) src(%arg9 : memref<128x128xf32, #tpu.memory_space<vmem>>) dst(%dma_wait3A_113 : memref<6144x128xf32, #tpu.memory_space<vmem_shared>>)
        tpu.yield
      }) : () -> ()
    }
    %scan3A_23 = arith.constant 80 : i32
    %dma_wait3A = tpu.memref_slice %arg3[%arg0, %mul3A_11] : memref<2x327680xi32, #tpu.memory_space<hbm>> -> memref<1x128xi32, #tpu.memory_space<hbm>>
    %dma_wait3A_24 = tpu.memref_squeeze %dma_wait3A : memref<1x128xi32, #tpu.memory_space<hbm>> -> memref<128xi32, #tpu.memory_space<hbm>>
    %dma_wait3A_25 = tpu.memref_slice %arg3[%arg0, %mul3A_11] : memref<2x327680xi32, #tpu.memory_space<hbm>> -> memref<1x128xi32, #tpu.memory_space<hbm>>
    %dma_wait3A_26 = tpu.memref_squeeze %dma_wait3A_25 : memref<1x128xi32, #tpu.memory_space<hbm>> -> memref<128xi32, #tpu.memory_space<hbm>>
    tpu.wait_dma2 semaphore(%arg12 : memref<!tpu.dma_semaphore, #tpu.memory_space<semaphore_mem>>) src(%dma_wait3A_26 : memref<128xi32, #tpu.memory_space<hbm>>) dst(%arg6 : memref<128xi32, #tpu.memory_space<vmem>>)
    %dma_wait3A_27 = arith.constant 0 : i32
    %dma_wait3A_28 = tpu.memref_slice %arg2[%mul3A_11, %dma_wait3A_27] : memref<327680x128xf32, #tpu.memory_space<hbm>> -> memref<128x128xf32, #tpu.memory_space<hbm>>
    %dma_wait3A_29 = arith.constant 0 : i32
    %dma_wait3A_30 = tpu.memref_slice %arg2[%mul3A_11, %dma_wait3A_29] : memref<327680x128xf32, #tpu.memory_space<hbm>> -> memref<128x128xf32, #tpu.memory_space<hbm>>
    tpu.wait_dma2 semaphore(%arg14 : memref<!tpu.dma_semaphore, #tpu.memory_space<semaphore_mem>>) src(%dma_wait3A_30 : memref<128x128xf32, #tpu.memory_space<hbm>>) dst(%arg8 : memref<128x128xf32, #tpu.memory_space<vmem>>)
    %barrier3A_31 = arith.constant 0 : index
    tpu.barrier barrier_id(%barrier3A_31)
    %mul3A_32 = arith.constant 384 : i32
    %mul3A_33 = arith.muli %arg1, %mul3A_32 : i32
    %add3A_34 = arith.constant 0 : i32
    %add3A_35 = arith.addi %mul3A_33, %add3A_34 : i32
    "tpu.region"() ({
      %run_scoped3A = tpu.sem_alloc : memref<!tpu.dma_semaphore, #tpu.memory_space<semaphore_mem>>
      %dma_start3A_44 = arith.constant 0 : i32
      %dma_start3A_45 = tpu.memref_slice %arg11[%add3A_35, %dma_start3A_44] : memref<6144x128xf32, #tpu.memory_space<vmem_shared>> -> memref<128x128xf32, #tpu.memory_space<vmem_shared>>
      %dma_start3A_46 = arith.constant 0 : i32
      %dma_start3A_47 = tpu.memref_slice %arg11[%add3A_35, %dma_start3A_46] : memref<6144x128xf32, #tpu.memory_space<vmem_shared>> -> memref<128x128xf32, #tpu.memory_space<vmem_shared>>
      tpu.enqueue_dma source(%dma_start3A_47 : memref<128x128xf32, #tpu.memory_space<vmem_shared>>) target(%arg10 : memref<128x128xf32, #tpu.memory_space<vmem>>) target_semaphore(%run_scoped3A : memref<!tpu.dma_semaphore, #tpu.memory_space<semaphore_mem>>)
      %dma_wait3A_48 = arith.constant 0 : i32
      %dma_wait3A_49 = tpu.memref_slice %arg11[%add3A_35, %dma_wait3A_48] : memref<6144x128xf32, #tpu.memory_space<vmem_shared>> -> memref<128x128xf32, #tpu.memory_space<vmem_shared>>
      %dma_wait3A_50 = arith.constant 0 : i32
      %dma_wait3A_51 = tpu.memref_slice %arg11[%add3A_35, %dma_wait3A_50] : memref<6144x128xf32, #tpu.memory_space<vmem_shared>> -> memref<128x128xf32, #tpu.memory_space<vmem_shared>>
      tpu.wait_dma2 semaphore(%run_scoped3A : memref<!tpu.dma_semaphore, #tpu.memory_space<semaphore_mem>>) src(%dma_wait3A_51 : memref<128x128xf32, #tpu.memory_space<vmem_shared>>) dst(%arg10 : memref<128x128xf32, #tpu.memory_space<vmem>>)
      tpu.yield
    }) : () -> ()
    "tpu.region"() ({
      %run_scoped3A = tpu.sem_alloc : memref<!tpu.dma_semaphore, #tpu.memory_space<semaphore_mem>>
      %dma_start3A_44 = arith.constant 0 : i32
      %dma_start3A_45 = tpu.memref_slice %arg5[%arg0, %add3A_35, %dma_start3A_44] : memref<2x6144x128xf32, #tpu.memory_space<hbm>> -> memref<1x128x128xf32, #tpu.memory_space<hbm>>
      %dma_start3A_46 = tpu.memref_squeeze %dma_start3A_45 : memref<1x128x128xf32, #tpu.memory_space<hbm>> -> memref<128x128xf32, #tpu.memory_space<hbm>>
      %dma_start3A_47 = arith.constant 0 : i32
      %dma_start3A_48 = tpu.memref_slice %arg5[%arg0, %add3A_35, %dma_start3A_47] : memref<2x6144x128xf32, #tpu.memory_space<hbm>> -> memref<1x128x128xf32, #tpu.memory_space<hbm>>
      %dma_start3A_49 = tpu.memref_squeeze %dma_start3A_48 : memref<1x128x128xf32, #tpu.memory_space<hbm>> -> memref<128x128xf32, #tpu.memory_space<hbm>>
      tpu.enqueue_dma source(%arg10 : memref<128x128xf32, #tpu.memory_space<vmem>>) target(%dma_start3A_49 : memref<128x128xf32, #tpu.memory_space<hbm>>) target_semaphore(%run_scoped3A : memref<!tpu.dma_semaphore, #tpu.memory_space<semaphore_mem>>)
      %dma_wait3A_50 = arith.constant 0 : i32
      %dma_wait3A_51 = tpu.memref_slice %arg5[%arg0, %add3A_35, %dma_wait3A_50] : memref<2x6144x128xf32, #tpu.memory_space<hbm>> -> memref<1x128x128xf32, #tpu.memory_space<hbm>>
      %dma_wait3A_52 = tpu.memref_squeeze %dma_wait3A_51 : memref<1x128x128xf32, #tpu.memory_space<hbm>> -> memref<128x128xf32, #tpu.memory_space<hbm>>
      %dma_wait3A_53 = arith.constant 0 : i32
      %dma_wait3A_54 = tpu.memref_slice %arg5[%arg0, %add3A_35, %dma_wait3A_53] : memref<2x6144x128xf32, #tpu.memory_space<hbm>> -> memref<1x128x128xf32, #tpu.memory_space<hbm>>
      %dma_wait3A_55 = tpu.memref_squeeze %dma_wait3A_54 : memref<1x128x128xf32, #tpu.memory_space<hbm>> -> memref<128x128xf32, #tpu.memory_space<hbm>>
      tpu.wait_dma2 semaphore(%run_scoped3A : memref<!tpu.dma_semaphore, #tpu.memory_space<semaphore_mem>>) src(%arg10 : memref<128x128xf32, #tpu.memory_space<vmem>>) dst(%dma_wait3A_55 : memref<128x128xf32, #tpu.memory_space<hbm>>)
      tpu.yield
    }) : () -> ()
    %mul3A_36 = arith.constant 384 : i32
    %mul3A_37 = arith.muli %arg1, %mul3A_36 : i32
    %add3A_38 = arith.constant 128 : i32
    %add3A_39 = arith.addi %mul3A_37, %add3A_38 : i32
    "tpu.region"() ({
      %run_scoped3A = tpu.sem_alloc : memref<!tpu.dma_semaphore, #tpu.memory_space<semaphore_mem>>
      %dma_start3A_44 = arith.constant 0 : i32
      %dma_start3A_45 = tpu.memref_slice %arg11[%add3A_39, %dma_start3A_44] : memref<6144x128xf32, #tpu.memory_space<vmem_shared>> -> memref<128x128xf32, #tpu.memory_space<vmem_shared>>
      %dma_start3A_46 = arith.constant 0 : i32
      %dma_start3A_47 = tpu.memref_slice %arg11[%add3A_39, %dma_start3A_46] : memref<6144x128xf32, #tpu.memory_space<vmem_shared>> -> memref<128x128xf32, #tpu.memory_space<vmem_shared>>
      tpu.enqueue_dma source(%dma_start3A_47 : memref<128x128xf32, #tpu.memory_space<vmem_shared>>) target(%arg10 : memref<128x128xf32, #tpu.memory_space<vmem>>) target_semaphore(%run_scoped3A : memref<!tpu.dma_semaphore, #tpu.memory_space<semaphore_mem>>)
      %dma_wait3A_48 = arith.constant 0 : i32
      %dma_wait3A_49 = tpu.memref_slice %arg11[%add3A_39, %dma_wait3A_48] : memref<6144x128xf32, #tpu.memory_space<vmem_shared>> -> memref<128x128xf32, #tpu.memory_space<vmem_shared>>
      %dma_wait3A_50 = arith.constant 0 : i32
      %dma_wait3A_51 = tpu.memref_slice %arg11[%add3A_39, %dma_wait3A_50] : memref<6144x128xf32, #tpu.memory_space<vmem_shared>> -> memref<128x128xf32, #tpu.memory_space<vmem_shared>>
      tpu.wait_dma2 semaphore(%run_scoped3A : memref<!tpu.dma_semaphore, #tpu.memory_space<semaphore_mem>>) src(%dma_wait3A_51 : memref<128x128xf32, #tpu.memory_space<vmem_shared>>) dst(%arg10 : memref<128x128xf32, #tpu.memory_space<vmem>>)
      tpu.yield
    }) : () -> ()
    "tpu.region"() ({
      %run_scoped3A = tpu.sem_alloc : memref<!tpu.dma_semaphore, #tpu.memory_space<semaphore_mem>>
      %dma_start3A_44 = arith.constant 0 : i32
      %dma_start3A_45 = tpu.memref_slice %arg5[%arg0, %add3A_39, %dma_start3A_44] : memref<2x6144x128xf32, #tpu.memory_space<hbm>> -> memref<1x128x128xf32, #tpu.memory_space<hbm>>
      %dma_start3A_46 = tpu.memref_squeeze %dma_start3A_45 : memref<1x128x128xf32, #tpu.memory_space<hbm>> -> memref<128x128xf32, #tpu.memory_space<hbm>>
      %dma_start3A_47 = arith.constant 0 : i32
      %dma_start3A_48 = tpu.memref_slice %arg5[%arg0, %add3A_39, %dma_start3A_47] : memref<2x6144x128xf32, #tpu.memory_space<hbm>> -> memref<1x128x128xf32, #tpu.memory_space<hbm>>
      %dma_start3A_49 = tpu.memref_squeeze %dma_start3A_48 : memref<1x128x128xf32, #tpu.memory_space<hbm>> -> memref<128x128xf32, #tpu.memory_space<hbm>>
      tpu.enqueue_dma source(%arg10 : memref<128x128xf32, #tpu.memory_space<vmem>>) target(%dma_start3A_49 : memref<128x128xf32, #tpu.memory_space<hbm>>) target_semaphore(%run_scoped3A : memref<!tpu.dma_semaphore, #tpu.memory_space<semaphore_mem>>)
      %dma_wait3A_50 = arith.constant 0 : i32
      %dma_wait3A_51 = tpu.memref_slice %arg5[%arg0, %add3A_39, %dma_wait3A_50] : memref<2x6144x128xf32, #tpu.memory_space<hbm>> -> memref<1x128x128xf32, #tpu.memory_space<hbm>>
      %dma_wait3A_52 = tpu.memref_squeeze %dma_wait3A_51 : memref<1x128x128xf32, #tpu.memory_space<hbm>> -> memref<128x128xf32, #tpu.memory_space<hbm>>
      %dma_wait3A_53 = arith.constant 0 : i32
      %dma_wait3A_54 = tpu.memref_slice %arg5[%arg0, %add3A_39, %dma_wait3A_53] : memref<2x6144x128xf32, #tpu.memory_space<hbm>> -> memref<1x128x128xf32, #tpu.memory_space<hbm>>
      %dma_wait3A_55 = tpu.memref_squeeze %dma_wait3A_54 : memref<1x128x128xf32, #tpu.memory_space<hbm>> -> memref<128x128xf32, #tpu.memory_space<hbm>>
      tpu.wait_dma2 semaphore(%run_scoped3A : memref<!tpu.dma_semaphore, #tpu.memory_space<semaphore_mem>>) src(%arg10 : memref<128x128xf32, #tpu.memory_space<vmem>>) dst(%dma_wait3A_55 : memref<128x128xf32, #tpu.memory_space<hbm>>)
      tpu.yield
    }) : () -> ()
    %mul3A_40 = arith.constant 384 : i32
    %mul3A_41 = arith.muli %arg1, %mul3A_40 : i32
    %add3A_42 = arith.constant 256 : i32
    %add3A_43 = arith.addi %mul3A_41, %add3A_42 : i32
    "tpu.region"() ({
      %run_scoped3A = tpu.sem_alloc : memref<!tpu.dma_semaphore, #tpu.memory_space<semaphore_mem>>
      %dma_start3A_44 = arith.constant 0 : i32
      %dma_start3A_45 = tpu.memref_slice %arg11[%add3A_43, %dma_start3A_44] : memref<6144x128xf32, #tpu.memory_space<vmem_shared>> -> memref<128x128xf32, #tpu.memory_space<vmem_shared>>
      %dma_start3A_46 = arith.constant 0 : i32
      %dma_start3A_47 = tpu.memref_slice %arg11[%add3A_43, %dma_start3A_46] : memref<6144x128xf32, #tpu.memory_space<vmem_shared>> -> memref<128x128xf32, #tpu.memory_space<vmem_shared>>
      tpu.enqueue_dma source(%dma_start3A_47 : memref<128x128xf32, #tpu.memory_space<vmem_shared>>) target(%arg10 : memref<128x128xf32, #tpu.memory_space<vmem>>) target_semaphore(%run_scoped3A : memref<!tpu.dma_semaphore, #tpu.memory_space<semaphore_mem>>)
      %dma_wait3A_48 = arith.constant 0 : i32
      %dma_wait3A_49 = tpu.memref_slice %arg11[%add3A_43, %dma_wait3A_48] : memref<6144x128xf32, #tpu.memory_space<vmem_shared>> -> memref<128x128xf32, #tpu.memory_space<vmem_shared>>
      %dma_wait3A_50 = arith.constant 0 : i32
      %dma_wait3A_51 = tpu.memref_slice %arg11[%add3A_43, %dma_wait3A_50] : memref<6144x128xf32, #tpu.memory_space<vmem_shared>> -> memref<128x128xf32, #tpu.memory_space<vmem_shared>>
      tpu.wait_dma2 semaphore(%run_scoped3A : memref<!tpu.dma_semaphore, #tpu.memory_space<semaphore_mem>>) src(%dma_wait3A_51 : memref<128x128xf32, #tpu.memory_space<vmem_shared>>) dst(%arg10 : memref<128x128xf32, #tpu.memory_space<vmem>>)
      tpu.yield
    }) : () -> ()
    "tpu.region"() ({
      %run_scoped3A = tpu.sem_alloc : memref<!tpu.dma_semaphore, #tpu.memory_space<semaphore_mem>>
      %dma_start3A_44 = arith.constant 0 : i32
      %dma_start3A_45 = tpu.memref_slice %arg5[%arg0, %add3A_43, %dma_start3A_44] : memref<2x6144x128xf32, #tpu.memory_space<hbm>> -> memref<1x128x128xf32, #tpu.memory_space<hbm>>
      %dma_start3A_46 = tpu.memref_squeeze %dma_start3A_45 : memref<1x128x128xf32, #tpu.memory_space<hbm>> -> memref<128x128xf32, #tpu.memory_space<hbm>>
      %dma_start3A_47 = arith.constant 0 : i32
      %dma_start3A_48 = tpu.memref_slice %arg5[%arg0, %add3A_43, %dma_start3A_47] : memref<2x6144x128xf32, #tpu.memory_space<hbm>> -> memref<1x128x128xf32, #tpu.memory_space<hbm>>
      %dma_start3A_49 = tpu.memref_squeeze %dma_start3A_48 : memref<1x128x128xf32, #tpu.memory_space<hbm>> -> memref<128x128xf32, #tpu.memory_space<hbm>>
      tpu.enqueue_dma source(%arg10 : memref<128x128xf32, #tpu.memory_space<vmem>>) target(%dma_start3A_49 : memref<128x128xf32, #tpu.memory_space<hbm>>) target_semaphore(%run_scoped3A : memref<!tpu.dma_semaphore, #tpu.memory_space<semaphore_mem>>)
      %dma_wait3A_50 = arith.constant 0 : i32
      %dma_wait3A_51 = tpu.memref_slice %arg5[%arg0, %add3A_43, %dma_wait3A_50] : memref<2x6144x128xf32, #tpu.memory_space<hbm>> -> memref<1x128x128xf32, #tpu.memory_space<hbm>>
      %dma_wait3A_52 = tpu.memref_squeeze %dma_wait3A_51 : memref<1x128x128xf32, #tpu.memory_space<hbm>> -> memref<128x128xf32, #tpu.memory_space<hbm>>
      %dma_wait3A_53 = arith.constant 0 : i32
      %dma_wait3A_54 = tpu.memref_slice %arg5[%arg0, %add3A_43, %dma_wait3A_53] : memref<2x6144x128xf32, #tpu.memory_space<hbm>> -> memref<1x128x128xf32, #tpu.memory_space<hbm>>
      %dma_wait3A_55 = tpu.memref_squeeze %dma_wait3A_54 : memref<1x128x128xf32, #tpu.memory_space<hbm>> -> memref<128x128xf32, #tpu.memory_space<hbm>>
      tpu.wait_dma2 semaphore(%run_scoped3A : memref<!tpu.dma_semaphore, #tpu.memory_space<semaphore_mem>>) src(%arg10 : memref<128x128xf32, #tpu.memory_space<vmem>>) dst(%dma_wait3A_55 : memref<128x128xf32, #tpu.memory_space<hbm>>)
      tpu.yield
    }) : () -> ()
    return
  }
}

#map = affine_map<(d0, d1) -> (0, 0)>
#map1 = affine_map<(d0, d1) -> (0)>
module attributes {stable_mosaic.version = 14 : i64} {
  func.func @_geom_kernel(%arg0: i32, %arg1: i32, %arg2: memref<10240x128xf32, #tpu.memory_space<hbm>>, %arg3: memref<327680xi32, #tpu.memory_space<hbm>>, %arg4: memref<327680xi32, #tpu.memory_space<hbm>>, %arg5: memref<327680x16xf32, #tpu.memory_space<hbm>>, %arg6: memref<128xi32, #tpu.memory_space<vmem>>, %arg7: memref<128xi32, #tpu.memory_space<vmem>>, %arg8: memref<128xi32, #tpu.memory_space<vmem>>, %arg9: memref<128xi32, #tpu.memory_space<vmem>>, %arg10: memref<128x128xf32, #tpu.memory_space<vmem>>, %arg11: memref<128x128xf32, #tpu.memory_space<vmem>>, %arg12: memref<128x128xf32, #tpu.memory_space<vmem>>, %arg13: memref<128x128xf32, #tpu.memory_space<vmem>>, %arg14: memref<128x16xf32, #tpu.memory_space<vmem>>, %arg15: memref<128x16xf32, #tpu.memory_space<vmem>>, %arg16: memref<!tpu.dma_semaphore, #tpu.memory_space<semaphore_mem>>, %arg17: memref<!tpu.dma_semaphore, #tpu.memory_space<semaphore_mem>>, %arg18: memref<!tpu.dma_semaphore, #tpu.memory_space<semaphore_mem>>, %arg19: memref<!tpu.dma_semaphore, #tpu.memory_space<semaphore_mem>>, %arg20: memref<!tpu.dma_semaphore, #tpu.memory_space<semaphore_mem>>, %arg21: memref<!tpu.dma_semaphore, #tpu.memory_space<semaphore_mem>>, %arg22: memref<!tpu.dma_semaphore, #tpu.memory_space<semaphore_mem>>, %arg23: memref<!tpu.dma_semaphore, #tpu.memory_space<semaphore_mem>>) attributes {dimension_semantics = [#tpu.dimension_semantics<core_parallel>, #tpu.dimension_semantics<subcore_parallel>], iteration_bounds = array<i64: 2, 16>, scalar_prefetch = 0 : i64, scratch_operands = 18 : i64, tpu.core_type = #tpu.core_type<sc_vector_subcore>, window_params = [{transform_indices = #map}, {transform_indices = #map1}, {transform_indices = #map1}, {transform_indices = #map}]} {
    %mul3A = arith.constant 2 : i32
    %mul3A_0 = arith.muli %arg1, %mul3A : i32
    %add3A = arith.addi %mul3A_0, %arg0 : i32
    %mul3A_1 = arith.constant 10240 : i32
    %mul3A_2 = arith.muli %add3A, %mul3A_1 : i32
    %dma_start3A = tpu.memref_slice %arg4[%mul3A_2] : memref<327680xi32, #tpu.memory_space<hbm>> -> memref<128xi32, #tpu.memory_space<hbm>>
    %dma_start3A_3 = tpu.memref_slice %arg4[%mul3A_2] : memref<327680xi32, #tpu.memory_space<hbm>> -> memref<128xi32, #tpu.memory_space<hbm>>
    tpu.enqueue_dma source(%dma_start3A_3 : memref<128xi32, #tpu.memory_space<hbm>>) target(%arg6 : memref<128xi32, #tpu.memory_space<vmem>>) target_semaphore(%arg16 : memref<!tpu.dma_semaphore, #tpu.memory_space<semaphore_mem>>)
    %dma_start3A_4 = tpu.memref_slice %arg3[%mul3A_2] : memref<327680xi32, #tpu.memory_space<hbm>> -> memref<128xi32, #tpu.memory_space<hbm>>
    %dma_start3A_5 = tpu.memref_slice %arg3[%mul3A_2] : memref<327680xi32, #tpu.memory_space<hbm>> -> memref<128xi32, #tpu.memory_space<hbm>>
    tpu.enqueue_dma source(%dma_start3A_5 : memref<128xi32, #tpu.memory_space<hbm>>) target(%arg8 : memref<128xi32, #tpu.memory_space<vmem>>) target_semaphore(%arg16 : memref<!tpu.dma_semaphore, #tpu.memory_space<semaphore_mem>>)
    %dma_wait3A = tpu.memref_slice %arg4[%mul3A_2] : memref<327680xi32, #tpu.memory_space<hbm>> -> memref<128xi32, #tpu.memory_space<hbm>>
    %dma_wait3A_6 = tpu.memref_slice %arg4[%mul3A_2] : memref<327680xi32, #tpu.memory_space<hbm>> -> memref<128xi32, #tpu.memory_space<hbm>>
    tpu.wait_dma2 semaphore(%arg16 : memref<!tpu.dma_semaphore, #tpu.memory_space<semaphore_mem>>) src(%dma_wait3A_6 : memref<128xi32, #tpu.memory_space<hbm>>) dst(%arg6 : memref<128xi32, #tpu.memory_space<vmem>>)
    %dma_wait3A_7 = tpu.memref_slice %arg3[%mul3A_2] : memref<327680xi32, #tpu.memory_space<hbm>> -> memref<128xi32, #tpu.memory_space<hbm>>
    %dma_wait3A_8 = tpu.memref_slice %arg3[%mul3A_2] : memref<327680xi32, #tpu.memory_space<hbm>> -> memref<128xi32, #tpu.memory_space<hbm>>
    tpu.wait_dma2 semaphore(%arg16 : memref<!tpu.dma_semaphore, #tpu.memory_space<semaphore_mem>>) src(%dma_wait3A_8 : memref<128xi32, #tpu.memory_space<hbm>>) dst(%arg8 : memref<128xi32, #tpu.memory_space<vmem>>)
    %dma_start3A_9 = arith.constant 0 : i32
    %dma_start3A_10 = arith.constant 0 : i32
    %dma_start3A_11 = tpu.memref_slice %arg2[%dma_start3A_9, %dma_start3A_10] : memref<10240x128xf32, #tpu.memory_space<hbm>> -> memref<10240x128xf32, #tpu.memory_space<hbm>>
    tpu.enqueue_indirect_dma source(%dma_start3A_11 : memref<10240x128xf32, #tpu.memory_space<hbm>>) target(%arg10 : memref<128x128xf32, #tpu.memory_space<vmem>>) offsets(%arg8 : memref<128xi32, #tpu.memory_space<vmem>>) semaphore(%arg18 : memref<!tpu.dma_semaphore, #tpu.memory_space<semaphore_mem>>)
    %dma_start3A_12 = arith.constant 0 : i32
    %dma_start3A_13 = arith.constant 0 : i32
    %dma_start3A_14 = tpu.memref_slice %arg2[%dma_start3A_12, %dma_start3A_13] : memref<10240x128xf32, #tpu.memory_space<hbm>> -> memref<10240x128xf32, #tpu.memory_space<hbm>>
    tpu.enqueue_indirect_dma source(%dma_start3A_14 : memref<10240x128xf32, #tpu.memory_space<hbm>>) target(%arg12 : memref<128x128xf32, #tpu.memory_space<vmem>>) offsets(%arg6 : memref<128xi32, #tpu.memory_space<vmem>>) semaphore(%arg20 : memref<!tpu.dma_semaphore, #tpu.memory_space<semaphore_mem>>)
    %add3A_15 = arith.constant 128 : i32
    %add3A_16 = arith.addi %mul3A_2, %add3A_15 : i32
    %dma_start3A_17 = tpu.memref_slice %arg4[%add3A_16] : memref<327680xi32, #tpu.memory_space<hbm>> -> memref<128xi32, #tpu.memory_space<hbm>>
    %dma_start3A_18 = tpu.memref_slice %arg4[%add3A_16] : memref<327680xi32, #tpu.memory_space<hbm>> -> memref<128xi32, #tpu.memory_space<hbm>>
    tpu.enqueue_dma source(%dma_start3A_18 : memref<128xi32, #tpu.memory_space<hbm>>) target(%arg7 : memref<128xi32, #tpu.memory_space<vmem>>) target_semaphore(%arg17 : memref<!tpu.dma_semaphore, #tpu.memory_space<semaphore_mem>>)
    %dma_start3A_19 = tpu.memref_slice %arg3[%add3A_16] : memref<327680xi32, #tpu.memory_space<hbm>> -> memref<128xi32, #tpu.memory_space<hbm>>
    %dma_start3A_20 = tpu.memref_slice %arg3[%add3A_16] : memref<327680xi32, #tpu.memory_space<hbm>> -> memref<128xi32, #tpu.memory_space<hbm>>
    tpu.enqueue_dma source(%dma_start3A_20 : memref<128xi32, #tpu.memory_space<hbm>>) target(%arg9 : memref<128xi32, #tpu.memory_space<vmem>>) target_semaphore(%arg17 : memref<!tpu.dma_semaphore, #tpu.memory_space<semaphore_mem>>)
    %dma_start3A_21 = arith.constant 0 : i32
    %dma_start3A_22 = tpu.memref_slice %arg5[%mul3A_2, %dma_start3A_21] : memref<327680x16xf32, #tpu.memory_space<hbm>> -> memref<128x16xf32, #tpu.memory_space<hbm>>
    %dma_start3A_23 = arith.constant 0 : i32
    %dma_start3A_24 = tpu.memref_slice %arg5[%mul3A_2, %dma_start3A_23] : memref<327680x16xf32, #tpu.memory_space<hbm>> -> memref<128x16xf32, #tpu.memory_space<hbm>>
    tpu.enqueue_dma source(%arg14 : memref<128x16xf32, #tpu.memory_space<vmem>>) target(%dma_start3A_24 : memref<128x16xf32, #tpu.memory_space<hbm>>) target_semaphore(%arg22 : memref<!tpu.dma_semaphore, #tpu.memory_space<semaphore_mem>>)
    %add3A_25 = arith.constant 128 : i32
    %add3A_26 = arith.addi %mul3A_2, %add3A_25 : i32
    %dma_start3A_27 = arith.constant 0 : i32
    %dma_start3A_28 = tpu.memref_slice %arg5[%add3A_26, %dma_start3A_27] : memref<327680x16xf32, #tpu.memory_space<hbm>> -> memref<128x16xf32, #tpu.memory_space<hbm>>
    %dma_start3A_29 = arith.constant 0 : i32
    %dma_start3A_30 = tpu.memref_slice %arg5[%add3A_26, %dma_start3A_29] : memref<327680x16xf32, #tpu.memory_space<hbm>> -> memref<128x16xf32, #tpu.memory_space<hbm>>
    tpu.enqueue_dma source(%arg15 : memref<128x16xf32, #tpu.memory_space<vmem>>) target(%dma_start3A_30 : memref<128x16xf32, #tpu.memory_space<hbm>>) target_semaphore(%arg23 : memref<!tpu.dma_semaphore, #tpu.memory_space<semaphore_mem>>)
    %scan3A = arith.constant 0 : i32
    %scan3A_31 = arith.constant 0 : i32
    %scan3A_32 = arith.constant 40 : i32
    %scan3A_33 = arith.addi %scan3A_31, %scan3A_32 : i32
    %scan3A_34 = arith.constant 1 : i32
    scf.for %scan3A_54 = %scan3A_31 to %scan3A_33 step %scan3A_34  : i32 {
      %mul3A_55 = arith.constant 2 : i32
      %mul3A_56 = arith.muli %mul3A_55, %scan3A_54 : i32
      %add3A_57 = arith.constant 0 : i32
      %add3A_58 = arith.addi %mul3A_56, %add3A_57 : i32
      %add3A_59 = arith.constant 2 : i32
      %add3A_60 = arith.addi %add3A_58, %add3A_59 : i32
      %ge3A = arith.constant 80 : i32
      %ge3A_61 = arith.cmpi sge, %add3A_60, %ge3A : i32
      %add3A_62 = arith.constant 2 : i32
      %add3A_63 = arith.addi %add3A_58, %add3A_62 : i32
      %sub3A = arith.constant 80 : i32
      %sub3A_64 = arith.subi %add3A_63, %sub3A : i32
      %add3A_65 = arith.constant 2 : i32
      %add3A_66 = arith.addi %add3A_58, %add3A_65 : i32
      %select_n3A = arith.select %ge3A_61, %sub3A_64, %add3A_66 : i32
      %dma_wait3A_67 = tpu.memref_slice %arg4[%mul3A_2] : memref<327680xi32, #tpu.memory_space<hbm>> -> memref<128xi32, #tpu.memory_space<hbm>>
      %dma_wait3A_68 = tpu.memref_slice %arg4[%mul3A_2] : memref<327680xi32, #tpu.memory_space<hbm>> -> memref<128xi32, #tpu.memory_space<hbm>>
      tpu.wait_dma2 semaphore(%arg17 : memref<!tpu.dma_semaphore, #tpu.memory_space<semaphore_mem>>) src(%dma_wait3A_68 : memref<128xi32, #tpu.memory_space<hbm>>) dst(%arg7 : memref<128xi32, #tpu.memory_space<vmem>>)
      %dma_wait3A_69 = tpu.memref_slice %arg3[%mul3A_2] : memref<327680xi32, #tpu.memory_space<hbm>> -> memref<128xi32, #tpu.memory_space<hbm>>
      %dma_wait3A_70 = tpu.memref_slice %arg3[%mul3A_2] : memref<327680xi32, #tpu.memory_space<hbm>> -> memref<128xi32, #tpu.memory_space<hbm>>
      tpu.wait_dma2 semaphore(%arg17 : memref<!tpu.dma_semaphore, #tpu.memory_space<semaphore_mem>>) src(%dma_wait3A_70 : memref<128xi32, #tpu.memory_space<hbm>>) dst(%arg9 : memref<128xi32, #tpu.memory_space<vmem>>)
      %dma_start3A_71 = arith.constant 0 : i32
      %dma_start3A_72 = arith.constant 0 : i32
      %dma_start3A_73 = tpu.memref_slice %arg2[%dma_start3A_71, %dma_start3A_72] : memref<10240x128xf32, #tpu.memory_space<hbm>> -> memref<10240x128xf32, #tpu.memory_space<hbm>>
      tpu.enqueue_indirect_dma source(%dma_start3A_73 : memref<10240x128xf32, #tpu.memory_space<hbm>>) target(%arg11 : memref<128x128xf32, #tpu.memory_space<vmem>>) offsets(%arg9 : memref<128xi32, #tpu.memory_space<vmem>>) semaphore(%arg19 : memref<!tpu.dma_semaphore, #tpu.memory_space<semaphore_mem>>)
      %dma_start3A_74 = arith.constant 0 : i32
      %dma_start3A_75 = arith.constant 0 : i32
      %dma_start3A_76 = tpu.memref_slice %arg2[%dma_start3A_74, %dma_start3A_75] : memref<10240x128xf32, #tpu.memory_space<hbm>> -> memref<10240x128xf32, #tpu.memory_space<hbm>>
      tpu.enqueue_indirect_dma source(%dma_start3A_76 : memref<10240x128xf32, #tpu.memory_space<hbm>>) target(%arg13 : memref<128x128xf32, #tpu.memory_space<vmem>>) offsets(%arg7 : memref<128xi32, #tpu.memory_space<vmem>>) semaphore(%arg21 : memref<!tpu.dma_semaphore, #tpu.memory_space<semaphore_mem>>)
      %dma_wait3A_77 = arith.constant 0 : i32
      %dma_wait3A_78 = arith.constant 0 : i32
      %dma_wait3A_79 = tpu.memref_slice %arg2[%dma_wait3A_77, %dma_wait3A_78] : memref<10240x128xf32, #tpu.memory_space<hbm>> -> memref<10240x128xf32, #tpu.memory_space<hbm>>
      tpu.wait_indirect_dma semaphore(%arg18 : memref<!tpu.dma_semaphore, #tpu.memory_space<semaphore_mem>>) src(%dma_wait3A_79 : memref<10240x128xf32, #tpu.memory_space<hbm>>) dst(%arg10 : memref<128x128xf32, #tpu.memory_space<vmem>>)
      %dma_wait3A_80 = arith.constant 0 : i32
      %dma_wait3A_81 = arith.constant 0 : i32
      %dma_wait3A_82 = tpu.memref_slice %arg2[%dma_wait3A_80, %dma_wait3A_81] : memref<10240x128xf32, #tpu.memory_space<hbm>> -> memref<10240x128xf32, #tpu.memory_space<hbm>>
      tpu.wait_indirect_dma semaphore(%arg20 : memref<!tpu.dma_semaphore, #tpu.memory_space<semaphore_mem>>) src(%dma_wait3A_82 : memref<10240x128xf32, #tpu.memory_space<hbm>>) dst(%arg12 : memref<128x128xf32, #tpu.memory_space<vmem>>)
      %mul3A_83 = arith.constant 128 : i32
      %mul3A_84 = arith.muli %select_n3A, %mul3A_83 : i32
      %add3A_85 = arith.addi %mul3A_2, %mul3A_84 : i32
      %dma_start3A_86 = tpu.memref_slice %arg4[%add3A_85] : memref<327680xi32, #tpu.memory_space<hbm>> -> memref<128xi32, #tpu.memory_space<hbm>>
      %dma_start3A_87 = tpu.memref_slice %arg4[%add3A_85] : memref<327680xi32, #tpu.memory_space<hbm>> -> memref<128xi32, #tpu.memory_space<hbm>>
      tpu.enqueue_dma source(%dma_start3A_87 : memref<128xi32, #tpu.memory_space<hbm>>) target(%arg6 : memref<128xi32, #tpu.memory_space<vmem>>) target_semaphore(%arg16 : memref<!tpu.dma_semaphore, #tpu.memory_space<semaphore_mem>>)
      %dma_start3A_88 = tpu.memref_slice %arg3[%add3A_85] : memref<327680xi32, #tpu.memory_space<hbm>> -> memref<128xi32, #tpu.memory_space<hbm>>
      %dma_start3A_89 = tpu.memref_slice %arg3[%add3A_85] : memref<327680xi32, #tpu.memory_space<hbm>> -> memref<128xi32, #tpu.memory_space<hbm>>
      tpu.enqueue_dma source(%dma_start3A_89 : memref<128xi32, #tpu.memory_space<hbm>>) target(%arg8 : memref<128xi32, #tpu.memory_space<vmem>>) target_semaphore(%arg16 : memref<!tpu.dma_semaphore, #tpu.memory_space<semaphore_mem>>)
      %dma_wait3A_90 = arith.constant 0 : i32
      %dma_wait3A_91 = tpu.memref_slice %arg5[%mul3A_2, %dma_wait3A_90] : memref<327680x16xf32, #tpu.memory_space<hbm>> -> memref<128x16xf32, #tpu.memory_space<hbm>>
      %dma_wait3A_92 = arith.constant 0 : i32
      %dma_wait3A_93 = tpu.memref_slice %arg5[%mul3A_2, %dma_wait3A_92] : memref<327680x16xf32, #tpu.memory_space<hbm>> -> memref<128x16xf32, #tpu.memory_space<hbm>>
      tpu.wait_dma2 semaphore(%arg22 : memref<!tpu.dma_semaphore, #tpu.memory_space<semaphore_mem>>) src(%arg14 : memref<128x16xf32, #tpu.memory_space<vmem>>) dst(%dma_wait3A_93 : memref<128x16xf32, #tpu.memory_space<hbm>>)
      %parallel_loop3A = arith.constant 0 : i32
      %parallel_loop3A_94 = arith.constant 128 : i32
      %parallel_loop3A_95 = arith.constant 1 : i32
      scf.for %parallel_loop3A_155 = %parallel_loop3A to %parallel_loop3A_94 step %parallel_loop3A_95  : i32 {
        %parallel_loop3A_156 = arith.index_cast %parallel_loop3A_155 : i32 to index
        %parallel_loop3A_157 = arith.constant 0 : index
        %parallel_loop3A_158 = tpu.vector_load %arg12[%parallel_loop3A_156, %parallel_loop3A_157] {strides = array<i32>} : memref<128x128xf32, #tpu.memory_space<vmem>>, vector<1x16xf32>,
        %parallel_loop3A_159 = vector.shape_cast %parallel_loop3A_158 : vector<1x16xf32> to vector<16xf32>
        %parallel_loop3A_160 = arith.index_cast %parallel_loop3A_155 : i32 to index
        %parallel_loop3A_161 = arith.constant 0 : index
        %parallel_loop3A_162 = tpu.vector_load %arg10[%parallel_loop3A_160, %parallel_loop3A_161] {strides = array<i32>} : memref<128x128xf32, #tpu.memory_space<vmem>>, vector<1x16xf32>,
        %parallel_loop3A_163 = vector.shape_cast %parallel_loop3A_162 : vector<1x16xf32> to vector<16xf32>
        %parallel_loop3A_164 = arith.subf %parallel_loop3A_159, %parallel_loop3A_163 : vector<16xf32>
        %parallel_loop3A_165 = arith.index_cast %parallel_loop3A_155 : i32 to index
        %parallel_loop3A_166 = arith.constant 0 : index
        %parallel_loop3A_167 = tpu.vector_load %arg14[%parallel_loop3A_165, %parallel_loop3A_166] {strides = array<i32>} : memref<128x16xf32, #tpu.memory_space<vmem>>, vector<1x16xf32>,
        %parallel_loop3A_168 = vector.shape_cast %parallel_loop3A_167 : vector<1x16xf32> to vector<16xf32>
        %parallel_loop3A_169 = vector.shape_cast %parallel_loop3A_164 : vector<16xf32> to vector<1x16xf32>
        tpu.vector_store %arg14[%parallel_loop3A_165, %parallel_loop3A_166], %parallel_loop3A_169 {strides = array<i32>} : memref<128x16xf32, #tpu.memory_space<vmem>>, vector<1x16xf32>,
      } {sc.loop_unroll_factor = 4 : i64, sc.parallel_access}
      %mul3A_96 = arith.constant 128 : i32
      %mul3A_97 = arith.muli %add3A_58, %mul3A_96 : i32
      %add3A_98 = arith.addi %mul3A_2, %mul3A_97 : i32
      %dma_start3A_99 = arith.constant 0 : i32
      %dma_start3A_100 = tpu.memref_slice %arg5[%add3A_98, %dma_start3A_99] : memref<327680x16xf32, #tpu.memory_space<hbm>> -> memref<128x16xf32, #tpu.memory_space<hbm>>
      %dma_start3A_101 = arith.constant 0 : i32
      %dma_start3A_102 = tpu.memref_slice %arg5[%add3A_98, %dma_start3A_101] : memref<327680x16xf32, #tpu.memory_space<hbm>> -> memref<128x16xf32, #tpu.memory_space<hbm>>
      tpu.enqueue_dma source(%arg14 : memref<128x16xf32, #tpu.memory_space<vmem>>) target(%dma_start3A_102 : memref<128x16xf32, #tpu.memory_space<hbm>>) target_semaphore(%arg22 : memref<!tpu.dma_semaphore, #tpu.memory_space<semaphore_mem>>)
      %mul3A_103 = arith.constant 2 : i32
      %mul3A_104 = arith.muli %mul3A_103, %scan3A_54 : i32
      %add3A_105 = arith.constant 1 : i32
      %add3A_106 = arith.addi %mul3A_104, %add3A_105 : i32
      %add3A_107 = arith.constant 2 : i32
      %add3A_108 = arith.addi %add3A_106, %add3A_107 : i32
      %ge3A_109 = arith.constant 80 : i32
      %ge3A_110 = arith.cmpi sge, %add3A_108, %ge3A_109 : i32
      %add3A_111 = arith.constant 2 : i32
      %add3A_112 = arith.addi %add3A_106, %add3A_111 : i32
      %sub3A_113 = arith.constant 80 : i32
      %sub3A_114 = arith.subi %add3A_112, %sub3A_113 : i32
      %add3A_115 = arith.constant 2 : i32
      %add3A_116 = arith.addi %add3A_106, %add3A_115 : i32
      %select_n3A_117 = arith.select %ge3A_110, %sub3A_114, %add3A_116 : i32
      %dma_wait3A_118 = tpu.memref_slice %arg4[%mul3A_2] : memref<327680xi32, #tpu.memory_space<hbm>> -> memref<128xi32, #tpu.memory_space<hbm>>
      %dma_wait3A_119 = tpu.memref_slice %arg4[%mul3A_2] : memref<327680xi32, #tpu.memory_space<hbm>> -> memref<128xi32, #tpu.memory_space<hbm>>
      tpu.wait_dma2 semaphore(%arg16 : memref<!tpu.dma_semaphore, #tpu.memory_space<semaphore_mem>>) src(%dma_wait3A_119 : memref<128xi32, #tpu.memory_space<hbm>>) dst(%arg6 : memref<128xi32, #tpu.memory_space<vmem>>)
      %dma_wait3A_120 = tpu.memref_slice %arg3[%mul3A_2] : memref<327680xi32, #tpu.memory_space<hbm>> -> memref<128xi32, #tpu.memory_space<hbm>>
      %dma_wait3A_121 = tpu.memref_slice %arg3[%mul3A_2] : memref<327680xi32, #tpu.memory_space<hbm>> -> memref<128xi32, #tpu.memory_space<hbm>>
      tpu.wait_dma2 semaphore(%arg16 : memref<!tpu.dma_semaphore, #tpu.memory_space<semaphore_mem>>) src(%dma_wait3A_121 : memref<128xi32, #tpu.memory_space<hbm>>) dst(%arg8 : memref<128xi32, #tpu.memory_space<vmem>>)
      %dma_start3A_122 = arith.constant 0 : i32
      %dma_start3A_123 = arith.constant 0 : i32
      %dma_start3A_124 = tpu.memref_slice %arg2[%dma_start3A_122, %dma_start3A_123] : memref<10240x128xf32, #tpu.memory_space<hbm>> -> memref<10240x128xf32, #tpu.memory_space<hbm>>
      tpu.enqueue_indirect_dma source(%dma_start3A_124 : memref<10240x128xf32, #tpu.memory_space<hbm>>) target(%arg10 : memref<128x128xf32, #tpu.memory_space<vmem>>) offsets(%arg8 : memref<128xi32, #tpu.memory_space<vmem>>) semaphore(%arg18 : memref<!tpu.dma_semaphore, #tpu.memory_space<semaphore_mem>>)
      %dma_start3A_125 = arith.constant 0 : i32
      %dma_start3A_126 = arith.constant 0 : i32
      %dma_start3A_127 = tpu.memref_slice %arg2[%dma_start3A_125, %dma_start3A_126] : memref<10240x128xf32, #tpu.memory_space<hbm>> -> memref<10240x128xf32, #tpu.memory_space<hbm>>
      tpu.enqueue_indirect_dma source(%dma_start3A_127 : memref<10240x128xf32, #tpu.memory_space<hbm>>) target(%arg12 : memref<128x128xf32, #tpu.memory_space<vmem>>) offsets(%arg6 : memref<128xi32, #tpu.memory_space<vmem>>) semaphore(%arg20 : memref<!tpu.dma_semaphore, #tpu.memory_space<semaphore_mem>>)
      %dma_wait3A_128 = arith.constant 0 : i32
      %dma_wait3A_129 = arith.constant 0 : i32
      %dma_wait3A_130 = tpu.memref_slice %arg2[%dma_wait3A_128, %dma_wait3A_129] : memref<10240x128xf32, #tpu.memory_space<hbm>> -> memref<10240x128xf32, #tpu.memory_space<hbm>>
      tpu.wait_indirect_dma semaphore(%arg19 : memref<!tpu.dma_semaphore, #tpu.memory_space<semaphore_mem>>) src(%dma_wait3A_130 : memref<10240x128xf32, #tpu.memory_space<hbm>>) dst(%arg11 : memref<128x128xf32, #tpu.memory_space<vmem>>)
      %dma_wait3A_131 = arith.constant 0 : i32
      %dma_wait3A_132 = arith.constant 0 : i32
      %dma_wait3A_133 = tpu.memref_slice %arg2[%dma_wait3A_131, %dma_wait3A_132] : memref<10240x128xf32, #tpu.memory_space<hbm>> -> memref<10240x128xf32, #tpu.memory_space<hbm>>
      tpu.wait_indirect_dma semaphore(%arg21 : memref<!tpu.dma_semaphore, #tpu.memory_space<semaphore_mem>>) src(%dma_wait3A_133 : memref<10240x128xf32, #tpu.memory_space<hbm>>) dst(%arg13 : memref<128x128xf32, #tpu.memory_space<vmem>>)
      %mul3A_134 = arith.constant 128 : i32
      %mul3A_135 = arith.muli %select_n3A_117, %mul3A_134 : i32
      %add3A_136 = arith.addi %mul3A_2, %mul3A_135 : i32
      %dma_start3A_137 = tpu.memref_slice %arg4[%add3A_136] : memref<327680xi32, #tpu.memory_space<hbm>> -> memref<128xi32, #tpu.memory_space<hbm>>
      %dma_start3A_138 = tpu.memref_slice %arg4[%add3A_136] : memref<327680xi32, #tpu.memory_space<hbm>> -> memref<128xi32, #tpu.memory_space<hbm>>
      tpu.enqueue_dma source(%dma_start3A_138 : memref<128xi32, #tpu.memory_space<hbm>>) target(%arg7 : memref<128xi32, #tpu.memory_space<vmem>>) target_semaphore(%arg17 : memref<!tpu.dma_semaphore, #tpu.memory_space<semaphore_mem>>)
      %dma_start3A_139 = tpu.memref_slice %arg3[%add3A_136] : memref<327680xi32, #tpu.memory_space<hbm>> -> memref<128xi32, #tpu.memory_space<hbm>>
      %dma_start3A_140 = tpu.memref_slice %arg3[%add3A_136] : memref<327680xi32, #tpu.memory_space<hbm>> -> memref<128xi32, #tpu.memory_space<hbm>>
      tpu.enqueue_dma source(%dma_start3A_140 : memref<128xi32, #tpu.memory_space<hbm>>) target(%arg9 : memref<128xi32, #tpu.memory_space<vmem>>) target_semaphore(%arg17 : memref<!tpu.dma_semaphore, #tpu.memory_space<semaphore_mem>>)
      %dma_wait3A_141 = arith.constant 0 : i32
      %dma_wait3A_142 = tpu.memref_slice %arg5[%mul3A_2, %dma_wait3A_141] : memref<327680x16xf32, #tpu.memory_space<hbm>> -> memref<128x16xf32, #tpu.memory_space<hbm>>
      %dma_wait3A_143 = arith.constant 0 : i32
      %dma_wait3A_144 = tpu.memref_slice %arg5[%mul3A_2, %dma_wait3A_143] : memref<327680x16xf32, #tpu.memory_space<hbm>> -> memref<128x16xf32, #tpu.memory_space<hbm>>
      tpu.wait_dma2 semaphore(%arg23 : memref<!tpu.dma_semaphore, #tpu.memory_space<semaphore_mem>>) src(%arg15 : memref<128x16xf32, #tpu.memory_space<vmem>>) dst(%dma_wait3A_144 : memref<128x16xf32, #tpu.memory_space<hbm>>)
      %parallel_loop3A_145 = arith.constant 0 : i32
      %parallel_loop3A_146 = arith.constant 128 : i32
      %parallel_loop3A_147 = arith.constant 1 : i32
      scf.for %parallel_loop3A_155 = %parallel_loop3A_145 to %parallel_loop3A_146 step %parallel_loop3A_147  : i32 {
        %parallel_loop3A_156 = arith.index_cast %parallel_loop3A_155 : i32 to index
        %parallel_loop3A_157 = arith.constant 0 : index
        %parallel_loop3A_158 = tpu.vector_load %arg13[%parallel_loop3A_156, %parallel_loop3A_157] {strides = array<i32>} : memref<128x128xf32, #tpu.memory_space<vmem>>, vector<1x16xf32>,
        %parallel_loop3A_159 = vector.shape_cast %parallel_loop3A_158 : vector<1x16xf32> to vector<16xf32>
        %parallel_loop3A_160 = arith.index_cast %parallel_loop3A_155 : i32 to index
        %parallel_loop3A_161 = arith.constant 0 : index
        %parallel_loop3A_162 = tpu.vector_load %arg11[%parallel_loop3A_160, %parallel_loop3A_161] {strides = array<i32>} : memref<128x128xf32, #tpu.memory_space<vmem>>, vector<1x16xf32>,
        %parallel_loop3A_163 = vector.shape_cast %parallel_loop3A_162 : vector<1x16xf32> to vector<16xf32>
        %parallel_loop3A_164 = arith.subf %parallel_loop3A_159, %parallel_loop3A_163 : vector<16xf32>
        %parallel_loop3A_165 = arith.index_cast %parallel_loop3A_155 : i32 to index
        %parallel_loop3A_166 = arith.constant 0 : index
        %parallel_loop3A_167 = tpu.vector_load %arg15[%parallel_loop3A_165, %parallel_loop3A_166] {strides = array<i32>} : memref<128x16xf32, #tpu.memory_space<vmem>>, vector<1x16xf32>,
        %parallel_loop3A_168 = vector.shape_cast %parallel_loop3A_167 : vector<1x16xf32> to vector<16xf32>
        %parallel_loop3A_169 = vector.shape_cast %parallel_loop3A_164 : vector<16xf32> to vector<1x16xf32>
        tpu.vector_store %arg15[%parallel_loop3A_165, %parallel_loop3A_166], %parallel_loop3A_169 {strides = array<i32>} : memref<128x16xf32, #tpu.memory_space<vmem>>, vector<1x16xf32>,
      } {sc.loop_unroll_factor = 4 : i64, sc.parallel_access}
      %mul3A_148 = arith.constant 128 : i32
      %mul3A_149 = arith.muli %add3A_106, %mul3A_148 : i32
      %add3A_150 = arith.addi %mul3A_2, %mul3A_149 : i32
      %dma_start3A_151 = arith.constant 0 : i32
      %dma_start3A_152 = tpu.memref_slice %arg5[%add3A_150, %dma_start3A_151] : memref<327680x16xf32, #tpu.memory_space<hbm>> -> memref<128x16xf32, #tpu.memory_space<hbm>>
      %dma_start3A_153 = arith.constant 0 : i32
      %dma_start3A_154 = tpu.memref_slice %arg5[%add3A_150, %dma_start3A_153] : memref<327680x16xf32, #tpu.memory_space<hbm>> -> memref<128x16xf32, #tpu.memory_space<hbm>>
      tpu.enqueue_dma source(%arg15 : memref<128x16xf32, #tpu.memory_space<vmem>>) target(%dma_start3A_154 : memref<128x16xf32, #tpu.memory_space<hbm>>) target_semaphore(%arg23 : memref<!tpu.dma_semaphore, #tpu.memory_space<semaphore_mem>>)
    }
    %scan3A_35 = arith.constant 40 : i32
    %dma_wait3A_36 = tpu.memref_slice %arg4[%mul3A_2] : memref<327680xi32, #tpu.memory_space<hbm>> -> memref<128xi32, #tpu.memory_space<hbm>>
    %dma_wait3A_37 = tpu.memref_slice %arg4[%mul3A_2] : memref<327680xi32, #tpu.memory_space<hbm>> -> memref<128xi32, #tpu.memory_space<hbm>>
    tpu.wait_dma2 semaphore(%arg17 : memref<!tpu.dma_semaphore, #tpu.memory_space<semaphore_mem>>) src(%dma_wait3A_37 : memref<128xi32, #tpu.memory_space<hbm>>) dst(%arg7 : memref<128xi32, #tpu.memory_space<vmem>>)
    %dma_wait3A_38 = tpu.memref_slice %arg3[%mul3A_2] : memref<327680xi32, #tpu.memory_space<hbm>> -> memref<128xi32, #tpu.memory_space<hbm>>
    %dma_wait3A_39 = tpu.memref_slice %arg3[%mul3A_2] : memref<327680xi32, #tpu.memory_space<hbm>> -> memref<128xi32, #tpu.memory_space<hbm>>
    tpu.wait_dma2 semaphore(%arg17 : memref<!tpu.dma_semaphore, #tpu.memory_space<semaphore_mem>>) src(%dma_wait3A_39 : memref<128xi32, #tpu.memory_space<hbm>>) dst(%arg9 : memref<128xi32, #tpu.memory_space<vmem>>)
    %dma_wait3A_40 = arith.constant 0 : i32
    %dma_wait3A_41 = arith.constant 0 : i32
    %dma_wait3A_42 = tpu.memref_slice %arg2[%dma_wait3A_40, %dma_wait3A_41] : memref<10240x128xf32, #tpu.memory_space<hbm>> -> memref<10240x128xf32, #tpu.memory_space<hbm>>
    tpu.wait_indirect_dma semaphore(%arg18 : memref<!tpu.dma_semaphore, #tpu.memory_space<semaphore_mem>>) src(%dma_wait3A_42 : memref<10240x128xf32, #tpu.memory_space<hbm>>) dst(%arg10 : memref<128x128xf32, #tpu.memory_space<vmem>>)
    %dma_wait3A_43 = arith.constant 0 : i32
    %dma_wait3A_44 = arith.constant 0 : i32
    %dma_wait3A_45 = tpu.memref_slice %arg2[%dma_wait3A_43, %dma_wait3A_44] : memref<10240x128xf32, #tpu.memory_space<hbm>> -> memref<10240x128xf32, #tpu.memory_space<hbm>>
    tpu.wait_indirect_dma semaphore(%arg20 : memref<!tpu.dma_semaphore, #tpu.memory_space<semaphore_mem>>) src(%dma_wait3A_45 : memref<10240x128xf32, #tpu.memory_space<hbm>>) dst(%arg12 : memref<128x128xf32, #tpu.memory_space<vmem>>)
    %dma_wait3A_46 = arith.constant 0 : i32
    %dma_wait3A_47 = tpu.memref_slice %arg5[%mul3A_2, %dma_wait3A_46] : memref<327680x16xf32, #tpu.memory_space<hbm>> -> memref<128x16xf32, #tpu.memory_space<hbm>>
    %dma_wait3A_48 = arith.constant 0 : i32
    %dma_wait3A_49 = tpu.memref_slice %arg5[%mul3A_2, %dma_wait3A_48] : memref<327680x16xf32, #tpu.memory_space<hbm>> -> memref<128x16xf32, #tpu.memory_space<hbm>>
    tpu.wait_dma2 semaphore(%arg22 : memref<!tpu.dma_semaphore, #tpu.memory_space<semaphore_mem>>) src(%arg14 : memref<128x16xf32, #tpu.memory_space<vmem>>) dst(%dma_wait3A_49 : memref<128x16xf32, #tpu.memory_space<hbm>>)
    %dma_wait3A_50 = arith.constant 0 : i32
    %dma_wait3A_51 = tpu.memref_slice %arg5[%mul3A_2, %dma_wait3A_50] : memref<327680x16xf32, #tpu.memory_space<hbm>> -> memref<128x16xf32, #tpu.memory_space<hbm>>
    %dma_wait3A_52 = arith.constant 0 : i32
    %dma_wait3A_53 = tpu.memref_slice %arg5[%mul3A_2, %dma_wait3A_52] : memref<327680x16xf32, #tpu.memory_space<hbm>> -> memref<128x16xf32, #tpu.memory_space<hbm>>
    tpu.wait_dma2 semaphore(%arg23 : memref<!tpu.dma_semaphore, #tpu.memory_space<semaphore_mem>>) src(%arg15 : memref<128x16xf32, #tpu.memory_space<vmem>>) dst(%dma_wait3A_53 : memref<128x16xf32, #tpu.memory_space<hbm>>)
    return
  }
}

#map = affine_map<(d0, d1) -> (0, 0)>
#map1 = affine_map<(d0, d1) -> (0)>
module attributes {stable_mosaic.version = 14 : i64} {
  func.func @_msg_kernel(%arg0: i32, %arg1: i32, %arg2: memref<10240x128xf32, #tpu.memory_space<hbm>>, %arg3: memref<327680x64xf32, #tpu.memory_space<hbm>>, %arg4: memref<327680xi32, #tpu.memory_space<hbm>>, %arg5: memref<327680xi32, #tpu.memory_space<hbm>>, %arg6: memref<128x128xf32, #tpu.memory_space<hbm>>, %arg7: memref<327680x128xf32, #tpu.memory_space<hbm>>, %arg8: memref<128xi32, #tpu.memory_space<vmem>>, %arg9: memref<128xi32, #tpu.memory_space<vmem>>, %arg10: memref<128xi32, #tpu.memory_space<vmem>>, %arg11: memref<128xi32, #tpu.memory_space<vmem>>, %arg12: memref<128x128xf32, #tpu.memory_space<vmem>>, %arg13: memref<128x128xf32, #tpu.memory_space<vmem>>, %arg14: memref<128x128xf32, #tpu.memory_space<vmem>>, %arg15: memref<128x128xf32, #tpu.memory_space<vmem>>, %arg16: memref<128x64xf32, #tpu.memory_space<vmem>>, %arg17: memref<128x128xf32, #tpu.memory_space<vmem>>, %arg18: memref<128x128xf32, #tpu.memory_space<vmem>>, %arg19: memref<!tpu.dma_semaphore, #tpu.memory_space<semaphore_mem>>, %arg20: memref<!tpu.dma_semaphore, #tpu.memory_space<semaphore_mem>>, %arg21: memref<!tpu.dma_semaphore, #tpu.memory_space<semaphore_mem>>, %arg22: memref<!tpu.dma_semaphore, #tpu.memory_space<semaphore_mem>>, %arg23: memref<!tpu.dma_semaphore, #tpu.memory_space<semaphore_mem>>, %arg24: memref<!tpu.dma_semaphore, #tpu.memory_space<semaphore_mem>>, %arg25: memref<!tpu.dma_semaphore, #tpu.memory_space<semaphore_mem>>, %arg26: memref<!tpu.dma_semaphore, #tpu.memory_space<semaphore_mem>>) attributes {dimension_semantics = [#tpu.dimension_semantics<core_parallel>, #tpu.dimension_semantics<subcore_parallel>], iteration_bounds = array<i64: 2, 16>, scalar_prefetch = 0 : i64, scratch_operands = 19 : i64, tpu.core_type = #tpu.core_type<sc_vector_subcore>, window_params = [{transform_indices = #map}, {transform_indices = #map}, {transform_indices = #map1}, {transform_indices = #map1}, {transform_indices = #map}, {transform_indices = #map}]} {
    %mul3A = arith.constant 2 : i32
    %mul3A_0 = arith.muli %arg1, %mul3A : i32
    %add3A = arith.addi %mul3A_0, %arg0 : i32
    %iota3A = tpu.iota {dimensions = array<i32: 0>} : vector<16xi32>
    %eq3A = arith.constant 0 : i32
    %eq3A_1 = vector.broadcast %eq3A : i32 to vector<16xi32>
    %eq3A_2 = arith.cmpi eq, %iota3A, %eq3A_1 : vector<16xi32>
    %jit3A = arith.constant 1.000000e+00 : f32
    %jit3A_3 = arith.constant 0.000000e+00 : f32
    %broadcast_in_dim3A = vector.broadcast %jit3A : f32 to vector<16xf32>
    %broadcast_in_dim3A_4 = vector.broadcast %jit3A_3 : f32 to vector<16xf32>
    %select_n3A = arith.select %eq3A_2, %broadcast_in_dim3A, %broadcast_in_dim3A_4 : vector<16xi1>, vector<16xf32>
    "tpu.region"() ({
      %run_scoped3A = tpu.sem_alloc : memref<!tpu.dma_semaphore, #tpu.memory_space<semaphore_mem>>
      tpu.enqueue_dma source(%arg6 : memref<128x128xf32, #tpu.memory_space<hbm>>) target(%arg17 : memref<128x128xf32, #tpu.memory_space<vmem>>) target_semaphore(%run_scoped3A : memref<!tpu.dma_semaphore, #tpu.memory_space<semaphore_mem>>)
      tpu.wait_dma2 semaphore(%run_scoped3A : memref<!tpu.dma_semaphore, #tpu.memory_space<semaphore_mem>>) src(%arg6 : memref<128x128xf32, #tpu.memory_space<hbm>>) dst(%arg17 : memref<128x128xf32, #tpu.memory_space<vmem>>)
      tpu.yield
    }) : () -> ()
    %scan3A = arith.constant 0 : i32
    %scan3A_5 = arith.constant 0 : i32
    %scan3A_6 = arith.constant 128 : i32
    %scan3A_7 = arith.addi %scan3A_5, %scan3A_6 : i32
    %scan3A_8 = arith.constant 1 : i32
    scf.for %scan3A_70 = %scan3A_5 to %scan3A_7 step %scan3A_8  : i32 {
      %swap3A = arith.index_cast %scan3A_70 : i32 to index
      %swap3A_71 = arith.constant 64 : index
      %swap3A_72 = tpu.vector_load %arg17[%swap3A, %swap3A_71] {strides = array<i32>} : memref<128x128xf32, #tpu.memory_space<vmem>>, vector<1x16xf32>,
      %swap3A_73 = vector.shape_cast %swap3A_72 : vector<1x16xf32> to vector<16xf32>
      %swap3A_74 = vector.shape_cast %select_n3A : vector<16xf32> to vector<1x16xf32>
      tpu.vector_store %arg17[%swap3A, %swap3A_71], %swap3A_74 {strides = array<i32>} : memref<128x128xf32, #tpu.memory_space<vmem>>, vector<1x16xf32>,
    }
    %scan3A_9 = arith.constant 128 : i32
    "tpu.region"() ({
      %run_scoped3A = tpu.sem_alloc : memref<!tpu.dma_semaphore, #tpu.memory_space<semaphore_mem>>
      tpu.enqueue_dma source(%arg6 : memref<128x128xf32, #tpu.memory_space<hbm>>) target(%arg18 : memref<128x128xf32, #tpu.memory_space<vmem>>) target_semaphore(%run_scoped3A : memref<!tpu.dma_semaphore, #tpu.memory_space<semaphore_mem>>)
      tpu.wait_dma2 semaphore(%run_scoped3A : memref<!tpu.dma_semaphore, #tpu.memory_space<semaphore_mem>>) src(%arg6 : memref<128x128xf32, #tpu.memory_space<hbm>>) dst(%arg18 : memref<128x128xf32, #tpu.memory_space<vmem>>)
      tpu.yield
    }) : () -> ()
    %scan3A_10 = arith.constant 0 : i32
    %scan3A_11 = arith.constant 0 : i32
    %scan3A_12 = arith.constant 128 : i32
    %scan3A_13 = arith.addi %scan3A_11, %scan3A_12 : i32
    %scan3A_14 = arith.constant 1 : i32
    scf.for %scan3A_70 = %scan3A_11 to %scan3A_13 step %scan3A_14  : i32 {
      %swap3A = arith.index_cast %scan3A_70 : i32 to index
      %swap3A_71 = arith.constant 64 : index
      %swap3A_72 = tpu.vector_load %arg18[%swap3A, %swap3A_71] {strides = array<i32>} : memref<128x128xf32, #tpu.memory_space<vmem>>, vector<1x16xf32>,
      %swap3A_73 = vector.shape_cast %swap3A_72 : vector<1x16xf32> to vector<16xf32>
      %swap3A_74 = vector.shape_cast %select_n3A : vector<16xf32> to vector<1x16xf32>
      tpu.vector_store %arg18[%swap3A, %swap3A_71], %swap3A_74 {strides = array<i32>} : memref<128x128xf32, #tpu.memory_space<vmem>>, vector<1x16xf32>,
    }
    %scan3A_15 = arith.constant 128 : i32
    %mul3A_16 = arith.constant 10240 : i32
    %mul3A_17 = arith.muli %add3A, %mul3A_16 : i32
    %dma_start3A = tpu.memref_slice %arg5[%mul3A_17] : memref<327680xi32, #tpu.memory_space<hbm>> -> memref<128xi32, #tpu.memory_space<hbm>>
    %dma_start3A_18 = tpu.memref_slice %arg5[%mul3A_17] : memref<327680xi32, #tpu.memory_space<hbm>> -> memref<128xi32, #tpu.memory_space<hbm>>
    tpu.enqueue_dma source(%dma_start3A_18 : memref<128xi32, #tpu.memory_space<hbm>>) target(%arg8 : memref<128xi32, #tpu.memory_space<vmem>>) target_semaphore(%arg19 : memref<!tpu.dma_semaphore, #tpu.memory_space<semaphore_mem>>)
    %dma_start3A_19 = tpu.memref_slice %arg4[%mul3A_17] : memref<327680xi32, #tpu.memory_space<hbm>> -> memref<128xi32, #tpu.memory_space<hbm>>
    %dma_start3A_20 = tpu.memref_slice %arg4[%mul3A_17] : memref<327680xi32, #tpu.memory_space<hbm>> -> memref<128xi32, #tpu.memory_space<hbm>>
    tpu.enqueue_dma source(%dma_start3A_20 : memref<128xi32, #tpu.memory_space<hbm>>) target(%arg10 : memref<128xi32, #tpu.memory_space<vmem>>) target_semaphore(%arg19 : memref<!tpu.dma_semaphore, #tpu.memory_space<semaphore_mem>>)
    %dma_wait3A = tpu.memref_slice %arg5[%mul3A_17] : memref<327680xi32, #tpu.memory_space<hbm>> -> memref<128xi32, #tpu.memory_space<hbm>>
    %dma_wait3A_21 = tpu.memref_slice %arg5[%mul3A_17] : memref<327680xi32, #tpu.memory_space<hbm>> -> memref<128xi32, #tpu.memory_space<hbm>>
    tpu.wait_dma2 semaphore(%arg19 : memref<!tpu.dma_semaphore, #tpu.memory_space<semaphore_mem>>) src(%dma_wait3A_21 : memref<128xi32, #tpu.memory_space<hbm>>) dst(%arg8 : memref<128xi32, #tpu.memory_space<vmem>>)
    %dma_wait3A_22 = tpu.memref_slice %arg4[%mul3A_17] : memref<327680xi32, #tpu.memory_space<hbm>> -> memref<128xi32, #tpu.memory_space<hbm>>
    %dma_wait3A_23 = tpu.memref_slice %arg4[%mul3A_17] : memref<327680xi32, #tpu.memory_space<hbm>> -> memref<128xi32, #tpu.memory_space<hbm>>
    tpu.wait_dma2 semaphore(%arg19 : memref<!tpu.dma_semaphore, #tpu.memory_space<semaphore_mem>>) src(%dma_wait3A_23 : memref<128xi32, #tpu.memory_space<hbm>>) dst(%arg10 : memref<128xi32, #tpu.memory_space<vmem>>)
    %dma_start3A_24 = arith.constant 0 : i32
    %dma_start3A_25 = arith.constant 0 : i32
    %dma_start3A_26 = tpu.memref_slice %arg2[%dma_start3A_24, %dma_start3A_25] : memref<10240x128xf32, #tpu.memory_space<hbm>> -> memref<10240x128xf32, #tpu.memory_space<hbm>>
    tpu.enqueue_indirect_dma source(%dma_start3A_26 : memref<10240x128xf32, #tpu.memory_space<hbm>>) target(%arg12 : memref<128x128xf32, #tpu.memory_space<vmem>>) offsets(%arg8 : memref<128xi32, #tpu.memory_space<vmem>>) semaphore(%arg21 : memref<!tpu.dma_semaphore, #tpu.memory_space<semaphore_mem>>)
    %dma_start3A_27 = arith.constant 0 : i32
    %dma_start3A_28 = arith.constant 0 : i32
    %dma_start3A_29 = tpu.memref_slice %arg2[%dma_start3A_27, %dma_start3A_28] : memref<10240x128xf32, #tpu.memory_space<hbm>> -> memref<10240x128xf32, #tpu.memory_space<hbm>>
    tpu.enqueue_indirect_dma source(%dma_start3A_29 : memref<10240x128xf32, #tpu.memory_space<hbm>>) target(%arg14 : memref<128x128xf32, #tpu.memory_space<vmem>>) offsets(%arg10 : memref<128xi32, #tpu.memory_space<vmem>>) semaphore(%arg23 : memref<!tpu.dma_semaphore, #tpu.memory_space<semaphore_mem>>)
    %add3A_30 = arith.constant 128 : i32
    %add3A_31 = arith.addi %mul3A_17, %add3A_30 : i32
    %dma_start3A_32 = tpu.memref_slice %arg5[%add3A_31] : memref<327680xi32, #tpu.memory_space<hbm>> -> memref<128xi32, #tpu.memory_space<hbm>>
    %dma_start3A_33 = tpu.memref_slice %arg5[%add3A_31] : memref<327680xi32, #tpu.memory_space<hbm>> -> memref<128xi32, #tpu.memory_space<hbm>>
    tpu.enqueue_dma source(%dma_start3A_33 : memref<128xi32, #tpu.memory_space<hbm>>) target(%arg9 : memref<128xi32, #tpu.memory_space<vmem>>) target_semaphore(%arg20 : memref<!tpu.dma_semaphore, #tpu.memory_space<semaphore_mem>>)
    %dma_start3A_34 = tpu.memref_slice %arg4[%add3A_31] : memref<327680xi32, #tpu.memory_space<hbm>> -> memref<128xi32, #tpu.memory_space<hbm>>
    %dma_start3A_35 = tpu.memref_slice %arg4[%add3A_31] : memref<327680xi32, #tpu.memory_space<hbm>> -> memref<128xi32, #tpu.memory_space<hbm>>
    tpu.enqueue_dma source(%dma_start3A_35 : memref<128xi32, #tpu.memory_space<hbm>>) target(%arg11 : memref<128xi32, #tpu.memory_space<vmem>>) target_semaphore(%arg20 : memref<!tpu.dma_semaphore, #tpu.memory_space<semaphore_mem>>)
    %dma_start3A_36 = arith.constant 0 : i32
    %dma_start3A_37 = tpu.memref_slice %arg7[%mul3A_17, %dma_start3A_36] : memref<327680x128xf32, #tpu.memory_space<hbm>> -> memref<128x128xf32, #tpu.memory_space<hbm>>
    %dma_start3A_38 = arith.constant 0 : i32
    %dma_start3A_39 = tpu.memref_slice %arg7[%mul3A_17, %dma_start3A_38] : memref<327680x128xf32, #tpu.memory_space<hbm>> -> memref<128x128xf32, #tpu.memory_space<hbm>>
    tpu.enqueue_dma source(%arg17 : memref<128x128xf32, #tpu.memory_space<vmem>>) target(%dma_start3A_39 : memref<128x128xf32, #tpu.memory_space<hbm>>) target_semaphore(%arg25 : memref<!tpu.dma_semaphore, #tpu.memory_space<semaphore_mem>>)
    %add3A_40 = arith.constant 128 : i32
    %add3A_41 = arith.addi %mul3A_17, %add3A_40 : i32
    %dma_start3A_42 = arith.constant 0 : i32
    %dma_start3A_43 = tpu.memref_slice %arg7[%add3A_41, %dma_start3A_42] : memref<327680x128xf32, #tpu.memory_space<hbm>> -> memref<128x128xf32, #tpu.memory_space<hbm>>
    %dma_start3A_44 = arith.constant 0 : i32
    %dma_start3A_45 = tpu.memref_slice %arg7[%add3A_41, %dma_start3A_44] : memref<327680x128xf32, #tpu.memory_space<hbm>> -> memref<128x128xf32, #tpu.memory_space<hbm>>
    tpu.enqueue_dma source(%arg18 : memref<128x128xf32, #tpu.memory_space<vmem>>) target(%dma_start3A_45 : memref<128x128xf32, #tpu.memory_space<hbm>>) target_semaphore(%arg26 : memref<!tpu.dma_semaphore, #tpu.memory_space<semaphore_mem>>)
    %scan3A_46 = arith.constant 0 : i32
    %scan3A_47 = arith.constant 0 : i32
    %scan3A_48 = arith.constant 40 : i32
    %scan3A_49 = arith.addi %scan3A_47, %scan3A_48 : i32
    %scan3A_50 = arith.constant 1 : i32
    scf.for %scan3A_70 = %scan3A_47 to %scan3A_49 step %scan3A_50  : i32 {
      %mul3A_71 = arith.constant 2 : i32
      %mul3A_72 = arith.muli %mul3A_71, %scan3A_70 : i32
      %add3A_73 = arith.constant 0 : i32
      %add3A_74 = arith.addi %mul3A_72, %add3A_73 : i32
      %add3A_75 = arith.constant 1 : i32
      %add3A_76 = arith.addi %add3A_74, %add3A_75 : i32
      %eq3A_77 = arith.constant 80 : i32
      %eq3A_78 = arith.cmpi eq, %add3A_76, %eq3A_77 : i32
      %add3A_79 = arith.constant 1 : i32
      %add3A_80 = arith.addi %add3A_74, %add3A_79 : i32
      %jit3A_81 = arith.constant 0 : i32
      %select_n3A_82 = arith.select %eq3A_78, %jit3A_81, %add3A_80 : i32
      %add3A_83 = arith.constant 2 : i32
      %add3A_84 = arith.addi %add3A_74, %add3A_83 : i32
      %ge3A = arith.constant 80 : i32
      %ge3A_85 = arith.cmpi sge, %add3A_84, %ge3A : i32
      %add3A_86 = arith.constant 2 : i32
      %add3A_87 = arith.addi %add3A_74, %add3A_86 : i32
      %sub3A = arith.constant 80 : i32
      %sub3A_88 = arith.subi %add3A_87, %sub3A : i32
      %add3A_89 = arith.constant 2 : i32
      %add3A_90 = arith.addi %add3A_74, %add3A_89 : i32
      %select_n3A_91 = arith.select %ge3A_85, %sub3A_88, %add3A_90 : i32
      %dma_wait3A_92 = tpu.memref_slice %arg5[%mul3A_17] : memref<327680xi32, #tpu.memory_space<hbm>> -> memref<128xi32, #tpu.memory_space<hbm>>
      %dma_wait3A_93 = tpu.memref_slice %arg5[%mul3A_17] : memref<327680xi32, #tpu.memory_space<hbm>> -> memref<128xi32, #tpu.memory_space<hbm>>
      tpu.wait_dma2 semaphore(%arg20 : memref<!tpu.dma_semaphore, #tpu.memory_space<semaphore_mem>>) src(%dma_wait3A_93 : memref<128xi32, #tpu.memory_space<hbm>>) dst(%arg9 : memref<128xi32, #tpu.memory_space<vmem>>)
      %dma_wait3A_94 = tpu.memref_slice %arg4[%mul3A_17] : memref<327680xi32, #tpu.memory_space<hbm>> -> memref<128xi32, #tpu.memory_space<hbm>>
      %dma_wait3A_95 = tpu.memref_slice %arg4[%mul3A_17] : memref<327680xi32, #tpu.memory_space<hbm>> -> memref<128xi32, #tpu.memory_space<hbm>>
      tpu.wait_dma2 semaphore(%arg20 : memref<!tpu.dma_semaphore, #tpu.memory_space<semaphore_mem>>) src(%dma_wait3A_95 : memref<128xi32, #tpu.memory_space<hbm>>) dst(%arg11 : memref<128xi32, #tpu.memory_space<vmem>>)
      %mul3A_96 = arith.constant 128 : i32
      %mul3A_97 = arith.muli %select_n3A_82, %mul3A_96 : i32
      %add3A_98 = arith.addi %mul3A_17, %mul3A_97 : i32
      %dma_start3A_99 = arith.constant 0 : i32
      %dma_start3A_100 = arith.constant 0 : i32
      %dma_start3A_101 = tpu.memref_slice %arg2[%dma_start3A_99, %dma_start3A_100] : memref<10240x128xf32, #tpu.memory_space<hbm>> -> memref<10240x128xf32, #tpu.memory_space<hbm>>
      tpu.enqueue_indirect_dma source(%dma_start3A_101 : memref<10240x128xf32, #tpu.memory_space<hbm>>) target(%arg13 : memref<128x128xf32, #tpu.memory_space<vmem>>) offsets(%arg9 : memref<128xi32, #tpu.memory_space<vmem>>) semaphore(%arg22 : memref<!tpu.dma_semaphore, #tpu.memory_space<semaphore_mem>>)
      %dma_start3A_102 = arith.constant 0 : i32
      %dma_start3A_103 = arith.constant 0 : i32
      %dma_start3A_104 = tpu.memref_slice %arg2[%dma_start3A_102, %dma_start3A_103] : memref<10240x128xf32, #tpu.memory_space<hbm>> -> memref<10240x128xf32, #tpu.memory_space<hbm>>
      tpu.enqueue_indirect_dma source(%dma_start3A_104 : memref<10240x128xf32, #tpu.memory_space<hbm>>) target(%arg15 : memref<128x128xf32, #tpu.memory_space<vmem>>) offsets(%arg11 : memref<128xi32, #tpu.memory_space<vmem>>) semaphore(%arg24 : memref<!tpu.dma_semaphore, #tpu.memory_space<semaphore_mem>>)
      %mul3A_105 = arith.constant 128 : i32
      %mul3A_106 = arith.muli %add3A_74, %mul3A_105 : i32
      %add3A_107 = arith.addi %mul3A_17, %mul3A_106 : i32
      "tpu.region"() ({
        %run_scoped3A = tpu.sem_alloc : memref<!tpu.dma_semaphore, #tpu.memory_space<semaphore_mem>>
        %dma_start3A_200 = arith.constant 0 : i32
        %dma_start3A_201 = tpu.memref_slice %arg3[%add3A_107, %dma_start3A_200] : memref<327680x64xf32, #tpu.memory_space<hbm>> -> memref<128x64xf32, #tpu.memory_space<hbm>>
        %dma_start3A_202 = arith.constant 0 : i32
        %dma_start3A_203 = tpu.memref_slice %arg3[%add3A_107, %dma_start3A_202] : memref<327680x64xf32, #tpu.memory_space<hbm>> -> memref<128x64xf32, #tpu.memory_space<hbm>>
        tpu.enqueue_dma source(%dma_start3A_203 : memref<128x64xf32, #tpu.memory_space<hbm>>) target(%arg16 : memref<128x64xf32, #tpu.memory_space<vmem>>) target_semaphore(%run_scoped3A : memref<!tpu.dma_semaphore, #tpu.memory_space<semaphore_mem>>)
        %dma_wait3A_204 = arith.constant 0 : i32
        %dma_wait3A_205 = tpu.memref_slice %arg3[%add3A_107, %dma_wait3A_204] : memref<327680x64xf32, #tpu.memory_space<hbm>> -> memref<128x64xf32, #tpu.memory_space<hbm>>
        %dma_wait3A_206 = arith.constant 0 : i32
        %dma_wait3A_207 = tpu.memref_slice %arg3[%add3A_107, %dma_wait3A_206] : memref<327680x64xf32, #tpu.memory_space<hbm>> -> memref<128x64xf32, #tpu.memory_space<hbm>>
        tpu.wait_dma2 semaphore(%run_scoped3A : memref<!tpu.dma_semaphore, #tpu.memory_space<semaphore_mem>>) src(%dma_wait3A_207 : memref<128x64xf32, #tpu.memory_space<hbm>>) dst(%arg16 : memref<128x64xf32, #tpu.memory_space<vmem>>)
        tpu.yield
      }) : () -> ()
      %dma_wait3A_108 = arith.constant 0 : i32
      %dma_wait3A_109 = arith.constant 0 : i32
      %dma_wait3A_110 = tpu.memref_slice %arg2[%dma_wait3A_108, %dma_wait3A_109] : memref<10240x128xf32, #tpu.memory_space<hbm>> -> memref<10240x128xf32, #tpu.memory_space<hbm>>
      tpu.wait_indirect_dma semaphore(%arg21 : memref<!tpu.dma_semaphore, #tpu.memory_space<semaphore_mem>>) src(%dma_wait3A_110 : memref<10240x128xf32, #tpu.memory_space<hbm>>) dst(%arg12 : memref<128x128xf32, #tpu.memory_space<vmem>>)
      %dma_wait3A_111 = arith.constant 0 : i32
      %dma_wait3A_112 = arith.constant 0 : i32
      %dma_wait3A_113 = tpu.memref_slice %arg2[%dma_wait3A_111, %dma_wait3A_112] : memref<10240x128xf32, #tpu.memory_space<hbm>> -> memref<10240x128xf32, #tpu.memory_space<hbm>>
      tpu.wait_indirect_dma semaphore(%arg23 : memref<!tpu.dma_semaphore, #tpu.memory_space<semaphore_mem>>) src(%dma_wait3A_113 : memref<10240x128xf32, #tpu.memory_space<hbm>>) dst(%arg14 : memref<128x128xf32, #tpu.memory_space<vmem>>)
      %mul3A_114 = arith.constant 128 : i32
      %mul3A_115 = arith.muli %select_n3A_91, %mul3A_114 : i32
      %add3A_116 = arith.addi %mul3A_17, %mul3A_115 : i32
      %dma_start3A_117 = tpu.memref_slice %arg5[%add3A_116] : memref<327680xi32, #tpu.memory_space<hbm>> -> memref<128xi32, #tpu.memory_space<hbm>>
      %dma_start3A_118 = tpu.memref_slice %arg5[%add3A_116] : memref<327680xi32, #tpu.memory_space<hbm>> -> memref<128xi32, #tpu.memory_space<hbm>>
      tpu.enqueue_dma source(%dma_start3A_118 : memref<128xi32, #tpu.memory_space<hbm>>) target(%arg8 : memref<128xi32, #tpu.memory_space<vmem>>) target_semaphore(%arg19 : memref<!tpu.dma_semaphore, #tpu.memory_space<semaphore_mem>>)
      %dma_start3A_119 = tpu.memref_slice %arg4[%add3A_116] : memref<327680xi32, #tpu.memory_space<hbm>> -> memref<128xi32, #tpu.memory_space<hbm>>
      %dma_start3A_120 = tpu.memref_slice %arg4[%add3A_116] : memref<327680xi32, #tpu.memory_space<hbm>> -> memref<128xi32, #tpu.memory_space<hbm>>
      tpu.enqueue_dma source(%dma_start3A_120 : memref<128xi32, #tpu.memory_space<hbm>>) target(%arg10 : memref<128xi32, #tpu.memory_space<vmem>>) target_semaphore(%arg19 : memref<!tpu.dma_semaphore, #tpu.memory_space<semaphore_mem>>)
      %dma_wait3A_121 = arith.constant 0 : i32
      %dma_wait3A_122 = tpu.memref_slice %arg7[%mul3A_17, %dma_wait3A_121] : memref<327680x128xf32, #tpu.memory_space<hbm>> -> memref<128x128xf32, #tpu.memory_space<hbm>>
      %dma_wait3A_123 = arith.constant 0 : i32
      %dma_wait3A_124 = tpu.memref_slice %arg7[%mul3A_17, %dma_wait3A_123] : memref<327680x128xf32, #tpu.memory_space<hbm>> -> memref<128x128xf32, #tpu.memory_space<hbm>>
      tpu.wait_dma2 semaphore(%arg25 : memref<!tpu.dma_semaphore, #tpu.memory_space<semaphore_mem>>) src(%arg17 : memref<128x128xf32, #tpu.memory_space<vmem>>) dst(%dma_wait3A_124 : memref<128x128xf32, #tpu.memory_space<hbm>>)
      %parallel_loop3A = arith.constant 0 : i32
      %parallel_loop3A_125 = arith.constant 128 : i32
      %parallel_loop3A_126 = arith.constant 1 : i32
      scf.for %parallel_loop3A_200 = %parallel_loop3A to %parallel_loop3A_125 step %parallel_loop3A_126  : i32 {
        %parallel_loop3A_201 = arith.index_cast %parallel_loop3A_200 : i32 to index
        %parallel_loop3A_202 = arith.constant 0 : index
        %parallel_loop3A_203 = tpu.vector_load %arg16[%parallel_loop3A_201, %parallel_loop3A_202] {strides = array<i32>} : memref<128x64xf32, #tpu.memory_space<vmem>>, vector<1x16xf32>,
        %parallel_loop3A_204 = vector.shape_cast %parallel_loop3A_203 : vector<1x16xf32> to vector<16xf32>
        %parallel_loop3A_205 = arith.index_cast %parallel_loop3A_200 : i32 to index
        %parallel_loop3A_206 = arith.constant 0 : index
        %parallel_loop3A_207 = tpu.vector_load %arg12[%parallel_loop3A_205, %parallel_loop3A_206] {strides = array<i32>} : memref<128x128xf32, #tpu.memory_space<vmem>>, vector<1x16xf32>,
        %parallel_loop3A_208 = vector.shape_cast %parallel_loop3A_207 : vector<1x16xf32> to vector<16xf32>
        %parallel_loop3A_209 = arith.addf %parallel_loop3A_204, %parallel_loop3A_208 : vector<16xf32>
        %parallel_loop3A_210 = arith.index_cast %parallel_loop3A_200 : i32 to index
        %parallel_loop3A_211 = arith.constant 64 : index
        %parallel_loop3A_212 = tpu.vector_load %arg14[%parallel_loop3A_210, %parallel_loop3A_211] {strides = array<i32>} : memref<128x128xf32, #tpu.memory_space<vmem>>, vector<1x16xf32>,
        %parallel_loop3A_213 = vector.shape_cast %parallel_loop3A_212 : vector<1x16xf32> to vector<16xf32>
        %parallel_loop3A_214 = arith.addf %parallel_loop3A_209, %parallel_loop3A_213 : vector<16xf32>
        %parallel_loop3A_215 = arith.constant 0.000000e+00 : f32
        %parallel_loop3A_216 = vector.broadcast %parallel_loop3A_215 : f32 to vector<16xf32>
        %parallel_loop3A_217 = arith.subf %parallel_loop3A_216, %parallel_loop3A_214 : vector<16xf32>
        %parallel_loop3A_218 = math.exp %parallel_loop3A_217 : vector<16xf32>
        %parallel_loop3A_219 = arith.constant 1.000000e+00 : f32
        %parallel_loop3A_220 = vector.broadcast %parallel_loop3A_219 : f32 to vector<16xf32>
        %parallel_loop3A_221 = arith.addf %parallel_loop3A_220, %parallel_loop3A_218 : vector<16xf32>
        %parallel_loop3A_222 = arith.divf %parallel_loop3A_214, %parallel_loop3A_221 : vector<16xf32>
        %parallel_loop3A_223 = arith.index_cast %parallel_loop3A_200 : i32 to index
        %parallel_loop3A_224 = arith.constant 0 : index
        %parallel_loop3A_225 = tpu.vector_load %arg17[%parallel_loop3A_223, %parallel_loop3A_224] {strides = array<i32>} : memref<128x128xf32, #tpu.memory_space<vmem>>, vector<1x16xf32>,
        %parallel_loop3A_226 = vector.shape_cast %parallel_loop3A_225 : vector<1x16xf32> to vector<16xf32>
        %parallel_loop3A_227 = vector.shape_cast %parallel_loop3A_222 : vector<16xf32> to vector<1x16xf32>
        tpu.vector_store %arg17[%parallel_loop3A_223, %parallel_loop3A_224], %parallel_loop3A_227 {strides = array<i32>} : memref<128x128xf32, #tpu.memory_space<vmem>>, vector<1x16xf32>,
        %parallel_loop3A_228 = arith.index_cast %parallel_loop3A_200 : i32 to index
        %parallel_loop3A_229 = arith.constant 16 : index
        %parallel_loop3A_230 = tpu.vector_load %arg16[%parallel_loop3A_228, %parallel_loop3A_229] {strides = array<i32>} : memref<128x64xf32, #tpu.memory_space<vmem>>, vector<1x16xf32>,
        %parallel_loop3A_231 = vector.shape_cast %parallel_loop3A_230 : vector<1x16xf32> to vector<16xf32>
        %parallel_loop3A_232 = arith.index_cast %parallel_loop3A_200 : i32 to index
        %parallel_loop3A_233 = arith.constant 16 : index
        %parallel_loop3A_234 = tpu.vector_load %arg12[%parallel_loop3A_232, %parallel_loop3A_233] {strides = array<i32>} : memref<128x128xf32, #tpu.memory_space<vmem>>, vector<1x16xf32>,
        %parallel_loop3A_235 = vector.shape_cast %parallel_loop3A_234 : vector<1x16xf32> to vector<16xf32>
        %parallel_loop3A_236 = arith.addf %parallel_loop3A_231, %parallel_loop3A_235 : vector<16xf32>
        %parallel_loop3A_237 = arith.index_cast %parallel_loop3A_200 : i32 to index
        %parallel_loop3A_238 = arith.constant 80 : index
        %parallel_loop3A_239 = tpu.vector_load %arg14[%parallel_loop3A_237, %parallel_loop3A_238] {strides = array<i32>} : memref<128x128xf32, #tpu.memory_space<vmem>>, vector<1x16xf32>,
        %parallel_loop3A_240 = vector.shape_cast %parallel_loop3A_239 : vector<1x16xf32> to vector<16xf32>
        %parallel_loop3A_241 = arith.addf %parallel_loop3A_236, %parallel_loop3A_240 : vector<16xf32>
        %parallel_loop3A_242 = arith.constant 0.000000e+00 : f32
        %parallel_loop3A_243 = vector.broadcast %parallel_loop3A_242 : f32 to vector<16xf32>
        %parallel_loop3A_244 = arith.subf %parallel_loop3A_243, %parallel_loop3A_241 : vector<16xf32>
        %parallel_loop3A_245 = math.exp %parallel_loop3A_244 : vector<16xf32>
        %parallel_loop3A_246 = arith.constant 1.000000e+00 : f32
        %parallel_loop3A_247 = vector.broadcast %parallel_loop3A_246 : f32 to vector<16xf32>
        %parallel_loop3A_248 = arith.addf %parallel_loop3A_247, %parallel_loop3A_245 : vector<16xf32>
        %parallel_loop3A_249 = arith.divf %parallel_loop3A_241, %parallel_loop3A_248 : vector<16xf32>
        %parallel_loop3A_250 = arith.index_cast %parallel_loop3A_200 : i32 to index
        %parallel_loop3A_251 = arith.constant 16 : index
        %parallel_loop3A_252 = tpu.vector_load %arg17[%parallel_loop3A_250, %parallel_loop3A_251] {strides = array<i32>} : memref<128x128xf32, #tpu.memory_space<vmem>>, vector<1x16xf32>,
        %parallel_loop3A_253 = vector.shape_cast %parallel_loop3A_252 : vector<1x16xf32> to vector<16xf32>
        %parallel_loop3A_254 = vector.shape_cast %parallel_loop3A_249 : vector<16xf32> to vector<1x16xf32>
        tpu.vector_store %arg17[%parallel_loop3A_250, %parallel_loop3A_251], %parallel_loop3A_254 {strides = array<i32>} : memref<128x128xf32, #tpu.memory_space<vmem>>, vector<1x16xf32>,
        %parallel_loop3A_255 = arith.index_cast %parallel_loop3A_200 : i32 to index
        %parallel_loop3A_256 = arith.constant 32 : index
        %parallel_loop3A_257 = tpu.vector_load %arg16[%parallel_loop3A_255, %parallel_loop3A_256] {strides = array<i32>} : memref<128x64xf32, #tpu.memory_space<vmem>>, vector<1x16xf32>,
        %parallel_loop3A_258 = vector.shape_cast %parallel_loop3A_257 : vector<1x16xf32> to vector<16xf32>
        %parallel_loop3A_259 = arith.index_cast %parallel_loop3A_200 : i32 to index
        %parallel_loop3A_260 = arith.constant 32 : index
        %parallel_loop3A_261 = tpu.vector_load %arg12[%parallel_loop3A_259, %parallel_loop3A_260] {strides = array<i32>} : memref<128x128xf32, #tpu.memory_space<vmem>>, vector<1x16xf32>,
        %parallel_loop3A_262 = vector.shape_cast %parallel_loop3A_261 : vector<1x16xf32> to vector<16xf32>
        %parallel_loop3A_263 = arith.addf %parallel_loop3A_258, %parallel_loop3A_262 : vector<16xf32>
        %parallel_loop3A_264 = arith.index_cast %parallel_loop3A_200 : i32 to index
        %parallel_loop3A_265 = arith.constant 96 : index
        %parallel_loop3A_266 = tpu.vector_load %arg14[%parallel_loop3A_264, %parallel_loop3A_265] {strides = array<i32>} : memref<128x128xf32, #tpu.memory_space<vmem>>, vector<1x16xf32>,
        %parallel_loop3A_267 = vector.shape_cast %parallel_loop3A_266 : vector<1x16xf32> to vector<16xf32>
        %parallel_loop3A_268 = arith.addf %parallel_loop3A_263, %parallel_loop3A_267 : vector<16xf32>
        %parallel_loop3A_269 = arith.constant 0.000000e+00 : f32
        %parallel_loop3A_270 = vector.broadcast %parallel_loop3A_269 : f32 to vector<16xf32>
        %parallel_loop3A_271 = arith.subf %parallel_loop3A_270, %parallel_loop3A_268 : vector<16xf32>
        %parallel_loop3A_272 = math.exp %parallel_loop3A_271 : vector<16xf32>
        %parallel_loop3A_273 = arith.constant 1.000000e+00 : f32
        %parallel_loop3A_274 = vector.broadcast %parallel_loop3A_273 : f32 to vector<16xf32>
        %parallel_loop3A_275 = arith.addf %parallel_loop3A_274, %parallel_loop3A_272 : vector<16xf32>
        %parallel_loop3A_276 = arith.divf %parallel_loop3A_268, %parallel_loop3A_275 : vector<16xf32>
        %parallel_loop3A_277 = arith.index_cast %parallel_loop3A_200 : i32 to index
        %parallel_loop3A_278 = arith.constant 32 : index
        %parallel_loop3A_279 = tpu.vector_load %arg17[%parallel_loop3A_277, %parallel_loop3A_278] {strides = array<i32>} : memref<128x128xf32, #tpu.memory_space<vmem>>, vector<1x16xf32>,
        %parallel_loop3A_280 = vector.shape_cast %parallel_loop3A_279 : vector<1x16xf32> to vector<16xf32>
        %parallel_loop3A_281 = vector.shape_cast %parallel_loop3A_276 : vector<16xf32> to vector<1x16xf32>
        tpu.vector_store %arg17[%parallel_loop3A_277, %parallel_loop3A_278], %parallel_loop3A_281 {strides = array<i32>} : memref<128x128xf32, #tpu.memory_space<vmem>>, vector<1x16xf32>,
        %parallel_loop3A_282 = arith.index_cast %parallel_loop3A_200 : i32 to index
        %parallel_loop3A_283 = arith.constant 48 : index
        %parallel_loop3A_284 = tpu.vector_load %arg16[%parallel_loop3A_282, %parallel_loop3A_283] {strides = array<i32>} : memref<128x64xf32, #tpu.memory_space<vmem>>, vector<1x16xf32>,
        %parallel_loop3A_285 = vector.shape_cast %parallel_loop3A_284 : vector<1x16xf32> to vector<16xf32>
        %parallel_loop3A_286 = arith.index_cast %parallel_loop3A_200 : i32 to index
        %parallel_loop3A_287 = arith.constant 48 : index
        %parallel_loop3A_288 = tpu.vector_load %arg12[%parallel_loop3A_286, %parallel_loop3A_287] {strides = array<i32>} : memref<128x128xf32, #tpu.memory_space<vmem>>, vector<1x16xf32>,
        %parallel_loop3A_289 = vector.shape_cast %parallel_loop3A_288 : vector<1x16xf32> to vector<16xf32>
        %parallel_loop3A_290 = arith.addf %parallel_loop3A_285, %parallel_loop3A_289 : vector<16xf32>
        %parallel_loop3A_291 = arith.index_cast %parallel_loop3A_200 : i32 to index
        %parallel_loop3A_292 = arith.constant 112 : index
        %parallel_loop3A_293 = tpu.vector_load %arg14[%parallel_loop3A_291, %parallel_loop3A_292] {strides = array<i32>} : memref<128x128xf32, #tpu.memory_space<vmem>>, vector<1x16xf32>,
        %parallel_loop3A_294 = vector.shape_cast %parallel_loop3A_293 : vector<1x16xf32> to vector<16xf32>
        %parallel_loop3A_295 = arith.addf %parallel_loop3A_290, %parallel_loop3A_294 : vector<16xf32>
        %parallel_loop3A_296 = arith.constant 0.000000e+00 : f32
        %parallel_loop3A_297 = vector.broadcast %parallel_loop3A_296 : f32 to vector<16xf32>
        %parallel_loop3A_298 = arith.subf %parallel_loop3A_297, %parallel_loop3A_295 : vector<16xf32>
        %parallel_loop3A_299 = math.exp %parallel_loop3A_298 : vector<16xf32>
        %parallel_loop3A_300 = arith.constant 1.000000e+00 : f32
        %parallel_loop3A_301 = vector.broadcast %parallel_loop3A_300 : f32 to vector<16xf32>
        %parallel_loop3A_302 = arith.addf %parallel_loop3A_301, %parallel_loop3A_299 : vector<16xf32>
        %parallel_loop3A_303 = arith.divf %parallel_loop3A_295, %parallel_loop3A_302 : vector<16xf32>
        %parallel_loop3A_304 = arith.index_cast %parallel_loop3A_200 : i32 to index
        %parallel_loop3A_305 = arith.constant 48 : index
        %parallel_loop3A_306 = tpu.vector_load %arg17[%parallel_loop3A_304, %parallel_loop3A_305] {strides = array<i32>} : memref<128x128xf32, #tpu.memory_space<vmem>>, vector<1x16xf32>,
        %parallel_loop3A_307 = vector.shape_cast %parallel_loop3A_306 : vector<1x16xf32> to vector<16xf32>
        %parallel_loop3A_308 = vector.shape_cast %parallel_loop3A_303 : vector<16xf32> to vector<1x16xf32>
        tpu.vector_store %arg17[%parallel_loop3A_304, %parallel_loop3A_305], %parallel_loop3A_308 {strides = array<i32>} : memref<128x128xf32, #tpu.memory_space<vmem>>, vector<1x16xf32>,
      } {sc.loop_unroll_factor = 4 : i64, sc.parallel_access}
      %mul3A_127 = arith.constant 128 : i32
      %mul3A_128 = arith.muli %add3A_74, %mul3A_127 : i32
      %add3A_129 = arith.addi %mul3A_17, %mul3A_128 : i32
      %dma_start3A_130 = arith.constant 0 : i32
      %dma_start3A_131 = tpu.memref_slice %arg7[%add3A_129, %dma_start3A_130] : memref<327680x128xf32, #tpu.memory_space<hbm>> -> memref<128x128xf32, #tpu.memory_space<hbm>>
      %dma_start3A_132 = arith.constant 0 : i32
      %dma_start3A_133 = tpu.memref_slice %arg7[%add3A_129, %dma_start3A_132] : memref<327680x128xf32, #tpu.memory_space<hbm>> -> memref<128x128xf32, #tpu.memory_space<hbm>>
      tpu.enqueue_dma source(%arg17 : memref<128x128xf32, #tpu.memory_space<vmem>>) target(%dma_start3A_133 : memref<128x128xf32, #tpu.memory_space<hbm>>) target_semaphore(%arg25 : memref<!tpu.dma_semaphore, #tpu.memory_space<semaphore_mem>>)
      %mul3A_134 = arith.constant 2 : i32
      %mul3A_135 = arith.muli %mul3A_134, %scan3A_70 : i32
      %add3A_136 = arith.constant 1 : i32
      %add3A_137 = arith.addi %mul3A_135, %add3A_136 : i32
      %add3A_138 = arith.constant 1 : i32
      %add3A_139 = arith.addi %add3A_137, %add3A_138 : i32
      %eq3A_140 = arith.constant 80 : i32
      %eq3A_141 = arith.cmpi eq, %add3A_139, %eq3A_140 : i32
      %add3A_142 = arith.constant 1 : i32
      %add3A_143 = arith.addi %add3A_137, %add3A_142 : i32
      %jit3A_144 = arith.constant 0 : i32
      %select_n3A_145 = arith.select %eq3A_141, %jit3A_144, %add3A_143 : i32
      %add3A_146 = arith.constant 2 : i32
      %add3A_147 = arith.addi %add3A_137, %add3A_146 : i32
      %ge3A_148 = arith.constant 80 : i32
      %ge3A_149 = arith.cmpi sge, %add3A_147, %ge3A_148 : i32
      %add3A_150 = arith.constant 2 : i32
      %add3A_151 = arith.addi %add3A_137, %add3A_150 : i32
      %sub3A_152 = arith.constant 80 : i32
      %sub3A_153 = arith.subi %add3A_151, %sub3A_152 : i32
      %add3A_154 = arith.constant 2 : i32
      %add3A_155 = arith.addi %add3A_137, %add3A_154 : i32
      %select_n3A_156 = arith.select %ge3A_149, %sub3A_153, %add3A_155 : i32
      %dma_wait3A_157 = tpu.memref_slice %arg5[%mul3A_17] : memref<327680xi32, #tpu.memory_space<hbm>> -> memref<128xi32, #tpu.memory_space<hbm>>
      %dma_wait3A_158 = tpu.memref_slice %arg5[%mul3A_17] : memref<327680xi32, #tpu.memory_space<hbm>> -> memref<128xi32, #tpu.memory_space<hbm>>
      tpu.wait_dma2 semaphore(%arg19 : memref<!tpu.dma_semaphore, #tpu.memory_space<semaphore_mem>>) src(%dma_wait3A_158 : memref<128xi32, #tpu.memory_space<hbm>>) dst(%arg8 : memref<128xi32, #tpu.memory_space<vmem>>)
      %dma_wait3A_159 = tpu.memref_slice %arg4[%mul3A_17] : memref<327680xi32, #tpu.memory_space<hbm>> -> memref<128xi32, #tpu.memory_space<hbm>>
      %dma_wait3A_160 = tpu.memref_slice %arg4[%mul3A_17] : memref<327680xi32, #tpu.memory_space<hbm>> -> memref<128xi32, #tpu.memory_space<hbm>>
      tpu.wait_dma2 semaphore(%arg19 : memref<!tpu.dma_semaphore, #tpu.memory_space<semaphore_mem>>) src(%dma_wait3A_160 : memref<128xi32, #tpu.memory_space<hbm>>) dst(%arg10 : memref<128xi32, #tpu.memory_space<vmem>>)
      %mul3A_161 = arith.constant 128 : i32
      %mul3A_162 = arith.muli %select_n3A_145, %mul3A_161 : i32
      %add3A_163 = arith.addi %mul3A_17, %mul3A_162 : i32
      %dma_start3A_164 = arith.constant 0 : i32
      %dma_start3A_165 = arith.constant 0 : i32
      %dma_start3A_166 = tpu.memref_slice %arg2[%dma_start3A_164, %dma_start3A_165] : memref<10240x128xf32, #tpu.memory_space<hbm>> -> memref<10240x128xf32, #tpu.memory_space<hbm>>
      tpu.enqueue_indirect_dma source(%dma_start3A_166 : memref<10240x128xf32, #tpu.memory_space<hbm>>) target(%arg12 : memref<128x128xf32, #tpu.memory_space<vmem>>) offsets(%arg8 : memref<128xi32, #tpu.memory_space<vmem>>) semaphore(%arg21 : memref<!tpu.dma_semaphore, #tpu.memory_space<semaphore_mem>>)
      %dma_start3A_167 = arith.constant 0 : i32
      %dma_start3A_168 = arith.constant 0 : i32
      %dma_start3A_169 = tpu.memref_slice %arg2[%dma_start3A_167, %dma_start3A_168] : memref<10240x128xf32, #tpu.memory_space<hbm>> -> memref<10240x128xf32, #tpu.memory_space<hbm>>
      tpu.enqueue_indirect_dma source(%dma_start3A_169 : memref<10240x128xf32, #tpu.memory_space<hbm>>) target(%arg14 : memref<128x128xf32, #tpu.memory_space<vmem>>) offsets(%arg10 : memref<128xi32, #tpu.memory_space<vmem>>) semaphore(%arg23 : memref<!tpu.dma_semaphore, #tpu.memory_space<semaphore_mem>>)
      %mul3A_170 = arith.constant 128 : i32
      %mul3A_171 = arith.muli %add3A_137, %mul3A_170 : i32
      %add3A_172 = arith.addi %mul3A_17, %mul3A_171 : i32
      "tpu.region"() ({
        %run_scoped3A = tpu.sem_alloc : memref<!tpu.dma_semaphore, #tpu.memory_space<semaphore_mem>>
        %dma_start3A_200 = arith.constant 0 : i32
        %dma_start3A_201 = tpu.memref_slice %arg3[%add3A_172, %dma_start3A_200] : memref<327680x64xf32, #tpu.memory_space<hbm>> -> memref<128x64xf32, #tpu.memory_space<hbm>>
        %dma_start3A_202 = arith.constant 0 : i32
        %dma_start3A_203 = tpu.memref_slice %arg3[%add3A_172, %dma_start3A_202] : memref<327680x64xf32, #tpu.memory_space<hbm>> -> memref<128x64xf32, #tpu.memory_space<hbm>>
        tpu.enqueue_dma source(%dma_start3A_203 : memref<128x64xf32, #tpu.memory_space<hbm>>) target(%arg16 : memref<128x64xf32, #tpu.memory_space<vmem>>) target_semaphore(%run_scoped3A : memref<!tpu.dma_semaphore, #tpu.memory_space<semaphore_mem>>)
        %dma_wait3A_204 = arith.constant 0 : i32
        %dma_wait3A_205 = tpu.memref_slice %arg3[%add3A_172, %dma_wait3A_204] : memref<327680x64xf32, #tpu.memory_space<hbm>> -> memref<128x64xf32, #tpu.memory_space<hbm>>
        %dma_wait3A_206 = arith.constant 0 : i32
        %dma_wait3A_207 = tpu.memref_slice %arg3[%add3A_172, %dma_wait3A_206] : memref<327680x64xf32, #tpu.memory_space<hbm>> -> memref<128x64xf32, #tpu.memory_space<hbm>>
        tpu.wait_dma2 semaphore(%run_scoped3A : memref<!tpu.dma_semaphore, #tpu.memory_space<semaphore_mem>>) src(%dma_wait3A_207 : memref<128x64xf32, #tpu.memory_space<hbm>>) dst(%arg16 : memref<128x64xf32, #tpu.memory_space<vmem>>)
        tpu.yield
      }) : () -> ()
      %dma_wait3A_173 = arith.constant 0 : i32
      %dma_wait3A_174 = arith.constant 0 : i32
      %dma_wait3A_175 = tpu.memref_slice %arg2[%dma_wait3A_173, %dma_wait3A_174] : memref<10240x128xf32, #tpu.memory_space<hbm>> -> memref<10240x128xf32, #tpu.memory_space<hbm>>
      tpu.wait_indirect_dma semaphore(%arg22 : memref<!tpu.dma_semaphore, #tpu.memory_space<semaphore_mem>>) src(%dma_wait3A_175 : memref<10240x128xf32, #tpu.memory_space<hbm>>) dst(%arg13 : memref<128x128xf32, #tpu.memory_space<vmem>>)
      %dma_wait3A_176 = arith.constant 0 : i32
      %dma_wait3A_177 = arith.constant 0 : i32
      %dma_wait3A_178 = tpu.memref_slice %arg2[%dma_wait3A_176, %dma_wait3A_177] : memref<10240x128xf32, #tpu.memory_space<hbm>> -> memref<10240x128xf32, #tpu.memory_space<hbm>>
      tpu.wait_indirect_dma semaphore(%arg24 : memref<!tpu.dma_semaphore, #tpu.memory_space<semaphore_mem>>) src(%dma_wait3A_178 : memref<10240x128xf32, #tpu.memory_space<hbm>>) dst(%arg15 : memref<128x128xf32, #tpu.memory_space<vmem>>)
      %mul3A_179 = arith.constant 128 : i32
      %mul3A_180 = arith.muli %select_n3A_156, %mul3A_179 : i32
      %add3A_181 = arith.addi %mul3A_17, %mul3A_180 : i32
      %dma_start3A_182 = tpu.memref_slice %arg5[%add3A_181] : memref<327680xi32, #tpu.memory_space<hbm>> -> memref<128xi32, #tpu.memory_space<hbm>>
      %dma_start3A_183 = tpu.memref_slice %arg5[%add3A_181] : memref<327680xi32, #tpu.memory_space<hbm>> -> memref<128xi32, #tpu.memory_space<hbm>>
      tpu.enqueue_dma source(%dma_start3A_183 : memref<128xi32, #tpu.memory_space<hbm>>) target(%arg9 : memref<128xi32, #tpu.memory_space<vmem>>) target_semaphore(%arg20 : memref<!tpu.dma_semaphore, #tpu.memory_space<semaphore_mem>>)
      %dma_start3A_184 = tpu.memref_slice %arg4[%add3A_181] : memref<327680xi32, #tpu.memory_space<hbm>> -> memref<128xi32, #tpu.memory_space<hbm>>
      %dma_start3A_185 = tpu.memref_slice %arg4[%add3A_181] : memref<327680xi32, #tpu.memory_space<hbm>> -> memref<128xi32, #tpu.memory_space<hbm>>
      tpu.enqueue_dma source(%dma_start3A_185 : memref<128xi32, #tpu.memory_space<hbm>>) target(%arg11 : memref<128xi32, #tpu.memory_space<vmem>>) target_semaphore(%arg20 : memref<!tpu.dma_semaphore, #tpu.memory_space<semaphore_mem>>)
      %dma_wait3A_186 = arith.constant 0 : i32
      %dma_wait3A_187 = tpu.memref_slice %arg7[%mul3A_17, %dma_wait3A_186] : memref<327680x128xf32, #tpu.memory_space<hbm>> -> memref<128x128xf32, #tpu.memory_space<hbm>>
      %dma_wait3A_188 = arith.constant 0 : i32
      %dma_wait3A_189 = tpu.memref_slice %arg7[%mul3A_17, %dma_wait3A_188] : memref<327680x128xf32, #tpu.memory_space<hbm>> -> memref<128x128xf32, #tpu.memory_space<hbm>>
      tpu.wait_dma2 semaphore(%arg26 : memref<!tpu.dma_semaphore, #tpu.memory_space<semaphore_mem>>) src(%arg18 : memref<128x128xf32, #tpu.memory_space<vmem>>) dst(%dma_wait3A_189 : memref<128x128xf32, #tpu.memory_space<hbm>>)
      %parallel_loop3A_190 = arith.constant 0 : i32
      %parallel_loop3A_191 = arith.constant 128 : i32
      %parallel_loop3A_192 = arith.constant 1 : i32
      scf.for %parallel_loop3A_200 = %parallel_loop3A_190 to %parallel_loop3A_191 step %parallel_loop3A_192  : i32 {
        %parallel_loop3A_201 = arith.index_cast %parallel_loop3A_200 : i32 to index
        %parallel_loop3A_202 = arith.constant 0 : index
        %parallel_loop3A_203 = tpu.vector_load %arg16[%parallel_loop3A_201, %parallel_loop3A_202] {strides = array<i32>} : memref<128x64xf32, #tpu.memory_space<vmem>>, vector<1x16xf32>,
        %parallel_loop3A_204 = vector.shape_cast %parallel_loop3A_203 : vector<1x16xf32> to vector<16xf32>
        %parallel_loop3A_205 = arith.index_cast %parallel_loop3A_200 : i32 to index
        %parallel_loop3A_206 = arith.constant 0 : index
        %parallel_loop3A_207 = tpu.vector_load %arg13[%parallel_loop3A_205, %parallel_loop3A_206] {strides = array<i32>} : memref<128x128xf32, #tpu.memory_space<vmem>>, vector<1x16xf32>,
        %parallel_loop3A_208 = vector.shape_cast %parallel_loop3A_207 : vector<1x16xf32> to vector<16xf32>
        %parallel_loop3A_209 = arith.addf %parallel_loop3A_204, %parallel_loop3A_208 : vector<16xf32>
        %parallel_loop3A_210 = arith.index_cast %parallel_loop3A_200 : i32 to index
        %parallel_loop3A_211 = arith.constant 64 : index
        %parallel_loop3A_212 = tpu.vector_load %arg15[%parallel_loop3A_210, %parallel_loop3A_211] {strides = array<i32>} : memref<128x128xf32, #tpu.memory_space<vmem>>, vector<1x16xf32>,
        %parallel_loop3A_213 = vector.shape_cast %parallel_loop3A_212 : vector<1x16xf32> to vector<16xf32>
        %parallel_loop3A_214 = arith.addf %parallel_loop3A_209, %parallel_loop3A_213 : vector<16xf32>
        %parallel_loop3A_215 = arith.constant 0.000000e+00 : f32
        %parallel_loop3A_216 = vector.broadcast %parallel_loop3A_215 : f32 to vector<16xf32>
        %parallel_loop3A_217 = arith.subf %parallel_loop3A_216, %parallel_loop3A_214 : vector<16xf32>
        %parallel_loop3A_218 = math.exp %parallel_loop3A_217 : vector<16xf32>
        %parallel_loop3A_219 = arith.constant 1.000000e+00 : f32
        %parallel_loop3A_220 = vector.broadcast %parallel_loop3A_219 : f32 to vector<16xf32>
        %parallel_loop3A_221 = arith.addf %parallel_loop3A_220, %parallel_loop3A_218 : vector<16xf32>
        %parallel_loop3A_222 = arith.divf %parallel_loop3A_214, %parallel_loop3A_221 : vector<16xf32>
        %parallel_loop3A_223 = arith.index_cast %parallel_loop3A_200 : i32 to index
        %parallel_loop3A_224 = arith.constant 0 : index
        %parallel_loop3A_225 = tpu.vector_load %arg18[%parallel_loop3A_223, %parallel_loop3A_224] {strides = array<i32>} : memref<128x128xf32, #tpu.memory_space<vmem>>, vector<1x16xf32>,
        %parallel_loop3A_226 = vector.shape_cast %parallel_loop3A_225 : vector<1x16xf32> to vector<16xf32>
        %parallel_loop3A_227 = vector.shape_cast %parallel_loop3A_222 : vector<16xf32> to vector<1x16xf32>
        tpu.vector_store %arg18[%parallel_loop3A_223, %parallel_loop3A_224], %parallel_loop3A_227 {strides = array<i32>} : memref<128x128xf32, #tpu.memory_space<vmem>>, vector<1x16xf32>,
        %parallel_loop3A_228 = arith.index_cast %parallel_loop3A_200 : i32 to index
        %parallel_loop3A_229 = arith.constant 16 : index
        %parallel_loop3A_230 = tpu.vector_load %arg16[%parallel_loop3A_228, %parallel_loop3A_229] {strides = array<i32>} : memref<128x64xf32, #tpu.memory_space<vmem>>, vector<1x16xf32>,
        %parallel_loop3A_231 = vector.shape_cast %parallel_loop3A_230 : vector<1x16xf32> to vector<16xf32>
        %parallel_loop3A_232 = arith.index_cast %parallel_loop3A_200 : i32 to index
        %parallel_loop3A_233 = arith.constant 16 : index
        %parallel_loop3A_234 = tpu.vector_load %arg13[%parallel_loop3A_232, %parallel_loop3A_233] {strides = array<i32>} : memref<128x128xf32, #tpu.memory_space<vmem>>, vector<1x16xf32>,
        %parallel_loop3A_235 = vector.shape_cast %parallel_loop3A_234 : vector<1x16xf32> to vector<16xf32>
        %parallel_loop3A_236 = arith.addf %parallel_loop3A_231, %parallel_loop3A_235 : vector<16xf32>
        %parallel_loop3A_237 = arith.index_cast %parallel_loop3A_200 : i32 to index
        %parallel_loop3A_238 = arith.constant 80 : index
        %parallel_loop3A_239 = tpu.vector_load %arg15[%parallel_loop3A_237, %parallel_loop3A_238] {strides = array<i32>} : memref<128x128xf32, #tpu.memory_space<vmem>>, vector<1x16xf32>,
        %parallel_loop3A_240 = vector.shape_cast %parallel_loop3A_239 : vector<1x16xf32> to vector<16xf32>
        %parallel_loop3A_241 = arith.addf %parallel_loop3A_236, %parallel_loop3A_240 : vector<16xf32>
        %parallel_loop3A_242 = arith.constant 0.000000e+00 : f32
        %parallel_loop3A_243 = vector.broadcast %parallel_loop3A_242 : f32 to vector<16xf32>
        %parallel_loop3A_244 = arith.subf %parallel_loop3A_243, %parallel_loop3A_241 : vector<16xf32>
        %parallel_loop3A_245 = math.exp %parallel_loop3A_244 : vector<16xf32>
        %parallel_loop3A_246 = arith.constant 1.000000e+00 : f32
        %parallel_loop3A_247 = vector.broadcast %parallel_loop3A_246 : f32 to vector<16xf32>
        %parallel_loop3A_248 = arith.addf %parallel_loop3A_247, %parallel_loop3A_245 : vector<16xf32>
        %parallel_loop3A_249 = arith.divf %parallel_loop3A_241, %parallel_loop3A_248 : vector<16xf32>
        %parallel_loop3A_250 = arith.index_cast %parallel_loop3A_200 : i32 to index
        %parallel_loop3A_251 = arith.constant 16 : index
        %parallel_loop3A_252 = tpu.vector_load %arg18[%parallel_loop3A_250, %parallel_loop3A_251] {strides = array<i32>} : memref<128x128xf32, #tpu.memory_space<vmem>>, vector<1x16xf32>,
        %parallel_loop3A_253 = vector.shape_cast %parallel_loop3A_252 : vector<1x16xf32> to vector<16xf32>
        %parallel_loop3A_254 = vector.shape_cast %parallel_loop3A_249 : vector<16xf32> to vector<1x16xf32>
        tpu.vector_store %arg18[%parallel_loop3A_250, %parallel_loop3A_251], %parallel_loop3A_254 {strides = array<i32>} : memref<128x128xf32, #tpu.memory_space<vmem>>, vector<1x16xf32>,
        %parallel_loop3A_255 = arith.index_cast %parallel_loop3A_200 : i32 to index
        %parallel_loop3A_256 = arith.constant 32 : index
        %parallel_loop3A_257 = tpu.vector_load %arg16[%parallel_loop3A_255, %parallel_loop3A_256] {strides = array<i32>} : memref<128x64xf32, #tpu.memory_space<vmem>>, vector<1x16xf32>,
        %parallel_loop3A_258 = vector.shape_cast %parallel_loop3A_257 : vector<1x16xf32> to vector<16xf32>
        %parallel_loop3A_259 = arith.index_cast %parallel_loop3A_200 : i32 to index
        %parallel_loop3A_260 = arith.constant 32 : index
        %parallel_loop3A_261 = tpu.vector_load %arg13[%parallel_loop3A_259, %parallel_loop3A_260] {strides = array<i32>} : memref<128x128xf32, #tpu.memory_space<vmem>>, vector<1x16xf32>,
        %parallel_loop3A_262 = vector.shape_cast %parallel_loop3A_261 : vector<1x16xf32> to vector<16xf32>
        %parallel_loop3A_263 = arith.addf %parallel_loop3A_258, %parallel_loop3A_262 : vector<16xf32>
        %parallel_loop3A_264 = arith.index_cast %parallel_loop3A_200 : i32 to index
        %parallel_loop3A_265 = arith.constant 96 : index
        %parallel_loop3A_266 = tpu.vector_load %arg15[%parallel_loop3A_264, %parallel_loop3A_265] {strides = array<i32>} : memref<128x128xf32, #tpu.memory_space<vmem>>, vector<1x16xf32>,
        %parallel_loop3A_267 = vector.shape_cast %parallel_loop3A_266 : vector<1x16xf32> to vector<16xf32>
        %parallel_loop3A_268 = arith.addf %parallel_loop3A_263, %parallel_loop3A_267 : vector<16xf32>
        %parallel_loop3A_269 = arith.constant 0.000000e+00 : f32
        %parallel_loop3A_270 = vector.broadcast %parallel_loop3A_269 : f32 to vector<16xf32>
        %parallel_loop3A_271 = arith.subf %parallel_loop3A_270, %parallel_loop3A_268 : vector<16xf32>
        %parallel_loop3A_272 = math.exp %parallel_loop3A_271 : vector<16xf32>
        %parallel_loop3A_273 = arith.constant 1.000000e+00 : f32
        %parallel_loop3A_274 = vector.broadcast %parallel_loop3A_273 : f32 to vector<16xf32>
        %parallel_loop3A_275 = arith.addf %parallel_loop3A_274, %parallel_loop3A_272 : vector<16xf32>
        %parallel_loop3A_276 = arith.divf %parallel_loop3A_268, %parallel_loop3A_275 : vector<16xf32>
        %parallel_loop3A_277 = arith.index_cast %parallel_loop3A_200 : i32 to index
        %parallel_loop3A_278 = arith.constant 32 : index
        %parallel_loop3A_279 = tpu.vector_load %arg18[%parallel_loop3A_277, %parallel_loop3A_278] {strides = array<i32>} : memref<128x128xf32, #tpu.memory_space<vmem>>, vector<1x16xf32>,
        %parallel_loop3A_280 = vector.shape_cast %parallel_loop3A_279 : vector<1x16xf32> to vector<16xf32>
        %parallel_loop3A_281 = vector.shape_cast %parallel_loop3A_276 : vector<16xf32> to vector<1x16xf32>
        tpu.vector_store %arg18[%parallel_loop3A_277, %parallel_loop3A_278], %parallel_loop3A_281 {strides = array<i32>} : memref<128x128xf32, #tpu.memory_space<vmem>>, vector<1x16xf32>,
        %parallel_loop3A_282 = arith.index_cast %parallel_loop3A_200 : i32 to index
        %parallel_loop3A_283 = arith.constant 48 : index
        %parallel_loop3A_284 = tpu.vector_load %arg16[%parallel_loop3A_282, %parallel_loop3A_283] {strides = array<i32>} : memref<128x64xf32, #tpu.memory_space<vmem>>, vector<1x16xf32>,
        %parallel_loop3A_285 = vector.shape_cast %parallel_loop3A_284 : vector<1x16xf32> to vector<16xf32>
        %parallel_loop3A_286 = arith.index_cast %parallel_loop3A_200 : i32 to index
        %parallel_loop3A_287 = arith.constant 48 : index
        %parallel_loop3A_288 = tpu.vector_load %arg13[%parallel_loop3A_286, %parallel_loop3A_287] {strides = array<i32>} : memref<128x128xf32, #tpu.memory_space<vmem>>, vector<1x16xf32>,
        %parallel_loop3A_289 = vector.shape_cast %parallel_loop3A_288 : vector<1x16xf32> to vector<16xf32>
        %parallel_loop3A_290 = arith.addf %parallel_loop3A_285, %parallel_loop3A_289 : vector<16xf32>
        %parallel_loop3A_291 = arith.index_cast %parallel_loop3A_200 : i32 to index
        %parallel_loop3A_292 = arith.constant 112 : index
        %parallel_loop3A_293 = tpu.vector_load %arg15[%parallel_loop3A_291, %parallel_loop3A_292] {strides = array<i32>} : memref<128x128xf32, #tpu.memory_space<vmem>>, vector<1x16xf32>,
        %parallel_loop3A_294 = vector.shape_cast %parallel_loop3A_293 : vector<1x16xf32> to vector<16xf32>
        %parallel_loop3A_295 = arith.addf %parallel_loop3A_290, %parallel_loop3A_294 : vector<16xf32>
        %parallel_loop3A_296 = arith.constant 0.000000e+00 : f32
        %parallel_loop3A_297 = vector.broadcast %parallel_loop3A_296 : f32 to vector<16xf32>
        %parallel_loop3A_298 = arith.subf %parallel_loop3A_297, %parallel_loop3A_295 : vector<16xf32>
        %parallel_loop3A_299 = math.exp %parallel_loop3A_298 : vector<16xf32>
        %parallel_loop3A_300 = arith.constant 1.000000e+00 : f32
        %parallel_loop3A_301 = vector.broadcast %parallel_loop3A_300 : f32 to vector<16xf32>
        %parallel_loop3A_302 = arith.addf %parallel_loop3A_301, %parallel_loop3A_299 : vector<16xf32>
        %parallel_loop3A_303 = arith.divf %parallel_loop3A_295, %parallel_loop3A_302 : vector<16xf32>
        %parallel_loop3A_304 = arith.index_cast %parallel_loop3A_200 : i32 to index
        %parallel_loop3A_305 = arith.constant 48 : index
        %parallel_loop3A_306 = tpu.vector_load %arg18[%parallel_loop3A_304, %parallel_loop3A_305] {strides = array<i32>} : memref<128x128xf32, #tpu.memory_space<vmem>>, vector<1x16xf32>,
        %parallel_loop3A_307 = vector.shape_cast %parallel_loop3A_306 : vector<1x16xf32> to vector<16xf32>
        %parallel_loop3A_308 = vector.shape_cast %parallel_loop3A_303 : vector<16xf32> to vector<1x16xf32>
        tpu.vector_store %arg18[%parallel_loop3A_304, %parallel_loop3A_305], %parallel_loop3A_308 {strides = array<i32>} : memref<128x128xf32, #tpu.memory_space<vmem>>, vector<1x16xf32>,
      } {sc.loop_unroll_factor = 4 : i64, sc.parallel_access}
      %mul3A_193 = arith.constant 128 : i32
      %mul3A_194 = arith.muli %add3A_137, %mul3A_193 : i32
      %add3A_195 = arith.addi %mul3A_17, %mul3A_194 : i32
      %dma_start3A_196 = arith.constant 0 : i32
      %dma_start3A_197 = tpu.memref_slice %arg7[%add3A_195, %dma_start3A_196] : memref<327680x128xf32, #tpu.memory_space<hbm>> -> memref<128x128xf32, #tpu.memory_space<hbm>>
      %dma_start3A_198 = arith.constant 0 : i32
      %dma_start3A_199 = tpu.memref_slice %arg7[%add3A_195, %dma_start3A_198] : memref<327680x128xf32, #tpu.memory_space<hbm>> -> memref<128x128xf32, #tpu.memory_space<hbm>>
      tpu.enqueue_dma source(%arg18 : memref<128x128xf32, #tpu.memory_space<vmem>>) target(%dma_start3A_199 : memref<128x128xf32, #tpu.memory_space<hbm>>) target_semaphore(%arg26 : memref<!tpu.dma_semaphore, #tpu.memory_space<semaphore_mem>>)
    }
    %scan3A_51 = arith.constant 40 : i32
    %dma_wait3A_52 = tpu.memref_slice %arg5[%mul3A_17] : memref<327680xi32, #tpu.memory_space<hbm>> -> memref<128xi32, #tpu.memory_space<hbm>>
    %dma_wait3A_53 = tpu.memref_slice %arg5[%mul3A_17] : memref<327680xi32, #tpu.memory_space<hbm>> -> memref<128xi32, #tpu.memory_space<hbm>>
    tpu.wait_dma2 semaphore(%arg20 : memref<!tpu.dma_semaphore, #tpu.memory_space<semaphore_mem>>) src(%dma_wait3A_53 : memref<128xi32, #tpu.memory_space<hbm>>) dst(%arg9 : memref<128xi32, #tpu.memory_space<vmem>>)
    %dma_wait3A_54 = tpu.memref_slice %arg4[%mul3A_17] : memref<327680xi32, #tpu.memory_space<hbm>> -> memref<128xi32, #tpu.memory_space<hbm>>
    %dma_wait3A_55 = tpu.memref_slice %arg4[%mul3A_17] : memref<327680xi32, #tpu.memory_space<hbm>> -> memref<128xi32, #tpu.memory_space<hbm>>
    tpu.wait_dma2 semaphore(%arg20 : memref<!tpu.dma_semaphore, #tpu.memory_space<semaphore_mem>>) src(%dma_wait3A_55 : memref<128xi32, #tpu.memory_space<hbm>>) dst(%arg11 : memref<128xi32, #tpu.memory_space<vmem>>)
    %dma_wait3A_56 = arith.constant 0 : i32
    %dma_wait3A_57 = arith.constant 0 : i32
    %dma_wait3A_58 = tpu.memref_slice %arg2[%dma_wait3A_56, %dma_wait3A_57] : memref<10240x128xf32, #tpu.memory_space<hbm>> -> memref<10240x128xf32, #tpu.memory_space<hbm>>
    tpu.wait_indirect_dma semaphore(%arg21 : memref<!tpu.dma_semaphore, #tpu.memory_space<semaphore_mem>>) src(%dma_wait3A_58 : memref<10240x128xf32, #tpu.memory_space<hbm>>) dst(%arg12 : memref<128x128xf32, #tpu.memory_space<vmem>>)
    %dma_wait3A_59 = arith.constant 0 : i32
    %dma_wait3A_60 = arith.constant 0 : i32
    %dma_wait3A_61 = tpu.memref_slice %arg2[%dma_wait3A_59, %dma_wait3A_60] : memref<10240x128xf32, #tpu.memory_space<hbm>> -> memref<10240x128xf32, #tpu.memory_space<hbm>>
    tpu.wait_indirect_dma semaphore(%arg23 : memref<!tpu.dma_semaphore, #tpu.memory_space<semaphore_mem>>) src(%dma_wait3A_61 : memref<10240x128xf32, #tpu.memory_space<hbm>>) dst(%arg14 : memref<128x128xf32, #tpu.memory_space<vmem>>)
    %dma_wait3A_62 = arith.constant 0 : i32
    %dma_wait3A_63 = tpu.memref_slice %arg7[%mul3A_17, %dma_wait3A_62] : memref<327680x128xf32, #tpu.memory_space<hbm>> -> memref<128x128xf32, #tpu.memory_space<hbm>>
    %dma_wait3A_64 = arith.constant 0 : i32
    %dma_wait3A_65 = tpu.memref_slice %arg7[%mul3A_17, %dma_wait3A_64] : memref<327680x128xf32, #tpu.memory_space<hbm>> -> memref<128x128xf32, #tpu.memory_space<hbm>>
    tpu.wait_dma2 semaphore(%arg25 : memref<!tpu.dma_semaphore, #tpu.memory_space<semaphore_mem>>) src(%arg17 : memref<128x128xf32, #tpu.memory_space<vmem>>) dst(%dma_wait3A_65 : memref<128x128xf32, #tpu.memory_space<hbm>>)
    %dma_wait3A_66 = arith.constant 0 : i32
    %dma_wait3A_67 = tpu.memref_slice %arg7[%mul3A_17, %dma_wait3A_66] : memref<327680x128xf32, #tpu.memory_space<hbm>> -> memref<128x128xf32, #tpu.memory_space<hbm>>
    %dma_wait3A_68 = arith.constant 0 : i32
    %dma_wait3A_69 = tpu.memref_slice %arg7[%mul3A_17, %dma_wait3A_68] : memref<327680x128xf32, #tpu.memory_space<hbm>> -> memref<128x128xf32, #tpu.memory_space<hbm>>
    tpu.wait_dma2 semaphore(%arg26 : memref<!tpu.dma_semaphore, #tpu.memory_space<semaphore_mem>>) src(%arg18 : memref<128x128xf32, #tpu.memory_space<vmem>>) dst(%dma_wait3A_69 : memref<128x128xf32, #tpu.memory_space<hbm>>)
    return
  }
}

module attributes {stable_mosaic.version = 14 : i64} {
  func.func @_enc_body(%arg0: memref<10240x8xf32, #tpu.memory_space<vmem>>, %arg1: memref<8x64xf32, #tpu.memory_space<vmem>>, %arg2: memref<1x64xf32, #tpu.memory_space<vmem>>, %arg3: memref<64x64xf32, #tpu.memory_space<vmem>>, %arg4: memref<1x64xf32, #tpu.memory_space<vmem>>, %arg5: memref<10240x64xf32, #tpu.memory_space<vmem>>) attributes {dimension_semantics = [], scalar_prefetch = 0 : i64, scratch_operands = 0 : i64, tpu.core_type = #tpu.core_type<tc>} {
    %get3A = arith.constant 0 : index
    %get3A_0 = arith.constant 0 : index
    %get3A_1 = vector.load %arg0[%get3A, %get3A_0] : memref<10240x8xf32, #tpu.memory_space<vmem>>, vector<10240x8xf32>
    %get3A_2 = arith.constant 0 : index
    %get3A_3 = arith.constant 0 : index
    %get3A_4 = vector.load %arg1[%get3A_2, %get3A_3] : memref<8x64xf32, #tpu.memory_space<vmem>>, vector<8x64xf32>
    %dot_general3A = arith.constant dense<0.000000e+00> : vector<10240x64xf32>
    %dot_general3A_5 = tpu.matmul %get3A_1, %get3A_4, %dot_general3A {dimension_numbers = #tpu.dot_dimension_numbers<[1], [0], [0], [1], [0, 0, 1, 1], [], []>, transpose_lhs_hint = false} : vector<10240x8xf32>, vector<8x64xf32>, vector<10240x64xf32> -> vector<10240x64xf32>
    %get3A_6 = arith.constant 0 : index
    %get3A_7 = arith.constant 0 : index
    %get3A_8 = vector.load %arg2[%get3A_6, %get3A_7] : memref<1x64xf32, #tpu.memory_space<vmem>>, vector<1x64xf32>
    %add3A = vector.broadcast %get3A_8 : vector<1x64xf32> to vector<10240x64xf32>
    %add3A_9 = arith.addf %dot_general3A_5, %add3A : vector<10240x64xf32>
    %logistic3A = arith.negf %add3A_9 : vector<10240x64xf32>
    %logistic3A_10 = math.exp %logistic3A : vector<10240x64xf32>
    %logistic3A_11 = arith.constant 1.000000e+00 : f32
    %logistic3A_12 = vector.broadcast %logistic3A_11 : f32 to vector<10240x64xf32>
    %logistic3A_13 = arith.addf %logistic3A_12, %logistic3A_10 : vector<10240x64xf32>
    %logistic3A_14 = arith.divf %logistic3A_12, %logistic3A_13 : vector<10240x64xf32>
    %mul3A = arith.mulf %add3A_9, %logistic3A_14 : vector<10240x64xf32>
    %get3A_15 = arith.constant 0 : index
    %get3A_16 = arith.constant 0 : index
    %get3A_17 = vector.load %arg3[%get3A_15, %get3A_16] : memref<64x64xf32, #tpu.memory_space<vmem>>, vector<64x64xf32>
    %dot_general3A_18 = arith.constant dense<0.000000e+00> : vector<10240x64xf32>
    %dot_general3A_19 = tpu.matmul %mul3A, %get3A_17, %dot_general3A_18 {dimension_numbers = #tpu.dot_dimension_numbers<[1], [0], [0], [1], [0, 0, 1, 1], [], []>, transpose_lhs_hint = false} : vector<10240x64xf32>, vector<64x64xf32>, vector<10240x64xf32> -> vector<10240x64xf32>
    %get3A_20 = arith.constant 0 : index
    %get3A_21 = arith.constant 0 : index
    %get3A_22 = vector.load %arg4[%get3A_20, %get3A_21] : memref<1x64xf32, #tpu.memory_space<vmem>>, vector<1x64xf32>
    %add3A_23 = vector.broadcast %get3A_22 : vector<1x64xf32> to vector<10240x64xf32>
    %add3A_24 = arith.addf %dot_general3A_19, %add3A_23 : vector<10240x64xf32>
    %swap3A = arith.constant 0 : index
    %swap3A_25 = arith.constant 0 : index
    %swap3A_26 = vector.load %arg5[%swap3A, %swap3A_25] : memref<10240x64xf32, #tpu.memory_space<vmem>>, vector<10240x64xf32>
    tpu.vector_store %arg5[%swap3A, %swap3A_25], %add3A_24 {strides = array<i32>} : memref<10240x64xf32, #tpu.memory_space<vmem>>, vector<10240x64xf32>,
    return
  }
}

module attributes {stable_mosaic.version = 14 : i64} {
  func.func @_hef_body(%arg0: i32, %arg1: memref<4096x16xf32, #tpu.memory_space<vmem>>, %arg2: memref<16x64xf32, #tpu.memory_space<vmem>>, %arg3: memref<1x64xf32, #tpu.memory_space<vmem>>, %arg4: memref<1x64xf32, #tpu.memory_space<vmem>>, %arg5: memref<4096x64xf32, #tpu.memory_space<vmem>>) attributes {dimension_semantics = [#tpu.dimension_semantics<arbitrary>], iteration_bounds = array<i64: 80>, scalar_prefetch = 0 : i64, scratch_operands = 0 : i64, tpu.core_type = #tpu.core_type<tc>, window_params = [{transform_indices = @transform_0, window_bounds = array<i64: 4096, 16>}, {pipeline_mode = #tpu.pipeline_mode<synchronous>, transform_indices = @transform_1, window_bounds = array<i64: 16, 64>}, {pipeline_mode = #tpu.pipeline_mode<synchronous>, transform_indices = @transform_2, window_bounds = array<i64: 1, 64>}, {pipeline_mode = #tpu.pipeline_mode<synchronous>, transform_indices = @transform_3, window_bounds = array<i64: 1, 64>}, {transform_indices = @transform_4, window_bounds = array<i64: 4096, 64>}]} {
    %get3A = arith.constant 0 : index
    %get3A_0 = arith.constant 0 : index
    %get3A_1 = vector.load %arg1[%get3A, %get3A_0] : memref<4096x16xf32, #tpu.memory_space<vmem>>, vector<4096x16xf32>
    %mul3A = arith.mulf %get3A_1, %get3A_1 : vector<4096x16xf32>
    %reduce_sum3A = arith.constant dense<0.000000e+00> : vector<4096xf32>
    %reduce_sum3A_2 = vector.multi_reduction <add>, %mul3A, %reduce_sum3A [1] : vector<4096x16xf32> to vector<4096xf32>
    %broadcast_in_dim3A = vector.shape_cast %reduce_sum3A_2 : vector<4096xf32> to vector<4096x1xf32>
    %sqrt3A = math.sqrt %broadcast_in_dim3A : vector<4096x1xf32>
    %get3A_3 = arith.constant 0 : index
    %get3A_4 = arith.constant 0 : index
    %get3A_5 = vector.load %arg2[%get3A_3, %get3A_4] : memref<16x64xf32, #tpu.memory_space<vmem>>, vector<16x64xf32>
    %dot_general3A = arith.constant dense<0.000000e+00> : vector<4096x64xf32>
    %dot_general3A_6 = tpu.matmul %get3A_1, %get3A_5, %dot_general3A {dimension_numbers = #tpu.dot_dimension_numbers<[1], [0], [0], [1], [0, 0, 1, 1], [], []>, transpose_lhs_hint = false} : vector<4096x16xf32>, vector<16x64xf32>, vector<4096x64xf32> -> vector<4096x64xf32>
    %get3A_7 = arith.constant 0 : index
    %get3A_8 = arith.constant 0 : index
    %get3A_9 = vector.load %arg3[%get3A_7, %get3A_8] : memref<1x64xf32, #tpu.memory_space<vmem>>, vector<1x64xf32>
    %mul3A_10 = vector.broadcast %sqrt3A : vector<4096x1xf32> to vector<4096x64xf32>
    %mul3A_11 = vector.broadcast %get3A_9 : vector<1x64xf32> to vector<4096x64xf32>
    %mul3A_12 = arith.mulf %mul3A_10, %mul3A_11 : vector<4096x64xf32>
    %add3A = arith.addf %dot_general3A_6, %mul3A_12 : vector<4096x64xf32>
    %get3A_13 = arith.constant 0 : index
    %get3A_14 = arith.constant 0 : index
    %get3A_15 = vector.load %arg4[%get3A_13, %get3A_14] : memref<1x64xf32, #tpu.memory_space<vmem>>, vector<1x64xf32>
    %add3A_16 = vector.broadcast %get3A_15 : vector<1x64xf32> to vector<4096x64xf32>
    %add3A_17 = arith.addf %add3A, %add3A_16 : vector<4096x64xf32>
    %logistic3A = arith.negf %add3A_17 : vector<4096x64xf32>
    %logistic3A_18 = math.exp %logistic3A : vector<4096x64xf32>
    %logistic3A_19 = arith.constant 1.000000e+00 : f32
    %logistic3A_20 = vector.broadcast %logistic3A_19 : f32 to vector<4096x64xf32>
    %logistic3A_21 = arith.addf %logistic3A_20, %logistic3A_18 : vector<4096x64xf32>
    %logistic3A_22 = arith.divf %logistic3A_20, %logistic3A_21 : vector<4096x64xf32>
    %mul3A_23 = arith.mulf %add3A_17, %logistic3A_22 : vector<4096x64xf32>
    %swap3A = arith.constant 0 : index
    %swap3A_24 = arith.constant 0 : index
    %swap3A_25 = vector.load %arg5[%swap3A, %swap3A_24] : memref<4096x64xf32, #tpu.memory_space<vmem>>, vector<4096x64xf32>
    tpu.vector_store %arg5[%swap3A, %swap3A_24], %mul3A_23 {strides = array<i32>} : memref<4096x64xf32, #tpu.memory_space<vmem>>, vector<4096x64xf32>,
    return
  }
  func.func @transform_0(%arg0: i32) -> (i32, i32) {
    %c0_i32 = arith.constant 0 : i32
    %c0_i32_0 = arith.constant 0 : i32
    return %arg0, %c0_i32 : i32, i32
  }
  func.func @transform_1(%arg0: i32) -> (i32, i32) {
    %c0_i32 = arith.constant 0 : i32
    %c0_i32_0 = arith.constant 0 : i32
    %c0_i32_1 = arith.constant 0 : i32
    return %c0_i32, %c0_i32_0 : i32, i32
  }
  func.func @transform_2(%arg0: i32) -> (i32, i32) {
    %c0_i32 = arith.constant 0 : i32
    %c0_i32_0 = arith.constant 0 : i32
    %c0_i32_1 = arith.constant 0 : i32
    return %c0_i32, %c0_i32_0 : i32, i32
  }
  func.func @transform_3(%arg0: i32) -> (i32, i32) {
    %c0_i32 = arith.constant 0 : i32
    %c0_i32_0 = arith.constant 0 : i32
    %c0_i32_1 = arith.constant 0 : i32
    return %c0_i32, %c0_i32_0 : i32, i32
  }
  func.func @transform_4(%arg0: i32) -> (i32, i32) {
    %c0_i32 = arith.constant 0 : i32
    %c0_i32_0 = arith.constant 0 : i32
    return %arg0, %c0_i32 : i32, i32
  }
}

module attributes {stable_mosaic.version = 14 : i64} {
  func.func @_pre_body(%arg0: memref<10240x64xf32, #tpu.memory_space<vmem>>, %arg1: memref<64x64xf32, #tpu.memory_space<vmem>>, %arg2: memref<64x64xf32, #tpu.memory_space<vmem>>, %arg3: memref<64x64xf32, #tpu.memory_space<vmem>>, %arg4: memref<64x64xf32, #tpu.memory_space<vmem>>, %arg5: memref<1x64xf32, #tpu.memory_space<vmem>>, %arg6: memref<1x64xf32, #tpu.memory_space<vmem>>, %arg7: memref<10240x128xf32, #tpu.memory_space<vmem>>, %arg8: memref<64x64xf32, #tpu.memory_space<vmem>>) attributes {dimension_semantics = [], scalar_prefetch = 0 : i64, scratch_operands = 0 : i64, tpu.core_type = #tpu.core_type<tc>} {
    %get3A = arith.constant 0 : index
    %get3A_0 = arith.constant 0 : index
    %get3A_1 = vector.load %arg3[%get3A, %get3A_0] : memref<64x64xf32, #tpu.memory_space<vmem>>, vector<64x64xf32>
    %get3A_2 = arith.constant 0 : index
    %get3A_3 = arith.constant 0 : index
    %get3A_4 = vector.load %arg4[%get3A_2, %get3A_3] : memref<64x64xf32, #tpu.memory_space<vmem>>, vector<64x64xf32>
    %dot_general3A = arith.constant dense<0.000000e+00> : vector<64x64xf32>
    %dot_general3A_5 = tpu.matmul %get3A_4, %get3A_1, %dot_general3A {dimension_numbers = #tpu.dot_dimension_numbers<[1], [0], [0], [1], [0, 0, 1, 1], [], []>, transpose_lhs_hint = false} : vector<64x64xf32>, vector<64x64xf32>, vector<64x64xf32> -> vector<64x64xf32>
    %swap3A = arith.constant 0 : index
    %swap3A_6 = arith.constant 0 : index
    %swap3A_7 = vector.load %arg8[%swap3A, %swap3A_6] : memref<64x64xf32, #tpu.memory_space<vmem>>, vector<64x64xf32>
    tpu.vector_store %arg8[%swap3A, %swap3A_6], %dot_general3A_5 {strides = array<i32>} : memref<64x64xf32, #tpu.memory_space<vmem>>, vector<64x64xf32>,
    %get3A_8 = arith.constant 0 : index
    %get3A_9 = arith.constant 0 : index
    %get3A_10 = vector.load %arg5[%get3A_8, %get3A_9] : memref<1x64xf32, #tpu.memory_space<vmem>>, vector<1x64xf32>
    %get3A_11 = arith.constant 0 : index
    %get3A_12 = arith.constant 0 : index
    %get3A_13 = vector.load %arg6[%get3A_11, %get3A_12] : memref<1x64xf32, #tpu.memory_space<vmem>>, vector<1x64xf32>
    %dot_general3A_14 = arith.constant dense<0.000000e+00> : vector<1x64xf32>
    %dot_general3A_15 = tpu.matmul %get3A_13, %get3A_1, %dot_general3A_14 {dimension_numbers = #tpu.dot_dimension_numbers<[1], [0], [0], [1], [0, 0, 1, 1], [], []>, transpose_lhs_hint = false} : vector<1x64xf32>, vector<64x64xf32>, vector<1x64xf32> -> vector<1x64xf32>
    %add3A = arith.addf %get3A_10, %dot_general3A_15 : vector<1x64xf32>
    %get3A_16 = arith.constant 0 : index
    %get3A_17 = arith.constant 0 : index
    %get3A_18 = vector.load %arg0[%get3A_16, %get3A_17] : memref<10240x64xf32, #tpu.memory_space<vmem>>, vector<10240x64xf32>
    %get3A_19 = arith.constant 0 : index
    %get3A_20 = arith.constant 0 : index
    %get3A_21 = vector.load %arg1[%get3A_19, %get3A_20] : memref<64x64xf32, #tpu.memory_space<vmem>>, vector<64x64xf32>
    %dot_general3A_22 = arith.constant dense<0.000000e+00> : vector<10240x64xf32>
    %dot_general3A_23 = tpu.matmul %get3A_18, %get3A_21, %dot_general3A_22 {dimension_numbers = #tpu.dot_dimension_numbers<[1], [0], [0], [1], [0, 0, 1, 1], [], []>, transpose_lhs_hint = false} : vector<10240x64xf32>, vector<64x64xf32>, vector<10240x64xf32> -> vector<10240x64xf32>
    %add3A_24 = vector.broadcast %add3A : vector<1x64xf32> to vector<10240x64xf32>
    %add3A_25 = arith.addf %dot_general3A_23, %add3A_24 : vector<10240x64xf32>
    %get3A_26 = arith.constant 0 : index
    %get3A_27 = arith.constant 0 : index
    %get3A_28 = vector.load %arg2[%get3A_26, %get3A_27] : memref<64x64xf32, #tpu.memory_space<vmem>>, vector<64x64xf32>
    %dot_general3A_29 = arith.constant dense<0.000000e+00> : vector<10240x64xf32>
    %dot_general3A_30 = tpu.matmul %get3A_18, %get3A_28, %dot_general3A_29 {dimension_numbers = #tpu.dot_dimension_numbers<[1], [0], [0], [1], [0, 0, 1, 1], [], []>, transpose_lhs_hint = false} : vector<10240x64xf32>, vector<64x64xf32>, vector<10240x64xf32> -> vector<10240x64xf32>
    %concatenate3A = tpu.concatenate %add3A_25, %dot_general3A_30 in 1 : vector<10240x64xf32>, vector<10240x64xf32> -> vector<10240x128xf32>
    %swap3A_31 = arith.constant 0 : index
    %swap3A_32 = arith.constant 0 : index
    %swap3A_33 = vector.load %arg7[%swap3A_31, %swap3A_32] : memref<10240x128xf32, #tpu.memory_space<vmem>>, vector<10240x128xf32>
    tpu.vector_store %arg7[%swap3A_31, %swap3A_32], %concatenate3A {strides = array<i32>} : memref<10240x128xf32, #tpu.memory_space<vmem>>, vector<10240x128xf32>,
    return
  }
}

module attributes {stable_mosaic.version = 14 : i64} {
  func.func @_cmat_body(%arg0: i32, %arg1: memref<4096x64xf32, #tpu.memory_space<vmem>>, %arg2: memref<64x64xf32, #tpu.memory_space<vmem>>, %arg3: memref<4096x64xf32, #tpu.memory_space<vmem>>) attributes {dimension_semantics = [#tpu.dimension_semantics<arbitrary>], iteration_bounds = array<i64: 80>, scalar_prefetch = 0 : i64, scratch_operands = 0 : i64, tpu.core_type = #tpu.core_type<tc>, window_params = [{transform_indices = @transform_0, window_bounds = array<i64: 4096, 64>}, {pipeline_mode = #tpu.pipeline_mode<synchronous>, transform_indices = @transform_1, window_bounds = array<i64: 64, 64>}, {transform_indices = @transform_2, window_bounds = array<i64: 4096, 64>}]} {
    %get3A = arith.constant 0 : index
    %get3A_0 = arith.constant 0 : index
    %get3A_1 = vector.load %arg1[%get3A, %get3A_0] : memref<4096x64xf32, #tpu.memory_space<vmem>>, vector<4096x64xf32>
    %get3A_2 = arith.constant 0 : index
    %get3A_3 = arith.constant 0 : index
    %get3A_4 = vector.load %arg2[%get3A_2, %get3A_3] : memref<64x64xf32, #tpu.memory_space<vmem>>, vector<64x64xf32>
    %dot_general3A = arith.constant dense<0.000000e+00> : vector<4096x64xf32>
    %dot_general3A_5 = tpu.matmul %get3A_1, %get3A_4, %dot_general3A {dimension_numbers = #tpu.dot_dimension_numbers<[1], [0], [0], [1], [0, 0, 1, 1], [], []>, transpose_lhs_hint = false} : vector<4096x64xf32>, vector<64x64xf32>, vector<4096x64xf32> -> vector<4096x64xf32>
    %swap3A = arith.constant 0 : index
    %swap3A_6 = arith.constant 0 : index
    %swap3A_7 = vector.load %arg3[%swap3A, %swap3A_6] : memref<4096x64xf32, #tpu.memory_space<vmem>>, vector<4096x64xf32>
    tpu.vector_store %arg3[%swap3A, %swap3A_6], %dot_general3A_5 {strides = array<i32>} : memref<4096x64xf32, #tpu.memory_space<vmem>>, vector<4096x64xf32>,
    return
  }
  func.func @transform_0(%arg0: i32) -> (i32, i32) {
    %c0_i32 = arith.constant 0 : i32
    %c0_i32_0 = arith.constant 0 : i32
    return %arg0, %c0_i32 : i32, i32
  }
  func.func @transform_1(%arg0: i32) -> (i32, i32) {
    %c0_i32 = arith.constant 0 : i32
    %c0_i32_0 = arith.constant 0 : i32
    %c0_i32_1 = arith.constant 0 : i32
    return %c0_i32, %c0_i32_0 : i32, i32
  }
  func.func @transform_2(%arg0: i32) -> (i32, i32) {
    %c0_i32 = arith.constant 0 : i32
    %c0_i32_0 = arith.constant 0 : i32
    return %arg0, %c0_i32 : i32, i32
  }
}

module attributes {stable_mosaic.version = 14 : i64} {
  func.func @_upd_body(%arg0: memref<2x6144x128xf32, #tpu.memory_space<vmem>>, %arg1: memref<10240x64xf32, #tpu.memory_space<vmem>>, %arg2: memref<64x64xf32, #tpu.memory_space<vmem>>, %arg3: memref<1x64xf32, #tpu.memory_space<vmem>>, %arg4: memref<64x64xf32, #tpu.memory_space<vmem>>, %arg5: memref<64x64xf32, #tpu.memory_space<vmem>>, %arg6: memref<1x64xf32, #tpu.memory_space<vmem>>, %arg7: memref<64x64xf32, #tpu.memory_space<vmem>>, %arg8: memref<1x64xf32, #tpu.memory_space<vmem>>, %arg9: memref<1x64xf32, #tpu.memory_space<vmem>>, %arg10: memref<1x64xf32, #tpu.memory_space<vmem>>, %arg11: memref<10240x64xf32, #tpu.memory_space<vmem>>) attributes {dimension_semantics = [], scalar_prefetch = 0 : i64, scratch_operands = 0 : i64, tpu.core_type = #tpu.core_type<tc>} {
    %get3A = arith.constant 0 : index
    %get3A_0 = arith.constant 0 : index
    %get3A_1 = arith.constant 0 : index
    %get3A_2 = vector.load %arg0[%get3A, %get3A_0, %get3A_1] : memref<2x6144x128xf32, #tpu.memory_space<vmem>>, vector<1x5120x64xf32>
    %get3A_3 = vector.shape_cast %get3A_2 : vector<1x5120x64xf32> to vector<5120x64xf32>
    %get3A_4 = arith.constant 1 : index
    %get3A_5 = arith.constant 0 : index
    %get3A_6 = arith.constant 0 : index
    %get3A_7 = vector.load %arg0[%get3A_4, %get3A_5, %get3A_6] : memref<2x6144x128xf32, #tpu.memory_space<vmem>>, vector<1x5120x64xf32>
    %get3A_8 = vector.shape_cast %get3A_7 : vector<1x5120x64xf32> to vector<5120x64xf32>
    %concatenate3A = tpu.concatenate %get3A_3, %get3A_8 in 0 : vector<5120x64xf32>, vector<5120x64xf32> -> vector<10240x64xf32>
    %get3A_9 = arith.constant 0 : index
    %get3A_10 = arith.constant 0 : index
    %get3A_11 = arith.constant 64 : index
    %get3A_12 = vector.load %arg0[%get3A_9, %get3A_10, %get3A_11] : memref<2x6144x128xf32, #tpu.memory_space<vmem>>, vector<1x5120x1xf32>
    %get3A_13 = vector.shape_cast %get3A_12 : vector<1x5120x1xf32> to vector<5120x1xf32>
    %get3A_14 = arith.constant 1 : index
    %get3A_15 = arith.constant 0 : index
    %get3A_16 = arith.constant 64 : index
    %get3A_17 = vector.load %arg0[%get3A_14, %get3A_15, %get3A_16] : memref<2x6144x128xf32, #tpu.memory_space<vmem>>, vector<1x5120x1xf32>
    %get3A_18 = vector.shape_cast %get3A_17 : vector<1x5120x1xf32> to vector<5120x1xf32>
    %concatenate3A_19 = tpu.concatenate %get3A_13, %get3A_18 in 0 : vector<5120x1xf32>, vector<5120x1xf32> -> vector<10240x1xf32>
    %max3A = arith.constant 1.000000e+00 : f32
    %max3A_20 = vector.broadcast %max3A : f32 to vector<10240x1xf32>
    %max3A_21 = arith.maximumf %concatenate3A_19, %max3A_20 : vector<10240x1xf32>
    %div3A = arith.constant 1.000000e+00 : f32
    %div3A_22 = vector.broadcast %div3A : f32 to vector<10240x1xf32>
    %div3A_23 = arith.divf %div3A_22, %max3A_21 : vector<10240x1xf32>
    %min3A = arith.constant 1.000000e+00 : f32
    %min3A_24 = vector.broadcast %min3A : f32 to vector<10240x1xf32>
    %min3A_25 = arith.minimumf %concatenate3A_19, %min3A_24 : vector<10240x1xf32>
    %get3A_26 = arith.constant 0 : index
    %get3A_27 = arith.constant 0 : index
    %get3A_28 = vector.load %arg1[%get3A_26, %get3A_27] : memref<10240x64xf32, #tpu.memory_space<vmem>>, vector<10240x64xf32>
    %get3A_29 = arith.constant 0 : index
    %get3A_30 = arith.constant 0 : index
    %get3A_31 = vector.load %arg2[%get3A_29, %get3A_30] : memref<64x64xf32, #tpu.memory_space<vmem>>, vector<64x64xf32>
    %dot_general3A = arith.constant dense<0.000000e+00> : vector<10240x64xf32>
    %dot_general3A_32 = tpu.matmul %concatenate3A, %get3A_31, %dot_general3A {dimension_numbers = #tpu.dot_dimension_numbers<[1], [0], [0], [1], [0, 0, 1, 1], [], []>, transpose_lhs_hint = false} : vector<10240x64xf32>, vector<64x64xf32>, vector<10240x64xf32> -> vector<10240x64xf32>
    %mul3A = vector.broadcast %div3A_23 : vector<10240x1xf32> to vector<10240x64xf32>
    %mul3A_33 = arith.mulf %dot_general3A_32, %mul3A : vector<10240x64xf32>
    %get3A_34 = arith.constant 0 : index
    %get3A_35 = arith.constant 0 : index
    %get3A_36 = vector.load %arg3[%get3A_34, %get3A_35] : memref<1x64xf32, #tpu.memory_space<vmem>>, vector<1x64xf32>
    %mul3A_37 = vector.broadcast %min3A_25 : vector<10240x1xf32> to vector<10240x64xf32>
    %mul3A_38 = vector.broadcast %get3A_36 : vector<1x64xf32> to vector<10240x64xf32>
    %mul3A_39 = arith.mulf %mul3A_37, %mul3A_38 : vector<10240x64xf32>
    %add3A = arith.addf %mul3A_33, %mul3A_39 : vector<10240x64xf32>
    %get3A_40 = arith.constant 0 : index
    %get3A_41 = arith.constant 0 : index
    %get3A_42 = vector.load %arg4[%get3A_40, %get3A_41] : memref<64x64xf32, #tpu.memory_space<vmem>>, vector<64x64xf32>
    %dot_general3A_43 = arith.constant dense<0.000000e+00> : vector<10240x64xf32>
    %dot_general3A_44 = tpu.matmul %get3A_28, %get3A_42, %dot_general3A_43 {dimension_numbers = #tpu.dot_dimension_numbers<[1], [0], [0], [1], [0, 0, 1, 1], [], []>, transpose_lhs_hint = false} : vector<10240x64xf32>, vector<64x64xf32>, vector<10240x64xf32> -> vector<10240x64xf32>
    %get3A_45 = arith.constant 0 : index
    %get3A_46 = arith.constant 0 : index
    %get3A_47 = vector.load %arg5[%get3A_45, %get3A_46] : memref<64x64xf32, #tpu.memory_space<vmem>>, vector<64x64xf32>
    %dot_general3A_48 = arith.constant dense<0.000000e+00> : vector<10240x64xf32>
    %dot_general3A_49 = tpu.matmul %add3A, %get3A_47, %dot_general3A_48 {dimension_numbers = #tpu.dot_dimension_numbers<[1], [0], [0], [1], [0, 0, 1, 1], [], []>, transpose_lhs_hint = false} : vector<10240x64xf32>, vector<64x64xf32>, vector<10240x64xf32> -> vector<10240x64xf32>
    %add3A_50 = arith.addf %dot_general3A_44, %dot_general3A_49 : vector<10240x64xf32>
    %get3A_51 = arith.constant 0 : index
    %get3A_52 = arith.constant 0 : index
    %get3A_53 = vector.load %arg6[%get3A_51, %get3A_52] : memref<1x64xf32, #tpu.memory_space<vmem>>, vector<1x64xf32>
    %add3A_54 = vector.broadcast %get3A_53 : vector<1x64xf32> to vector<10240x64xf32>
    %add3A_55 = arith.addf %add3A_50, %add3A_54 : vector<10240x64xf32>
    %logistic3A = arith.negf %add3A_55 : vector<10240x64xf32>
    %logistic3A_56 = math.exp %logistic3A : vector<10240x64xf32>
    %logistic3A_57 = arith.constant 1.000000e+00 : f32
    %logistic3A_58 = vector.broadcast %logistic3A_57 : f32 to vector<10240x64xf32>
    %logistic3A_59 = arith.addf %logistic3A_58, %logistic3A_56 : vector<10240x64xf32>
    %logistic3A_60 = arith.divf %logistic3A_58, %logistic3A_59 : vector<10240x64xf32>
    %mul3A_61 = arith.mulf %add3A_55, %logistic3A_60 : vector<10240x64xf32>
    %get3A_62 = arith.constant 0 : index
    %get3A_63 = arith.constant 0 : index
    %get3A_64 = vector.load %arg7[%get3A_62, %get3A_63] : memref<64x64xf32, #tpu.memory_space<vmem>>, vector<64x64xf32>
    %dot_general3A_65 = arith.constant dense<0.000000e+00> : vector<10240x64xf32>
    %dot_general3A_66 = tpu.matmul %mul3A_61, %get3A_64, %dot_general3A_65 {dimension_numbers = #tpu.dot_dimension_numbers<[1], [0], [0], [1], [0, 0, 1, 1], [], []>, transpose_lhs_hint = false} : vector<10240x64xf32>, vector<64x64xf32>, vector<10240x64xf32> -> vector<10240x64xf32>
    %get3A_67 = arith.constant 0 : index
    %get3A_68 = arith.constant 0 : index
    %get3A_69 = vector.load %arg8[%get3A_67, %get3A_68] : memref<1x64xf32, #tpu.memory_space<vmem>>, vector<1x64xf32>
    %add3A_70 = vector.broadcast %get3A_69 : vector<1x64xf32> to vector<10240x64xf32>
    %add3A_71 = arith.addf %dot_general3A_66, %add3A_70 : vector<10240x64xf32>
    %add3A_72 = arith.addf %add3A_71, %get3A_28 : vector<10240x64xf32>
    %reduce_sum3A = arith.constant dense<0.000000e+00> : vector<10240xf32>
    %reduce_sum3A_73 = vector.multi_reduction <add>, %add3A_72, %reduce_sum3A [1] : vector<10240x64xf32> to vector<10240xf32>
    %broadcast_in_dim3A = vector.shape_cast %reduce_sum3A_73 : vector<10240xf32> to vector<10240x1xf32>
    %div3A_74 = arith.constant 6.400000e+01 : f32
    %div3A_75 = vector.broadcast %div3A_74 : f32 to vector<10240x1xf32>
    %div3A_76 = arith.divf %broadcast_in_dim3A, %div3A_75 : vector<10240x1xf32>
    %mul3A_77 = arith.mulf %add3A_72, %add3A_72 : vector<10240x64xf32>
    %reduce_sum3A_78 = arith.constant dense<0.000000e+00> : vector<10240xf32>
    %reduce_sum3A_79 = vector.multi_reduction <add>, %mul3A_77, %reduce_sum3A_78 [1] : vector<10240x64xf32> to vector<10240xf32>
    %broadcast_in_dim3A_80 = vector.shape_cast %reduce_sum3A_79 : vector<10240xf32> to vector<10240x1xf32>
    %div3A_81 = arith.constant 6.400000e+01 : f32
    %div3A_82 = vector.broadcast %div3A_81 : f32 to vector<10240x1xf32>
    %div3A_83 = arith.divf %broadcast_in_dim3A_80, %div3A_82 : vector<10240x1xf32>
    %mul3A_84 = arith.mulf %div3A_76, %div3A_76 : vector<10240x1xf32>
    %sub3A = arith.subf %div3A_83, %mul3A_84 : vector<10240x1xf32>
    %sub3A_85 = vector.broadcast %div3A_76 : vector<10240x1xf32> to vector<10240x64xf32>
    %sub3A_86 = arith.subf %add3A_72, %sub3A_85 : vector<10240x64xf32>
    %add3A_87 = arith.constant 9.99999974E-6 : f32
    %add3A_88 = vector.broadcast %add3A_87 : f32 to vector<10240x1xf32>
    %add3A_89 = arith.addf %sub3A, %add3A_88 : vector<10240x1xf32>
    %rsqrt3A = math.rsqrt %add3A_89 : vector<10240x1xf32>
    %mul3A_90 = vector.broadcast %rsqrt3A : vector<10240x1xf32> to vector<10240x64xf32>
    %mul3A_91 = arith.mulf %sub3A_86, %mul3A_90 : vector<10240x64xf32>
    %get3A_92 = arith.constant 0 : index
    %get3A_93 = arith.constant 0 : index
    %get3A_94 = vector.load %arg9[%get3A_92, %get3A_93] : memref<1x64xf32, #tpu.memory_space<vmem>>, vector<1x64xf32>
    %mul3A_95 = vector.broadcast %get3A_94 : vector<1x64xf32> to vector<10240x64xf32>
    %mul3A_96 = arith.mulf %mul3A_91, %mul3A_95 : vector<10240x64xf32>
    %get3A_97 = arith.constant 0 : index
    %get3A_98 = arith.constant 0 : index
    %get3A_99 = vector.load %arg10[%get3A_97, %get3A_98] : memref<1x64xf32, #tpu.memory_space<vmem>>, vector<1x64xf32>
    %add3A_100 = vector.broadcast %get3A_99 : vector<1x64xf32> to vector<10240x64xf32>
    %add3A_101 = arith.addf %mul3A_96, %add3A_100 : vector<10240x64xf32>
    %swap3A = arith.constant 0 : index
    %swap3A_102 = arith.constant 0 : index
    %swap3A_103 = vector.load %arg11[%swap3A, %swap3A_102] : memref<10240x64xf32, #tpu.memory_space<vmem>>, vector<10240x64xf32>
    tpu.vector_store %arg11[%swap3A, %swap3A_102], %add3A_101 {strides = array<i32>} : memref<10240x64xf32, #tpu.memory_space<vmem>>, vector<10240x64xf32>,
    return
  }
}

module attributes {stable_mosaic.version = 14 : i64} {
  func.func @_enc_body(%arg0: memref<10240x64xf32, #tpu.memory_space<vmem>>, %arg1: memref<64x64xf32, #tpu.memory_space<vmem>>, %arg2: memref<1x64xf32, #tpu.memory_space<vmem>>, %arg3: memref<64x16xf32, #tpu.memory_space<vmem>>, %arg4: memref<1x16xf32, #tpu.memory_space<vmem>>, %arg5: memref<10240x16xf32, #tpu.memory_space<vmem>>) attributes {dimension_semantics = [], scalar_prefetch = 0 : i64, scratch_operands = 0 : i64, tpu.core_type = #tpu.core_type<tc>} {
    %get3A = arith.constant 0 : index
    %get3A_0 = arith.constant 0 : index
    %get3A_1 = vector.load %arg0[%get3A, %get3A_0] : memref<10240x64xf32, #tpu.memory_space<vmem>>, vector<10240x64xf32>
    %get3A_2 = arith.constant 0 : index
    %get3A_3 = arith.constant 0 : index
    %get3A_4 = vector.load %arg1[%get3A_2, %get3A_3] : memref<64x64xf32, #tpu.memory_space<vmem>>, vector<64x64xf32>
    %dot_general3A = arith.constant dense<0.000000e+00> : vector<10240x64xf32>
    %dot_general3A_5 = tpu.matmul %get3A_1, %get3A_4, %dot_general3A {dimension_numbers = #tpu.dot_dimension_numbers<[1], [0], [0], [1], [0, 0, 1, 1], [], []>, transpose_lhs_hint = false} : vector<10240x64xf32>, vector<64x64xf32>, vector<10240x64xf32> -> vector<10240x64xf32>
    %get3A_6 = arith.constant 0 : index
    %get3A_7 = arith.constant 0 : index
    %get3A_8 = vector.load %arg2[%get3A_6, %get3A_7] : memref<1x64xf32, #tpu.memory_space<vmem>>, vector<1x64xf32>
    %add3A = vector.broadcast %get3A_8 : vector<1x64xf32> to vector<10240x64xf32>
    %add3A_9 = arith.addf %dot_general3A_5, %add3A : vector<10240x64xf32>
    %logistic3A = arith.negf %add3A_9 : vector<10240x64xf32>
    %logistic3A_10 = math.exp %logistic3A : vector<10240x64xf32>
    %logistic3A_11 = arith.constant 1.000000e+00 : f32
    %logistic3A_12 = vector.broadcast %logistic3A_11 : f32 to vector<10240x64xf32>
    %logistic3A_13 = arith.addf %logistic3A_12, %logistic3A_10 : vector<10240x64xf32>
    %logistic3A_14 = arith.divf %logistic3A_12, %logistic3A_13 : vector<10240x64xf32>
    %mul3A = arith.mulf %add3A_9, %logistic3A_14 : vector<10240x64xf32>
    %get3A_15 = arith.constant 0 : index
    %get3A_16 = arith.constant 0 : index
    %get3A_17 = vector.load %arg3[%get3A_15, %get3A_16] : memref<64x16xf32, #tpu.memory_space<vmem>>, vector<64x16xf32>
    %dot_general3A_18 = arith.constant dense<0.000000e+00> : vector<10240x16xf32>
    %dot_general3A_19 = tpu.matmul %mul3A, %get3A_17, %dot_general3A_18 {dimension_numbers = #tpu.dot_dimension_numbers<[1], [0], [0], [1], [0, 0, 1, 1], [], []>, transpose_lhs_hint = false} : vector<10240x64xf32>, vector<64x16xf32>, vector<10240x16xf32> -> vector<10240x16xf32>
    %get3A_20 = arith.constant 0 : index
    %get3A_21 = arith.constant 0 : index
    %get3A_22 = vector.load %arg4[%get3A_20, %get3A_21] : memref<1x16xf32, #tpu.memory_space<vmem>>, vector<1x16xf32>
    %add3A_23 = vector.broadcast %get3A_22 : vector<1x16xf32> to vector<10240x16xf32>
    %add3A_24 = arith.addf %dot_general3A_19, %add3A_23 : vector<10240x16xf32>
    %swap3A = arith.constant 0 : index
    %swap3A_25 = arith.constant 0 : index
    %swap3A_26 = vector.load %arg5[%swap3A, %swap3A_25] : memref<10240x16xf32, #tpu.memory_space<vmem>>, vector<10240x16xf32>
    tpu.vector_store %arg5[%swap3A, %swap3A_25], %add3A_24 {strides = array<i32>} : memref<10240x16xf32, #tpu.memory_space<vmem>>, vector<10240x16xf32>,
    return
  }
}

</mosaic_0001>

<sc_bundles>
// kernel: closed_call.18.cloned.1.call-start
scs
__scs_entry_jumppad:
0x0: {  	(pc) =	sbr.rel $0x88, $3  }
0x1: {  	(tag) =	ssettag $0x0;
	lr =	simm.s32 $0x1  }
0x2: {  	[smem:$0x3F56] =	sst lr;
	_ =	strace $0xD0000000  }
0x3: {  	_ = 	snop  }
0x4: {  	_ = 	snop  }
0x5: {  	_ = 	snop  }
0x6: {  	_ = 	snop  }
0x7: {  	_ = 	snop  }
__scs_overlays_trampoline_lowered:
0x8: {  	[smem:$0x3F65] =	sst s0  }
0x9: {  	[smem:$0x3F66] =	sst s1  }
0xa: {  	[smem:$0x3F67] =	sst s2  }
0xb: {  	[smem:$0x3F68] =	sst s3  }
0xc: {  	[smem:$0x3F69] =	sst s4  }
0xd: {  	[smem:$0x3F6A] =	sst s5  }
0xe: {  	[smem:$0x3F6B] =	sst s6  }
0xf: {  	[smem:$0x3F6C] =	sst s7  }
0x10: {  	[smem:$0x3F6D] =	sst s8  }
0x11: {  	[smem:$0x3F6E] =	sst s9;
	s0 =	simm.s32 @!p0 $0x0  }
0x12: {  	s1 =	sld [smem:$0x3F54];
	s0 =	simm.s32 @p0 $0x1  }
0x13: {  	[smem:$0x3F6F] =	sst s0;
	s0 =	simm.s32 @!p1 $0x0  }
0x14: {  	s2 =	sld [smem:$0x3F53];
	s0 =	simm.s32 @p1 $0x1  }
0x15: {  	[smem:$0x3F70] =	sst s0;
	s0 =	simm.s32 @!p2 $0x0  }
0x16: {  	s3 =	sld [smem:$0x3FDB];
	s0 =	simm.s32 @p2 $0x1  }
0x17: {  	s4 =	simm.s32 $0x1BF5;
	[smem:$0x3F72] =	sst s0  }
0x18: {  	s0 =	sld [smem:$0x3F55];
	_ =	swait.ge [sflag:s4], $0x0  }
0x19: {  	s7 =	sld [smem:$0x3F56]  }
0x1a: {  	s8 =	sadd.s32 $0xFFFFE003, lr  }
0x1b: {  	s9 =	sadd.s32 $0xFFFFFEF7, lr;
	s5 =	simm.s32 $0xFFFFFFFF;
	p2 =	slt.u32 s8, $0xFFFFF086  }
0x1c: {  	p1 =	slt.u32 s9, $0xF7A;
	s5 =	simm.s32 @!p2 $0x0  }
0x1d: {  	s5 =	simm.s32 @p1 $0x1;
	p0 =	seq.s32 s7, s2  }
0x1e: {  	s7 =	smul.u32 @!p0 $0xF7A, s2;
	p2 =	seq.s32 @!p0 s5, $0x0  }
0x1f: {  	s9 =	smul.u32 $0xF7A, s1;
	s8 =	simm.s32 @!p0 $0x1BF5;
	p2 =	por !p2, p0  }
0x20: {  	[sflag:s8] =	ssyncset.s32 @!p0 $0xFFFFF086;
	s6 =	sadd.s32 @!p0 s3, s7;
	s7 =	simm.s32 @!p0 $0x108  }
0x21: {  	s3 =	sadd.s32 s3, s9;
	s6 =	sadd.s32 @!p0 $0x88, s6;
	s7 =	simm.s32 @p2 $0x1082  }
0x22: {  	[simem:s7], [sflag:s8] =	dma.local @!p0 [hbm:s6], $0xF7A  }
0x23: {  	s9 =	sor.u32 $0xD0000000, s2;
	s6 =	simm.s32 $0x108;
	_ =	swait.ge @!p0 [sflag:s8], $0x0  }
0x24: {  	s3 =	sadd.s32 $0x88, s3;
	s6 =	simm.s32 @!p1 $0x1082;
	[sflag:s4] =	ssyncset.s32 $0xFFFFF086  }
0x25: {  	[simem:s6], [sflag:s4] =	dma.local [hbm:s3], $0xF7A  }
0x26: {  	[smem:$0x3F56] =	sst s1;
	(tag) =	ssettag s2;
	_ =	strace s9  }
0x27: {  	s1 =	sld [smem:$0x3F66]  }
0x28: {  	s2 =	sld [smem:$0x3F67]  }
0x29: {  	s4 =	sld [smem:$0x3F69]  }
0x2a: {  	p0 =	seq.s32 s5, $0x0;
	s5 =	sld [smem:$0x3F6A]  }
0x2b: {  	s6 =	sld [smem:$0x3F6B]  }
0x2c: {  	s7 =	sld [smem:$0x3F6C]  }
0x2d: {  	s3 =	simm.s32 $0x108;
	s8 =	sld [smem:$0x3F6D]  }
0x2e: {  	s3 =	simm.s32 @!p0 $0x1082;
	s9 =	sld [smem:$0x3F6E]  }
0x2f: {  	lr =	sadd.s32 s0, s3;
	s0 =	sld [smem:$0x3F65]  }
0x30: {  	s3 =	sld [smem:$0x3F68]  }
0x31: {  	[smem:$0x3F71] =	sst s10  }
0x32: {  	s10 =	sld [smem:$0x3F6F];
	_ =	sdelay $0x3  }
0x33: {  	p0 =	seq.s32 s10, $0x1;
	s10 =	sld [smem:$0x3F71];
	_ =	sdelay $0x3  }
0x34: {  	[smem:$0x3F71] =	sst s10  }
0x35: {  	s10 =	sld [smem:$0x3F70];
	_ =	sdelay $0x3  }
0x36: {  	p1 =	seq.s32 s10, $0x1;
	s10 =	sld [smem:$0x3F71];
	_ =	sdelay $0x3  }
0x37: {  	[smem:$0x3F71] =	sst s10  }
0x38: {  	s10 =	sld [smem:$0x3F72]  }
0x39: {  	_ = 	snop;
	(pc) =	sbr.ind lr, $3  }
0x3a: {  	_ = 	snop  }
0x3b: {  	_ = 	snop  }
0x3c: {  	p2 =	seq.s32 s10, $0x1;
	s10 =	sld [smem:$0x3F71]  }
0x3d: {  	_ =	shalt  }
0x3e: {  	_ =	shalt  }
0x3f: {  	_ =	shalt  }
0x40: {  	_ =	shalt  }
0x41: {  	_ =	shalt  }
0x42: {  	_ =	shalt  }
0x43: {  	_ =	shalt  }
0x44: {  	_ =	shalt  }
0x45: {  	_ =	shalt  }
0x46: {  	_ =	shalt  }
0x47: {  	_ =	shalt  }
0x48: {  	_ =	shalt  }
0x49: {  	_ =	shalt  }
0x4a: {  	_ =	shalt  }
0x4b: {  	_ =	shalt  }
0x4c: {  	_ =	shalt  }
0x4d: {  	_ =	shalt  }
0x4e: {  	_ =	shalt  }
0x4f: {  	_ =	shalt  }
0x50: {  	_ =	shalt  }
0x51: {  	_ =	shalt  }
0x52: {  	_ =	shalt  }
0x53: {  	_ =	shalt  }
0x54: {  	_ =	shalt  }
0x55: {  	_ =	shalt  }
0x56: {  	_ =	shalt  }
0x57: {  	_ =	shalt  }
0x58: {  	_ =	shalt  }
0x59: {  	_ =	shalt  }
0x5a: {  	_ =	shalt  }
0x5b: {  	_ =	shalt  }
0x5c: {  	_ =	shalt  }
0x5d: {  	_ =	shalt  }
0x5e: {  	_ =	shalt  }
0x5f: {  	_ =	shalt  }
0x60: {  	_ =	shalt  }
0x61: {  	_ =	shalt  }
0x62: {  	_ =	shalt  }
0x63: {  	_ =	shalt  }
0x64: {  	_ =	shalt  }
0x65: {  	_ =	shalt  }
0x66: {  	_ =	shalt  }
0x67: {  	_ =	shalt  }
0x68: {  	_ =	shalt  }
0x69: {  	_ =	shalt  }
0x6a: {  	_ =	shalt  }
0x6b: {  	_ =	shalt  }
0x6c: {  	_ =	shalt  }
0x6d: {  	_ =	shalt  }
0x6e: {  	_ =	shalt  }
0x6f: {  	_ =	shalt  }
0x70: {  	_ =	shalt  }
0x71: {  	_ =	shalt  }
0x72: {  	_ =	shalt  }
0x73: {  	_ =	shalt  }
0x74: {  	_ =	shalt  }
0x75: {  	_ =	shalt  }
0x76: {  	_ =	shalt  }
0x77: {  	_ =	shalt  }
0x78: {  	_ =	shalt  }
0x79: {  	_ =	shalt  }
0x7a: {  	_ =	shalt  }
0x7b: {  	_ =	shalt  }
0x7c: {  	_ =	shalt  }
0x7d: {  	_ =	shalt  }
0x7e: {  	_ =	shalt  }
0x7f: {  	_ =	shalt  }
0x80: {  	_ =	shalt  }
0x81: {  	_ =	shalt  }
0x82: {  	_ =	shalt  }
0x83: {  	_ =	shalt  }
0x84: {  	_ =	shalt  }
0x85: {  	_ =	shalt  }
0x86: {  	_ =	shalt  }
0x87: {  	_ =	shalt  }
.Lfunc_end0:
.L_simem_size_0:
called_computation_lowered:
.L_overlay_start_0:
0x88: {  	s2 =	sld [smem:$0x3FD9]  }
0x89: {  	s3 =	sld [smem:$0x3FFE];
	_ =	sdelay $0x1  }
0x8a: {  	s1 =	srdreg.scid  }
0x8b: {  	s0 =	sand.u32 $0x1, s1  }
0x8c: {  	s16 =	sshll.u32 s0, $0xA;
	s2 =	sadd.s32 s3, s2  }
0x8d: {  	s2 =	sadd.s32 s2, s16  }
0x8e: {  	[smem:$0x3F7D] =	sst s2  }
0x8f: {  	_ = 	snop  }
0x90: {  	(tm) =	ssettm $0x1  }
0x91: {  	s17 =	sld [smem:$0x3FFB];
	_ =	sdelay $0x3  }
0x92: {  	_ =	strace s17  }
0x93: {  	s2 =	sld [smem:$0x3FFC];
	_ =	sdelay $0x3  }
0x94: {  	_ =	strace s2  }
0x95: {  	s2 =	sld [smem:$0x3FFD];
	_ =	sdelay $0x3  }
0x96: {  	_ =	strace s2  }
0x97: {  	_ =	strace $0x8FFFFFFF  }
0x98: {  	s18 =	sld [smem:$0x3FDB];
	_ =	sdelay $0x1  }
0x99: {  	s19 =	simm.s32 $_scs_section_size  }
0x9a: {  	s4 =	simm.s32 $_size__tile_overlayer_lowered;
	s5 =	simm.s32 $_tile_overlayer_lowered  }
0x9b: {  	s22 =	simm.s32 $0x1BFF;
	s21 =	sshll.u32 s5, $0x1;
	s2 =	sadd.s32 s19, s18  }
0x9c: {  	s6 =	simm.s32 $0x0;
	s20 =	sshll.u32 s4, $0x1;
	s4 =	sadd.s32 s21, s2  }
0x9d: {  	[timem:s6], [sflag:s22] =	dma.local [hbm:s4], s20  }
0x9e: {  	_ =	swait.ge [sflag:s22], s20  }
0x9f: {  	s3 =	ssub.s32 $0x0, s20;
	[sflag:s22] =	ssyncset.done $0x0  }
0xa0: {  	[sflag:s22] =	ssyncadd.s32 s3;
	_ =	sdelay $0x1  }
0xa1: {  	s23 =	simm.s32 $0x1B8B  }
0xa2: {  	_ =	swait.ge [sflag:s23], $0x1  }
0xa3: {  	[sflag:s23] =	ssyncset.done $0x0  }
0xa4: {  	s25 =	simm.s32 $0x1B8E;
	s24 =	sld [smem:$0x3FFE];
	[sflag:s23] =	ssyncadd.s32 $0xFFFFFFFF  }
0xa5: {  	s26 =	simm.s32 $execute0_lowered;
	[smem:$0x3FD2] =	sst s25  }
0xa6: {  	s4 =	sshll.u32 s26, $0x1;
	_ =	strace $0x80000049;
	[dreg:$0x1] =	wrdreg $0xFFFFFFFF  }
0xa7: {  	s28 =	simm.s32 $_size_execute0_lowered;
	s2 =	sadd.s32 s2, s4;
	[dreg:$0x0] =	wrdreg $0x0  }
0xa8: {  	s4 =	sshll.u32 s28, $0x1;
	[dreg:$0x2] =	wrdreg s2  }
0xa9: {  	[dreg:$0x3] =	wrdreg s4  }
0xaa: {  	[dreg:$0x4] =	wrdreg $0xC0  }
0xab: {  	_ =	task [dreg:s6], $0x5FFFF  }
0xac: {  	[dreg:$0x1] =	wrdreg $0xFFFFFFFF  }
0xad: {  	[dreg:$0x0] =	wrdreg $0x60  }
0xae: {  	[dreg:$0x2] =	wrdreg s24  }
0xaf: {  	[dreg:$0x3] =	wrdreg $0x9  }
0xb0: {  	_ =	task.clear_ibuf [dreg:s6], $0x4FFFF;
	_ =	strace $0x90000049  }
0xb1: {  	s29 =	simm.s32 $0x9;
	_ =	strace $0x8000004B  }
0xb2: {  	_ =	swait.ge [sflag:s29], $0x1  }
0xb3: {  	[sflag:s29] =	ssyncadd.s32 $0xFFFFFFFF  }
0xb4: {  	_ =	strace $0x9000004B  }
0xb5: {  	_ =	sfence  }
0xb6: {  	s30 =	sld [smem:$0x0];
	_ =	sdelay $0x2  }
0xb7: {  	s31 =	sshll.u32 s1, $0xD;
	s1 =	sshrl.u32 s1, $0x2  }
0xb8: {  	s3 =	sand.u32 $0x4000, s31;
	s1 =	sadd.s32 s1, s30  }
0xb9: {  	s0 =	sor.u32 s3, s0;
	s1 =	sshll.u32 s1, $0x11  }
0xba: {  	s0 =	sor.u32 s1, s0  }
0xbb: {  	s0 =	sadd.s32 $0x8F2B, s0  }
0xbc: {  	[sflag:s0] =	ssyncadd.remote.s32 $0x1  }
0xbd: {  	_ =	sfence.sel $0xFFFF  }
0xbe: {  	[dreg:$0x0] =	wrdreg $0xFFFFFFFF;
	(pc) =	sbr.abs _section_cstart, $3  }
0xbf: {  	[dreg:$0x1] =	wrdreg $0xFFFFFFFF  }
0xc0: {  	_ =	task.clear_ibuf [dreg:s6], $0x2FFFF;
	_ =	strace $0x9FFFFFFF  }
0xc1: {  	(tm) =	ssettm $0x7FFFFFFF  }
tec
execute0_lowered:
.L_overlay_start_1:
0x0: {  	(tag) =	ssettag $0x1  }
0x1: {  	s0 =	rddreg [dreg:$0x0]  }
0x2: {  	s2 =	simm.s32 $0x0;
	s1 =	srdreg.scid;
	s3 =	stileid.u32  }
0x3: {  	s29 =	simm.s32 $0x2;
	[smem:$0x7FF] =	sst s2;
	s1 =	sand.u32 $0x1, s1  }
0x4: {  	s4 =	sshll.u32 s3, $0x1;
	s3 =	sadd.s32 $0x5BA00, s0;
	s28 =	sadd.s32 $0xA62600, s0  }
0x5: {  	s5 =	sadd.s32 $0x29400, s0;
	s10 =	sadd.s32 $0x1F200, s0;
	s11 =	sadd.s32 $0x83A00, s0  }
0x6: {  	s12 =	sadd.s32 $0xF62600, s0;
	_ =	strace $0x8000004A;
	s4 =	sor.u32 s1, s4  }
0x7: {  	s1 =	ssub.s32 $0x2, s1;
	s9 =	smov.u32 s10;
	s6 =	smul.u32 $0x2800, s4  }
0x8: {  	[dreg:$0x2] =	wrdreg s11;
	s20 =	sshrl.u32 s1, $0x1;
	s31 =	smul.u32 $0x140000, s4  }
0x9: {  	s24 =	smul.u32 $0x28000, s4;
	s4 =	simm.s32 $0x0;
	[dreg:$0x3] =	wrdreg s6  }
0xa: {  	s0 =	ssub.s32 s1, s20;
	s7 =	sor.u32 $0x80, s6;
	[dreg:$0xb] =	wrdreg s31  }
0xb: {  	s20 =	simm.s32 $0x9;
	s30 =	sadd.s32 s12, s24;
	[dreg:$0x5] =	wrdreg s7  }
0xc: {  	s8 =	sshrl.u32 s6, $0x3;
	s0 =	smax.u32 s0, $0x1;
	[dreg:$0x9] =	wrdreg s30  }
0xd: {  	s6 =	smov.u32 s5;
	s21 =	sadd.s32 s10, s8;
	[dreg:$0xc] =	wrdreg s0  }
0xe: {  	s22 =	sadd.s32 s5, s8;
	s23 =	sshrl.u32 s7, $0x3;
	[dreg:$0x4] =	wrdreg s21  }
0xf: {  	s24 =	simm.s32 $0x80;
	[dreg:$0x6] =	wrdreg s22;
	s25 =	sadd.s32 s10, s23  }
0x10: {  	s26 =	sshll.u32 s7, $0x4;
	s1 =	sadd.s32 s5, s23;
	[dreg:$0x7] =	wrdreg s25  }
0x11: {  	v0 =	vimm.f32 $0.0e+00;
	vm0 =	vcmask $0x300;
	s7 =	smov.u32 s12;
	[dreg:$0x8] =	wrdreg s1;
	s1 =	sadd.s32 s12, s26  }
0x12: {  	v0 =	vsel vm0, $0x3F800000, v0;
	s23 =	simm.s32 $0x1;
	s5 =	simm.s32 $0x180;
	[dreg:$0xa] =	wrdreg s1  }
.LBB2_1:
0x13: {  	s0 =	simm.s32 $0x14200  }
0x14: {  	[tilespmem:s0], [sflag:$0x9] =	stream.linear.gather [hbm4b:s11+s2], $0x4000, $0x38;
	[tilespmem:$0x1C200] =	vst v63  }
0x15: {  	_ =	swait.ge [sflag:s20], $0x4000  }
0x16: {  	[sflag:s20] =	ssyncset.done $0x0  }
0x17: {  	s1 =	simm.s32 $0x0;
	s0 =	simm.s32 $0x200;
	[sflag:s20] =	ssyncadd.s32 $0xFFFFC000  }
.LBB2_2:
0x18: {  	p0 =	sne.s32 s0, $0xFE00;
	[tilespmem:s1+$0x14240] =	vst v0;
	s1 =	smov.u32 s0;
	s0 =	sadd.s32 $0x200, s0  }
.Ltmp0:
0x19: {  	(pc) =	sbr.rel @p0 .LBB2_2-.Ltmp0, $2  }
0x1a: {  	_ =	sdelay $0x2  }
0x1b: {  	s1 =	sshra.s32 s1, $0x2  }
0x1c: {  	[dreg:$0xd] =	wrdreg s4;
	[tilespmem:s1+$0x14240] =	vst v0;
	s0 =	simm.s32 $0x0;
	s31 =	simm.s32 $0x18200  }
0x1d: {  	[tilespmem:s31], [sflag:$0x9] =	stream.linear.gather [hbm4b:s11+s0], $0x4000, $0x38;
	[tilespmem:$0x1C200] =	vst v63  }
0x1e: {  	_ =	swait.ge [sflag:s20], $0x4000  }
0x1f: {  	[sflag:s20] =	ssyncset.done $0x0  }
0x20: {  	s1 =	simm.s32 $0x0;
	s0 =	simm.s32 $0x200;
	[sflag:s20] =	ssyncadd.s32 $0xFFFFC000  }
.LBB2_4:
0x21: {  	p0 =	sne.s32 s0, $0xFE00;
	[tilespmem:s1+$0x18240] =	vst v0;
	s1 =	smov.u32 s0;
	s0 =	sadd.s32 $0x200, s0  }
.Ltmp1:
0x22: {  	(pc) =	sbr.rel @p0 .LBB2_4-.Ltmp1, $2  }
0x23: {  	_ =	sdelay $0x2  }
0x24: {  	s1 =	sshra.s32 s1, $0x2  }
0x25: {  	[tilespmem:s1+$0x18240] =	vst v0;
	s18 =	simm.s32 $0x0;
	s0 =	rddreg [dreg:$0x4]  }
0x26: {  	[tilespmem:s18], [sflag:$0x1] =	stream.linear.gather [hbm4b:s0+s18], $0x80, $0x38;
	[tilespmem:$0x1C200] =	vst v63  }
0x27: {  	s15 =	rddreg [dreg:$0x6];
	s16 =	simm.s32 $0x100  }
0x28: {  	[tilespmem:s16], [sflag:$0x1] =	stream.linear.gather [hbm4b:s15+s18], $0x80, $0x38;
	[tilespmem:$0x1C200] =	vst v63  }
0x29: {  	_ =	swait.ge [sflag:s23], $0x80  }
0x2a: {  	[sflag:s23] =	ssyncset.done $0x0  }
0x2b: {  	[sflag:s23] =	ssyncadd.s32 $0xFFFFFF80  }
0x2c: {  	_ =	swait.ge [sflag:s23], $0x80  }
0x2d: {  	[sflag:s23] =	ssyncset.done $0x0  }
0x2e: {  	s17 =	simm.s32 $0x200;
	[sflag:s23] =	ssyncadd.s32 $0xFFFFFF80  }
0x2f: {  	[tilespmem:s17], [sflag:$0x3] =	stream.indirect.gather [hbm4b:s3+s24], $0x80, s18, s24, $0xb8;
	[tilespmem:$0x1C200] =	vst v63  }
0x30: {  	s19 =	simm.s32 $0x8200  }
0x31: {  	[tilespmem:s19], [sflag:$0x5] =	stream.indirect.gather [hbm4b:s3+s24], $0x80, s16, s24, $0xb8;
	[tilespmem:$0x1C200] =	vst v63  }
0x32: {  	s21 =	rddreg [dreg:$0x7]  }
0x33: {  	[tilespmem:s24], [sflag:$0x2] =	stream.linear.gather [hbm4b:s21+s18], $0x80, $0x38;
	[tilespmem:$0x1C200] =	vst v63  }
0x34: {  	s22 =	rddreg [dreg:$0x8]  }
0x35: {  	[tilespmem:s5], [sflag:$0x2] =	stream.linear.gather [hbm4b:s22+s18], $0x80, $0x38;
	[tilespmem:$0x1C200] =	vst v63  }
0x36: {  	s26 =	simm.s32 $0x14200;
	s25 =	rddreg [dreg:$0x9]  }
0x37: {  	[hbm4b:s25+s18] =	stream.linear.scatter [tilespmem:s26], [sflag:$0x7], $0x4000, $0x38;
	[tilespmem:$0x1C200] =	vst v63  }
0x38: {  	s31 =	simm.s32 $0x18200;
	s30 =	rddreg [dreg:$0xa]  }
0x39: {  	[hbm4b:s30+s18] =	stream.linear.scatter [tilespmem:s31], [sflag:$0x8], $0x4000, $0x38;
	[tilespmem:$0x1C200] =	vst v63  }
.LBB2_6:
0x3a: {  	_ =	swait.ge [sflag:s29], $0x80  }
0x3b: {  	[sflag:s29] =	ssyncset.done $0x0  }
0x3c: {  	[sflag:s29] =	ssyncadd.s32 $0xFFFFFF80  }
0x3d: {  	_ =	swait.ge [sflag:s29], $0x80  }
0x3e: {  	s0 =	simm.s32 $0x4200;
	[sflag:s29] =	ssyncset.done $0x0  }
0x3f: {  	s17 =	sshll.u32 s18, $0xF;
	s1 =	rddreg [dreg:$0xb];
	[sflag:s29] =	ssyncadd.s32 $0xFFFFFF80  }
0x40: {  	[tilespmem:s0], [sflag:$0x4] =	stream.indirect.gather [hbm4b:s3+s24], $0x80, s24, s24, $0xb8;
	[tilespmem:$0x1C200] =	vst v63  }
0x41: {  	s16 =	simm.s32 $0xC200;
	s0 =	sadd.s32 s1, s17  }
0x42: {  	[tilespmem:s16], [sflag:$0x6] =	stream.indirect.gather [hbm4b:s3+s24], $0x80, s5, s24, $0xb8;
	[tilespmem:$0x1C200] =	vst v63  }
0x43: {  	s16 =	sshrl.u32 s0, $0x3  }
0x44: {  	s19 =	simm.s32 $0x10200;
	s0 =	sadd.s32 s28, s16  }
0x45: {  	[tilespmem:s19], [sflag:$0x9] =	stream.linear.gather [hbm4b:s0+s2], $0x4000, $0x38;
	[tilespmem:$0x1C200] =	vst v63  }
0x46: {  	_ =	swait.ge [sflag:s20], $0x4000  }
0x47: {  	[sflag:s20] =	ssyncset.done $0x0  }
0x48: {  	s21 =	simm.s32 $0x3;
	[sflag:s20] =	ssyncadd.s32 $0xFFFFC000  }
0x49: {  	_ =	swait.ge [sflag:s21], $0x4000  }
0x4a: {  	[sflag:s21] =	ssyncset.done $0x0  }
0x4b: {  	s8 =	sshll.u32 s18, $0x8;
	s4 =	simm.s32 $0x5;
	[sflag:s21] =	ssyncadd.s32 $0xFFFFC000  }
0x4c: {  	p0 =	seq.s32 s18, $0x27;
	s0 =	sadd.s32 $0x100, s8;
	_ =	swait.ge [sflag:s4], $0x4000  }
0x4d: {  	s0 =	simm.s32 @p0 $0x0;
	s22 =	rddreg [dreg:$0x3]  }
0x4e: {  	s0 =	sadd.s32 s22, s0  }
0x4f: {  	[sflag:s4] =	ssyncset.done $0x0;
	s0 =	sshrl.u32 s0, $0x3  }
0x50: {  	[sflag:s4] =	ssyncadd.s32 $0xFFFFC000;
	s25 =	sadd.s32 s9, s0  }
0x51: {  	[tilespmem:s2], [sflag:$0x1] =	stream.linear.gather [hbm4b:s25+s2], $0x80, $0x38;
	[tilespmem:$0x1C200] =	vst v63  }
0x52: {  	s26 =	simm.s32 $0x100;
	s1 =	simm.s32 $0x7;
	s0 =	sadd.s32 s6, s0  }
0x53: {  	[tilespmem:s26], [sflag:$0x1] =	stream.linear.gather [hbm4b:s0+s2], $0x80, $0x38;
	[tilespmem:$0x1C200] =	vst v63  }
0x54: {  	_ =	swait.ge [sflag:s1], $0x4000  }
0x55: {  	[sflag:s1] =	ssyncset.done $0x0  }
0x56: {  	s15 =	simm.s32 $0x10300;
	[sflag:s1] =	ssyncadd.s32 $0xFFFFC000  }
0x57: {  	s13 =	simm.s32 $0x300;
	v1 =	vld [tilespmem:s15+$0x80]  }
0x58: {  	v2 =	vld [tilespmem:s13+$0x80]  }
0x59: {  	s12 =	simm.s32 $0x8340  }
0x5a: {  	v3 =	vld [tilespmem:s12+$0x80];
	_ =	sdelay $0x2  }
0x5b: {  	v4 =	vld [tilespmem:s13+$0xFFFFFF00];
	v1 =	vadd.f32 v2, v1  }
0x5c: {  	v5 =	vld [tilespmem:s13+$0xFFFFFF80]  }
0x5d: {  	v6 =	vld [tilespmem:s15+$0xFFFFFF00];
	v1 =	vadd.f32 v3, v1  }
0x5e: {  	v8 =	vld [tilespmem:s13+$0x0]  }
0x5f: {  	v9 =	vld [tilespmem:s12+$0xFFFFFF00];
	v7 =	vsub.f32 $0.0e+00, v1  }
0x60: {  	v2 =	vld [tilespmem:s15+$0xFFFFFF80]  }
0x61: {  	v3 =	vld [tilespmem:s15+$0x0];
	v7 =	vmul.f32 $1.442695020e+00, v7  }
0x62: {  	v10 =	vld [tilespmem:s12+$0xFFFFFF80];
	v4 =	vadd.f32 v4, v6  }
0x63: {  	v11 =	vld [tilespmem:s12+$0x0];
	(erf) = vpow2.f32 v7  }
0x64: {  	v4 =	vadd.f32 v9, v4  }
0x65: {  	v2 =	vadd.f32 v5, v2  }
0x66: {  	v5 =	vsub.f32 $0.0e+00, v4;
	v3 =	vadd.f32 v8, v3  }
0x67: {  	v2 =	vadd.f32 v10, v2  }
0x68: {  	v5 =	vmul.f32 $1.442695020e+00, v5;
	v3 =	vadd.f32 v11, v3  }
0x69: {  	v6 =	vsub.f32 $0.0e+00, v2  }
0x6a: {  	v7 =	vsub.f32 $0.0e+00, v3  }
0x6b: {  	v6 =	vmul.f32 $1.442695020e+00, v6  }
0x6c: {  	(erf) = vpow2.f32 v5;
	v7 =	vmul.f32 $1.442695020e+00, v7;
	v5 =	vpop (erf)  }
0x6d: {  	(erf) = vpow2.f32 v6;
	v5 =	vadd.f32 $1.000000000e+00, v5  }
0x6e: {  	(erf) = vpow2.f32 v7  }
0x6f: {  	(erf) = vrcp.f32 v5;
	_ =	sdelay $0x5  }
0x70: {  	v5 =	vpop (erf)  }
0x71: {  	v6 =	vpop (erf)  }
0x72: {  	v7 =	vpop (erf)  }
0x73: {  	v8 =	vpop (erf)  }
0x74: {  	v5 =	vadd.f32 $1.000000000e+00, v5;
	v1 =	vmul.f32 v8, v1  }
0x75: {  	s30 =	simm.s32 $0x14300  }
0x76: {  	(erf) = vrcp.f32 v5;
	[tilespmem:s30+$0x80] =	vst v1  }
0x77: {  	v1 =	vld [tilespmem:s15+$0x90]  }
0x78: {  	v5 =	vld [tilespmem:s13+$0x90];
	_ =	sdelay $0x1  }
0x79: {  	v8 =	vld [tilespmem:s12+$0x90];
	_ =	sdelay $0x2  }
0x7a: {  	v1 =	vadd.f32 v5, v1  }
0x7b: {  	v5 =	vadd.f32 $1.000000000e+00, v6  }
0x7c: {  	s4 =	simm.s32 $0x500;
	v6 =	vpop (erf);
	v1 =	vadd.f32 v8, v1  }
0x7d: {  	s10 =	simm.s32 $0x10500;
	v7 =	vadd.f32 $1.000000000e+00, v7;
	v4 =	vmul.f32 v6, v4;
	v6 =	vld [tilespmem:s4+$0x80];
	(erf) = vrcp.f32 v5  }
0x7e: {  	v8 =	vld [tilespmem:s10+$0x80];
	v5 =	vsub.f32 $0.0e+00, v1  }
0x7f: {  	s14 =	simm.s32 $0x8540;
	v14 =	vld [tilespmem:s4+$0x0];
	(erf) = vrcp.f32 v7  }
0x80: {  	[tilespmem:s30+$0xFFFFFF00] =	vst v4;
	v4 =	vld [tilespmem:s14+$0x80];
	v5 =	vmul.f32 $1.442695020e+00, v5  }
0x81: {  	v16 =	vld [tilespmem:s14+$0xFFFFFF80]  }
0x82: {  	v10 =	vld [tilespmem:s4+$0xFFFFFF00];
	(erf) = vpow2.f32 v5  }
0x83: {  	v11 =	vld [tilespmem:s10+$0xFFFFFF00];
	v5 =	vadd.f32 v6, v8  }
0x84: {  	v7 =	vld [tilespmem:s15+$0xFFFFFF10]  }
0x85: {  	v6 =	vld [tilespmem:s10+$0xFFFFFF80];
	v4 =	vadd.f32 v4, v5  }
0x86: {  	v8 =	vld [tilespmem:s4+$0xFFFFFF80];
	v13 =	vpop (erf)  }
0x87: {  	v12 =	vsub.f32 $0.0e+00, v4;
	v2 =	vmul.f32 v13, v2;
	v13 =	vld [tilespmem:s14+$0xFFFFFF00]  }
0x88: {  	v5 =	vld [tilespmem:s10+$0x0];
	v15 =	vpop (erf)  }
0x89: {  	v9 =	vld [tilespmem:s13+$0xFFFFFF10];
	v12 =	vmul.f32 $1.442695020e+00, v12;
	[tilespmem:s30+$0xFFFFFF80] =	vst v2;
	v2 =	vmul.f32 v15, v3  }
0x8a: {  	v10 =	vadd.f32 v10, v11;
	v3 =	vld [tilespmem:s14+$0x0]  }
0x8b: {  	(erf) = vpow2.f32 v12;
	v12 =	vld [tilespmem:s15+$0xFFFFFF90];
	[tilespmem:s30+$0x0] =	vst v2;
	v2 =	vadd.f32 v8, v6;
	v11 =	vpop (erf)  }
0x8c: {  	v6 =	vld [tilespmem:s13+$0xFFFFFF90];
	v10 =	vadd.f32 v13, v10;
	v8 =	vadd.f32 $1.000000000e+00, v11  }
0x8d: {  	v5 =	vadd.f32 v14, v5;
	v13 =	vld [tilespmem:s13+$0x10]  }
0x8e: {  	v11 =	vld [tilespmem:s15+$0x10];
	(erf) = vrcp.f32 v8;
	v8 =	vsub.f32 $0.0e+00, v10  }
0x8f: {  	v2 =	vadd.f32 v16, v2;
	v3 =	vadd.f32 v3, v5;
	v5 =	vld [tilespmem:s12+$0xFFFFFF10]  }
0x90: {  	v14 =	vld [tilespmem:s12+$0xFFFFFF90];
	v8 =	vmul.f32 $1.442695020e+00, v8  }
0x91: {  	v17 =	vld [tilespmem:s12+$0x10];
	v15 =	vsub.f32 $0.0e+00, v2;
	v16 =	vsub.f32 $0.0e+00, v3  }
0x92: {  	v7 =	vadd.f32 v9, v7  }
0x93: {  	v6 =	vadd.f32 v6, v12;
	v9 =	vmul.f32 $1.442695020e+00, v15;
	v12 =	vmul.f32 $1.442695020e+00, v16  }
0x94: {  	v11 =	vadd.f32 v13, v11;
	(erf) = vpow2.f32 v8;
	v7 =	vadd.f32 v5, v7;
	v8 =	vpop (erf)  }
0x95: {  	(erf) = vpow2.f32 v9;
	v5 =	vadd.f32 $1.000000000e+00, v8;
	v8 =	vadd.f32 v14, v6  }
0x96: {  	v9 =	vadd.f32 v17, v11;
	(erf) = vpow2.f32 v12;
	v6 =	vsub.f32 $0.0e+00, v7  }
0x97: {  	(erf) = vrcp.f32 v5;
	v5 =	vsub.f32 $0.0e+00, v8  }
0x98: {  	v12 =	vsub.f32 $0.0e+00, v9;
	v11 =	vpop (erf);
	v6 =	vmul.f32 $1.442695020e+00, v6  }
0x99: {  	v1 =	vmul.f32 v11, v1;
	v5 =	vmul.f32 $1.442695020e+00, v5  }
0x9a: {  	v11 =	vmul.f32 $1.442695020e+00, v12;
	(erf) = vpow2.f32 v6  }
0x9b: {  	[tilespmem:s30+$0x90] =	vst v1;
	(erf) = vpow2.f32 v5  }
0x9c: {  	v1 =	vld [tilespmem:s15+$0xA0];
	(erf) = vpow2.f32 v11  }
0x9d: {  	v6 =	vld [tilespmem:s13+$0xA0];
	v5 =	vpop (erf)  }
0x9e: {  	v11 =	vpop (erf)  }
0x9f: {  	v13 =	vld [tilespmem:s12+$0xA0];
	v5 =	vadd.f32 $1.000000000e+00, v5;
	v12 =	vpop (erf)  }
0xa0: {  	v14 =	vpop (erf)  }
0xa1: {  	(erf) = vrcp.f32 v5;
	v4 =	vmul.f32 v14, v4  }
0xa2: {  	s31 =	simm.s32 $0x14500;
	v1 =	vadd.f32 v6, v1;
	v5 =	vadd.f32 $1.000000000e+00, v11  }
0xa3: {  	v6 =	vpop (erf);
	[tilespmem:s31+$0x80] =	vst v4;
	v4 =	vadd.f32 $1.000000000e+00, v12  }
0xa4: {  	v1 =	vadd.f32 v13, v1;
	(erf) = vrcp.f32 v5;
	v5 =	vadd.f32 $1.000000000e+00, v6;
	v11 =	vld [tilespmem:s10+$0x90];
	v6 =	vpop (erf)  }
0xa5: {  	v12 =	vld [tilespmem:s4+$0x90];
	(erf) = vrcp.f32 v4;
	v4 =	vadd.f32 $1.000000000e+00, v6;
	v6 =	vpop (erf)  }
0xa6: {  	v13 =	vsub.f32 $0.0e+00, v1;
	v6 =	vadd.f32 $1.000000000e+00, v6  }
0xa7: {  	(erf) = vrcp.f32 v5;
	v5 =	vld [tilespmem:s14+$0x90]  }
0xa8: {  	(erf) = vrcp.f32 v4;
	v4 =	vmul.f32 $1.442695020e+00, v13  }
0xa9: {  	(erf) = vrcp.f32 v6  }
0xaa: {  	(erf) = vpow2.f32 v4;
	v4 =	vadd.f32 v12, v11;
	v6 =	vpop (erf)  }
0xab: {  	s19 =	simm.s32 $0x10700;
	v6 =	vmul.f32 v6, v10  }
0xac: {  	s26 =	simm.s32 $0x700;
	v10 =	vadd.f32 v5, v4;
	v4 =	vld [tilespmem:s19+$0x80]  }
0xad: {  	[tilespmem:s31+$0xFFFFFF00] =	vst v6;
	v6 =	vld [tilespmem:s26+$0x80]  }
0xae: {  	s21 =	simm.s32 $0x8740  }
0xaf: {  	v15 =	vld [tilespmem:s21+$0x80];
	v5 =	vpop (erf);
	v11 =	vsub.f32 $0.0e+00, v10  }
0xb0: {  	v18 =	vld [tilespmem:s26+$0xFFFFFF00];
	v12 =	vpop (erf)  }
0xb1: {  	v21 =	vld [tilespmem:s19+$0xFFFFFF00];
	v14 =	vpop (erf);
	v11 =	vmul.f32 $1.442695020e+00, v11  }
0xb2: {  	v23 =	vld [tilespmem:s21+$0xFFFFFF80];
	v17 =	vpop (erf);
	v4 =	vadd.f32 v6, v4  }
0xb3: {  	v2 =	vmul.f32 v5, v2;
	v5 =	vld [tilespmem:s26+$0x0];
	v19 =	vpop (erf);
	(erf) = vpow2.f32 v11  }
0xb4: {  	v13 =	vld [tilespmem:s10+$0xFFFFFF10];
	v20 =	vpop (erf);
	v15 =	vadd.f32 v15, v4  }
0xb5: {  	v11 =	vld [tilespmem:s19+$0xFFFFFF80];
	v20 =	vadd.f32 $1.000000000e+00, v20  }
0xb6: {  	v6 =	vld [tilespmem:s26+$0xFFFFFF80];
	v22 =	vsub.f32 $0.0e+00, v15  }
0xb7: {  	v4 =	vld [tilespmem:s19+$0x0];
	(erf) = vrcp.f32 v20  }
0xb8: {  	v20 =	vld [tilespmem:s21+$0xFFFFFF00];
	v22 =	vmul.f32 $1.442695020e+00, v22  }
0xb9: {  	[tilespmem:s31+$0xFFFFFF80] =	vst v2;
	v2 =	vmul.f32 v12, v3;
	v3 =	vld [tilespmem:s21+$0x0]  }
0xba: {  	v16 =	vld [tilespmem:s4+$0xFFFFFF10];
	(erf) = vpow2.f32 v22  }
0xbb: {  	v12 =	vadd.f32 v18, v21  }
0xbc: {  	[tilespmem:s31+$0x0] =	vst v2;
	v2 =	vld [tilespmem:s4+$0xFFFFFF90];
	v6 =	vadd.f32 v6, v11;
	v4 =	vadd.f32 v5, v4;
	v18 =	vpop (erf)  }
0xbd: {  	v11 =	vld [tilespmem:s10+$0xFFFFFF90];
	v20 =	vadd.f32 v20, v12;
	v12 =	vadd.f32 $1.000000000e+00, v18  }
0xbe: {  	v5 =	vadd.f32 v23, v6;
	v6 =	vadd.f32 v3, v4;
	v3 =	vld [tilespmem:s14+$0xFFFFFF10]  }
0xbf: {  	v7 =	vmul.f32 v14, v7;
	v13 =	vadd.f32 v16, v13;
	(erf) = vrcp.f32 v12;
	v12 =	vld [tilespmem:s14+$0xFFFFFF90]  }
0xc0: {  	v14 =	vsub.f32 $0.0e+00, v5;
	v22 =	vsub.f32 $0.0e+00, v20;
	v4 =	vpop (erf)  }
0xc1: {  	[tilespmem:s30+$0xFFFFFF10] =	vst v7;
	v7 =	vsub.f32 $0.0e+00, v6;
	v1 =	vmul.f32 v4, v1  }
0xc2: {  	v21 =	vld [tilespmem:s4+$0x10];
	v2 =	vadd.f32 v2, v11;
	v14 =	vmul.f32 $1.442695020e+00, v14;
	v4 =	vmul.f32 $1.442695020e+00, v22  }
0xc3: {  	v18 =	vld [tilespmem:s10+$0x10];
	[tilespmem:s30+$0xA0] =	vst v1;
	v1 =	vmul.f32 v17, v8;
	v8 =	vmul.f32 $1.442695020e+00, v7;
	v7 =	vadd.f32 v3, v13;
	v13 =	vpop (erf)  }
0xc4: {  	v16 =	vld [tilespmem:s15+$0xFFFFFF20];
	(erf) = vpow2.f32 v4;
	v4 =	vadd.f32 v12, v2;
	v2 =	vadd.f32 $1.000000000e+00, v13  }
0xc5: {  	v22 =	vld [tilespmem:s14+$0x10];
	(erf) = vpow2.f32 v14  }
0xc6: {  	v11 =	vld [tilespmem:s15+$0xB0]  }
0xc7: {  	v3 =	vld [tilespmem:s13+$0xB0];
	(erf) = vpow2.f32 v8  }
0xc8: {  	v17 =	vadd.f32 v21, v18;
	v14 =	vld [tilespmem:s13+$0xFFFFFF20];
	(erf) = vrcp.f32 v2;
	v2 =	vpop (erf)  }
0xc9: {  	v12 =	vld [tilespmem:s12+$0xB0];
	[tilespmem:s30+$0xFFFFFF90] =	vst v1;
	v2 =	vmul.f32 v2, v10  }
0xca: {  	v9 =	vmul.f32 v19, v9;
	v8 =	vsub.f32 $0.0e+00, v7;
	v1 =	vadd.f32 v22, v17;
	v13 =	vld [tilespmem:s15+$0xFFFFFFA0]  }
0xcb: {  	v17 =	vsub.f32 $0.0e+00, v4;
	v18 =	vld [tilespmem:s13+$0xFFFFFFA0]  }
0xcc: {  	[tilespmem:s30+$0x10] =	vst v9;
	v21 =	vld [tilespmem:s12+$0xFFFFFFA0];
	v8 =	vmul.f32 $1.442695020e+00, v8;
	v9 =	vsub.f32 $0.0e+00, v1;
	v3 =	vadd.f32 v3, v11  }
0xcd: {  	v11 =	vld [tilespmem:s13+$0x20];
	v10 =	vmul.f32 $1.442695020e+00, v17;
	[tilespmem:s31+$0x90] =	vst v2;
	v2 =	vpop (erf)  }
0xce: {  	(erf) = vpow2.f32 v8;
	v9 =	vmul.f32 $1.442695020e+00, v9;
	v17 =	vld [tilespmem:s15+$0x20];
	v3 =	vadd.f32 v12, v3;
	v12 =	vpop (erf)  }
0xcf: {  	(erf) = vpow2.f32 v10;
	v8 =	vld [tilespmem:s10+$0xA0];
	v2 =	vadd.f32 $1.000000000e+00, v2;
	v12 =	vadd.f32 $1.000000000e+00, v12  }
0xd0: {  	(erf) = vpow2.f32 v9;
	v9 =	vld [tilespmem:s4+$0xA0]  }
0xd1: {  	v10 =	vld [tilespmem:s12+$0xFFFFFF20];
	v19 =	vsub.f32 $0.0e+00, v3;
	(erf) = vrcp.f32 v2  }
0xd2: {  	v22 =	vpop (erf);
	v2 =	vld [tilespmem:s14+$0xA0]  }
0xd3: {  	v19 =	vmul.f32 $1.442695020e+00, v19;
	(erf) = vrcp.f32 v12;
	v12 =	vpop (erf)  }
0xd4: {  	v14 =	vadd.f32 v14, v16;
	v13 =	vadd.f32 v18, v13;
	v12 =	vmul.f32 v12, v15  }
0xd5: {  	s25 =	simm.s32 $0x14700;
	v16 =	vadd.f32 $1.000000000e+00, v22;
	v8 =	vadd.f32 v9, v8;
	(erf) = vpow2.f32 v19;
	v15 =	vld [tilespmem:s12+$0x20]  }
0xd6: {  	v9 =	vadd.f32 v11, v17;
	v11 =	vadd.f32 v10, v14;
	[tilespmem:s25+$0x80] =	vst v12  }
0xd7: {  	v10 =	vpop (erf);
	v14 =	vadd.f32 v2, v8;
	v2 =	vadd.f32 v21, v13;
	v13 =	vld [tilespmem:s19+$0x90]  }
0xd8: {  	v18 =	vsub.f32 $0.0e+00, v11;
	v8 =	vadd.f32 $1.000000000e+00, v10;
	v10 =	vpop (erf);
	(erf) = vrcp.f32 v16;
	v16 =	vld [tilespmem:s26+$0x90]  }
0xd9: {  	v10 =	vadd.f32 $1.000000000e+00, v10;
	v17 =	vsub.f32 $0.0e+00, v14;
	v12 =	vpop (erf)  }
0xda: {  	(erf) = vrcp.f32 v8;
	v8 =	vld [tilespmem:s21+$0x90];
	v19 =	vadd.f32 $1.000000000e+00, v12;
	v12 =	vadd.f32 v15, v9;
	v9 =	vpop (erf)  }
0xdb: {  	v9 =	vmul.f32 v9, v20  }
0xdc: {  	(erf) = vrcp.f32 v10;
	v10 =	vmul.f32 $1.442695020e+00, v17;
	v15 =	vsub.f32 $0.0e+00, v2  }
0xdd: {  	v17 =	vmul.f32 $1.442695020e+00, v18;
	v18 =	vpop (erf);
	(erf) = vrcp.f32 v19;
	[tilespmem:s25+$0xFFFFFF00] =	vst v9;
	v9 =	vadd.f32 v16, v13  }
0xde: {  	(erf) = vpow2.f32 v10;
	v10 =	vmul.f32 $1.442695020e+00, v15;
	v15 =	vsub.f32 $0.0e+00, v12;
	v19 =	vpop (erf)  }
0xdf: {  	s0 =	simm.s32 $0x10900;
	(erf) = vpow2.f32 v17;
	v13 =	vadd.f32 $1.000000000e+00, v19;
	v19 =	vadd.f32 v8, v9  }
0xe0: {  	s17 =	simm.s32 $0x900;
	v15 =	vmul.f32 $1.442695020e+00, v15;
	(erf) = vpow2.f32 v10;
	v8 =	vld [tilespmem:s0+$0x80]  }
0xe1: {  	v10 =	vld [tilespmem:s17+$0x80];
	(erf) = vrcp.f32 v13;
	v13 =	vsub.f32 $0.0e+00, v19  }
0xe2: {  	s11 =	simm.s32 $0x8940  }
0xe3: {  	v22 =	vld [tilespmem:s11+$0x80];
	v9 =	vpop (erf);
	(erf) = vpow2.f32 v15;
	v13 =	vmul.f32 $1.442695020e+00, v13  }
0xe4: {  	v15 =	vpop (erf)  }
0xe5: {  	v21 =	vpop (erf)  }
0xe6: {  	v8 =	vadd.f32 v10, v8;
	v23 =	vpop (erf)  }
0xe7: {  	v24 =	vld [tilespmem:s0+$0xFFFFFF80];
	(erf) = vpow2.f32 v13;
	v13 =	vpop (erf)  }
0xe8: {  	v25 =	vld [tilespmem:s17+$0xFFFFFF80];
	v22 =	vadd.f32 v22, v8;
	v10 =	vadd.f32 $1.000000000e+00, v13  }
0xe9: {  	v29 =	vld [tilespmem:s0+$0xFFFFFF00];
	v13 =	vpop (erf)  }
0xea: {  	v20 =	vld [tilespmem:s17+$0xFFFFFF00];
	v31 =	vsub.f32 $0.0e+00, v22;
	v28 =	vpop (erf);
	(erf) = vrcp.f32 v10;
	v10 =	vadd.f32 $1.000000000e+00, v13  }
0xeb: {  	v26 =	vld [tilespmem:s0+$0x0];
	v8 =	vmul.f32 v18, v5;
	v5 =	vpop (erf)  }
0xec: {  	v13 =	vld [tilespmem:s11+$0xFFFFFF00];
	v18 =	vadd.f32 $1.000000000e+00, v28;
	v51 =	vpop (erf);
	(erf) = vrcp.f32 v10;
	v10 =	vmul.f32 $1.442695020e+00, v31  }
0xed: {  	v27 =	vld [tilespmem:s17+$0x0];
	v6 =	vmul.f32 v9, v6;
	v9 =	vadd.f32 $1.000000000e+00, v51  }
0xee: {  	v30 =	vld [tilespmem:s11+$0xFFFFFF80];
	(erf) = vrcp.f32 v18  }
0xef: {  	v16 =	vld [tilespmem:s19+$0xFFFFFF10];
	[tilespmem:s25+$0x0] =	vst v6;
	v6 =	vadd.f32 v20, v29;
	(erf) = vrcp.f32 v9  }
0xf0: {  	[tilespmem:s25+$0xFFFFFF80] =	vst v8;
	v8 =	vld [tilespmem:s11+$0x0];
	v9 =	vadd.f32 v25, v24;
	(erf) = vpow2.f32 v10;
	v10 =	vpop (erf)  }
0xf1: {  	v17 =	vld [tilespmem:s26+$0xFFFFFF10];
	v25 =	vadd.f32 v13, v6;
	v13 =	vadd.f32 $1.000000000e+00, v10  }
0xf2: {  	v7 =	vmul.f32 v15, v7;
	v15 =	vadd.f32 v27, v26;
	v26 =	vld [tilespmem:s21+$0xFFFFFF10]  }
0xf3: {  	v20 =	vld [tilespmem:s26+$0xFFFFFF90]  }
0xf4: {  	v24 =	vld [tilespmem:s19+$0x10];
	v10 =	vadd.f32 v30, v9  }
0xf5: {  	v8 =	vadd.f32 v8, v15;
	v6 =	vld [tilespmem:s26+$0x10];
	(erf) = vrcp.f32 v13;
	v13 =	vpop (erf)  }
0xf6: {  	[tilespmem:s31+$0xFFFFFF10] =	vst v7;
	v18 =	vld [tilespmem:s19+$0xFFFFFF90];
	v7 =	vmul.f32 v13, v14;
	v13 =	vsub.f32 $0.0e+00, v10  }
0xf7: {  	v4 =	vmul.f32 v21, v4;
	v15 =	vld [tilespmem:s21+$0x10];
	v21 =	vsub.f32 $0.0e+00, v8;
	v9 =	vsub.f32 $0.0e+00, v25  }
0xf8: {  	v27 =	vld [tilespmem:s21+$0xFFFFFF90];
	v13 =	vmul.f32 $1.442695020e+00, v13  }
0xf9: {  	v9 =	vmul.f32 $1.442695020e+00, v9;
	v52 =	vpop (erf)  }
0xfa: {  	v6 =	vadd.f32 v6, v24;
	[tilespmem:s31+$0xA0] =	vst v7;
	v7 =	vadd.f32 v17, v16;
	v16 =	vpop (erf)  }
0xfb: {  	[tilespmem:s31+$0xFFFFFF90] =	vst v4;
	v4 =	vadd.f32 v20, v18;
	v18 =	vmul.f32 $1.442695020e+00, v21;
	(erf) = vpow2.f32 v9;
	v21 =	vpop (erf)  }
0xfc: {  	v6 =	vadd.f32 v15, v6;
	v17 =	vld [tilespmem:s10+$0xB0];
	v9 =	vadd.f32 v26, v7;
	(erf) = vpow2.f32 v13;
	v13 =	vpop (erf)  }
0xfd: {  	v1 =	vmul.f32 v23, v1;
	v20 =	vld [tilespmem:s4+$0xB0];
	v7 =	vadd.f32 v27, v4;
	v4 =	vadd.f32 $1.000000000e+00, v13  }
0xfe: {  	v53 =	vld [tilespmem:s4+$0xFFFFFF20];
	v26 =	vsub.f32 $0.0e+00, v6  }
0xff: {  	[tilespmem:s31+$0x10] =	vst v1;
	v1 =	vsub.f32 $0.0e+00, v9;
	v13 =	vld [tilespmem:s14+$0xB0]  }
0x100: {  	v23 =	vld [tilespmem:s10+$0xFFFFFFA0];
	(erf) = vpow2.f32 v18;
	v18 =	vsub.f32 $0.0e+00, v7;
	v26 =	vmul.f32 $1.442695020e+00, v26  }
0x101: {  	v24 =	vld [tilespmem:s10+$0x20];
	v1 =	vmul.f32 $1.442695020e+00, v1;
	(erf) = vrcp.f32 v4;
	v4 =	vpop (erf)  }
0x102: {  	v14 =	vld [tilespmem:s10+$0xFFFFFF20];
	v18 =	vmul.f32 $1.442695020e+00, v18;
	v17 =	vadd.f32 v20, v17;
	v4 =	vmul.f32 v4, v19  }
0x103: {  	v15 =	vld [tilespmem:s4+$0xFFFFFFA0];
	(erf) = vpow2.f32 v1  }
0x104: {  	v11 =	vmul.f32 v52, v11;
	v20 =	vld [tilespmem:s14+$0xFFFFFF20];
	(erf) = vpow2.f32 v18;
	[tilespmem:s25+$0x90] =	vst v4;
	v4 =	vadd.f32 v13, v17;
	v13 =	vpop (erf)  }
0x105: {  	v19 =	vld [tilespmem:s4+$0x20];
	(erf) = vpow2.f32 v26;
	v26 =	vpop (erf)  }
0x106: {  	[tilespmem:s30+$0xFFFFFF20] =	vst v11;
	v17 =	vld [tilespmem:s19+$0xA0];
	v13 =	vadd.f32 $1.000000000e+00, v13;
	v11 =	vadd.f32 $1.000000000e+00, v26  }
0x107: {  	v18 =	vld [tilespmem:s26+$0xA0]  }
0x108: {  	v1 =	vld [tilespmem:s14+$0xFFFFFFA0];
	v27 =	vsub.f32 $0.0e+00, v4;
	(erf) = vrcp.f32 v13  }
0x109: {  	v2 =	vmul.f32 v16, v2;
	v12 =	vmul.f32 v21, v12;
	v16 =	vld [tilespmem:s21+$0xA0];
	v13 =	vadd.f32 v53, v14;
	v14 =	vpop (erf)  }
0x10a: {  	v21 =	vmul.f32 $1.442695020e+00, v27;
	(erf) = vrcp.f32 v11;
	v11 =	vpop (erf)  }
0x10b: {  	v54 =	vld [tilespmem:s14+$0x20];
	[tilespmem:s30+$0xFFFFFFA0] =	vst v2;
	v2 =	vadd.f32 v15, v23;
	v11 =	vmul.f32 v11, v22  }
0x10c: {  	s5 =	smov.u32 s28;
	s28 =	simm.s32 $0x14900;
	[tilespmem:s30+$0x20] =	vst v12;
	v26 =	vld [tilespmem:s15+$0xFFFFFF30];
	v15 =	vadd.f32 v19, v24;
	(erf) = vpow2.f32 v21;
	v17 =	vadd.f32 v18, v17  }
0x10d: {  	v19 =	vld [tilespmem:s13+$0xFFFFFF30];
	v14 =	vadd.f32 $1.000000000e+00, v14;
	v12 =	vadd.f32 v20, v13;
	[tilespmem:s28+$0x80] =	vst v11  }
0x10e: {  	v13 =	vadd.f32 v1, v2;
	v1 =	vpop (erf);
	v21 =	vadd.f32 v16, v17;
	v17 =	vld [tilespmem:s0+$0x90]  }
0x10f: {  	v1 =	vadd.f32 $1.000000000e+00, v1;
	v16 =	vpop (erf);
	v22 =	vld [tilespmem:s17+$0x90]  }
0x110: {  	(erf) = vrcp.f32 v14;
	v11 =	vsub.f32 $0.0e+00, v12;
	v14 =	vadd.f32 $1.000000000e+00, v16;
	v16 =	vpop (erf)  }
0x111: {  	v23 =	vsub.f32 $0.0e+00, v21;
	v16 =	vadd.f32 $1.000000000e+00, v16;
	(erf) = vrcp.f32 v1;
	v27 =	vld [tilespmem:s11+$0x90];
	v55 =	vpop (erf)  }
0x112: {  	v20 =	vld [tilespmem:s13+$0xFFFFFFB0];
	(erf) = vrcp.f32 v14;
	v14 =	vadd.f32 v54, v15;
	v15 =	vmul.f32 v55, v25  }
0x113: {  	v24 =	vsub.f32 $0.0e+00, v13;
	v23 =	vmul.f32 $1.442695020e+00, v23;
	(erf) = vrcp.f32 v16;
	v16 =	vld [tilespmem:s12+$0xFFFFFF30]  }
0x114: {  	v18 =	vld [tilespmem:s15+$0xFFFFFFB0];
	v19 =	vadd.f32 v19, v26;
	v11 =	vmul.f32 $1.442695020e+00, v11;
	v25 =	vpop (erf);
	[tilespmem:s28+$0xFFFFFF00] =	vst v15;
	v15 =	vadd.f32 v22, v17  }
0x115: {  	v2 =	vld [tilespmem:s15+$0x30];
	v24 =	vmul.f32 $1.442695020e+00, v24;
	v28 =	vsub.f32 $0.0e+00, v14;
	(erf) = vpow2.f32 v23;
	v56 =	vpop (erf)  }
0x116: {  	v1 =	vld [tilespmem:s13+$0x30];
	(erf) = vpow2.f32 v11;
	v11 =	vadd.f32 $1.000000000e+00, v56;
	v27 =	vadd.f32 v27, v15  }
0x117: {  	v23 =	vld [tilespmem:s12+$0xFFFFFFB0];
	(erf) = vpow2.f32 v24;
	v24 =	vmul.f32 $1.442695020e+00, v28  }
0x118: {  	s22 =	simm.s32 $0x10B00;
	v17 =	vld [tilespmem:s12+$0x30];
	(erf) = vrcp.f32 v11;
	v11 =	vadd.f32 v16, v19;
	v19 =	vsub.f32 $0.0e+00, v27  }
0x119: {  	s12 =	simm.s32 $0xB00;
	v15 =	vadd.f32 v20, v18;
	v18 =	vld [tilespmem:s22+$0x80]  }
0x11a: {  	v20 =	vpop (erf);
	v16 =	vld [tilespmem:s12+$0x80];
	v19 =	vmul.f32 $1.442695020e+00, v19  }
0x11b: {  	s15 =	simm.s32 $0x8B40;
	v1 =	vadd.f32 v1, v2;
	(erf) = vpow2.f32 v24;
	v24 =	vpop (erf)  }
0x11c: {  	v58 =	vld [tilespmem:s15+$0x80];
	v2 =	vadd.f32 v23, v15;
	v15 =	vsub.f32 $0.0e+00, v11;
	v23 =	vpop (erf)  }
0x11d: {  	v59 =	vpop (erf)  }
0x11e: {  	v15 =	vmul.f32 $1.442695020e+00, v15;
	(erf) = vpow2.f32 v19;
	v19 =	vpop (erf)  }
0x11f: {  	v33 =	vld [tilespmem:s22+$0x0];
	v25 =	vmul.f32 v25, v10;
	v10 =	vadd.f32 v16, v18;
	v16 =	vadd.f32 $1.000000000e+00, v19;
	v18 =	vpop (erf)  }
0x120: {  	v62 =	vld [tilespmem:s15+$0xFFFFFF00];
	v1 =	vadd.f32 v17, v1;
	(erf) = vpow2.f32 v15;
	v35 =	vadd.f32 $1.000000000e+00, v18;
	v18 =	vpop (erf)  }
0x121: {  	v57 =	vld [tilespmem:s12+$0xFFFFFF00];
	v10 =	vadd.f32 v58, v10;
	(erf) = vrcp.f32 v16;
	v16 =	vadd.f32 $1.000000000e+00, v18  }
0x122: {  	v32 =	vld [tilespmem:s12+$0xFFFFFF80];
	v60 =	vsub.f32 $0.0e+00, v2;
	(erf) = vrcp.f32 v35  }
0x123: {  	v15 =	vld [tilespmem:s22+$0xFFFFFF00];
	v19 =	vsub.f32 $0.0e+00, v1;
	(erf) = vrcp.f32 v16;
	v16 =	vsub.f32 $0.0e+00, v10  }
0x124: {  	v17 =	vld [tilespmem:s22+$0xFFFFFF80];
	v61 =	vmul.f32 $1.442695020e+00, v60;
	v18 =	vpop (erf)  }
0x125: {  	v36 =	vld [tilespmem:s15+$0xFFFFFF80];
	v19 =	vmul.f32 $1.442695020e+00, v19;
	v63 =	vpop (erf);
	v16 =	vmul.f32 $1.442695020e+00, v16  }
0x126: {  	v34 =	vld [tilespmem:s12+$0x0];
	[tilespmem:s28+$0xFFFFFF80] =	vst v25;
	v8 =	vmul.f32 v20, v8;
	v25 =	vadd.f32 $1.000000000e+00, v63;
	(erf) = vpow2.f32 v61  }
0x127: {  	v22 =	vld [tilespmem:s0+$0xFFFFFF10];
	(erf) = vpow2.f32 v19  }
0x128: {  	v20 =	vld [tilespmem:s15+$0x0];
	[tilespmem:s28+$0x0] =	vst v8;
	v8 =	vadd.f32 v57, v15;
	(erf) = vrcp.f32 v25  }
0x129: {  	v26 =	vld [tilespmem:s17+$0xFFFFFF10];
	v15 =	vadd.f32 v32, v17;
	(erf) = vpow2.f32 v16;
	v16 =	vpop (erf)  }
0x12a: {  	v38 =	vld [tilespmem:s17+$0xFFFFFF90];
	v17 =	vadd.f32 v62, v8;
	v8 =	vadd.f32 $1.000000000e+00, v16  }
0x12b: {  	v9 =	vmul.f32 v24, v9;
	v24 =	vadd.f32 v34, v33;
	v19 =	vld [tilespmem:s0+$0xFFFFFF90]  }
0x12c: {  	v40 =	vld [tilespmem:s11+$0xFFFFFF10];
	v42 =	vsub.f32 $0.0e+00, v17  }
0x12d: {  	v39 =	vld [tilespmem:s17+$0x10];
	v16 =	vadd.f32 v36, v15;
	v41 =	vpop (erf);
	v15 =	vadd.f32 v20, v24;
	v24 =	vmul.f32 v5, v3  }
0x12e: {  	v25 =	vld [tilespmem:s0+$0x10];
	v5 =	vmul.f32 $1.442695020e+00, v42;
	(erf) = vrcp.f32 v8;
	v8 =	vpop (erf)  }
0x12f: {  	v43 =	vld [tilespmem:s11+$0xFFFFFF90];
	v8 =	vmul.f32 v8, v21;
	v21 =	vpop (erf)  }
0x130: {  	v7 =	vmul.f32 v23, v7;
	v20 =	vld [tilespmem:s11+$0x10];
	v3 =	vadd.f32 v26, v22;
	v19 =	vadd.f32 v38, v19;
	v26 =	vpop (erf)  }
0x131: {  	[tilespmem:s25+$0xFFFFFF10] =	vst v9;
	v9 =	vsub.f32 $0.0e+00, v16;
	v45 =	vpop (erf)  }
0x132: {  	v44 =	vld [tilespmem:s26+$0xFFFFFF20];
	[tilespmem:s25+$0xFFFFFF90] =	vst v7;
	v23 =	vsub.f32 $0.0e+00, v15;
	(erf) = vpow2.f32 v5;
	v5 =	vpop (erf)  }
0x133: {  	v47 =	vmul.f32 v59, v6;
	v49 =	vld [tilespmem:s19+$0xFFFFFFA0];
	v25 =	vadd.f32 v39, v25;
	v9 =	vmul.f32 $1.442695020e+00, v9;
	v46 =	vpop (erf)  }
0x134: {  	v22 =	vld [tilespmem:s19+$0xFFFFFF20];
	v7 =	vadd.f32 v43, v19;
	v23 =	vmul.f32 $1.442695020e+00, v23;
	[tilespmem:s25+$0xA0] =	vst v8;
	v8 =	vadd.f32 v40, v3;
	v19 =	vpop (erf)  }
0x135: {  	v6 =	vadd.f32 v20, v25;
	(erf) = vpow2.f32 v9;
	v3 =	vld [tilespmem:s19+$0xB0];
	v19 =	vadd.f32 $1.000000000e+00, v19  }
0x136: {  	v12 =	vmul.f32 v21, v12;
	v21 =	vsub.f32 $0.0e+00, v7;
	v9 =	vld [tilespmem:s26+$0xB0];
	v48 =	vsub.f32 $0.0e+00, v8  }
0x137: {  	v13 =	vmul.f32 v26, v13;
	v26 =	vsub.f32 $0.0e+00, v6;
	(erf) = vpow2.f32 v23;
	v23 =	vld [tilespmem:s26+$0xFFFFFFA0]  }
0x138: {  	v20 =	vld [tilespmem:s21+$0xB0];
	v25 =	vmul.f32 $1.442695020e+00, v48;
	(erf) = vrcp.f32 v19  }
0x139: {  	[tilespmem:s25+$0x10] =	vst v47;
	v21 =	vmul.f32 $1.442695020e+00, v21;
	v26 =	vmul.f32 $1.442695020e+00, v26;
	v19 =	vpop (erf)  }
0x13a: {  	v29 =	vld [tilespmem:s19+$0x20];
	(erf) = vpow2.f32 v25;
	v19 =	vmul.f32 v19, v27  }
0x13b: {  	v50 =	vadd.f32 $1.000000000e+00, v45;
	[tilespmem:s31+$0xFFFFFF20] =	vst v12;
	v3 =	vadd.f32 v9, v3;
	v9 =	vld [tilespmem:s26+$0x20];
	(erf) = vpow2.f32 v21  }
0x13c: {  	v12 =	vadd.f32 v23, v49;
	v27 =	vadd.f32 $1.000000000e+00, v41;
	(erf) = vpow2.f32 v26;
	[tilespmem:s28+$0x90] =	vst v19;
	v19 =	vld [tilespmem:s21+$0xFFFFFFA0]  }
0x13d: {  	v3 =	vadd.f32 v20, v3;
	v20 =	vadd.f32 v44, v22;
	v21 =	vpop (erf);
	v22 =	vld [tilespmem:s0+$0xA0]  }
0x13e: {  	v14 =	vmul.f32 v46, v14;
	v21 =	vadd.f32 $1.000000000e+00, v21;
	v26 =	vpop (erf);
	(erf) = vrcp.f32 v27;
	v51 =	vld [tilespmem:s17+$0xA0]  }
0x13f: {  	v25 =	vld [tilespmem:s21+$0xFFFFFF20];
	v27 =	vadd.f32 $1.000000000e+00, v5;
	v5 =	vadd.f32 $1.000000000e+00, v26;
	(erf) = vrcp.f32 v50  }
0x140: {  	v23 =	vpop (erf);
	(erf) = vrcp.f32 v21;
	v21 =	vld [tilespmem:s11+$0xA0]  }
0x141: {  	v52 =	vsub.f32 $0.0e+00, v3;
	(erf) = vrcp.f32 v5;
	v5 =	vadd.f32 v19, v12;
	v12 =	vpop (erf)  }
0x142: {  	v26 =	vld [tilespmem:s21+$0x20];
	v29 =	vadd.f32 v9, v29;
	v10 =	vmul.f32 v12, v10  }
0x143: {  	s13 =	simm.s32 $0x14B00;
	[tilespmem:s31+$0x20] =	vst v14;
	v53 =	vmul.f32 $1.442695020e+00, v52;
	v23 =	vadd.f32 $1.000000000e+00, v23;
	v12 =	vadd.f32 v51, v22;
	v14 =	vpop (erf)  }
0x144: {  	v54 =	vld [tilespmem:s10+$0xFFFFFF30];
	v9 =	vadd.f32 v25, v20;
	[tilespmem:s13+$0x80] =	vst v10;
	v10 =	vadd.f32 $1.000000000e+00, v14;
	v14 =	vpop (erf)  }
0x145: {  	[tilespmem:s31+$0xFFFFFFA0] =	vst v13;
	v13 =	vld [tilespmem:s4+$0xFFFFFF30];
	v20 =	vmul.f32 v18, v4;
	(erf) = vpow2.f32 v53;
	v12 =	vadd.f32 v21, v12;
	v21 =	vpop (erf)  }
0x146: {  	v18 =	vsub.f32 $0.0e+00, v9;
	(erf) = vrcp.f32 v23;
	v19 =	vld [tilespmem:s10+$0xFFFFFFB0];
	v21 =	vadd.f32 $1.000000000e+00, v21  }
0x147: {  	v4 =	vadd.f32 v26, v29;
	v23 =	vld [tilespmem:s4+$0xFFFFFFB0];
	(erf) = vrcp.f32 v27;
	v14 =	vadd.f32 $1.000000000e+00, v14  }
0x148: {  	v27 =	vmul.f32 $1.442695020e+00, v18;
	v18 =	vsub.f32 $0.0e+00, v5;
	v26 =	vld [tilespmem:s22+$0x90];
	(erf) = vrcp.f32 v10;
	v56 =	vpop (erf)  }
0x149: {  	v55 =	vld [tilespmem:s12+$0x90];
	v22 =	vsub.f32 $0.0e+00, v12;
	(erf) = vrcp.f32 v14;
	v10 =	vpop (erf)  }
0x14a: {  	v58 =	vld [tilespmem:s4+$0x30];
	v14 =	vmul.f32 $1.442695020e+00, v18;
	(erf) = vrcp.f32 v21;
	v21 =	vpop (erf)  }
0x14b: {  	v25 =	vld [tilespmem:s10+$0x30];
	v18 =	vadd.f32 v13, v54;
	v60 =	vmul.f32 $1.442695020e+00, v22;
	v13 =	vmul.f32 v21, v17  }
0x14c: {  	v59 =	vld [tilespmem:s15+$0x90]  }
0x14d: {  	v57 =	vsub.f32 $0.0e+00, v4;
	v22 =	vld [tilespmem:s14+$0xFFFFFF30];
	(erf) = vpow2.f32 v60;
	v61 =	vpop (erf)  }
0x14e: {  	[tilespmem:s30+$0xB0] =	vst v24;
	v26 =	vadd.f32 v55, v26;
	v21 =	vadd.f32 v23, v19;
	v62 =	vmul.f32 v61, v16;
	v19 =	vpop (erf);
	v16 =	vld [tilespmem:s14+$0xFFFFFFB0]  }
0x14f: {  	v17 =	vmul.f32 $1.442695020e+00, v57;
	v23 =	vld [tilespmem:s14+$0x30];
	(erf) = vpow2.f32 v27;
	[tilespmem:s13+$0xFFFFFF00] =	vst v13;
	v63 =	vadd.f32 $1.000000000e+00, v19;
	v13 =	vpop (erf)  }
0x150: {  	s1 =	simm.s32 $0x8B40;
	[tilespmem:s31+$0xB0] =	vst v20;
	v25 =	vadd.f32 v58, v25;
	(erf) = vpow2.f32 v14;
	v19 =	vld [tilespmem:s22+$0xFFFFFF10];
	v24 =	vmul.f32 v13, v15  }
0x151: {  	s4 =	simm.s32 $0x10D00;
	s10 =	simm.s32 $0xB00;
	s14 =	simm.s32 $0x10;
	v14 =	vadd.f32 v59, v26;
	[tilespmem:s13+$0xFFFFFF80] =	vst v62;
	v20 =	vld [tilespmem:s12+$0xFFFFFF10];
	(erf) = vrcp.f32 v63;
	v13 =	vpop (erf);
	v15 =	vmul.f32 v56, v11  }
.LBB2_7:
0x152: {  	v26 =	vld [tilespmem:s4+$0x80];
	[tilespmem:s13+$0x0] =	vst v24;
	s12 =	sadd.s32 $0x200, s12;
	(erf) = vpow2.f32 v17;
	v11 =	vadd.f32 v22, v18;
	v10 =	vmul.f32 v10, v2  }
0x153: {  	v13 =	vmul.f32 v13, v1;
	v17 =	vld [tilespmem:s12+$0x80];
	v18 =	vsub.f32 $0.0e+00, v14;
	v22 =	vpop (erf);
	v2 =	vadd.f32 v16, v21;
	[tilespmem:s30+$0xFFFFFF30] =	vst v15  }
0x154: {  	s15 =	sadd.s32 $0x200, s15;
	v15 =	vld [tilespmem:s12+$0xFFFFFF00];
	v8 =	vmul.f32 v22, v8;
	v16 =	vpop (erf);
	v21 =	vsub.f32 $0.0e+00, v11;
	v1 =	vadd.f32 v23, v25;
	[tilespmem:s30+$0xFFFFFFB0] =	vst v10  }
0x155: {  	v10 =	vld [tilespmem:s15+$0x80];
	v18 =	vmul.f32 $1.442695020e+00, v18;
	v23 =	vmul.f32 v16, v7;
	v16 =	vpop (erf);
	v22 =	vsub.f32 $0.0e+00, v2;
	[tilespmem:s30+$0x30] =	vst v13;
	s30 =	smov.u32 s31;
	s31 =	smov.u32 s25;
	s25 =	smov.u32 s28  }
0x156: {  	s14 =	sadd.s32 $0x4, s14;
	s28 =	smov.u32 s13;
	v13 =	vld [tilespmem:s4+$0xFFFFFF80];
	v19 =	vadd.f32 v20, v19;
	[tilespmem:s25+$0xFFFFFF10] =	vst v8;
	v6 =	vmul.f32 v16, v6;
	v8 =	vsub.f32 $0.0e+00, v1  }
0x157: {  	p1 =	slt.u32 s14, $0x7C;
	v16 =	vld [tilespmem:s12+$0xFFFFFF80];
	(erf) = vpow2.f32 v18;
	[tilespmem:s25+$0xFFFFFF90] =	vst v23;
	v7 =	vpop (erf);
	v18 =	vmul.f32 $1.442695020e+00, v21  }
0x158: {  	v21 =	vmul.f32 $1.442695020e+00, v22;
	v20 =	vld [tilespmem:s4+$0x0];
	v24 =	vadd.f32 v17, v26;
	[tilespmem:s25+$0x10] =	vst v6;
	v6 =	vadd.f32 $1.000000000e+00, v7;
	v7 =	vpop (erf)  }
0x159: {  	v8 =	vmul.f32 $1.442695020e+00, v8;
	v22 =	vld [tilespmem:s12+$0x0];
	v25 =	vadd.f32 $1.000000000e+00, v7;
	v23 =	vpop (erf);
	(erf) = vpow2.f32 v18  }
0x15a: {  	v18 =	vld [tilespmem:s4+$0xFFFFFF00];
	v10 =	vadd.f32 v10, v24;
	(erf) = vrcp.f32 v6;
	v6 =	vadd.f32 $1.000000000e+00, v23;
	v17 =	vpop (erf)  }
0x15b: {  	v23 =	vld [tilespmem:s15+$0xFFFFFF00];
	v3 =	vmul.f32 v17, v3;
	(erf) = vrcp.f32 v25;
	v7 =	vpop (erf)  }
0x15c: {  	v13 =	vadd.f32 v16, v13;
	v17 =	vld [tilespmem:s15+$0xFFFFFF80];
	v16 =	vsub.f32 $0.0e+00, v10;
	(erf) = vrcp.f32 v6  }
0x15d: {  	v7 =	vadd.f32 $1.000000000e+00, v7;
	v6 =	vld [tilespmem:s15+$0x0];
	[tilespmem:s31+$0xB0] =	vst v3;
	(erf) = vpow2.f32 v21  }
0x15e: {  	v3 =	vadd.f32 v22, v20;
	v16 =	vmul.f32 $1.442695020e+00, v16;
	v20 =	vld [tilespmem:s22+$0xFFFFFF90];
	(erf) = vpow2.f32 v8  }
0x15f: {  	v8 =	vadd.f32 v15, v18;
	v18 =	vld [tilespmem:s10+$0xFFFFFF90];
	(erf) = vrcp.f32 v7  }
0x160: {  	(erf) = vpow2.f32 v16;
	v7 =	vld [tilespmem:s22+$0x10];
	v15 =	vpop (erf)  }
0x161: {  	v16 =	vadd.f32 v23, v8;
	v8 =	vld [tilespmem:s10+$0x10];
	v23 =	vadd.f32 $1.000000000e+00, v15  }
0x162: {  	v15 =	vadd.f32 v17, v13;
	v13 =	vadd.f32 v6, v3;
	v3 =	vld [tilespmem:s1+$0xFFFFFF10];
	v6 =	vpop (erf)  }
0x163: {  	v17 =	vsub.f32 $0.0e+00, v16;
	v22 =	vld [tilespmem:s1+$0xFFFFFF90];
	(erf) = vrcp.f32 v23;
	v21 =	vpop (erf);
	v23 =	vadd.f32 $1.000000000e+00, v6  }
0x164: {  	v6 =	vsub.f32 $0.0e+00, v15;
	v24 =	vsub.f32 $0.0e+00, v13;
	v25 =	vld [tilespmem:s1+$0x10];
	v28 =	vmul.f32 v21, v12;
	v21 =	vpop (erf)  }
0x165: {  	v30 =	vadd.f32 v18, v20;
	v17 =	vmul.f32 $1.442695020e+00, v17;
	v20 =	vld [tilespmem:s0+$0xFFFFFF20];
	v29 =	vmul.f32 v21, v9;
	v21 =	vpop (erf)  }
0x166: {  	v6 =	vmul.f32 $1.442695020e+00, v6;
	v24 =	vmul.f32 $1.442695020e+00, v24;
	v26 =	vadd.f32 v8, v7;
	v27 =	vld [tilespmem:s17+$0xFFFFFF20];
	[tilespmem:s25+$0xA0] =	vst v28;
	v12 =	vpop (erf)  }
0x167: {  	v5 =	vmul.f32 v21, v5;
	(erf) = vpow2.f32 v17;
	v8 =	vadd.f32 v3, v19;
	v3 =	vld [tilespmem:s0+$0xB0];
	[tilespmem:s31+$0xFFFFFF20] =	vst v29;
	v9 =	vpop (erf)  }
0x168: {  	v12 =	vadd.f32 $1.000000000e+00, v12;
	(erf) = vpow2.f32 v6;
	v7 =	vadd.f32 v22, v30;
	v17 =	vld [tilespmem:s17+$0xB0];
	v18 =	vpop (erf)  }
0x169: {  	(erf) = vpow2.f32 v24;
	v19 =	vpop (erf);
	v21 =	vsub.f32 $0.0e+00, v8;
	v6 =	vadd.f32 v25, v26;
	v22 =	vld [tilespmem:s0+$0xFFFFFFA0];
	[tilespmem:s31+$0xFFFFFFA0] =	vst v5  }
0x16a: {  	v4 =	vmul.f32 v18, v4;
	v5 =	vadd.f32 $1.000000000e+00, v19;
	v26 =	vsub.f32 $0.0e+00, v7;
	v24 =	vld [tilespmem:s11+$0xB0]  }
0x16b: {  	v18 =	vmul.f32 $1.442695020e+00, v21;
	v21 =	vsub.f32 $0.0e+00, v6;
	v20 =	vadd.f32 v27, v20;
	v25 =	vld [tilespmem:s17+$0xFFFFFFA0]  }
0x16c: {  	v27 =	vadd.f32 $1.000000000e+00, v9;
	(erf) = vrcp.f32 v5;
	v5 =	vmul.f32 $1.442695020e+00, v26;
	v19 =	vpop (erf);
	v26 =	vld [tilespmem:s0+$0x20];
	[tilespmem:s31+$0x20] =	vst v4  }
0x16d: {  	v4 =	vmul.f32 $1.442695020e+00, v21;
	v19 =	vmul.f32 v19, v14;
	v14 =	vld [tilespmem:s17+$0x20];
	v3 =	vadd.f32 v17, v3  }
0x16e: {  	(erf) = vpow2.f32 v18;
	v17 =	vld [tilespmem:s11+$0xFFFFFF20]  }
0x16f: {  	[tilespmem:s13+$0x90] =	vst v19;
	(erf) = vpow2.f32 v5;
	v5 =	vld [tilespmem:s11+$0xFFFFFFA0];
	v3 =	vadd.f32 v24, v3  }
0x170: {  	v9 =	vpop (erf);
	v18 =	vld [tilespmem:s22+$0xA0];
	(erf) = vpow2.f32 v4;
	v4 =	vadd.f32 v25, v22  }
0x171: {  	v9 =	vadd.f32 $1.000000000e+00, v9;
	v19 =	vpop (erf);
	v21 =	vld [tilespmem:s10+$0xA0];
	v22 =	vsub.f32 $0.0e+00, v3;
	(erf) = vrcp.f32 v23  }
0x172: {  	v19 =	vadd.f32 $1.000000000e+00, v19;
	v23 =	vpop (erf);
	v14 =	vadd.f32 v14, v26;
	v24 =	vld [tilespmem:s11+$0x20];
	(erf) = vrcp.f32 v12  }
0x173: {  	v12 =	vadd.f32 $1.000000000e+00, v23;
	(erf) = vrcp.f32 v9;
	v23 =	vld [tilespmem:s1+$0xA0];
	v22 =	vmul.f32 $1.442695020e+00, v22  }
0x174: {  	v9 =	vadd.f32 v17, v20;
	(erf) = vrcp.f32 v19;
	v5 =	vadd.f32 v5, v4;
	v17 =	vld [tilespmem:s19+$0xFFFFFF30]  }
0x175: {  	v4 =	vpop (erf);
	(erf) = vpow2.f32 v22;
	v19 =	vld [tilespmem:s26+$0xFFFFFF30]  }
0x176: {  	v10 =	vmul.f32 v4, v10;
	(erf) = vrcp.f32 v12;
	v12 =	vadd.f32 v21, v18;
	v20 =	vld [tilespmem:s19+$0xFFFFFFB0]  }
0x177: {  	s13 =	sadd.s32 $0x200, s13;
	v21 =	vsub.f32 $0.0e+00, v9;
	v18 =	vpop (erf);
	v4 =	vadd.f32 v24, v14;
	v14 =	vld [tilespmem:s26+$0xFFFFFFB0];
	(erf) = vrcp.f32 v27  }
0x178: {  	[tilespmem:s13+$0x80] =	vst v10;
	v31 =	vadd.f32 $1.000000000e+00, v18;
	v12 =	vadd.f32 v23, v12;
	v18 =	vpop (erf);
	v25 =	vld [tilespmem:s19+$0x30];
	s19 =	smov.u32 s0;
	s0 =	smov.u32 s22;
	s22 =	smov.u32 s4  }
0x179: {  	v24 =	vmul.f32 $1.442695020e+00, v21;
	v21 =	vsub.f32 $0.0e+00, v5;
	v23 =	vld [tilespmem:s4+$0x90];
	v18 =	vadd.f32 $1.000000000e+00, v18;
	v22 =	vpop (erf)  }
0x17a: {  	v26 =	vld [tilespmem:s12+$0x90];
	v22 =	vadd.f32 $1.000000000e+00, v22;
	v27 =	vsub.f32 $0.0e+00, v12;
	(erf) = vrcp.f32 v31;
	v28 =	vpop (erf)  }
0x17b: {  	v29 =	vmul.f32 $1.442695020e+00, v21;
	v21 =	vsub.f32 $0.0e+00, v4;
	(erf) = vrcp.f32 v18;
	v30 =	vld [tilespmem:s26+$0x30];
	v10 =	vpop (erf);
	s26 =	smov.u32 s17;
	s17 =	smov.u32 s10;
	s10 =	smov.u32 s12  }
0x17c: {  	v18 =	vadd.f32 v19, v17;
	v31 =	vld [tilespmem:s15+$0x90];
	v32 =	vpop (erf);
	v27 =	vmul.f32 $1.442695020e+00, v27;
	(erf) = vrcp.f32 v22  }
.Ltmp2:
0x17d: {  	v17 =	vmul.f32 $1.442695020e+00, v21;
	v21 =	vadd.f32 v14, v20;
	v19 =	vmul.f32 v32, v16;
	v16 =	vpop (erf);
	v22 =	vld [tilespmem:s21+$0xFFFFFF30];
	(pc) =	sbr.rel @p1 .LBB2_7-.Ltmp2, $4  }
0x17e: {  	v14 =	vmul.f32 v16, v15;
	(erf) = vpow2.f32 v27;
	v15 =	vpop (erf);
	v16 =	vld [tilespmem:s21+$0xFFFFFFB0]  }
0x17f: {  	[tilespmem:s13+$0xFFFFFF00] =	vst v19;
	v26 =	vadd.f32 v26, v23;
	v20 =	vpop (erf);
	v15 =	vadd.f32 $1.000000000e+00, v15;
	(erf) = vpow2.f32 v24;
	v23 =	vld [tilespmem:s21+$0x30];
	s21 =	smov.u32 s11;
	s11 =	smov.u32 s1;
	s1 =	smov.u32 s15  }
0x180: {  	v19 =	vld [tilespmem:s4+$0xFFFFFF10];
	[tilespmem:s13+$0xFFFFFF80] =	vst v14;
	v24 =	vmul.f32 v20, v13;
	(erf) = vpow2.f32 v29;
	v25 =	vadd.f32 v30, v25;
	v13 =	vpop (erf)  }
0x181: {  	s4 =	sadd.s32 $0x200, s4;
	v20 =	vld [tilespmem:s12+$0xFFFFFF10];
	v14 =	vadd.f32 v31, v26;
	(erf) = vrcp.f32 v15;
	v15 =	vmul.f32 v28, v11  }
0x182: {  	_ = 	snop  }
0x183: {  	v11 =	vsub.f32 $0.0e+00, v14;
	_ =	sdelay $0x1  }
0x184: {  	(erf) = vpow2.f32 v17;
	v17 =	vadd.f32 v22, v18;
	v11 =	vmul.f32 $1.442695020e+00, v11  }
0x185: {  	v22 =	vpop (erf)  }
0x186: {  	v26 =	vpop (erf);
	(erf) = vpow2.f32 v11;
	v11 =	vsub.f32 $0.0e+00, v17  }
0x187: {  	v27 =	vpop (erf)  }
0x188: {  	v16 =	vadd.f32 v16, v21;
	v18 =	vpop (erf);
	v21 =	vmul.f32 $1.442695020e+00, v11  }
0x189: {  	v18 =	vadd.f32 $1.000000000e+00, v18  }
0x18a: {  	v11 =	vadd.f32 v23, v25;
	v23 =	vpop (erf);
	(erf) = vpow2.f32 v21  }
0x18b: {  	v23 =	vadd.f32 $1.000000000e+00, v23;
	(erf) = vrcp.f32 v18  }
0x18c: {  	v25 =	vsub.f32 $0.0e+00, v16;
	v28 =	vpop (erf)  }
0x18d: {  	v21 =	vsub.f32 $0.0e+00, v11;
	v28 =	vadd.f32 $1.000000000e+00, v28  }
0x18e: {  	[tilespmem:s13+$0x0] =	vst v24;
	v30 =	vld [tilespmem:s1+$0xFFFFFF90];
	v25 =	vmul.f32 $1.442695020e+00, v25;
	v18 =	vpop (erf);
	(erf) = vrcp.f32 v23  }
0x18f: {  	v41 =	vld [tilespmem:s10+$0x10];
	v21 =	vmul.f32 $1.442695020e+00, v21;
	v23 =	vpop (erf);
	(erf) = vrcp.f32 v28  }
0x190: {  	v23 =	vadd.f32 $1.000000000e+00, v23;
	(erf) = vpow2.f32 v25;
	v25 =	vld [tilespmem:s22+$0xFFFFFF90];
	v40 =	vpop (erf)  }
0x191: {  	(erf) = vpow2.f32 v21;
	v21 =	vld [tilespmem:s10+$0xFFFFFF90];
	v24 =	vadd.f32 $1.000000000e+00, v40  }
0x192: {  	(erf) = vrcp.f32 v23;
	v23 =	vld [tilespmem:s22+$0x10]  }
0x193: {  	(erf) = vrcp.f32 v24;
	v24 =	vld [tilespmem:s1+$0xFFFFFF10];
	v29 =	vpop (erf)  }
0x194: {  	v32 =	vld [tilespmem:s1+$0x10];
	v31 =	vpop (erf)  }
0x195: {  	v19 =	vadd.f32 v20, v19;
	v20 =	vmul.f32 v31, v12  }
0x196: {  	v21 =	vadd.f32 v21, v25  }
0x197: {  	v33 =	vpop (erf);
	v23 =	vadd.f32 v41, v23;
	[tilespmem:s28+$0xA0] =	vst v20  }
0x198: {  	v25 =	vpop (erf);
	v12 =	vadd.f32 v24, v19;
	v20 =	vadd.f32 v30, v21;
	v21 =	vld [tilespmem:s0+$0xB0]  }
0x199: {  	v42 =	vpop (erf);
	v19 =	vadd.f32 v32, v23;
	v23 =	vld [tilespmem:s17+$0xB0]  }
0x19a: {  	v6 =	vmul.f32 v27, v6;
	v24 =	vpop (erf);
	v44 =	vsub.f32 $0.0e+00, v12  }
0x19b: {  	v8 =	vmul.f32 v22, v8;
	v22 =	vld [tilespmem:s11+$0xB0];
	v43 =	vpop (erf);
	v45 =	vsub.f32 $0.0e+00, v20  }
0x19c: {  	[tilespmem:s28+$0x10] =	vst v6;
	v6 =	vmul.f32 v33, v9;
	v35 =	vsub.f32 $0.0e+00, v19;
	v34 =	vpop (erf);
	v31 =	vmul.f32 $1.442695020e+00, v44  }
0x19d: {  	[tilespmem:s28+$0xFFFFFF10] =	vst v8;
	v32 =	vmul.f32 $1.442695020e+00, v45;
	v14 =	vmul.f32 v34, v14  }
0x19e: {  	v49 =	vld [tilespmem:s17+$0x20];
	[tilespmem:s25+$0xFFFFFF20] =	vst v6;
	v46 =	vmul.f32 $1.442695020e+00, v35;
	(erf) = vpow2.f32 v31;
	v8 =	vadd.f32 v23, v21  }
0x19f: {  	v51 =	vld [tilespmem:s19+$0xFFFFFF30];
	[tilespmem:s13+$0x90] =	vst v14;
	(erf) = vpow2.f32 v32  }
0x1a0: {  	v23 =	vmul.f32 v26, v7;
	v14 =	vld [tilespmem:s22+$0xA0];
	(erf) = vpow2.f32 v46;
	v7 =	vadd.f32 v22, v8  }
0x1a1: {  	v21 =	vld [tilespmem:s10+$0xA0]  }
0x1a2: {  	v26 =	vld [tilespmem:s0+$0xFFFFFF20];
	[tilespmem:s28+$0xFFFFFF90] =	vst v23;
	v23 =	vadd.f32 $1.000000000e+00, v29;
	v47 =	vsub.f32 $0.0e+00, v7  }
0x1a3: {  	v9 =	vadd.f32 $1.000000000e+00, v42;
	v8 =	vld [tilespmem:s1+$0xA0]  }
0x1a4: {  	v22 =	vld [tilespmem:s17+$0xFFFFFF20];
	(erf) = vrcp.f32 v23;
	v23 =	vmul.f32 $1.442695020e+00, v47  }
0x1a5: {  	v24 =	vadd.f32 $1.000000000e+00, v24;
	v27 =	vld [tilespmem:s0+$0xFFFFFFA0]  }
0x1a6: {  	v48 =	vld [tilespmem:s17+$0xFFFFFFA0];
	v14 =	vadd.f32 v21, v14  }
0x1a7: {  	(erf) = vrcp.f32 v9;
	v21 =	vld [tilespmem:s0+$0x20];
	v9 =	vpop (erf)  }
0x1a8: {  	(erf) = vpow2.f32 v23;
	v8 =	vadd.f32 v8, v14;
	v14 =	vld [tilespmem:s11+$0xFFFFFF20];
	v9 =	vadd.f32 $1.000000000e+00, v9;
	v23 =	vpop (erf)  }
0x1a9: {  	v6 =	vld [tilespmem:s11+$0xFFFFFFA0];
	v22 =	vadd.f32 v22, v26;
	(erf) = vrcp.f32 v24;
	v23 =	vadd.f32 $1.000000000e+00, v23;
	v24 =	vpop (erf)  }
0x1aa: {  	v26 =	vld [tilespmem:s11+$0x20];
	v50 =	vsub.f32 $0.0e+00, v8;
	v24 =	vadd.f32 $1.000000000e+00, v24;
	(erf) = vrcp.f32 v9  }
0x1ab: {  	v9 =	vld [tilespmem:s26+$0xFFFFFF30];
	(erf) = vrcp.f32 v23  }
0x1ac: {  	v23 =	vmul.f32 $1.442695020e+00, v50;
	(erf) = vrcp.f32 v24;
	v24 =	vadd.f32 v48, v27  }
0x1ad: {  	v21 =	vadd.f32 v49, v21;
	v27 =	vld [tilespmem:s21+$0xFFFFFF30];
	v14 =	vadd.f32 v14, v22  }
0x1ae: {  	(erf) = vpow2.f32 v23;
	v22 =	vadd.f32 v6, v24  }
0x1af: {  	v21 =	vadd.f32 v26, v21;
	v6 =	vsub.f32 $0.0e+00, v14  }
0x1b0: {  	v23 =	vpop (erf);
	v9 =	vadd.f32 v9, v51;
	v26 =	vsub.f32 $0.0e+00, v22  }
0x1b1: {  	v24 =	vpop (erf)  }
0x1b2: {  	v53 =	vmul.f32 $1.442695020e+00, v6;
	v52 =	vpop (erf);
	v6 =	vadd.f32 v27, v9;
	v9 =	vmul.f32 $1.442695020e+00, v26  }
0x1b3: {  	v54 =	vpop (erf);
	v27 =	vadd.f32 $1.000000000e+00, v52  }
0x1b4: {  	v5 =	vmul.f32 v25, v5;
	v25 =	vsub.f32 $0.0e+00, v21;
	v26 =	vpop (erf)  }
0x1b5: {  	v4 =	vmul.f32 v43, v4;
	(erf) = vpow2.f32 v53;
	v56 =	vsub.f32 $0.0e+00, v6;
	v55 =	vpop (erf)  }
0x1b6: {  	v25 =	vmul.f32 $1.442695020e+00, v25;
	(erf) = vpow2.f32 v9;
	v9 =	vpop (erf)  }
0x1b7: {  	[tilespmem:s25+$0xFFFFFFA0] =	vst v5;
	(erf) = vrcp.f32 v27;
	v29 =	vmul.f32 $1.442695020e+00, v56;
	v27 =	vpop (erf)  }
0x1b8: {  	v5 =	vld [tilespmem:s19+$0xFFFFFFB0];
	(erf) = vpow2.f32 v25;
	v25 =	vadd.f32 $1.000000000e+00, v27  }
0x1b9: {  	[tilespmem:s25+$0x20] =	vst v4;
	v4 =	vld [tilespmem:s26+$0xFFFFFFB0];
	(erf) = vpow2.f32 v29  }
0x1ba: {  	(erf) = vrcp.f32 v25  }
0x1bb: {  	v27 =	vld [tilespmem:s21+$0xFFFFFFB0]  }
0x1bc: {  	v57 =	vld [tilespmem:s26+$0x30]  }
0x1bd: {  	v25 =	vld [tilespmem:s19+$0x30]  }
0x1be: {  	v4 =	vadd.f32 v4, v5;
	v58 =	vpop (erf)  }
0x1bf: {  	v5 =	vld [tilespmem:s21+$0x30];
	v59 =	vpop (erf)  }
0x1c0: {  	v4 =	vadd.f32 v27, v4;
	v60 =	vpop (erf)  }
0x1c1: {  	v30 =	vadd.f32 $1.000000000e+00, v58;
	v61 =	vpop (erf)  }
0x1c2: {  	v25 =	vadd.f32 v57, v25;
	v63 =	vsub.f32 $0.0e+00, v4;
	v27 =	vpop (erf)  }
0x1c3: {  	v32 =	vadd.f32 $1.000000000e+00, v59;
	(erf) = vrcp.f32 v30;
	v62 =	vpop (erf)  }
0x1c4: {  	v5 =	vadd.f32 v5, v25;
	v25 =	vmul.f32 $1.442695020e+00, v63;
	v8 =	vmul.f32 v62, v8  }
0x1c5: {  	(erf) = vrcp.f32 v32  }
0x1c6: {  	(erf) = vpow2.f32 v25;
	[tilespmem:s13+$0xA0] =	vst v8  }
0x1c7: {  	v36 =	vsub.f32 $0.0e+00, v5;
	v8 =	vld [tilespmem:s22+$0xB0]  }
0x1c8: {  	v12 =	vmul.f32 v26, v12;
	v25 =	vld [tilespmem:s10+$0xB0]  }
0x1c9: {  	v29 =	vmul.f32 $1.442695020e+00, v36  }
0x1ca: {  	[tilespmem:s13+$0xFFFFFF10] =	vst v12;
	v12 =	vadd.f32 $1.000000000e+00, v61;
	v37 =	vld [tilespmem:s1+$0xB0]  }
0x1cb: {  	v20 =	vmul.f32 v55, v20;
	(erf) = vpow2.f32 v29  }
0x1cc: {  	(erf) = vrcp.f32 v12  }
0x1cd: {  	v9 =	vmul.f32 v9, v19;
	[tilespmem:s13+$0xFFFFFF90] =	vst v20;
	v20 =	vld [tilespmem:s10+$0xFFFFFF20];
	v19 =	vpop (erf);
	v8 =	vadd.f32 v25, v8  }
0x1ce: {  	v41 =	vld [tilespmem:s1+$0xFFFFFF20];
	v12 =	vpop (erf)  }
0x1cf: {  	v26 =	vld [tilespmem:s22+$0xFFFFFFA0];
	[tilespmem:s13+$0x10] =	vst v9;
	v9 =	vadd.f32 $1.000000000e+00, v27;
	v27 =	vpop (erf);
	v8 =	vadd.f32 v37, v8  }
0x1d0: {  	v25 =	vld [tilespmem:s22+$0xFFFFFF20];
	v27 =	vadd.f32 $1.000000000e+00, v27  }
0x1d1: {  	v2 =	vmul.f32 v10, v2;
	v38 =	vld [tilespmem:s10+$0xFFFFFFA0];
	v39 =	vsub.f32 $0.0e+00, v8  }
0x1d2: {  	v1 =	vmul.f32 v13, v1;
	v42 =	vld [tilespmem:s1+$0xFFFFFFA0]  }
0x1d3: {  	[tilespmem:s30+$0xFFFFFF30] =	vst v15;
	v40 =	vld [tilespmem:s22+$0x20];
	(erf) = vrcp.f32 v9;
	v9 =	vmul.f32 $1.442695020e+00, v39  }
0x1d4: {  	[tilespmem:s30+$0x30] =	vst v1;
	v1 =	vmul.f32 v18, v3;
	v43 =	vld [tilespmem:s10+$0x20];
	(erf) = vrcp.f32 v27;
	v27 =	vpop (erf)  }
0x1d5: {  	[tilespmem:s30+$0xFFFFFFB0] =	vst v2;
	v2 =	vpop (erf);
	(erf) = vpow2.f32 v9;
	v9 =	vmul.f32 v19, v14;
	v14 =	vadd.f32 v20, v25  }
0x1d6: {  	[tilespmem:s25+$0xB0] =	vst v1;
	v15 =	vld [tilespmem:s1+$0x20];
	v10 =	vadd.f32 v38, v26;
	v2 =	vmul.f32 v2, v21  }
0x1d7: {  	v19 =	vadd.f32 $1.000000000e+00, v27;
	[tilespmem:s28+$0xFFFFFF20] =	vst v9;
	v9 =	vmul.f32 v12, v22;
	v12 =	vadd.f32 v41, v14  }
0x1d8: {  	v1 =	vmul.f32 v24, v16;
	v10 =	vadd.f32 v42, v10;
	[tilespmem:s28+$0x20] =	vst v2  }
0x1d9: {  	(erf) = vrcp.f32 v19;
	v16 =	vld [tilespmem:s0+$0x30];
	[tilespmem:s28+$0xFFFFFFA0] =	vst v9;
	v9 =	vadd.f32 v43, v40;
	v19 =	vsub.f32 $0.0e+00, v12  }
0x1da: {  	v18 =	vsub.f32 $0.0e+00, v10;
	v13 =	vld [tilespmem:s0+$0xFFFFFF30]  }
0x1db: {  	v14 =	vld [tilespmem:s17+$0xFFFFFF30];
	v2 =	vadd.f32 v15, v9;
	v15 =	vmul.f32 $1.442695020e+00, v19  }
0x1dc: {  	[tilespmem:s31+$0xFFFFFFB0] =	vst v1;
	v1 =	vmul.f32 v60, v7;
	v18 =	vmul.f32 $1.442695020e+00, v18;
	v7 =	vld [tilespmem:s17+$0x30]  }
0x1dd: {  	v17 =	vmul.f32 v23, v17;
	v21 =	vld [tilespmem:s11+$0xFFFFFF30];
	v19 =	vpop (erf);
	(erf) = vpow2.f32 v15  }
0x1de: {  	v3 =	vld [tilespmem:s0+$0xFFFFFFB0];
	v20 =	vpop (erf);
	(erf) = vpow2.f32 v18  }
0x1df: {  	[tilespmem:s31+$0xFFFFFF30] =	vst v17;
	v11 =	vmul.f32 v54, v11;
	v9 =	vld [tilespmem:s17+$0xFFFFFFB0];
	v17 =	vsub.f32 $0.0e+00, v2;
	v22 =	vpop (erf)  }
0x1e0: {  	[tilespmem:s28+$0xB0] =	vst v1;
	v1 =	vadd.f32 v14, v13;
	v15 =	vadd.f32 $1.000000000e+00, v22  }
0x1e1: {  	[tilespmem:s31+$0x30] =	vst v11;
	v13 =	vld [tilespmem:s11+$0x30];
	v11 =	vmul.f32 $1.442695020e+00, v17  }
0x1e2: {  	v17 =	vld [tilespmem:s11+$0xFFFFFFB0];
	v1 =	vadd.f32 v21, v1;
	(erf) = vrcp.f32 v15  }
0x1e3: {  	v7 =	vadd.f32 v7, v16;
	(erf) = vpow2.f32 v11  }
0x1e4: {  	v3 =	vadd.f32 v9, v3;
	v9 =	vsub.f32 $0.0e+00, v1  }
0x1e5: {  	v14 =	vpop (erf)  }
0x1e6: {  	v7 =	vadd.f32 v13, v7;
	v9 =	vmul.f32 $1.442695020e+00, v9;
	v11 =	vpop (erf)  }
0x1e7: {  	v3 =	vadd.f32 v17, v3;
	v11 =	vadd.f32 $1.000000000e+00, v11;
	v15 =	vpop (erf)  }
0x1e8: {  	v16 =	vsub.f32 $0.0e+00, v7;
	(erf) = vpow2.f32 v9  }
0x1e9: {  	v13 =	vsub.f32 $0.0e+00, v3;
	(erf) = vrcp.f32 v11  }
0x1ea: {  	v9 =	vadd.f32 $1.000000000e+00, v15  }
0x1eb: {  	v13 =	vmul.f32 $1.442695020e+00, v13;
	v15 =	vpop (erf)  }
0x1ec: {  	v11 =	vmul.f32 $1.442695020e+00, v16;
	(erf) = vrcp.f32 v9;
	v16 =	vpop (erf)  }
0x1ed: {  	(erf) = vpow2.f32 v13;
	v9 =	vadd.f32 $1.000000000e+00, v16  }
0x1ee: {  	(erf) = vpow2.f32 v11  }
0x1ef: {  	(erf) = vrcp.f32 v9;
	_ =	sdelay $0x1  }
0x1f0: {  	v9 =	vpop (erf)  }
0x1f1: {  	v11 =	vpop (erf)  }
0x1f2: {  	v11 =	vmul.f32 v11, v12;
	_ =	sdelay $0x1  }
0x1f3: {  	v12 =	vpop (erf)  }
0x1f4: {  	v13 =	vpop (erf);
	v10 =	vmul.f32 v12, v10;
	[tilespmem:s13+$0xFFFFFF20] =	vst v11  }
0x1f5: {  	v16 =	vld [tilespmem:s22+$0xFFFFFF30];
	v11 =	vpop (erf)  }
0x1f6: {  	[tilespmem:s13+$0xFFFFFFA0] =	vst v10;
	v10 =	vld [tilespmem:s10+$0xFFFFFF30];
	v12 =	vpop (erf)  }
0x1f7: {  	v21 =	vld [tilespmem:s1+$0xFFFFFF30];
	v2 =	vmul.f32 v12, v2  }
0x1f8: {  	v12 =	vld [tilespmem:s22+$0xFFFFFFB0]  }
0x1f9: {  	[tilespmem:s13+$0x20] =	vst v2;
	v2 =	vld [tilespmem:s10+$0xFFFFFFB0]  }
0x1fa: {  	v17 =	vld [tilespmem:s22+$0x30]  }
0x1fb: {  	v18 =	vld [tilespmem:s10+$0x30]  }
0x1fc: {  	v22 =	vld [tilespmem:s1+$0xFFFFFFB0]  }
0x1fd: {  	v23 =	vld [tilespmem:s1+$0x30]  }
0x1fe: {  	v10 =	vadd.f32 v10, v16  }
0x1ff: {  	v9 =	vadd.f32 $1.000000000e+00, v9;
	v2 =	vadd.f32 v2, v12  }
0x200: {  	v10 =	vadd.f32 v21, v10;
	v12 =	vadd.f32 v18, v17  }
0x201: {  	v13 =	vadd.f32 $1.000000000e+00, v13;
	v2 =	vadd.f32 v22, v2  }
0x202: {  	v16 =	vsub.f32 $0.0e+00, v10;
	v12 =	vadd.f32 v23, v12  }
0x203: {  	(erf) = vrcp.f32 v9;
	v11 =	vadd.f32 $1.000000000e+00, v11;
	v9 =	vsub.f32 $0.0e+00, v2  }
0x204: {  	(erf) = vrcp.f32 v13;
	v16 =	vmul.f32 $1.442695020e+00, v16;
	v13 =	vsub.f32 $0.0e+00, v12  }
0x205: {  	(erf) = vrcp.f32 v11;
	v9 =	vmul.f32 $1.442695020e+00, v9  }
0x206: {  	(erf) = vpow2.f32 v16;
	v11 =	vmul.f32 $1.442695020e+00, v13  }
0x207: {  	(erf) = vpow2.f32 v9  }
0x208: {  	(erf) = vpow2.f32 v11;
	_ =	sdelay $0x3  }
0x209: {  	v9 =	vpop (erf)  }
0x20a: {  	v11 =	vpop (erf)  }
0x20b: {  	v13 =	vpop (erf)  }
0x20c: {  	v16 =	vpop (erf)  }
0x20d: {  	v16 =	vadd.f32 $1.000000000e+00, v16;
	v17 =	vpop (erf)  }
0x20e: {  	v18 =	vpop (erf);
	v17 =	vadd.f32 $1.000000000e+00, v17  }
0x20f: {  	(erf) = vrcp.f32 v16;
	v18 =	vadd.f32 $1.000000000e+00, v18  }
0x210: {  	(erf) = vrcp.f32 v17  }
0x211: {  	(erf) = vrcp.f32 v18  }
0x212: {  	v4 =	vmul.f32 v20, v4  }
0x213: {  	v6 =	vmul.f32 v19, v6  }
0x214: {  	[tilespmem:s25+$0xFFFFFFB0] =	vst v4;
	v4 =	vmul.f32 v15, v8;
	v1 =	vmul.f32 v9, v1  }
0x215: {  	v5 =	vmul.f32 v14, v5;
	[tilespmem:s25+$0xFFFFFF30] =	vst v6;
	v3 =	vmul.f32 v11, v3  }
0x216: {  	[tilespmem:s28+$0xFFFFFF30] =	vst v1;
	v1 =	vmul.f32 v13, v7  }
0x217: {  	[tilespmem:s25+$0x30] =	vst v5  }
0x218: {  	[tilespmem:s13+$0xB0] =	vst v4;
	v4 =	vpop (erf)  }
0x219: {  	[tilespmem:s28+$0xFFFFFFB0] =	vst v3;
	v4 =	vmul.f32 v4, v10;
	v3 =	vpop (erf)  }
0x21a: {  	[tilespmem:s28+$0x30] =	vst v1;
	v1 =	vpop (erf);
	v2 =	vmul.f32 v3, v2  }
0x21b: {  	[tilespmem:s13+$0xFFFFFF30] =	vst v4;
	v1 =	vmul.f32 v1, v12  }
0x21c: {  	[tilespmem:s13+$0xFFFFFFB0] =	vst v2  }
0x21d: {  	s4 =	simm.s32 $0x14200;
	s1 =	sadd.s32 s7, s16;
	[tilespmem:s13+$0x30] =	vst v1  }
0x21e: {  	[hbm4b:s1+s2] =	stream.linear.scatter [tilespmem:s4], [sflag:$0x7], $0x4000, $0x38;
	[tilespmem:$0x1C200] =	vst v63  }
0x21f: {  	_ =	swait.ge [sflag:s23], $0x80  }
0x220: {  	[sflag:s23] =	ssyncset.done $0x0  }
0x221: {  	[sflag:s23] =	ssyncadd.s32 $0xFFFFFF80  }
0x222: {  	_ =	swait.ge [sflag:s23], $0x80  }
0x223: {  	[sflag:s23] =	ssyncset.done $0x0;
	s13 =	rddreg [dreg:$0x5]  }
0x224: {  	s10 =	simm.s32 $0x200;
	[sflag:s23] =	ssyncadd.s32 $0xFFFFFF80;
	s0 =	sadd.s32 s8, s13  }
0x225: {  	[tilespmem:s10], [sflag:$0x3] =	stream.indirect.gather [hbm4b:s3+s24], $0x80, s2, s24, $0xb8;
	[tilespmem:$0x1C200] =	vst v63  }
0x226: {  	s12 =	simm.s32 $0x8200;
	s11 =	simm.s32 $0x100;
	s16 =	sshll.u32 s0, $0x4  }
0x227: {  	[tilespmem:s12], [sflag:$0x5] =	stream.indirect.gather [hbm4b:s3+s24], $0x80, s11, s24, $0xb8;
	[tilespmem:$0x1C200] =	vst v63  }
0x228: {  	s14 =	simm.s32 $0x10200;
	s0 =	sadd.s32 s5, s16  }
0x229: {  	[tilespmem:s14], [sflag:$0x9] =	stream.linear.gather [hbm4b:s0+s2], $0x4000, $0x38;
	[tilespmem:$0x1C200] =	vst v63  }
0x22a: {  	_ =	swait.ge [sflag:s20], $0x4000  }
0x22b: {  	[sflag:s20] =	ssyncset.done $0x0  }
0x22c: {  	s15 =	simm.s32 $0x4;
	[sflag:s20] =	ssyncadd.s32 $0xFFFFC000  }
0x22d: {  	_ =	swait.ge [sflag:s15], $0x4000  }
0x22e: {  	[sflag:s15] =	ssyncset.done $0x0  }
0x22f: {  	s4 =	simm.s32 $0x6;
	[sflag:s15] =	ssyncadd.s32 $0xFFFFC000  }
0x230: {  	s0 =	sadd.s32 $0x180, s8;
	_ =	swait.ge [sflag:s4], $0x4000  }
0x231: {  	s0 =	simm.s32 @p0 $0x80;
	s17 =	rddreg [dreg:$0x3]  }
0x232: {  	s0 =	sadd.s32 s17, s0  }
0x233: {  	[sflag:s4] =	ssyncset.done $0x0;
	s0 =	sshrl.u32 s0, $0x3  }
0x234: {  	s21 =	simm.s32 $0x8;
	[sflag:s4] =	ssyncadd.s32 $0xFFFFC000;
	s19 =	sadd.s32 s9, s0  }
0x235: {  	[tilespmem:s24], [sflag:$0x2] =	stream.linear.gather [hbm4b:s19+s2], $0x80, $0x38;
	[tilespmem:$0x1C200] =	vst v63  }
0x236: {  	s28 =	smov.u32 s5;
	s5 =	simm.s32 $0x180;
	s0 =	sadd.s32 s6, s0  }
0x237: {  	[tilespmem:s5], [sflag:$0x2] =	stream.linear.gather [hbm4b:s0+s2], $0x80, $0x38;
	[tilespmem:$0x1C200] =	vst v63  }
0x238: {  	_ =	swait.ge [sflag:s21], $0x4000  }
0x239: {  	[sflag:s21] =	ssyncset.done $0x0  }
0x23a: {  	s15 =	simm.s32 $0x10300;
	[sflag:s21] =	ssyncadd.s32 $0xFFFFC000  }
0x23b: {  	s22 =	simm.s32 $0x4300;
	v1 =	vld [tilespmem:s15+$0x80]  }
0x23c: {  	v2 =	vld [tilespmem:s22+$0x80]  }
0x23d: {  	s12 =	simm.s32 $0xC340  }
0x23e: {  	v3 =	vld [tilespmem:s12+$0x80];
	_ =	sdelay $0x2  }
0x23f: {  	v4 =	vld [tilespmem:s22+$0xFFFFFF00];
	v1 =	vadd.f32 v2, v1  }
0x240: {  	v5 =	vld [tilespmem:s22+$0xFFFFFF80]  }
0x241: {  	v6 =	vld [tilespmem:s15+$0xFFFFFF00];
	v1 =	vadd.f32 v3, v1  }
0x242: {  	v8 =	vld [tilespmem:s22+$0x0]  }
0x243: {  	v9 =	vld [tilespmem:s12+$0xFFFFFF00];
	v7 =	vsub.f32 $0.0e+00, v1  }
0x244: {  	v2 =	vld [tilespmem:s15+$0xFFFFFF80]  }
0x245: {  	v3 =	vld [tilespmem:s15+$0x0];
	v7 =	vmul.f32 $1.442695020e+00, v7  }
0x246: {  	v10 =	vld [tilespmem:s12+$0xFFFFFF80];
	v4 =	vadd.f32 v4, v6  }
0x247: {  	v11 =	vld [tilespmem:s12+$0x0];
	(erf) = vpow2.f32 v7  }
0x248: {  	v4 =	vadd.f32 v9, v4  }
0x249: {  	v2 =	vadd.f32 v5, v2  }
0x24a: {  	v5 =	vsub.f32 $0.0e+00, v4;
	v3 =	vadd.f32 v8, v3  }
0x24b: {  	v2 =	vadd.f32 v10, v2  }
0x24c: {  	v5 =	vmul.f32 $1.442695020e+00, v5;
	v3 =	vadd.f32 v11, v3  }
0x24d: {  	v6 =	vsub.f32 $0.0e+00, v2  }
0x24e: {  	v7 =	vsub.f32 $0.0e+00, v3  }
0x24f: {  	v6 =	vmul.f32 $1.442695020e+00, v6  }
0x250: {  	(erf) = vpow2.f32 v5;
	v7 =	vmul.f32 $1.442695020e+00, v7;
	v5 =	vpop (erf)  }
0x251: {  	(erf) = vpow2.f32 v6;
	v5 =	vadd.f32 $1.000000000e+00, v5  }
0x252: {  	(erf) = vpow2.f32 v7  }
0x253: {  	(erf) = vrcp.f32 v5;
	_ =	sdelay $0x5  }
0x254: {  	v5 =	vpop (erf)  }
0x255: {  	v6 =	vpop (erf)  }
0x256: {  	v7 =	vpop (erf)  }
0x257: {  	v8 =	vpop (erf)  }
0x258: {  	v5 =	vadd.f32 $1.000000000e+00, v5;
	v1 =	vmul.f32 v8, v1  }
0x259: {  	s8 =	simm.s32 $0x18300  }
0x25a: {  	(erf) = vrcp.f32 v5;
	[tilespmem:s8+$0x80] =	vst v1  }
0x25b: {  	v1 =	vld [tilespmem:s15+$0x90]  }
0x25c: {  	v5 =	vld [tilespmem:s22+$0x90];
	_ =	sdelay $0x1  }
0x25d: {  	v8 =	vld [tilespmem:s12+$0x90];
	_ =	sdelay $0x2  }
0x25e: {  	v1 =	vadd.f32 v5, v1  }
0x25f: {  	v5 =	vadd.f32 $1.000000000e+00, v6  }
0x260: {  	s4 =	simm.s32 $0x4500;
	v6 =	vpop (erf);
	v1 =	vadd.f32 v8, v1  }
0x261: {  	s1 =	simm.s32 $0x10500;
	v7 =	vadd.f32 $1.000000000e+00, v7;
	v4 =	vmul.f32 v6, v4;
	v6 =	vld [tilespmem:s4+$0x80];
	(erf) = vrcp.f32 v5  }
0x262: {  	v8 =	vld [tilespmem:s1+$0x80];
	v5 =	vsub.f32 $0.0e+00, v1  }
0x263: {  	s14 =	simm.s32 $0xC540;
	v14 =	vld [tilespmem:s4+$0x0];
	(erf) = vrcp.f32 v7  }
0x264: {  	[tilespmem:s8+$0xFFFFFF00] =	vst v4;
	v4 =	vld [tilespmem:s14+$0x80];
	v5 =	vmul.f32 $1.442695020e+00, v5  }
0x265: {  	v16 =	vld [tilespmem:s14+$0xFFFFFF80]  }
0x266: {  	v10 =	vld [tilespmem:s4+$0xFFFFFF00];
	(erf) = vpow2.f32 v5  }
0x267: {  	v11 =	vld [tilespmem:s1+$0xFFFFFF00];
	v5 =	vadd.f32 v6, v8  }
0x268: {  	v7 =	vld [tilespmem:s15+$0xFFFFFF10]  }
0x269: {  	v6 =	vld [tilespmem:s1+$0xFFFFFF80];
	v4 =	vadd.f32 v4, v5  }
0x26a: {  	v8 =	vld [tilespmem:s4+$0xFFFFFF80];
	v13 =	vpop (erf)  }
0x26b: {  	v12 =	vsub.f32 $0.0e+00, v4;
	v2 =	vmul.f32 v13, v2;
	v13 =	vld [tilespmem:s14+$0xFFFFFF00]  }
0x26c: {  	v5 =	vld [tilespmem:s1+$0x0];
	v15 =	vpop (erf)  }
0x26d: {  	v9 =	vld [tilespmem:s22+$0xFFFFFF10];
	v12 =	vmul.f32 $1.442695020e+00, v12;
	[tilespmem:s8+$0xFFFFFF80] =	vst v2;
	v2 =	vmul.f32 v15, v3  }
0x26e: {  	v10 =	vadd.f32 v10, v11;
	v3 =	vld [tilespmem:s14+$0x0]  }
0x26f: {  	(erf) = vpow2.f32 v12;
	v12 =	vld [tilespmem:s15+$0xFFFFFF90];
	[tilespmem:s8+$0x0] =	vst v2;
	v2 =	vadd.f32 v8, v6;
	v11 =	vpop (erf)  }
0x270: {  	v6 =	vld [tilespmem:s22+$0xFFFFFF90];
	v10 =	vadd.f32 v13, v10;
	v8 =	vadd.f32 $1.000000000e+00, v11  }
0x271: {  	v5 =	vadd.f32 v14, v5;
	v13 =	vld [tilespmem:s22+$0x10]  }
0x272: {  	v11 =	vld [tilespmem:s15+$0x10];
	(erf) = vrcp.f32 v8;
	v8 =	vsub.f32 $0.0e+00, v10  }
0x273: {  	v2 =	vadd.f32 v16, v2;
	v3 =	vadd.f32 v3, v5;
	v5 =	vld [tilespmem:s12+$0xFFFFFF10]  }
0x274: {  	v14 =	vld [tilespmem:s12+$0xFFFFFF90];
	v8 =	vmul.f32 $1.442695020e+00, v8  }
0x275: {  	v17 =	vld [tilespmem:s12+$0x10];
	v15 =	vsub.f32 $0.0e+00, v2;
	v16 =	vsub.f32 $0.0e+00, v3  }
0x276: {  	v7 =	vadd.f32 v9, v7  }
0x277: {  	v6 =	vadd.f32 v6, v12;
	v9 =	vmul.f32 $1.442695020e+00, v15;
	v12 =	vmul.f32 $1.442695020e+00, v16  }
0x278: {  	v11 =	vadd.f32 v13, v11;
	(erf) = vpow2.f32 v8;
	v7 =	vadd.f32 v5, v7;
	v8 =	vpop (erf)  }
0x279: {  	(erf) = vpow2.f32 v9;
	v5 =	vadd.f32 $1.000000000e+00, v8;
	v8 =	vadd.f32 v14, v6  }
0x27a: {  	v9 =	vadd.f32 v17, v11;
	(erf) = vpow2.f32 v12;
	v6 =	vsub.f32 $0.0e+00, v7  }
0x27b: {  	(erf) = vrcp.f32 v5;
	v5 =	vsub.f32 $0.0e+00, v8  }
0x27c: {  	v12 =	vsub.f32 $0.0e+00, v9;
	v11 =	vpop (erf);
	v6 =	vmul.f32 $1.442695020e+00, v6  }
0x27d: {  	v1 =	vmul.f32 v11, v1;
	v5 =	vmul.f32 $1.442695020e+00, v5  }
0x27e: {  	v11 =	vmul.f32 $1.442695020e+00, v12;
	(erf) = vpow2.f32 v6  }
0x27f: {  	[tilespmem:s8+$0x90] =	vst v1;
	(erf) = vpow2.f32 v5  }
0x280: {  	v1 =	vld [tilespmem:s15+$0xA0];
	(erf) = vpow2.f32 v11  }
0x281: {  	v6 =	vld [tilespmem:s22+$0xA0];
	v5 =	vpop (erf)  }
0x282: {  	v11 =	vpop (erf)  }
0x283: {  	v13 =	vld [tilespmem:s12+$0xA0];
	v5 =	vadd.f32 $1.000000000e+00, v5;
	v12 =	vpop (erf)  }
0x284: {  	v14 =	vpop (erf)  }
0x285: {  	(erf) = vrcp.f32 v5;
	v4 =	vmul.f32 v14, v4  }
0x286: {  	s30 =	simm.s32 $0x18500;
	v1 =	vadd.f32 v6, v1;
	v5 =	vadd.f32 $1.000000000e+00, v11  }
0x287: {  	v6 =	vpop (erf);
	[tilespmem:s30+$0x80] =	vst v4;
	v4 =	vadd.f32 $1.000000000e+00, v12  }
0x288: {  	v1 =	vadd.f32 v13, v1;
	(erf) = vrcp.f32 v5;
	v5 =	vadd.f32 $1.000000000e+00, v6;
	v11 =	vld [tilespmem:s1+$0x90];
	v6 =	vpop (erf)  }
0x289: {  	v12 =	vld [tilespmem:s4+$0x90];
	(erf) = vrcp.f32 v4;
	v4 =	vadd.f32 $1.000000000e+00, v6;
	v6 =	vpop (erf)  }
0x28a: {  	v13 =	vsub.f32 $0.0e+00, v1;
	v6 =	vadd.f32 $1.000000000e+00, v6  }
0x28b: {  	(erf) = vrcp.f32 v5;
	v5 =	vld [tilespmem:s14+$0x90]  }
0x28c: {  	(erf) = vrcp.f32 v4;
	v4 =	vmul.f32 $1.442695020e+00, v13  }
0x28d: {  	(erf) = vrcp.f32 v6  }
0x28e: {  	(erf) = vpow2.f32 v4;
	v4 =	vadd.f32 v12, v11;
	v6 =	vpop (erf)  }
0x28f: {  	s31 =	simm.s32 $0x10700;
	v6 =	vmul.f32 v6, v10  }
0x290: {  	s26 =	simm.s32 $0x4700;
	v10 =	vadd.f32 v5, v4;
	v4 =	vld [tilespmem:s31+$0x80]  }
0x291: {  	[tilespmem:s30+$0xFFFFFF00] =	vst v6;
	v6 =	vld [tilespmem:s26+$0x80]  }
0x292: {  	s19 =	simm.s32 $0xC740  }
0x293: {  	v15 =	vld [tilespmem:s19+$0x80];
	v5 =	vpop (erf);
	v11 =	vsub.f32 $0.0e+00, v10  }
0x294: {  	v18 =	vld [tilespmem:s26+$0xFFFFFF00];
	v12 =	vpop (erf)  }
0x295: {  	v21 =	vld [tilespmem:s31+$0xFFFFFF00];
	v14 =	vpop (erf);
	v11 =	vmul.f32 $1.442695020e+00, v11  }
0x296: {  	v23 =	vld [tilespmem:s19+$0xFFFFFF80];
	v17 =	vpop (erf);
	v4 =	vadd.f32 v6, v4  }
0x297: {  	v2 =	vmul.f32 v5, v2;
	v5 =	vld [tilespmem:s26+$0x0];
	v19 =	vpop (erf);
	(erf) = vpow2.f32 v11  }
0x298: {  	v13 =	vld [tilespmem:s1+$0xFFFFFF10];
	v20 =	vpop (erf);
	v15 =	vadd.f32 v15, v4  }
0x299: {  	v11 =	vld [tilespmem:s31+$0xFFFFFF80];
	v20 =	vadd.f32 $1.000000000e+00, v20  }
0x29a: {  	v6 =	vld [tilespmem:s26+$0xFFFFFF80];
	v22 =	vsub.f32 $0.0e+00, v15  }
0x29b: {  	v4 =	vld [tilespmem:s31+$0x0];
	(erf) = vrcp.f32 v20  }
0x29c: {  	v20 =	vld [tilespmem:s19+$0xFFFFFF00];
	v22 =	vmul.f32 $1.442695020e+00, v22  }
0x29d: {  	[tilespmem:s30+$0xFFFFFF80] =	vst v2;
	v2 =	vmul.f32 v12, v3;
	v3 =	vld [tilespmem:s19+$0x0]  }
0x29e: {  	v16 =	vld [tilespmem:s4+$0xFFFFFF10];
	(erf) = vpow2.f32 v22  }
0x29f: {  	v12 =	vadd.f32 v18, v21  }
0x2a0: {  	[tilespmem:s30+$0x0] =	vst v2;
	v2 =	vld [tilespmem:s4+$0xFFFFFF90];
	v6 =	vadd.f32 v6, v11;
	v4 =	vadd.f32 v5, v4;
	v18 =	vpop (erf)  }
0x2a1: {  	v11 =	vld [tilespmem:s1+$0xFFFFFF90];
	v20 =	vadd.f32 v20, v12;
	v12 =	vadd.f32 $1.000000000e+00, v18  }
0x2a2: {  	v5 =	vadd.f32 v23, v6;
	v6 =	vadd.f32 v3, v4;
	v3 =	vld [tilespmem:s14+$0xFFFFFF10]  }
0x2a3: {  	v7 =	vmul.f32 v14, v7;
	v13 =	vadd.f32 v16, v13;
	(erf) = vrcp.f32 v12;
	v12 =	vld [tilespmem:s14+$0xFFFFFF90]  }
0x2a4: {  	v14 =	vsub.f32 $0.0e+00, v5;
	v22 =	vsub.f32 $0.0e+00, v20;
	v4 =	vpop (erf)  }
0x2a5: {  	[tilespmem:s8+$0xFFFFFF10] =	vst v7;
	v7 =	vsub.f32 $0.0e+00, v6;
	v1 =	vmul.f32 v4, v1  }
0x2a6: {  	v21 =	vld [tilespmem:s4+$0x10];
	v2 =	vadd.f32 v2, v11;
	v14 =	vmul.f32 $1.442695020e+00, v14;
	v4 =	vmul.f32 $1.442695020e+00, v22  }
0x2a7: {  	v18 =	vld [tilespmem:s1+$0x10];
	[tilespmem:s8+$0xA0] =	vst v1;
	v1 =	vmul.f32 v17, v8;
	v8 =	vmul.f32 $1.442695020e+00, v7;
	v7 =	vadd.f32 v3, v13;
	v13 =	vpop (erf)  }
0x2a8: {  	v16 =	vld [tilespmem:s15+$0xFFFFFF20];
	(erf) = vpow2.f32 v4;
	v4 =	vadd.f32 v12, v2;
	v2 =	vadd.f32 $1.000000000e+00, v13  }
0x2a9: {  	v22 =	vld [tilespmem:s14+$0x10];
	(erf) = vpow2.f32 v14  }
0x2aa: {  	v11 =	vld [tilespmem:s15+$0xB0]  }
0x2ab: {  	v3 =	vld [tilespmem:s22+$0xB0];
	(erf) = vpow2.f32 v8  }
0x2ac: {  	v17 =	vadd.f32 v21, v18;
	v14 =	vld [tilespmem:s22+$0xFFFFFF20];
	(erf) = vrcp.f32 v2;
	v2 =	vpop (erf)  }
0x2ad: {  	v12 =	vld [tilespmem:s12+$0xB0];
	[tilespmem:s8+$0xFFFFFF90] =	vst v1;
	v2 =	vmul.f32 v2, v10  }
0x2ae: {  	v9 =	vmul.f32 v19, v9;
	v8 =	vsub.f32 $0.0e+00, v7;
	v1 =	vadd.f32 v22, v17;
	v13 =	vld [tilespmem:s15+$0xFFFFFFA0]  }
0x2af: {  	v17 =	vsub.f32 $0.0e+00, v4;
	v18 =	vld [tilespmem:s22+$0xFFFFFFA0]  }
0x2b0: {  	[tilespmem:s8+$0x10] =	vst v9;
	v21 =	vld [tilespmem:s12+$0xFFFFFFA0];
	v8 =	vmul.f32 $1.442695020e+00, v8;
	v9 =	vsub.f32 $0.0e+00, v1;
	v3 =	vadd.f32 v3, v11  }
0x2b1: {  	v11 =	vld [tilespmem:s22+$0x20];
	v10 =	vmul.f32 $1.442695020e+00, v17;
	[tilespmem:s30+$0x90] =	vst v2;
	v2 =	vpop (erf)  }
0x2b2: {  	(erf) = vpow2.f32 v8;
	v9 =	vmul.f32 $1.442695020e+00, v9;
	v17 =	vld [tilespmem:s15+$0x20];
	v3 =	vadd.f32 v12, v3;
	v12 =	vpop (erf)  }
0x2b3: {  	(erf) = vpow2.f32 v10;
	v8 =	vld [tilespmem:s1+$0xA0];
	v2 =	vadd.f32 $1.000000000e+00, v2;
	v12 =	vadd.f32 $1.000000000e+00, v12  }
0x2b4: {  	(erf) = vpow2.f32 v9;
	v9 =	vld [tilespmem:s4+$0xA0]  }
0x2b5: {  	v10 =	vld [tilespmem:s12+$0xFFFFFF20];
	v19 =	vsub.f32 $0.0e+00, v3;
	(erf) = vrcp.f32 v2  }
0x2b6: {  	v22 =	vpop (erf);
	v2 =	vld [tilespmem:s14+$0xA0]  }
0x2b7: {  	v19 =	vmul.f32 $1.442695020e+00, v19;
	(erf) = vrcp.f32 v12;
	v12 =	vpop (erf)  }
0x2b8: {  	v14 =	vadd.f32 v14, v16;
	v13 =	vadd.f32 v18, v13;
	v12 =	vmul.f32 v12, v15  }
0x2b9: {  	s25 =	simm.s32 $0x18700;
	v16 =	vadd.f32 $1.000000000e+00, v22;
	v8 =	vadd.f32 v9, v8;
	(erf) = vpow2.f32 v19;
	v15 =	vld [tilespmem:s12+$0x20]  }
0x2ba: {  	v9 =	vadd.f32 v11, v17;
	v11 =	vadd.f32 v10, v14;
	[tilespmem:s25+$0x80] =	vst v12  }
0x2bb: {  	v10 =	vpop (erf);
	v14 =	vadd.f32 v2, v8;
	v2 =	vadd.f32 v21, v13;
	v13 =	vld [tilespmem:s31+$0x90]  }
0x2bc: {  	v18 =	vsub.f32 $0.0e+00, v11;
	v8 =	vadd.f32 $1.000000000e+00, v10;
	v10 =	vpop (erf);
	(erf) = vrcp.f32 v16;
	v16 =	vld [tilespmem:s26+$0x90]  }
0x2bd: {  	v10 =	vadd.f32 $1.000000000e+00, v10;
	v17 =	vsub.f32 $0.0e+00, v14;
	v12 =	vpop (erf)  }
0x2be: {  	(erf) = vrcp.f32 v8;
	v8 =	vld [tilespmem:s19+$0x90];
	v19 =	vadd.f32 $1.000000000e+00, v12;
	v12 =	vadd.f32 v15, v9;
	v9 =	vpop (erf)  }
0x2bf: {  	v9 =	vmul.f32 v9, v20  }
0x2c0: {  	(erf) = vrcp.f32 v10;
	v10 =	vmul.f32 $1.442695020e+00, v17;
	v15 =	vsub.f32 $0.0e+00, v2  }
0x2c1: {  	v17 =	vmul.f32 $1.442695020e+00, v18;
	v18 =	vpop (erf);
	(erf) = vrcp.f32 v19;
	[tilespmem:s25+$0xFFFFFF00] =	vst v9;
	v9 =	vadd.f32 v16, v13  }
0x2c2: {  	(erf) = vpow2.f32 v10;
	v10 =	vmul.f32 $1.442695020e+00, v15;
	v15 =	vsub.f32 $0.0e+00, v12;
	v19 =	vpop (erf)  }
0x2c3: {  	s0 =	simm.s32 $0x10900;
	(erf) = vpow2.f32 v17;
	v13 =	vadd.f32 $1.000000000e+00, v19;
	v19 =	vadd.f32 v8, v9  }
0x2c4: {  	s11 =	simm.s32 $0x4900;
	v15 =	vmul.f32 $1.442695020e+00, v15;
	(erf) = vpow2.f32 v10;
	v8 =	vld [tilespmem:s0+$0x80]  }
0x2c5: {  	v10 =	vld [tilespmem:s11+$0x80];
	(erf) = vrcp.f32 v13;
	v13 =	vsub.f32 $0.0e+00, v19  }
0x2c6: {  	s17 =	simm.s32 $0xC940  }
0x2c7: {  	v22 =	vld [tilespmem:s17+$0x80];
	v9 =	vpop (erf);
	(erf) = vpow2.f32 v15;
	v13 =	vmul.f32 $1.442695020e+00, v13  }
0x2c8: {  	v15 =	vpop (erf)  }
0x2c9: {  	v21 =	vpop (erf)  }
0x2ca: {  	v8 =	vadd.f32 v10, v8;
	v23 =	vpop (erf)  }
0x2cb: {  	v24 =	vld [tilespmem:s0+$0xFFFFFF80];
	(erf) = vpow2.f32 v13;
	v13 =	vpop (erf)  }
0x2cc: {  	v25 =	vld [tilespmem:s11+$0xFFFFFF80];
	v22 =	vadd.f32 v22, v8;
	v10 =	vadd.f32 $1.000000000e+00, v13  }
0x2cd: {  	v45 =	vld [tilespmem:s0+$0xFFFFFF00];
	v13 =	vpop (erf)  }
0x2ce: {  	v20 =	vld [tilespmem:s11+$0xFFFFFF00];
	v48 =	vsub.f32 $0.0e+00, v22;
	v44 =	vpop (erf);
	(erf) = vrcp.f32 v10;
	v10 =	vadd.f32 $1.000000000e+00, v13  }
0x2cf: {  	v26 =	vld [tilespmem:s0+$0x0];
	v8 =	vmul.f32 v18, v5;
	v5 =	vpop (erf)  }
0x2d0: {  	v13 =	vld [tilespmem:s17+$0xFFFFFF00];
	v18 =	vadd.f32 $1.000000000e+00, v44;
	v46 =	vpop (erf);
	(erf) = vrcp.f32 v10;
	v10 =	vmul.f32 $1.442695020e+00, v48  }
0x2d1: {  	v27 =	vld [tilespmem:s11+$0x0];
	v6 =	vmul.f32 v9, v6;
	v9 =	vadd.f32 $1.000000000e+00, v46  }
0x2d2: {  	v47 =	vld [tilespmem:s17+$0xFFFFFF80];
	(erf) = vrcp.f32 v18  }
0x2d3: {  	v16 =	vld [tilespmem:s31+$0xFFFFFF10];
	[tilespmem:s25+$0x0] =	vst v6;
	v6 =	vadd.f32 v20, v45;
	(erf) = vrcp.f32 v9  }
0x2d4: {  	[tilespmem:s25+$0xFFFFFF80] =	vst v8;
	v8 =	vld [tilespmem:s17+$0x0];
	v9 =	vadd.f32 v25, v24;
	(erf) = vpow2.f32 v10;
	v10 =	vpop (erf)  }
0x2d5: {  	v17 =	vld [tilespmem:s26+$0xFFFFFF10];
	v25 =	vadd.f32 v13, v6;
	v13 =	vadd.f32 $1.000000000e+00, v10  }
0x2d6: {  	v7 =	vmul.f32 v15, v7;
	v15 =	vadd.f32 v27, v26;
	v26 =	vld [tilespmem:s19+$0xFFFFFF10]  }
0x2d7: {  	v20 =	vld [tilespmem:s26+$0xFFFFFF90]  }
0x2d8: {  	v24 =	vld [tilespmem:s31+$0x10];
	v10 =	vadd.f32 v47, v9  }
0x2d9: {  	v8 =	vadd.f32 v8, v15;
	v6 =	vld [tilespmem:s26+$0x10];
	(erf) = vrcp.f32 v13;
	v13 =	vpop (erf)  }
0x2da: {  	[tilespmem:s30+$0xFFFFFF10] =	vst v7;
	v18 =	vld [tilespmem:s31+$0xFFFFFF90];
	v7 =	vmul.f32 v13, v14;
	v13 =	vsub.f32 $0.0e+00, v10  }
0x2db: {  	v4 =	vmul.f32 v21, v4;
	v15 =	vld [tilespmem:s19+$0x10];
	v21 =	vsub.f32 $0.0e+00, v8;
	v9 =	vsub.f32 $0.0e+00, v25  }
0x2dc: {  	v27 =	vld [tilespmem:s19+$0xFFFFFF90];
	v13 =	vmul.f32 $1.442695020e+00, v13  }
0x2dd: {  	v9 =	vmul.f32 $1.442695020e+00, v9;
	v49 =	vpop (erf)  }
0x2de: {  	v6 =	vadd.f32 v6, v24;
	[tilespmem:s30+$0xA0] =	vst v7;
	v7 =	vadd.f32 v17, v16;
	v16 =	vpop (erf)  }
0x2df: {  	v50 =	vld [tilespmem:s4+$0xFFFFFF20];
	[tilespmem:s30+$0xFFFFFF90] =	vst v4;
	v4 =	vadd.f32 v20, v18;
	v18 =	vmul.f32 $1.442695020e+00, v21;
	(erf) = vpow2.f32 v9;
	v21 =	vpop (erf)  }
0x2e0: {  	v6 =	vadd.f32 v15, v6;
	v17 =	vld [tilespmem:s1+$0xB0];
	v9 =	vadd.f32 v26, v7;
	(erf) = vpow2.f32 v13;
	v13 =	vpop (erf)  }
0x2e1: {  	v1 =	vmul.f32 v23, v1;
	v20 =	vld [tilespmem:s4+$0xB0];
	v7 =	vadd.f32 v27, v4;
	v4 =	vadd.f32 $1.000000000e+00, v13  }
0x2e2: {  	v23 =	vld [tilespmem:s1+$0xFFFFFFA0];
	v26 =	vsub.f32 $0.0e+00, v6  }
0x2e3: {  	[tilespmem:s30+$0x10] =	vst v1;
	v1 =	vsub.f32 $0.0e+00, v9;
	v13 =	vld [tilespmem:s14+$0xB0]  }
0x2e4: {  	v24 =	vld [tilespmem:s1+$0x20];
	(erf) = vpow2.f32 v18;
	v18 =	vsub.f32 $0.0e+00, v7;
	v26 =	vmul.f32 $1.442695020e+00, v26  }
0x2e5: {  	v14 =	vld [tilespmem:s1+$0xFFFFFF20];
	v1 =	vmul.f32 $1.442695020e+00, v1;
	(erf) = vrcp.f32 v4;
	v4 =	vpop (erf)  }
0x2e6: {  	v15 =	vld [tilespmem:s4+$0xFFFFFFA0];
	v18 =	vmul.f32 $1.442695020e+00, v18;
	v17 =	vadd.f32 v20, v17;
	v4 =	vmul.f32 v4, v19  }
0x2e7: {  	v20 =	vld [tilespmem:s14+$0xFFFFFF20];
	(erf) = vpow2.f32 v1  }
0x2e8: {  	v11 =	vmul.f32 v49, v11;
	(erf) = vpow2.f32 v18;
	v19 =	vld [tilespmem:s4+$0x20];
	[tilespmem:s25+$0x90] =	vst v4;
	v4 =	vadd.f32 v13, v17;
	v13 =	vpop (erf)  }
0x2e9: {  	(erf) = vpow2.f32 v26;
	v17 =	vld [tilespmem:s31+$0xA0];
	v26 =	vpop (erf)  }
0x2ea: {  	[tilespmem:s8+$0xFFFFFF20] =	vst v11;
	v13 =	vadd.f32 $1.000000000e+00, v13;
	v18 =	vld [tilespmem:s26+$0xA0];
	v11 =	vadd.f32 $1.000000000e+00, v26  }
0x2eb: {  	v2 =	vmul.f32 v16, v2;
	v1 =	vld [tilespmem:s14+$0xFFFFFFA0];
	v27 =	vsub.f32 $0.0e+00, v4  }
0x2ec: {  	v12 =	vmul.f32 v21, v12;
	v16 =	vld [tilespmem:s19+$0xA0];
	(erf) = vrcp.f32 v13  }
0x2ed: {  	[tilespmem:s8+$0xFFFFFFA0] =	vst v2;
	v2 =	vadd.f32 v15, v23;
	v13 =	vadd.f32 v50, v14;
	v14 =	vpop (erf);
	v21 =	vmul.f32 $1.442695020e+00, v27  }
0x2ee: {  	v51 =	vld [tilespmem:s14+$0x20];
	[tilespmem:s8+$0x20] =	vst v12;
	v15 =	vadd.f32 v19, v24;
	(erf) = vrcp.f32 v11;
	v12 =	vadd.f32 $1.000000000e+00, v14;
	v11 =	vpop (erf)  }
0x2ef: {  	v26 =	vld [tilespmem:s15+$0xFFFFFF30];
	(erf) = vpow2.f32 v21;
	v17 =	vadd.f32 v18, v17;
	v21 =	vmul.f32 v11, v22  }
0x2f0: {  	s21 =	simm.s32 $0x18900;
	v19 =	vld [tilespmem:s22+$0xFFFFFF30];
	v11 =	vadd.f32 v20, v13;
	v13 =	vadd.f32 v1, v2;
	v1 =	vpop (erf)  }
0x2f1: {  	v18 =	vld [tilespmem:s15+$0xFFFFFFB0];
	v1 =	vadd.f32 $1.000000000e+00, v1;
	[tilespmem:s21+$0x80] =	vst v21;
	v21 =	vadd.f32 v16, v17  }
0x2f2: {  	v14 =	vsub.f32 $0.0e+00, v11;
	v16 =	vpop (erf);
	v27 =	vsub.f32 $0.0e+00, v13;
	v17 =	vld [tilespmem:s0+$0x90]  }
0x2f3: {  	(erf) = vrcp.f32 v12;
	v12 =	vadd.f32 $1.000000000e+00, v16;
	v16 =	vpop (erf);
	v22 =	vld [tilespmem:s11+$0x90];
	v23 =	vsub.f32 $0.0e+00, v21  }
0x2f4: {  	v20 =	vld [tilespmem:s22+$0xFFFFFFB0];
	(erf) = vrcp.f32 v1;
	v24 =	vmul.f32 $1.442695020e+00, v14;
	v16 =	vadd.f32 $1.000000000e+00, v16  }
0x2f5: {  	(erf) = vrcp.f32 v12;
	v12 =	vld [tilespmem:s17+$0x90];
	v52 =	vpop (erf);
	v23 =	vmul.f32 $1.442695020e+00, v23  }
0x2f6: {  	v2 =	vld [tilespmem:s15+$0x30];
	v14 =	vadd.f32 v51, v15;
	(erf) = vrcp.f32 v16;
	v15 =	vmul.f32 v52, v25  }
0x2f7: {  	v16 =	vld [tilespmem:s12+$0xFFFFFF30];
	v25 =	vmul.f32 $1.442695020e+00, v27;
	v27 =	vpop (erf);
	(erf) = vpow2.f32 v23  }
0x2f8: {  	v1 =	vld [tilespmem:s22+$0x30];
	v53 =	vpop (erf);
	[tilespmem:s21+$0xFFFFFF00] =	vst v15;
	v15 =	vadd.f32 v22, v17;
	(erf) = vpow2.f32 v24  }
0x2f9: {  	v28 =	vsub.f32 $0.0e+00, v14;
	v23 =	vld [tilespmem:s12+$0xFFFFFFB0];
	v22 =	vadd.f32 $1.000000000e+00, v53;
	(erf) = vpow2.f32 v25  }
0x2fa: {  	v19 =	vadd.f32 v19, v26;
	s22 =	simm.s32 $0x10B00;
	v17 =	vld [tilespmem:s12+$0x30];
	v54 =	vadd.f32 v12, v15  }
0x2fb: {  	s12 =	simm.s32 $0x4B00;
	v25 =	vmul.f32 $1.442695020e+00, v28;
	v15 =	vadd.f32 v20, v18;
	v18 =	vld [tilespmem:s22+$0x80]  }
0x2fc: {  	(erf) = vrcp.f32 v22;
	v20 =	vpop (erf);
	v12 =	vadd.f32 v16, v19;
	v16 =	vld [tilespmem:s12+$0x80];
	v19 =	vsub.f32 $0.0e+00, v54  }
0x2fd: {  	s15 =	simm.s32 $0xCB40;
	v2 =	vadd.f32 v1, v2;
	(erf) = vpow2.f32 v25;
	v22 =	vpop (erf)  }
0x2fe: {  	v55 =	vld [tilespmem:s15+$0x80];
	v1 =	vadd.f32 v23, v15;
	v15 =	vsub.f32 $0.0e+00, v12;
	v23 =	vpop (erf);
	v19 =	vmul.f32 $1.442695020e+00, v19  }
0x2ff: {  	v56 =	vpop (erf)  }
0x300: {  	v62 =	vld [tilespmem:s15+$0xFFFFFF00];
	v2 =	vadd.f32 v17, v2;
	v15 =	vmul.f32 $1.442695020e+00, v15;
	v17 =	vpop (erf)  }
0x301: {  	v41 =	vld [tilespmem:s15+$0xFFFFFF80];
	(erf) = vpow2.f32 v19;
	v16 =	vadd.f32 v16, v18;
	v18 =	vadd.f32 $1.000000000e+00, v17;
	v17 =	vpop (erf)  }
0x302: {  	v57 =	vld [tilespmem:s22+$0xFFFFFF80];
	(erf) = vpow2.f32 v15;
	v36 =	vadd.f32 $1.000000000e+00, v17;
	v19 =	vpop (erf)  }
0x303: {  	v25 =	vld [tilespmem:s12+$0xFFFFFF00];
	v17 =	vadd.f32 v55, v16;
	(erf) = vrcp.f32 v18;
	v16 =	vadd.f32 $1.000000000e+00, v19  }
0x304: {  	v10 =	vmul.f32 v27, v10;
	v58 =	vsub.f32 $0.0e+00, v1;
	v15 =	vld [tilespmem:s22+$0xFFFFFF00];
	(erf) = vrcp.f32 v36  }
0x305: {  	v27 =	vld [tilespmem:s22+$0x0];
	v60 =	vsub.f32 $0.0e+00, v2;
	(erf) = vrcp.f32 v16;
	v16 =	vsub.f32 $0.0e+00, v17  }
0x306: {  	v24 =	vld [tilespmem:s0+$0xFFFFFF10];
	v8 =	vmul.f32 v20, v8;
	v18 =	vmul.f32 $1.442695020e+00, v58;
	v19 =	vpop (erf)  }
0x307: {  	v61 =	vld [tilespmem:s12+$0x0];
	v63 =	vmul.f32 $1.442695020e+00, v60;
	v40 =	vpop (erf);
	v16 =	vmul.f32 $1.442695020e+00, v16  }
0x308: {  	v59 =	vld [tilespmem:s12+$0xFFFFFF80];
	(erf) = vpow2.f32 v18;
	v18 =	vadd.f32 $1.000000000e+00, v40  }
0x309: {  	v26 =	vld [tilespmem:s11+$0xFFFFFF10];
	[tilespmem:s21+$0x0] =	vst v8;
	v8 =	vadd.f32 v25, v15;
	(erf) = vpow2.f32 v63  }
0x30a: {  	[tilespmem:s21+$0xFFFFFF80] =	vst v10;
	v10 =	vld [tilespmem:s15+$0x0];
	(erf) = vrcp.f32 v18  }
0x30b: {  	v20 =	vld [tilespmem:s0+$0xFFFFFF90];
	v18 =	vadd.f32 v62, v8;
	(erf) = vpow2.f32 v16;
	v16 =	vpop (erf)  }
0x30c: {  	v9 =	vmul.f32 v22, v9;
	v22 =	vadd.f32 v61, v27;
	v25 =	vld [tilespmem:s11+$0xFFFFFF90];
	v44 =	vpop (erf)  }
0x30d: {  	v27 =	vld [tilespmem:s17+$0xFFFFFF10];
	v15 =	vadd.f32 v59, v57;
	v45 =	vsub.f32 $0.0e+00, v18;
	v47 =	vpop (erf)  }
0x30e: {  	v48 =	vmul.f32 v5, v3;
	v42 =	vld [tilespmem:s0+$0x10];
	v21 =	vmul.f32 v47, v21  }
0x30f: {  	v8 =	vld [tilespmem:s11+$0x10];
	v43 =	vadd.f32 $1.000000000e+00, v16;
	v16 =	vadd.f32 v41, v15;
	v5 =	vmul.f32 $1.442695020e+00, v45  }
0x310: {  	v46 =	vld [tilespmem:s17+$0xFFFFFF90];
	v3 =	vadd.f32 v26, v24;
	v15 =	vadd.f32 v10, v22;
	v22 =	vpop (erf)  }
0x311: {  	[tilespmem:s25+$0xFFFFFF10] =	vst v9;
	v20 =	vadd.f32 v25, v20;
	v10 =	vld [tilespmem:s17+$0x10];
	(erf) = vrcp.f32 v43;
	v9 =	vsub.f32 $0.0e+00, v16;
	v26 =	vpop (erf)  }
0x312: {  	v7 =	vmul.f32 v23, v7;
	v23 =	vsub.f32 $0.0e+00, v15;
	[tilespmem:s25+$0xA0] =	vst v21;
	v21 =	vpop (erf)  }
0x313: {  	(erf) = vpow2.f32 v5;
	v49 =	vmul.f32 $1.442695020e+00, v9;
	v5 =	vpop (erf)  }
0x314: {  	[tilespmem:s25+$0xFFFFFF90] =	vst v7;
	v9 =	vadd.f32 v27, v3;
	v7 =	vmul.f32 $1.442695020e+00, v23;
	v23 =	vadd.f32 v8, v42;
	v27 =	vpop (erf)  }
0x315: {  	v8 =	vadd.f32 v46, v20;
	(erf) = vpow2.f32 v49;
	v20 =	vpop (erf)  }
0x316: {  	v24 =	vld [tilespmem:s31+$0xFFFFFF20];
	(erf) = vpow2.f32 v7;
	v7 =	vadd.f32 v10, v23;
	v10 =	vadd.f32 $1.000000000e+00, v20  }
0x317: {  	v6 =	vmul.f32 v56, v6;
	v50 =	vld [tilespmem:s26+$0xFFFFFF20]  }
0x318: {  	v3 =	vld [tilespmem:s31+$0xB0];
	v51 =	vsub.f32 $0.0e+00, v9  }
0x319: {  	[tilespmem:s25+$0x10] =	vst v6;
	v6 =	vmul.f32 v22, v11;
	v11 =	vmul.f32 v26, v13;
	v25 =	vld [tilespmem:s26+$0xB0];
	v13 =	vsub.f32 $0.0e+00, v8  }
0x31a: {  	v52 =	vld [tilespmem:s31+$0xFFFFFFA0];
	v23 =	vmul.f32 $1.442695020e+00, v51;
	(erf) = vrcp.f32 v10;
	v10 =	vpop (erf)  }
0x31b: {  	v13 =	vmul.f32 $1.442695020e+00, v13;
	v26 =	vsub.f32 $0.0e+00, v7;
	v20 =	vld [tilespmem:s19+$0xB0];
	v10 =	vmul.f32 v10, v54  }
0x31c: {  	v22 =	vld [tilespmem:s26+$0xFFFFFFA0];
	(erf) = vpow2.f32 v23  }
0x31d: {  	v26 =	vmul.f32 $1.442695020e+00, v26;
	(erf) = vpow2.f32 v13;
	v13 =	vld [tilespmem:s19+$0xFFFFFFA0];
	[tilespmem:s21+$0x90] =	vst v10  }
0x31e: {  	v3 =	vadd.f32 v25, v3;
	v10 =	vadd.f32 v50, v24;
	v24 =	vld [tilespmem:s0+$0xA0]  }
0x31f: {  	v14 =	vmul.f32 v27, v14;
	v54 =	vadd.f32 $1.000000000e+00, v44;
	v27 =	vld [tilespmem:s11+$0xA0]  }
0x320: {  	v21 =	vadd.f32 $1.000000000e+00, v21;
	v3 =	vadd.f32 v20, v3;
	v20 =	vpop (erf);
	(erf) = vpow2.f32 v26  }
0x321: {  	v53 =	vld [tilespmem:s31+$0x20];
	v56 =	vadd.f32 $1.000000000e+00, v5;
	v20 =	vadd.f32 $1.000000000e+00, v20;
	v26 =	vpop (erf);
	(erf) = vrcp.f32 v54  }
0x322: {  	[tilespmem:s30+$0xFFFFFF20] =	vst v6;
	v6 =	vadd.f32 v22, v52;
	v23 =	vld [tilespmem:s19+$0xFFFFFF20];
	v5 =	vadd.f32 $1.000000000e+00, v26;
	(erf) = vrcp.f32 v21  }
0x323: {  	(erf) = vrcp.f32 v20;
	v20 =	vld [tilespmem:s17+$0xA0]  }
0x324: {  	v25 =	vld [tilespmem:s26+$0x20];
	v21 =	vpop (erf);
	(erf) = vrcp.f32 v5;
	v5 =	vadd.f32 v13, v6;
	v13 =	vadd.f32 v27, v24  }
0x325: {  	v55 =	vsub.f32 $0.0e+00, v3  }
0x326: {  	v26 =	vld [tilespmem:s19+$0x20];
	v6 =	vpop (erf)  }
0x327: {  	[tilespmem:s30+$0x20] =	vst v14;
	v22 =	vmul.f32 $1.442695020e+00, v55;
	v21 =	vadd.f32 $1.000000000e+00, v21;
	v6 =	vmul.f32 v6, v17;
	v14 =	vpop (erf)  }
0x328: {  	s13 =	simm.s32 $0x18B00;
	v19 =	vmul.f32 v19, v4;
	v57 =	vld [tilespmem:s1+$0xFFFFFF30];
	[tilespmem:s30+$0xFFFFFFA0] =	vst v11;
	v10 =	vadd.f32 v23, v10;
	v17 =	vadd.f32 v20, v13;
	v13 =	vpop (erf)  }
0x329: {  	v11 =	vld [tilespmem:s4+$0xFFFFFF30];
	v25 =	vadd.f32 v25, v53;
	(erf) = vpow2.f32 v22;
	[tilespmem:s13+$0x80] =	vst v6;
	v6 =	vadd.f32 $1.000000000e+00, v14;
	v14 =	vpop (erf)  }
0x32a: {  	v60 =	vld [tilespmem:s4+$0x30];
	(erf) = vrcp.f32 v21;
	v21 =	vsub.f32 $0.0e+00, v10;
	v14 =	vadd.f32 $1.000000000e+00, v14  }
0x32b: {  	v4 =	vadd.f32 v26, v25;
	v25 =	vld [tilespmem:s4+$0xFFFFFFB0];
	(erf) = vrcp.f32 v56;
	v13 =	vadd.f32 $1.000000000e+00, v13  }
0x32c: {  	v24 =	vld [tilespmem:s1+$0xFFFFFFB0];
	(erf) = vrcp.f32 v6;
	v59 =	vpop (erf)  }
0x32d: {  	v27 =	vmul.f32 $1.442695020e+00, v21;
	v21 =	vsub.f32 $0.0e+00, v5;
	v26 =	vld [tilespmem:s22+$0x90];
	(erf) = vrcp.f32 v13;
	v6 =	vpop (erf)  }
0x32e: {  	v23 =	vsub.f32 $0.0e+00, v4;
	v58 =	vld [tilespmem:s12+$0x90];
	v22 =	vsub.f32 $0.0e+00, v17;
	(erf) = vrcp.f32 v14;
	v14 =	vpop (erf)  }
0x32f: {  	v20 =	vld [tilespmem:s1+$0x30];
	v13 =	vmul.f32 $1.442695020e+00, v21;
	v21 =	vadd.f32 v11, v57;
	v11 =	vmul.f32 v14, v18  }
0x330: {  	v61 =	vld [tilespmem:s15+$0x90];
	v62 =	vmul.f32 $1.442695020e+00, v22  }
0x331: {  	v22 =	vmul.f32 $1.442695020e+00, v23;
	v23 =	vld [tilespmem:s14+$0xFFFFFF30];
	v18 =	vpop (erf)  }
0x332: {  	[tilespmem:s8+$0xB0] =	vst v48;
	(erf) = vpow2.f32 v62;
	v14 =	vadd.f32 v25, v24;
	v18 =	vmul.f32 v18, v16;
	v24 =	vpop (erf);
	v16 =	vld [tilespmem:s14+$0xFFFFFFB0]  }
0x333: {  	v28 =	vadd.f32 v58, v26;
	(erf) = vpow2.f32 v27;
	[tilespmem:s13+$0xFFFFFF00] =	vst v11;
	v63 =	vadd.f32 $1.000000000e+00, v24;
	v24 =	vld [tilespmem:s14+$0x30];
	v11 =	vpop (erf)  }
0x334: {  	s10 =	simm.s32 $0x4B00;
	[tilespmem:s30+$0xB0] =	vst v19;
	v26 =	vadd.f32 v60, v20;
	(erf) = vpow2.f32 v13;
	v19 =	vld [tilespmem:s22+$0xFFFFFF10];
	v25 =	vmul.f32 v11, v15  }
0x335: {  	s4 =	simm.s32 $0x10D00;
	s1 =	simm.s32 $0xCB40;
	v12 =	vmul.f32 v59, v12;
	s14 =	simm.s32 $0x10;
	[tilespmem:s13+$0xFFFFFF80] =	vst v18;
	v20 =	vld [tilespmem:s12+$0xFFFFFF10];
	v18 =	vadd.f32 v61, v28;
	(erf) = vrcp.f32 v63;
	v11 =	vpop (erf)  }
.LBB2_9:
0x336: {  	v15 =	vld [tilespmem:s4+$0x80];
	[tilespmem:s13+$0x0] =	vst v25;
	s12 =	sadd.s32 $0x200, s12;
	(erf) = vpow2.f32 v22;
	v13 =	vadd.f32 v23, v21;
	v6 =	vmul.f32 v6, v1  }
0x337: {  	v11 =	vmul.f32 v11, v2;
	v21 =	vld [tilespmem:s12+$0x80];
	v22 =	vsub.f32 $0.0e+00, v18;
	v23 =	vpop (erf);
	v1 =	vadd.f32 v16, v14;
	[tilespmem:s8+$0xFFFFFF30] =	vst v12  }
0x338: {  	s15 =	sadd.s32 $0x200, s15;
	v12 =	vld [tilespmem:s12+$0xFFFFFF00];
	v9 =	vmul.f32 v23, v9;
	v14 =	vpop (erf);
	v16 =	vsub.f32 $0.0e+00, v13;
	v2 =	vadd.f32 v24, v26;
	[tilespmem:s8+$0xFFFFFFB0] =	vst v6  }
0x339: {  	v6 =	vld [tilespmem:s15+$0x80];
	v22 =	vmul.f32 $1.442695020e+00, v22;
	v24 =	vmul.f32 v14, v8;
	v14 =	vpop (erf);
	v23 =	vsub.f32 $0.0e+00, v1;
	[tilespmem:s8+$0x30] =	vst v11;
	s8 =	smov.u32 s30;
	s30 =	smov.u32 s25;
	s25 =	smov.u32 s21  }
0x33a: {  	s14 =	sadd.s32 $0x4, s14;
	s21 =	smov.u32 s13;
	v11 =	vld [tilespmem:s4+$0xFFFFFF80];
	v19 =	vadd.f32 v20, v19;
	[tilespmem:s25+$0xFFFFFF10] =	vst v9;
	v7 =	vmul.f32 v14, v7;
	v9 =	vsub.f32 $0.0e+00, v2  }
0x33b: {  	p0 =	slt.u32 s14, $0x7C;
	v16 =	vmul.f32 $1.442695020e+00, v16;
	v14 =	vld [tilespmem:s12+$0xFFFFFF80];
	(erf) = vpow2.f32 v22;
	[tilespmem:s25+$0xFFFFFF90] =	vst v24;
	v8 =	vpop (erf)  }
0x33c: {  	v20 =	vld [tilespmem:s4+$0x0];
	v24 =	vadd.f32 v21, v15;
	[tilespmem:s25+$0x10] =	vst v7;
	v7 =	vadd.f32 $1.000000000e+00, v8;
	v8 =	vpop (erf);
	v21 =	vmul.f32 $1.442695020e+00, v23  }
0x33d: {  	v9 =	vmul.f32 $1.442695020e+00, v9;
	v22 =	vld [tilespmem:s12+$0x0];
	v25 =	vadd.f32 $1.000000000e+00, v8;
	v23 =	vpop (erf);
	(erf) = vpow2.f32 v16  }
0x33e: {  	v16 =	vld [tilespmem:s4+$0xFFFFFF00];
	v6 =	vadd.f32 v6, v24;
	(erf) = vrcp.f32 v7;
	v7 =	vadd.f32 $1.000000000e+00, v23;
	v15 =	vpop (erf)  }
0x33f: {  	v23 =	vld [tilespmem:s15+$0xFFFFFF00];
	v3 =	vmul.f32 v15, v3;
	(erf) = vrcp.f32 v25;
	v8 =	vpop (erf)  }
0x340: {  	v11 =	vadd.f32 v14, v11;
	v15 =	vld [tilespmem:s15+$0xFFFFFF80];
	v14 =	vsub.f32 $0.0e+00, v6;
	(erf) = vrcp.f32 v7  }
0x341: {  	v8 =	vadd.f32 $1.000000000e+00, v8;
	v7 =	vld [tilespmem:s15+$0x0];
	[tilespmem:s30+$0xB0] =	vst v3;
	(erf) = vpow2.f32 v21  }
0x342: {  	v3 =	vadd.f32 v22, v20;
	v14 =	vmul.f32 $1.442695020e+00, v14;
	v20 =	vld [tilespmem:s22+$0xFFFFFF90];
	(erf) = vpow2.f32 v9  }
0x343: {  	v9 =	vadd.f32 v12, v16;
	v16 =	vld [tilespmem:s10+$0xFFFFFF90];
	(erf) = vrcp.f32 v8  }
0x344: {  	(erf) = vpow2.f32 v14;
	v8 =	vld [tilespmem:s22+$0x10];
	v12 =	vpop (erf)  }
0x345: {  	v14 =	vadd.f32 v23, v9;
	v9 =	vld [tilespmem:s10+$0x10];
	v23 =	vadd.f32 $1.000000000e+00, v12  }
0x346: {  	v12 =	vadd.f32 v15, v11;
	v11 =	vadd.f32 v7, v3;
	v3 =	vld [tilespmem:s1+$0xFFFFFF10];
	v7 =	vpop (erf)  }
0x347: {  	v15 =	vsub.f32 $0.0e+00, v14;
	v22 =	vld [tilespmem:s1+$0xFFFFFF90];
	(erf) = vrcp.f32 v23;
	v21 =	vpop (erf);
	v23 =	vadd.f32 $1.000000000e+00, v7  }
0x348: {  	v7 =	vsub.f32 $0.0e+00, v12;
	v24 =	vsub.f32 $0.0e+00, v11;
	v25 =	vld [tilespmem:s1+$0x10];
	v28 =	vmul.f32 v21, v17;
	v21 =	vpop (erf)  }
0x349: {  	v30 =	vadd.f32 v16, v20;
	v15 =	vmul.f32 $1.442695020e+00, v15;
	v20 =	vld [tilespmem:s0+$0xFFFFFF20];
	v29 =	vmul.f32 v21, v10;
	v21 =	vpop (erf)  }
0x34a: {  	v7 =	vmul.f32 $1.442695020e+00, v7;
	v24 =	vmul.f32 $1.442695020e+00, v24;
	v26 =	vadd.f32 v9, v8;
	v27 =	vld [tilespmem:s11+$0xFFFFFF20];
	[tilespmem:s25+$0xA0] =	vst v28;
	v17 =	vpop (erf)  }
0x34b: {  	v5 =	vmul.f32 v21, v5;
	(erf) = vpow2.f32 v15;
	v9 =	vadd.f32 v3, v19;
	v3 =	vld [tilespmem:s0+$0xB0];
	[tilespmem:s30+$0xFFFFFF20] =	vst v29;
	v10 =	vpop (erf)  }
0x34c: {  	v17 =	vadd.f32 $1.000000000e+00, v17;
	(erf) = vpow2.f32 v7;
	v8 =	vadd.f32 v22, v30;
	v15 =	vld [tilespmem:s11+$0xB0];
	v16 =	vpop (erf)  }
0x34d: {  	(erf) = vpow2.f32 v24;
	v19 =	vpop (erf);
	v21 =	vsub.f32 $0.0e+00, v9;
	v7 =	vadd.f32 v25, v26;
	v22 =	vld [tilespmem:s0+$0xFFFFFFA0];
	[tilespmem:s30+$0xFFFFFFA0] =	vst v5  }
0x34e: {  	v4 =	vmul.f32 v16, v4;
	v5 =	vadd.f32 $1.000000000e+00, v19;
	v26 =	vsub.f32 $0.0e+00, v8;
	v24 =	vld [tilespmem:s17+$0xB0]  }
0x34f: {  	v16 =	vmul.f32 $1.442695020e+00, v21;
	v21 =	vsub.f32 $0.0e+00, v7;
	v20 =	vadd.f32 v27, v20;
	v25 =	vld [tilespmem:s11+$0xFFFFFFA0]  }
0x350: {  	v27 =	vadd.f32 $1.000000000e+00, v10;
	(erf) = vrcp.f32 v5;
	v5 =	vmul.f32 $1.442695020e+00, v26;
	v19 =	vpop (erf);
	v26 =	vld [tilespmem:s0+$0x20];
	[tilespmem:s30+$0x20] =	vst v4  }
0x351: {  	v4 =	vmul.f32 $1.442695020e+00, v21;
	v19 =	vmul.f32 v19, v18;
	v18 =	vld [tilespmem:s11+$0x20];
	v3 =	vadd.f32 v15, v3  }
0x352: {  	(erf) = vpow2.f32 v16;
	v15 =	vld [tilespmem:s17+$0xFFFFFF20]  }
0x353: {  	[tilespmem:s13+$0x90] =	vst v19;
	(erf) = vpow2.f32 v5;
	v5 =	vld [tilespmem:s17+$0xFFFFFFA0];
	v3 =	vadd.f32 v24, v3  }
0x354: {  	v10 =	vpop (erf);
	v16 =	vld [tilespmem:s22+$0xA0];
	(erf) = vpow2.f32 v4;
	v4 =	vadd.f32 v25, v22  }
0x355: {  	v10 =	vadd.f32 $1.000000000e+00, v10;
	v19 =	vpop (erf);
	v21 =	vld [tilespmem:s10+$0xA0];
	v22 =	vsub.f32 $0.0e+00, v3;
	(erf) = vrcp.f32 v23  }
0x356: {  	v19 =	vadd.f32 $1.000000000e+00, v19;
	v23 =	vpop (erf);
	v18 =	vadd.f32 v18, v26;
	v24 =	vld [tilespmem:s17+$0x20];
	(erf) = vrcp.f32 v17  }
0x357: {  	v17 =	vadd.f32 $1.000000000e+00, v23;
	(erf) = vrcp.f32 v10;
	v23 =	vld [tilespmem:s1+$0xA0];
	v22 =	vmul.f32 $1.442695020e+00, v22  }
0x358: {  	v10 =	vadd.f32 v15, v20;
	(erf) = vrcp.f32 v19;
	v5 =	vadd.f32 v5, v4;
	v15 =	vld [tilespmem:s31+$0xFFFFFF30]  }
0x359: {  	v4 =	vpop (erf);
	(erf) = vpow2.f32 v22;
	v19 =	vld [tilespmem:s26+$0xFFFFFF30]  }
0x35a: {  	v6 =	vmul.f32 v4, v6;
	(erf) = vrcp.f32 v17;
	v25 =	vadd.f32 v21, v16;
	v20 =	vld [tilespmem:s31+$0xFFFFFFB0]  }
0x35b: {  	s13 =	sadd.s32 $0x200, s13;
	v21 =	vsub.f32 $0.0e+00, v10;
	v17 =	vpop (erf);
	v4 =	vadd.f32 v24, v18;
	v18 =	vld [tilespmem:s26+$0xFFFFFFB0];
	(erf) = vrcp.f32 v27  }
0x35c: {  	[tilespmem:s13+$0x80] =	vst v6;
	v31 =	vadd.f32 $1.000000000e+00, v17;
	v17 =	vadd.f32 v23, v25;
	v16 =	vpop (erf);
	v26 =	vld [tilespmem:s31+$0x30];
	s31 =	smov.u32 s0;
	s0 =	smov.u32 s22;
	s22 =	smov.u32 s4  }
0x35d: {  	v25 =	vmul.f32 $1.442695020e+00, v21;
	v21 =	vsub.f32 $0.0e+00, v5;
	v24 =	vld [tilespmem:s4+$0x90];
	v16 =	vadd.f32 $1.000000000e+00, v16;
	v22 =	vpop (erf)  }
0x35e: {  	v27 =	vld [tilespmem:s12+$0x90];
	v22 =	vadd.f32 $1.000000000e+00, v22;
	v23 =	vsub.f32 $0.0e+00, v17;
	(erf) = vrcp.f32 v31;
	v28 =	vpop (erf)  }
0x35f: {  	v29 =	vmul.f32 $1.442695020e+00, v21;
	(erf) = vrcp.f32 v16;
	v16 =	vsub.f32 $0.0e+00, v4;
	v30 =	vld [tilespmem:s26+$0x30];
	v6 =	vpop (erf);
	s26 =	smov.u32 s11;
	s11 =	smov.u32 s10;
	s10 =	smov.u32 s12  }
0x360: {  	v21 =	vadd.f32 v19, v15;
	v31 =	vld [tilespmem:s15+$0x90];
	v32 =	vpop (erf);
	v33 =	vmul.f32 $1.442695020e+00, v23;
	(erf) = vrcp.f32 v22  }
.Ltmp3:
0x361: {  	v15 =	vmul.f32 v32, v14;
	v19 =	vpop (erf);
	v22 =	vmul.f32 $1.442695020e+00, v16;
	v23 =	vld [tilespmem:s19+$0xFFFFFF30];
	v14 =	vadd.f32 v18, v20;
	(pc) =	sbr.rel @p0 .LBB2_9-.Ltmp3, $4  }
0x362: {  	v12 =	vmul.f32 v19, v12;
	(erf) = vpow2.f32 v33;
	v18 =	vpop (erf);
	v16 =	vld [tilespmem:s19+$0xFFFFFFB0]  }
0x363: {  	[tilespmem:s13+$0xFFFFFF00] =	vst v15;
	v15 =	vadd.f32 v27, v24;
	v20 =	vpop (erf);
	v27 =	vadd.f32 $1.000000000e+00, v18;
	(erf) = vpow2.f32 v25;
	v24 =	vld [tilespmem:s19+$0x30];
	s19 =	smov.u32 s17;
	s17 =	smov.u32 s1;
	s1 =	smov.u32 s15  }
0x364: {  	v19 =	vld [tilespmem:s4+$0xFFFFFF10];
	[tilespmem:s13+$0xFFFFFF80] =	vst v12;
	v25 =	vmul.f32 v20, v11;
	(erf) = vpow2.f32 v29;
	v26 =	vadd.f32 v30, v26;
	v11 =	vpop (erf)  }
0x365: {  	s4 =	sadd.s32 $0x200, s4;
	v12 =	vmul.f32 v28, v13;
	v20 =	vld [tilespmem:s12+$0xFFFFFF10];
	v18 =	vadd.f32 v31, v15;
	(erf) = vrcp.f32 v27  }
0x366: {  	_ = 	snop  }
0x367: {  	v13 =	vsub.f32 $0.0e+00, v18;
	_ =	sdelay $0x1  }
0x368: {  	v15 =	vmul.f32 $1.442695020e+00, v13  }
0x369: {  	(erf) = vpow2.f32 v22;
	v48 =	vpop (erf);
	v13 =	vadd.f32 v23, v21  }
0x36a: {  	v49 =	vpop (erf);
	(erf) = vpow2.f32 v15  }
0x36b: {  	v27 =	vpop (erf);
	v21 =	vsub.f32 $0.0e+00, v13  }
0x36c: {  	v50 =	vpop (erf)  }
0x36d: {  	v15 =	vadd.f32 v16, v14;
	v16 =	vadd.f32 $1.000000000e+00, v50;
	v21 =	vmul.f32 $1.442695020e+00, v21  }
0x36e: {  	v14 =	vadd.f32 v24, v26;
	v51 =	vpop (erf)  }
0x36f: {  	v52 =	vsub.f32 $0.0e+00, v15;
	v24 =	vadd.f32 $1.000000000e+00, v51;
	v28 =	vpop (erf);
	(erf) = vpow2.f32 v21  }
0x370: {  	v53 =	vsub.f32 $0.0e+00, v14;
	v28 =	vadd.f32 $1.000000000e+00, v28;
	(erf) = vrcp.f32 v16  }
0x371: {  	v26 =	vmul.f32 $1.442695020e+00, v52;
	v16 =	vpop (erf);
	(erf) = vrcp.f32 v24  }
0x372: {  	v21 =	vmul.f32 $1.442695020e+00, v53;
	v54 =	vpop (erf);
	(erf) = vrcp.f32 v28  }
0x373: {  	v55 =	vld [tilespmem:s22+$0xFFFFFF90];
	v24 =	vadd.f32 $1.000000000e+00, v54;
	(erf) = vpow2.f32 v26;
	v56 =	vpop (erf)  }
0x374: {  	v57 =	vld [tilespmem:s10+$0xFFFFFF90];
	(erf) = vpow2.f32 v21;
	v58 =	vadd.f32 $1.000000000e+00, v56  }
0x375: {  	[tilespmem:s13+$0x0] =	vst v25;
	v61 =	vld [tilespmem:s1+$0xFFFFFF10];
	(erf) = vrcp.f32 v24  }
0x376: {  	v59 =	vld [tilespmem:s22+$0x10];
	(erf) = vrcp.f32 v58  }
0x377: {  	v60 =	vld [tilespmem:s10+$0x10]  }
0x378: {  	v30 =	vld [tilespmem:s1+$0xFFFFFF90];
	v29 =	vpop (erf)  }
0x379: {  	v32 =	vld [tilespmem:s1+$0x10];
	v31 =	vpop (erf)  }
0x37a: {  	v19 =	vadd.f32 v20, v19;
	v33 =	vpop (erf)  }
0x37b: {  	v62 =	vadd.f32 v57, v55;
	v17 =	vmul.f32 v31, v17;
	v26 =	vpop (erf)  }
0x37c: {  	v19 =	vadd.f32 v61, v19;
	v24 =	vadd.f32 v60, v59;
	v63 =	vpop (erf)  }
0x37d: {  	v21 =	vadd.f32 v30, v62;
	[tilespmem:s21+$0xA0] =	vst v17;
	v36 =	vpop (erf)  }
0x37e: {  	v38 =	vsub.f32 $0.0e+00, v19;
	v20 =	vadd.f32 v32, v24;
	v37 =	vld [tilespmem:s0+$0xB0];
	v30 =	vpop (erf)  }
0x37f: {  	v40 =	vsub.f32 $0.0e+00, v21;
	v39 =	vld [tilespmem:s11+$0xB0];
	v34 =	vpop (erf)  }
0x380: {  	v35 =	vsub.f32 $0.0e+00, v20;
	v31 =	vmul.f32 $1.442695020e+00, v38;
	v41 =	vmul.f32 v34, v18  }
0x381: {  	v9 =	vmul.f32 v48, v9;
	v32 =	vmul.f32 $1.442695020e+00, v40;
	v42 =	vld [tilespmem:s17+$0xB0]  }
0x382: {  	v43 =	vmul.f32 $1.442695020e+00, v35;
	(erf) = vpow2.f32 v31;
	[tilespmem:s13+$0x90] =	vst v41  }
0x383: {  	(erf) = vpow2.f32 v32;
	v18 =	vld [tilespmem:s22+$0xA0]  }
0x384: {  	[tilespmem:s21+$0xFFFFFF10] =	vst v9;
	(erf) = vpow2.f32 v43;
	v44 =	vadd.f32 v39, v37;
	v45 =	vld [tilespmem:s10+$0xA0]  }
0x385: {  	v23 =	vmul.f32 v49, v8;
	v46 =	vld [tilespmem:s0+$0xFFFFFF20]  }
0x386: {  	v8 =	vadd.f32 v42, v44;
	v47 =	vld [tilespmem:s1+$0xA0]  }
0x387: {  	v7 =	vmul.f32 v27, v7;
	[tilespmem:s21+$0xFFFFFF90] =	vst v23;
	v48 =	vld [tilespmem:s11+$0xFFFFFF20]  }
0x388: {  	v50 =	vld [tilespmem:s0+$0xFFFFFFA0];
	v49 =	vadd.f32 $1.000000000e+00, v29;
	v51 =	vsub.f32 $0.0e+00, v8  }
0x389: {  	[tilespmem:s21+$0x10] =	vst v7;
	v61 =	vld [tilespmem:s17+$0xFFFFFFA0];
	v52 =	vmul.f32 v33, v10;
	v53 =	vadd.f32 $1.000000000e+00, v63;
	v18 =	vadd.f32 v45, v18  }
0x38a: {  	v55 =	vld [tilespmem:s0+$0x20];
	(erf) = vrcp.f32 v49;
	v56 =	vmul.f32 $1.442695020e+00, v51  }
0x38b: {  	v57 =	vld [tilespmem:s11+$0x20];
	v17 =	vadd.f32 $1.000000000e+00, v36;
	(erf) = vrcp.f32 v53;
	v58 =	vpop (erf);
	v18 =	vadd.f32 v47, v18  }
0x38c: {  	v54 =	vld [tilespmem:s11+$0xFFFFFFA0];
	v10 =	vadd.f32 $1.000000000e+00, v58;
	v60 =	vpop (erf);
	(erf) = vpow2.f32 v56  }
0x38d: {  	v59 =	vld [tilespmem:s17+$0xFFFFFF20];
	[tilespmem:s25+$0xFFFFFF20] =	vst v52;
	v62 =	vadd.f32 $1.000000000e+00, v60;
	v63 =	vpop (erf);
	(erf) = vrcp.f32 v17;
	v36 =	vsub.f32 $0.0e+00, v18  }
0x38e: {  	v38 =	vld [tilespmem:s26+$0xFFFFFF30];
	v23 =	vadd.f32 $1.000000000e+00, v63;
	(erf) = vrcp.f32 v10  }
0x38f: {  	v37 =	vld [tilespmem:s31+$0xFFFFFF30];
	(erf) = vrcp.f32 v62;
	v39 =	vmul.f32 $1.442695020e+00, v36  }
0x390: {  	v40 =	vadd.f32 v48, v46;
	v41 =	vld [tilespmem:s17+$0x20];
	(erf) = vrcp.f32 v23  }
0x391: {  	v43 =	vld [tilespmem:s19+$0xFFFFFF30];
	v42 =	vadd.f32 v54, v50;
	(erf) = vpow2.f32 v39  }
0x392: {  	v27 =	vadd.f32 v59, v40  }
0x393: {  	v44 =	vadd.f32 v57, v55;
	v10 =	vpop (erf);
	v23 =	vadd.f32 v61, v42  }
0x394: {  	v46 =	vadd.f32 v38, v37;
	v45 =	vsub.f32 $0.0e+00, v27;
	v9 =	vpop (erf)  }
0x395: {  	v22 =	vadd.f32 v41, v44;
	v47 =	vsub.f32 $0.0e+00, v23;
	v48 =	vpop (erf)  }
0x396: {  	v7 =	vadd.f32 v43, v46;
	v49 =	vmul.f32 $1.442695020e+00, v45;
	v17 =	vpop (erf)  }
0x397: {  	v5 =	vmul.f32 v26, v5;
	v51 =	vsub.f32 $0.0e+00, v22;
	v50 =	vmul.f32 $1.442695020e+00, v47;
	v52 =	vpop (erf)  }
0x398: {  	v55 =	vsub.f32 $0.0e+00, v7;
	(erf) = vpow2.f32 v49;
	v53 =	vadd.f32 $1.000000000e+00, v48;
	v54 =	vpop (erf)  }
0x399: {  	v25 =	vmul.f32 $1.442695020e+00, v51;
	(erf) = vpow2.f32 v50;
	v56 =	vpop (erf)  }
0x39a: {  	v31 =	vmul.f32 $1.442695020e+00, v55;
	(erf) = vrcp.f32 v53;
	v57 =	vpop (erf)  }
0x39b: {  	(erf) = vpow2.f32 v25;
	v58 =	vadd.f32 $1.000000000e+00, v57  }
0x39c: {  	[tilespmem:s25+$0xFFFFFFA0] =	vst v5;
	(erf) = vpow2.f32 v31  }
0x39d: {  	v5 =	vld [tilespmem:s31+$0xFFFFFFB0];
	(erf) = vrcp.f32 v58  }
0x39e: {  	v59 =	vld [tilespmem:s26+$0xFFFFFFB0];
	_ =	sdelay $0x1  }
0x39f: {  	v60 =	vld [tilespmem:s19+$0xFFFFFFB0]  }
0x3a0: {  	v61 =	vpop (erf)  }
0x3a1: {  	v4 =	vmul.f32 v30, v4;
	v62 =	vpop (erf)  }
0x3a2: {  	v25 =	vadd.f32 v59, v5;
	v5 =	vpop (erf)  }
0x3a3: {  	[tilespmem:s25+$0x20] =	vst v4;
	v63 =	vpop (erf)  }
0x3a4: {  	v37 =	vld [tilespmem:s31+$0x30];
	v4 =	vadd.f32 v60, v25;
	v36 =	vpop (erf)  }
0x3a5: {  	v39 =	vld [tilespmem:s26+$0x30];
	v38 =	vpop (erf)  }
0x3a6: {  	v40 =	vsub.f32 $0.0e+00, v4;
	v31 =	vadd.f32 $1.000000000e+00, v61;
	v18 =	vmul.f32 v38, v18  }
0x3a7: {  	v41 =	vld [tilespmem:s19+$0x30];
	v32 =	vadd.f32 $1.000000000e+00, v62  }
0x3a8: {  	v35 =	vmul.f32 $1.442695020e+00, v40;
	(erf) = vrcp.f32 v31;
	[tilespmem:s13+$0xA0] =	vst v18  }
0x3a9: {  	(erf) = vrcp.f32 v32;
	v42 =	vld [tilespmem:s22+$0xB0]  }
0x3aa: {  	v44 =	vadd.f32 v39, v37;
	(erf) = vpow2.f32 v35;
	v43 =	vld [tilespmem:s10+$0xB0];
	_ =	sdelay $0x1  }
0x3ab: {  	v18 =	vadd.f32 v41, v44;
	v45 =	vld [tilespmem:s1+$0xB0]  }
0x3ac: {  	v19 =	vmul.f32 v52, v19  }
0x3ad: {  	v46 =	vsub.f32 $0.0e+00, v18  }
0x3ae: {  	[tilespmem:s13+$0xFFFFFF10] =	vst v19;
	v47 =	vadd.f32 v43, v42  }
0x3af: {  	v21 =	vmul.f32 v54, v21;
	v48 =	vld [tilespmem:s22+$0xFFFFFF20];
	v49 =	vmul.f32 $1.442695020e+00, v46  }
0x3b0: {  	v51 =	vld [tilespmem:s10+$0xFFFFFF20];
	v50 =	vpop (erf);
	v19 =	vadd.f32 v45, v47  }
0x3b1: {  	v20 =	vmul.f32 v56, v20;
	[tilespmem:s13+$0xFFFFFF90] =	vst v21;
	v60 =	vld [tilespmem:s1+$0xFFFFFF20];
	v52 =	vadd.f32 $1.000000000e+00, v63;
	v53 =	vpop (erf);
	(erf) = vpow2.f32 v49  }
0x3b2: {  	v54 =	vld [tilespmem:s22+$0xFFFFFFA0];
	v55 =	vadd.f32 $1.000000000e+00, v36;
	v56 =	vpop (erf);
	v58 =	vsub.f32 $0.0e+00, v19  }
0x3b3: {  	[tilespmem:s13+$0x10] =	vst v20;
	v57 =	vld [tilespmem:s10+$0xFFFFFFA0];
	(erf) = vrcp.f32 v52;
	v21 =	vadd.f32 $1.000000000e+00, v56  }
0x3b4: {  	v59 =	vld [tilespmem:s22+$0x20];
	(erf) = vrcp.f32 v55;
	v61 =	vmul.f32 $1.442695020e+00, v58  }
0x3b5: {  	v62 =	vld [tilespmem:s1+$0xFFFFFFA0];
	(erf) = vrcp.f32 v21  }
0x3b6: {  	v31 =	vadd.f32 v51, v48;
	v63 =	vld [tilespmem:s10+$0x20];
	(erf) = vpow2.f32 v61;
	_ =	sdelay $0x1  }
0x3b7: {  	v34 =	vld [tilespmem:s1+$0x20];
	v25 =	vadd.f32 v57, v54;
	v20 =	vadd.f32 v60, v31;
	v24 =	vmul.f32 v50, v27;
	_ =	sdelay $0x1  }
0x3b8: {  	v37 =	vsub.f32 $0.0e+00, v20;
	v23 =	vmul.f32 v53, v23;
	[tilespmem:s21+$0xFFFFFF20] =	vst v24;
	v24 =	vadd.f32 v62, v25;
	v35 =	vpop (erf)  }
0x3b9: {  	v36 =	vld [tilespmem:s0+$0xFFFFFF30];
	v21 =	vadd.f32 v63, v59;
	v39 =	vadd.f32 $1.000000000e+00, v35  }
0x3ba: {  	[tilespmem:s21+$0xFFFFFFA0] =	vst v23;
	v40 =	vld [tilespmem:s11+$0xFFFFFF30];
	v41 =	vsub.f32 $0.0e+00, v24;
	v43 =	vmul.f32 $1.442695020e+00, v37;
	v38 =	vpop (erf)  }
0x3bb: {  	v44 =	vld [tilespmem:s11+$0xFFFFFFB0];
	v21 =	vadd.f32 v34, v21;
	v22 =	vmul.f32 v38, v22;
	v28 =	vpop (erf);
	(erf) = vrcp.f32 v39  }
0x3bc: {  	v45 =	vmul.f32 $1.442695020e+00, v41;
	v47 =	vld [tilespmem:s17+$0xFFFFFF30];
	v30 =	vpop (erf);
	(erf) = vpow2.f32 v43  }
0x3bd: {  	v42 =	vld [tilespmem:s0+$0xFFFFFFB0];
	v46 =	vsub.f32 $0.0e+00, v21;
	[tilespmem:s21+$0x20] =	vst v22;
	v48 =	vpop (erf)  }
0x3be: {  	v49 =	vld [tilespmem:s0+$0x30];
	(erf) = vpow2.f32 v45;
	v33 =	vadd.f32 $1.000000000e+00, v48  }
0x3bf: {  	v25 =	vadd.f32 v40, v36;
	v22 =	vmul.f32 $1.442695020e+00, v46;
	v50 =	vld [tilespmem:s11+$0x30]  }
0x3c0: {  	v51 =	vld [tilespmem:s17+$0xFFFFFFB0];
	(erf) = vrcp.f32 v33  }
0x3c1: {  	v52 =	vld [tilespmem:s17+$0x30];
	(erf) = vpow2.f32 v22;
	v22 =	vadd.f32 v47, v25;
	_ =	sdelay $0x1  }
0x3c2: {  	v53 =	vadd.f32 v44, v42;
	v54 =	vsub.f32 $0.0e+00, v22  }
0x3c3: {  	v23 =	vadd.f32 v50, v49;
	v29 =	vpop (erf)  }
0x3c4: {  	v25 =	vadd.f32 v51, v53;
	v56 =	vpop (erf);
	v55 =	vmul.f32 $1.442695020e+00, v54  }
0x3c5: {  	v23 =	vadd.f32 v52, v23;
	v27 =	vadd.f32 $1.000000000e+00, v56  }
0x3c6: {  	v57 =	vsub.f32 $0.0e+00, v25;
	v58 =	vpop (erf);
	(erf) = vpow2.f32 v55  }
0x3c7: {  	v33 =	vsub.f32 $0.0e+00, v23;
	v59 =	vadd.f32 $1.000000000e+00, v58;
	(erf) = vrcp.f32 v27  }
0x3c8: {  	v31 =	vmul.f32 $1.442695020e+00, v57;
	v32 =	vpop (erf)  }
0x3c9: {  	v60 =	vmul.f32 $1.442695020e+00, v33;
	(erf) = vrcp.f32 v59;
	v61 =	vpop (erf)  }
0x3ca: {  	(erf) = vpow2.f32 v31;
	v62 =	vadd.f32 $1.000000000e+00, v61  }
0x3cb: {  	(erf) = vpow2.f32 v60  }
0x3cc: {  	(erf) = vrcp.f32 v62;
	_ =	sdelay $0x2  }
0x3cd: {  	v63 =	vpop (erf)  }
0x3ce: {  	v40 =	vpop (erf)  }
0x3cf: {  	v20 =	vmul.f32 v40, v20  }
0x3d0: {  	v41 =	vpop (erf)  }
0x3d1: {  	v31 =	vpop (erf);
	[tilespmem:s13+$0xFFFFFF20] =	vst v20  }
0x3d2: {  	v42 =	vmul.f32 v41, v24;
	v43 =	vpop (erf);
	v45 =	vld [tilespmem:s22+$0xFFFFFF30]  }
0x3d3: {  	v47 =	vld [tilespmem:s10+$0xFFFFFF30];
	v44 =	vpop (erf)  }
0x3d4: {  	[tilespmem:s13+$0xFFFFFFA0] =	vst v42;
	v36 =	vld [tilespmem:s1+$0xFFFFFF30];
	v46 =	vmul.f32 v44, v21  }
0x3d5: {  	v48 =	vld [tilespmem:s22+$0xFFFFFFB0]  }
0x3d6: {  	v49 =	vld [tilespmem:s10+$0xFFFFFFB0];
	[tilespmem:s13+$0x20] =	vst v46  }
0x3d7: {  	v50 =	vld [tilespmem:s22+$0x30]  }
0x3d8: {  	v51 =	vld [tilespmem:s10+$0x30]  }
0x3d9: {  	v37 =	vld [tilespmem:s1+$0xFFFFFFB0]  }
0x3da: {  	v38 =	vld [tilespmem:s1+$0x30]  }
0x3db: {  	v21 =	vadd.f32 v47, v45  }
0x3dc: {  	v26 =	vadd.f32 $1.000000000e+00, v63;
	v20 =	vadd.f32 v49, v48  }
0x3dd: {  	v21 =	vadd.f32 v36, v21;
	v52 =	vadd.f32 v51, v50  }
0x3de: {  	v31 =	vadd.f32 $1.000000000e+00, v31;
	v20 =	vadd.f32 v37, v20  }
0x3df: {  	v53 =	vsub.f32 $0.0e+00, v21;
	v27 =	vadd.f32 v38, v52  }
0x3e0: {  	(erf) = vrcp.f32 v26;
	v24 =	vadd.f32 $1.000000000e+00, v43;
	v54 =	vsub.f32 $0.0e+00, v20  }
0x3e1: {  	(erf) = vrcp.f32 v31;
	v33 =	vmul.f32 $1.442695020e+00, v53;
	v55 =	vsub.f32 $0.0e+00, v27  }
0x3e2: {  	(erf) = vrcp.f32 v24;
	v56 =	vmul.f32 $1.442695020e+00, v54  }
0x3e3: {  	(erf) = vpow2.f32 v33;
	v57 =	vmul.f32 $1.442695020e+00, v55  }
0x3e4: {  	(erf) = vpow2.f32 v56  }
0x3e5: {  	(erf) = vpow2.f32 v57;
	_ =	sdelay $0x3  }
0x3e6: {  	v1 =	vmul.f32 v6, v1;
	v58 =	vpop (erf)  }
0x3e7: {  	v2 =	vmul.f32 v11, v2;
	v59 =	vpop (erf)  }
0x3e8: {  	[tilespmem:s8+$0xFFFFFFB0] =	vst v1;
	v1 =	vmul.f32 v16, v3;
	v60 =	vpop (erf)  }
0x3e9: {  	[tilespmem:s8+$0x30] =	vst v2;
	v2 =	vmul.f32 v10, v13;
	v61 =	vpop (erf)  }
0x3ea: {  	[tilespmem:s25+$0xB0] =	vst v1;
	v1 =	vmul.f32 v9, v15;
	v3 =	vadd.f32 $1.000000000e+00, v61;
	v62 =	vpop (erf)  }
0x3eb: {  	[tilespmem:s30+$0xFFFFFF30] =	vst v2;
	v2 =	vmul.f32 v17, v14;
	v11 =	vadd.f32 $1.000000000e+00, v62;
	v63 =	vpop (erf)  }
0x3ec: {  	[tilespmem:s30+$0xFFFFFFB0] =	vst v1;
	v1 =	vmul.f32 v5, v8;
	(erf) = vrcp.f32 v3;
	v3 =	vadd.f32 $1.000000000e+00, v63  }
0x3ed: {  	[tilespmem:s30+$0x30] =	vst v2;
	v2 =	vmul.f32 v28, v7;
	(erf) = vrcp.f32 v11  }
0x3ee: {  	[tilespmem:s21+$0xB0] =	vst v1;
	v1 =	vmul.f32 v30, v4;
	(erf) = vrcp.f32 v3  }
0x3ef: {  	[tilespmem:s25+$0xFFFFFF30] =	vst v2;
	v2 =	vmul.f32 v29, v18  }
0x3f0: {  	[tilespmem:s25+$0xFFFFFFB0] =	vst v1;
	v1 =	vmul.f32 v32, v19  }
0x3f1: {  	[tilespmem:s25+$0x30] =	vst v2;
	v2 =	vmul.f32 v58, v22  }
0x3f2: {  	[tilespmem:s13+$0xB0] =	vst v1;
	v1 =	vmul.f32 v59, v25  }
0x3f3: {  	[tilespmem:s21+$0xFFFFFF30] =	vst v2;
	v2 =	vmul.f32 v60, v23;
	_ =	sdelay $0x1  }
0x3f4: {  	s18 =	sadd.s32 $0x1, s18;
	[tilespmem:s8+$0xFFFFFF30] =	vst v12;
	v3 =	vpop (erf)  }
0x3f5: {  	p0 =	sne.s32 s18, $0x28;
	[tilespmem:s21+$0xFFFFFFB0] =	vst v1;
	v1 =	vpop (erf);
	v3 =	vmul.f32 v3, v21  }
.Ltmp4:
0x3f6: {  	[tilespmem:s21+$0x30] =	vst v2;
	v1 =	vmul.f32 v1, v20;
	v2 =	vpop (erf);
	(pc) =	sbr.rel @p0 .LBB2_6-.Ltmp4, $4  }
0x3f7: {  	[tilespmem:s13+$0xFFFFFF30] =	vst v3;
	v2 =	vmul.f32 v2, v27  }
0x3f8: {  	[tilespmem:s13+$0xFFFFFFB0] =	vst v1  }
0x3f9: {  	s31 =	simm.s32 $0x18200;
	s30 =	sadd.s32 s7, s16;
	[tilespmem:s13+$0x30] =	vst v2  }
0x3fa: {  	[hbm4b:s30+s2] =	stream.linear.scatter [tilespmem:s31], [sflag:$0x8], $0x4000, $0x38;
	[tilespmem:$0x1C200] =	vst v63  }
0x3fb: {  	_ =	swait.ge [sflag:s29], $0x80  }
0x3fc: {  	[sflag:s29] =	ssyncset.done $0x0  }
0x3fd: {  	[sflag:s29] =	ssyncadd.s32 $0xFFFFFF80  }
0x3fe: {  	_ =	swait.ge [sflag:s29], $0x80  }
0x3ff: {  	[sflag:s29] =	ssyncset.done $0x0  }
0x400: {  	s0 =	simm.s32 $0x3;
	[sflag:s29] =	ssyncadd.s32 $0xFFFFFF80  }
0x401: {  	_ =	swait.ge [sflag:s0], $0x4000  }
0x402: {  	[sflag:s0] =	ssyncset.done $0x0  }
0x403: {  	s26 =	simm.s32 $0x5;
	[sflag:s0] =	ssyncadd.s32 $0xFFFFC000  }
0x404: {  	_ =	swait.ge [sflag:s26], $0x4000  }
0x405: {  	[sflag:s26] =	ssyncset.done $0x0  }
0x406: {  	s30 =	simm.s32 $0x7;
	[sflag:s26] =	ssyncadd.s32 $0xFFFFC000  }
0x407: {  	_ =	swait.ge [sflag:s30], $0x4000  }
0x408: {  	[sflag:s30] =	ssyncset.done $0x0  }
0x409: {  	s1 =	simm.s32 $0x8;
	[sflag:s30] =	ssyncadd.s32 $0xFFFFC000  }
0x40a: {  	_ =	swait.ge [sflag:s1], $0x4000  }
0x40b: {  	s4 =	rddreg [dreg:$0xd]  }
0x40c: {  	s31 =	rddreg [dreg:$0xc];
	s4 =	sadd.s32 $0x1, s4  }
0x40d: {  	p0 =	sne.s32 s4, s31  }
.Ltmp5:
0x40e: {  	_ = 	snop;
	(pc) =	sbr.rel @p0 .LBB2_1-.Ltmp5, $3  }
0x40f: {  	_ =	sdelay $0x1  }
0x410: {  	[sflag:s1] =	ssyncset.done $0x0  }
0x411: {  	s11 =	rddreg [dreg:$0x2];
	[sflag:s1] =	ssyncadd.s32 $0xFFFFC000  }
0x412: {  	_ =	sfence.sel $0x180000  }
0x413: {  	[bflag:$0x0] =	sbarrier.arrive $0xFFFF  }
0x414: {  	_ =	strace $0x9000004A  }
0x415: {  	s0 =	stileid.u32;
	[bflag:$0x2] =	sbarrier.arrive $0xFFFF  }
0x416: {  	p0 =	sne.s32 s0, $0x0;
	s0 =	rddreg [dreg:$0x1]  }
0x417: {  	s0 =	sadd.s32 @!p0 $0x100000, s0  }
0x418: {  	[sflag:s0] =	ssyncadd.tile.s32 @!p0 $0x1;
	_ =	shalt  }
.Lfunc_end2:
_tile_overlayer_lowered:
.L_overlay_start_2:
0x419: {  	(tag) =	ssettag $0x2  }
0x41a: {  	s0 =	rddreg [dreg:$0x0];
	s2 =	stileid.u32  }
0x41b: {  	s1 =	rddreg [dreg:$0x1];
	p0 =	sne.s32 s2, $0x0  }
0x41c: {  	s3 =	rddreg [dreg:$0x2];
	[bflag:$0x3] =	sbarrier.arrive $0xFFFF;
	s2 =	simm.s32 @!p0 $0x1C09  }
0x41d: {  	[timem:s3], [sflag:s2] =	dma.local @!p0 [hbm:s0], s1  }
0x41e: {  	s0 =	simm.s32 @!p0 $0x9  }
0x41f: {  	_ =	swait.ge @!p0 [sflag:s0], s1  }
0x420: {  	s1 =	ssub.s32 @!p0 $0x0, s1;
	[sflag:s0] =	ssyncset.done @!p0 $0x0  }
0x421: {  	[sflag:s0] =	ssyncadd.s32 @!p0 s1  }
0x422: {  	[bflag:$0x3] =	sbarrier.arrive $0xFFFF  }
0x423: {  	_ =	shalt  }

// kernel: closed_call.21.cloned.1.call-start
scs
__scs_entry_jumppad:
0x0: {  	(pc) =	sbr.rel $0x88, $3  }
0x1: {  	(tag) =	ssettag $0x0;
	lr =	simm.s32 $0x1  }
0x2: {  	[smem:$0x3F56] =	sst lr;
	_ =	strace $0xD0000000  }
0x3: {  	_ = 	snop  }
0x4: {  	_ = 	snop  }
0x5: {  	_ = 	snop  }
0x6: {  	_ = 	snop  }
0x7: {  	_ = 	snop  }
__scs_overlays_trampoline_lowered:
0x8: {  	[smem:$0x3F65] =	sst s0  }
0x9: {  	[smem:$0x3F66] =	sst s1  }
0xa: {  	[smem:$0x3F67] =	sst s2  }
0xb: {  	[smem:$0x3F68] =	sst s3  }
0xc: {  	[smem:$0x3F69] =	sst s4  }
0xd: {  	[smem:$0x3F6A] =	sst s5  }
0xe: {  	[smem:$0x3F6B] =	sst s6  }
0xf: {  	[smem:$0x3F6C] =	sst s7  }
0x10: {  	[smem:$0x3F6D] =	sst s8  }
0x11: {  	[smem:$0x3F6E] =	sst s9;
	s0 =	simm.s32 @!p0 $0x0  }
0x12: {  	s1 =	sld [smem:$0x3F54];
	s0 =	simm.s32 @p0 $0x1  }
0x13: {  	[smem:$0x3F6F] =	sst s0;
	s0 =	simm.s32 @!p1 $0x0  }
0x14: {  	s2 =	sld [smem:$0x3F53];
	s0 =	simm.s32 @p1 $0x1  }
0x15: {  	[smem:$0x3F70] =	sst s0;
	s0 =	simm.s32 @!p2 $0x0  }
0x16: {  	s3 =	sld [smem:$0x3FDB];
	s0 =	simm.s32 @p2 $0x1  }
0x17: {  	s4 =	simm.s32 $0x1BF5;
	[smem:$0x3F72] =	sst s0  }
0x18: {  	s0 =	sld [smem:$0x3F55];
	_ =	swait.ge [sflag:s4], $0x0  }
0x19: {  	s7 =	sld [smem:$0x3F56]  }
0x1a: {  	s8 =	sadd.s32 $0xFFFFE003, lr  }
0x1b: {  	s9 =	sadd.s32 $0xFFFFFEF7, lr;
	s5 =	simm.s32 $0xFFFFFFFF;
	p2 =	slt.u32 s8, $0xFFFFF086  }
0x1c: {  	p1 =	slt.u32 s9, $0xF7A;
	s5 =	simm.s32 @!p2 $0x0  }
0x1d: {  	s5 =	simm.s32 @p1 $0x1;
	p0 =	seq.s32 s7, s2  }
0x1e: {  	s7 =	smul.u32 @!p0 $0xF7A, s2;
	p2 =	seq.s32 @!p0 s5, $0x0  }
0x1f: {  	s9 =	smul.u32 $0xF7A, s1;
	s8 =	simm.s32 @!p0 $0x1BF5;
	p2 =	por !p2, p0  }
0x20: {  	[sflag:s8] =	ssyncset.s32 @!p0 $0xFFFFF086;
	s6 =	sadd.s32 @!p0 s3, s7;
	s7 =	simm.s32 @!p0 $0x108  }
0x21: {  	s3 =	sadd.s32 s3, s9;
	s6 =	sadd.s32 @!p0 $0x88, s6;
	s7 =	simm.s32 @p2 $0x1082  }
0x22: {  	[simem:s7], [sflag:s8] =	dma.local @!p0 [hbm:s6], $0xF7A  }
0x23: {  	s9 =	sor.u32 $0xD0000000, s2;
	s6 =	simm.s32 $0x108;
	_ =	swait.ge @!p0 [sflag:s8], $0x0  }
0x24: {  	s3 =	sadd.s32 $0x88, s3;
	s6 =	simm.s32 @!p1 $0x1082;
	[sflag:s4] =	ssyncset.s32 $0xFFFFF086  }
0x25: {  	[simem:s6], [sflag:s4] =	dma.local [hbm:s3], $0xF7A  }
0x26: {  	[smem:$0x3F56] =	sst s1;
	(tag) =	ssettag s2;
	_ =	strace s9  }
0x27: {  	s1 =	sld [smem:$0x3F66]  }
0x28: {  	s2 =	sld [smem:$0x3F67]  }
0x29: {  	s4 =	sld [smem:$0x3F69]  }
0x2a: {  	p0 =	seq.s32 s5, $0x0;
	s5 =	sld [smem:$0x3F6A]  }
0x2b: {  	s6 =	sld [smem:$0x3F6B]  }
0x2c: {  	s7 =	sld [smem:$0x3F6C]  }
0x2d: {  	s3 =	simm.s32 $0x108;
	s8 =	sld [smem:$0x3F6D]  }
0x2e: {  	s3 =	simm.s32 @!p0 $0x1082;
	s9 =	sld [smem:$0x3F6E]  }
0x2f: {  	lr =	sadd.s32 s0, s3;
	s0 =	sld [smem:$0x3F65]  }
0x30: {  	s3 =	sld [smem:$0x3F68]  }
0x31: {  	[smem:$0x3F71] =	sst s10  }
0x32: {  	s10 =	sld [smem:$0x3F6F];
	_ =	sdelay $0x3  }
0x33: {  	p0 =	seq.s32 s10, $0x1;
	s10 =	sld [smem:$0x3F71];
	_ =	sdelay $0x3  }
0x34: {  	[smem:$0x3F71] =	sst s10  }
0x35: {  	s10 =	sld [smem:$0x3F70];
	_ =	sdelay $0x3  }
0x36: {  	p1 =	seq.s32 s10, $0x1;
	s10 =	sld [smem:$0x3F71];
	_ =	sdelay $0x3  }
0x37: {  	[smem:$0x3F71] =	sst s10  }
0x38: {  	s10 =	sld [smem:$0x3F72]  }
0x39: {  	_ = 	snop;
	(pc) =	sbr.ind lr, $3  }
0x3a: {  	_ = 	snop  }
0x3b: {  	_ = 	snop  }
0x3c: {  	p2 =	seq.s32 s10, $0x1;
	s10 =	sld [smem:$0x3F71]  }
0x3d: {  	_ =	shalt  }
0x3e: {  	_ =	shalt  }
0x3f: {  	_ =	shalt  }
0x40: {  	_ =	shalt  }
0x41: {  	_ =	shalt  }
0x42: {  	_ =	shalt  }
0x43: {  	_ =	shalt  }
0x44: {  	_ =	shalt  }
0x45: {  	_ =	shalt  }
0x46: {  	_ =	shalt  }
0x47: {  	_ =	shalt  }
0x48: {  	_ =	shalt  }
0x49: {  	_ =	shalt  }
0x4a: {  	_ =	shalt  }
0x4b: {  	_ =	shalt  }
0x4c: {  	_ =	shalt  }
0x4d: {  	_ =	shalt  }
0x4e: {  	_ =	shalt  }
0x4f: {  	_ =	shalt  }
0x50: {  	_ =	shalt  }
0x51: {  	_ =	shalt  }
0x52: {  	_ =	shalt  }
0x53: {  	_ =	shalt  }
0x54: {  	_ =	shalt  }
0x55: {  	_ =	shalt  }
0x56: {  	_ =	shalt  }
0x57: {  	_ =	shalt  }
0x58: {  	_ =	shalt  }
0x59: {  	_ =	shalt  }
0x5a: {  	_ =	shalt  }
0x5b: {  	_ =	shalt  }
0x5c: {  	_ =	shalt  }
0x5d: {  	_ =	shalt  }
0x5e: {  	_ =	shalt  }
0x5f: {  	_ =	shalt  }
0x60: {  	_ =	shalt  }
0x61: {  	_ =	shalt  }
0x62: {  	_ =	shalt  }
0x63: {  	_ =	shalt  }
0x64: {  	_ =	shalt  }
0x65: {  	_ =	shalt  }
0x66: {  	_ =	shalt  }
0x67: {  	_ =	shalt  }
0x68: {  	_ =	shalt  }
0x69: {  	_ =	shalt  }
0x6a: {  	_ =	shalt  }
0x6b: {  	_ =	shalt  }
0x6c: {  	_ =	shalt  }
0x6d: {  	_ =	shalt  }
0x6e: {  	_ =	shalt  }
0x6f: {  	_ =	shalt  }
0x70: {  	_ =	shalt  }
0x71: {  	_ =	shalt  }
0x72: {  	_ =	shalt  }
0x73: {  	_ =	shalt  }
0x74: {  	_ =	shalt  }
0x75: {  	_ =	shalt  }
0x76: {  	_ =	shalt  }
0x77: {  	_ =	shalt  }
0x78: {  	_ =	shalt  }
0x79: {  	_ =	shalt  }
0x7a: {  	_ =	shalt  }
0x7b: {  	_ =	shalt  }
0x7c: {  	_ =	shalt  }
0x7d: {  	_ =	shalt  }
0x7e: {  	_ =	shalt  }
0x7f: {  	_ =	shalt  }
0x80: {  	_ =	shalt  }
0x81: {  	_ =	shalt  }
0x82: {  	_ =	shalt  }
0x83: {  	_ =	shalt  }
0x84: {  	_ =	shalt  }
0x85: {  	_ =	shalt  }
0x86: {  	_ =	shalt  }
0x87: {  	_ =	shalt  }
.Lfunc_end0:
.L_simem_size_0:
called_computation.1_lowered:
.L_overlay_start_0:
0x88: {  	s2 =	sld [smem:$0x3FD9]  }
0x89: {  	s3 =	sld [smem:$0x3FFE];
	_ =	sdelay $0x1  }
0x8a: {  	s1 =	srdreg.scid  }
0x8b: {  	s0 =	sand.u32 $0x1, s1  }
0x8c: {  	s16 =	sshll.u32 s0, $0xA;
	s2 =	sadd.s32 s3, s2  }
0x8d: {  	s2 =	sadd.s32 s2, s16  }
0x8e: {  	[smem:$0x3F7D] =	sst s2  }
0x8f: {  	_ = 	snop  }
0x90: {  	(tm) =	ssettm $0x1  }
0x91: {  	s17 =	sld [smem:$0x3FFB];
	_ =	sdelay $0x3  }
0x92: {  	_ =	strace s17  }
0x93: {  	s2 =	sld [smem:$0x3FFC];
	_ =	sdelay $0x3  }
0x94: {  	_ =	strace s2  }
0x95: {  	s2 =	sld [smem:$0x3FFD];
	_ =	sdelay $0x3  }
0x96: {  	_ =	strace s2  }
0x97: {  	_ =	strace $0x8FFFFFFF  }
0x98: {  	s18 =	sld [smem:$0x3FDB];
	_ =	sdelay $0x1  }
0x99: {  	s19 =	simm.s32 $_scs_section_size  }
0x9a: {  	s4 =	simm.s32 $_size__tile_overlayer_lowered;
	s5 =	simm.s32 $_tile_overlayer_lowered  }
0x9b: {  	s22 =	simm.s32 $0x1BFF;
	s21 =	sshll.u32 s5, $0x1;
	s2 =	sadd.s32 s19, s18  }
0x9c: {  	s6 =	simm.s32 $0x0;
	s20 =	sshll.u32 s4, $0x1;
	s4 =	sadd.s32 s21, s2  }
0x9d: {  	[timem:s6], [sflag:s22] =	dma.local [hbm:s4], s20  }
0x9e: {  	_ =	swait.ge [sflag:s22], s20  }
0x9f: {  	s3 =	ssub.s32 $0x0, s20;
	[sflag:s22] =	ssyncset.done $0x0  }
0xa0: {  	[sflag:s22] =	ssyncadd.s32 s3;
	_ =	sdelay $0x1  }
0xa1: {  	s23 =	simm.s32 $0x1B8B  }
0xa2: {  	_ =	swait.ge [sflag:s23], $0x1  }
0xa3: {  	[sflag:s23] =	ssyncset.done $0x0  }
0xa4: {  	s25 =	simm.s32 $0x1B8E;
	s24 =	sld [smem:$0x3FFE];
	[sflag:s23] =	ssyncadd.s32 $0xFFFFFFFF  }
0xa5: {  	s26 =	simm.s32 $execute0_lowered;
	[smem:$0x3FD2] =	sst s25  }
0xa6: {  	s4 =	sshll.u32 s26, $0x1;
	_ =	strace $0x8000004C;
	[dreg:$0x1] =	wrdreg $0xFFFFFFFF  }
0xa7: {  	s28 =	simm.s32 $_size_execute0_lowered;
	s2 =	sadd.s32 s2, s4;
	[dreg:$0x0] =	wrdreg $0x0  }
0xa8: {  	s4 =	sshll.u32 s28, $0x1;
	[dreg:$0x2] =	wrdreg s2  }
0xa9: {  	[dreg:$0x3] =	wrdreg s4  }
0xaa: {  	[dreg:$0x4] =	wrdreg $0xC0  }
0xab: {  	_ =	task [dreg:s6], $0x5FFFF  }
0xac: {  	[dreg:$0x1] =	wrdreg $0xFFFFFFFF  }
0xad: {  	[dreg:$0x0] =	wrdreg $0x60  }
0xae: {  	[dreg:$0x2] =	wrdreg s24  }
0xaf: {  	[dreg:$0x3] =	wrdreg $0xC1000  }
0xb0: {  	[dreg:$0x4] =	wrdreg $0x9  }
0xb1: {  	_ =	task.clear_ibuf [dreg:s6], $0x5FFFF;
	_ =	strace $0x9000004C  }
0xb2: {  	s29 =	simm.s32 $0x9;
	_ =	strace $0x8000004E  }
0xb3: {  	_ =	swait.ge [sflag:s29], $0x1  }
0xb4: {  	[sflag:s29] =	ssyncadd.s32 $0xFFFFFFFF  }
0xb5: {  	_ =	strace $0x9000004E  }
0xb6: {  	_ =	sfence  }
0xb7: {  	s30 =	sld [smem:$0x0];
	_ =	sdelay $0x2  }
0xb8: {  	s31 =	sshll.u32 s1, $0xD;
	s1 =	sshrl.u32 s1, $0x2  }
0xb9: {  	s3 =	sand.u32 $0x4000, s31;
	s1 =	sadd.s32 s1, s30  }
0xba: {  	s0 =	sor.u32 s3, s0;
	s1 =	sshll.u32 s1, $0x11  }
0xbb: {  	s0 =	sor.u32 s1, s0  }
0xbc: {  	s0 =	sadd.s32 $0x8F2B, s0  }
0xbd: {  	[sflag:s0] =	ssyncadd.remote.s32 $0x1  }
0xbe: {  	_ =	sfence.sel $0xFFFF  }
0xbf: {  	[dreg:$0x0] =	wrdreg $0xFFFFFFFF;
	(pc) =	sbr.abs _section_cstart, $3  }
0xc0: {  	[dreg:$0x1] =	wrdreg $0xFFFFFFFF  }
0xc1: {  	_ =	task.clear_ibuf [dreg:s6], $0x2FFFF;
	_ =	strace $0x9FFFFFFF  }
0xc2: {  	(tm) =	ssettm $0x7FFFFFFF  }
0xc3: {  	_ =	shalt  }
tec
execute0_lowered:
.L_overlay_start_1:
0x0: {  	(tag) =	ssettag $0x1  }
0x1: {  	s0 =	rddreg [dreg:$0x0]  }
0x2: {  	s1 =	rddreg [dreg:$0x1]  }
0x3: {  	s3 =	simm.s32 $0x0;
	s2 =	srdreg.scid;
	s5 =	stileid.u32  }
0x4: {  	s20 =	simm.s32 $0x8100;
	s28 =	simm.s32 $0x2;
	s6 =	smul.u32 $0x30000, s5  }
0x5: {  	s29 =	simm.s32 $0x4;
	s30 =	simm.s32 $0x0;
	s9 =	smul.u32 $0xC000, s5  }
0x6: {  	[smem:$0x7FF] =	sst s3;
	s16 =	sadd.s32 $0xF62600, s0;
	s10 =	smul.u32 $0xA000, s5  }
0x7: {  	s2 =	sand.u32 $0x1, s2;
	s4 =	sadd.s32 $0xB200, s0;
	s22 =	smul.u32 $0x50000, s5  }
0x8: {  	s8 =	sadd.s32 $0x83A00, s0;
	s0 =	sadd.s32 $0x84200, s0;
	s18 =	smul.u32 $0x5000, s5  }
0x9: {  	_ =	strace $0x8000004D;
	s7 =	ssub.s32 $0x2, s2;
	[dreg:$0x3] =	wrdreg s8  }
0xa: {  	s15 =	sshll.u32 s2, $0x7;
	s2 =	smul.u32 $0xC0000, s2;
	s21 =	sshrl.u32 s7, $0x1  }
0xb: {  	s6 =	sshrl.u32 s6, $0x2;
	s12 =	sadd.s32 $0x4000, s9;
	s13 =	sadd.s32 $0x8000, s9  }
0xc: {  	s17 =	sor.u32 s15, s10;
	s10 =	sadd.s32 s16, s22;
	s18 =	sadd.s32 $0x4F80, s18  }
0xd: {  	s22 =	simm.s32 $0x100;
	s14 =	ssub.s32 s7, s21;
	s6 =	sadd.s32 s6, s1  }
0xe: {  	s7 =	sadd.s32 s12, s1;
	s8 =	sadd.s32 s13, s1;
	s11 =	sshrl.u32 s17, $0x3  }
0xf: {  	s19 =	sadd.s32 s9, s2;
	s12 =	sadd.s32 s2, s12;
	s2 =	sadd.s32 s2, s13  }
0x10: {  	s24 =	sshll.u32 s18, $0x1;
	s26 =	sshll.u32 s18, $0x4;
	s31 =	sor.u32 $0x100, s17  }
0x11: {  	s21 =	simm.s32 $0x5;
	s9 =	sadd.s32 s4, s11;
	s23 =	sshrl.u32 s19, $0x3  }
0x12: {  	s12 =	sshrl.u32 s12, $0x3;
	s2 =	sshrl.u32 s2, $0x3;
	s15 =	sor.u32 s15, s24  }
0x13: {  	s14 =	smax.u32 s14, $0x1;
	s16 =	sadd.s32 s16, s26;
	s24 =	simm.s32 $0x3  }
0x14: {  	s26 =	simm.s32 $0x4100;
	s11 =	sadd.s32 s0, s23;
	s12 =	sadd.s32 s0, s12  }
0x15: {  	s13 =	sadd.s32 s0, s2;
	s25 =	sshrl.u32 s15, $0x3;
	s0 =	sadd.s32 $0x800, s10  }
0x16: {  	s2 =	sshrl.u32 s31, $0x3;
	s23 =	simm.s32 $0x1;
	s15 =	sadd.s32 s4, s25  }
0x17: {  	s18 =	sadd.s32 s2, s4;
	s2 =	sor.u32 $0x200, s17;
	s25 =	simm.s32 $0x80  }
.LBB2_1:
0x18: {  	s5 =	rddreg [dreg:$0x3]  }
0x19: {  	[tilespmem:s20], [sflag:$0x5] =	stream.linear.gather [hbm4b:s5+s3], $0x4000, $0x38;
	[tilespmem:$0x18100] =	vst v63  }
0x1a: {  	_ =	swait.ge [sflag:s21], $0x4000  }
0x1b: {  	[sflag:s21] =	ssyncset.done $0x0  }
0x1c: {  	[sflag:s21] =	ssyncadd.s32 $0xFFFFC000  }
0x1d: {  	[spmem:s6] =	stream.linear.scatter [tilespmem:s20], [sflag:$0x5], $0x4000, $0x38;
	[tilespmem:$0x18100] =	vst v63  }
0x1e: {  	_ =	swait.ge [sflag:s21], $0x4000  }
0x1f: {  	[sflag:s21] =	ssyncset.done $0x0  }
0x20: {  	[sflag:s21] =	ssyncadd.s32 $0xFFFFC000  }
0x21: {  	[spmem:s7] =	stream.linear.scatter [tilespmem:s20], [sflag:$0x5], $0x4000, $0x38;
	[tilespmem:$0x18100] =	vst v63  }
0x22: {  	_ =	swait.ge [sflag:s21], $0x4000  }
0x23: {  	[sflag:s21] =	ssyncset.done $0x0  }
0x24: {  	[sflag:s21] =	ssyncadd.s32 $0xFFFFC000  }
0x25: {  	[spmem:s8] =	stream.linear.scatter [tilespmem:s20], [sflag:$0x5], $0x4000, $0x38;
	[tilespmem:$0x18100] =	vst v63  }
0x26: {  	_ =	swait.ge [sflag:s21], $0x4000  }
0x27: {  	[sflag:s21] =	ssyncset.done $0x0  }
0x28: {  	[sflag:s21] =	ssyncadd.s32 $0xFFFFC000  }
0x29: {  	[bflag:$0x0] =	sbarrier.arrive $0xFFFF  }
0x2a: {  	[tilespmem:s3], [sflag:$0x1] =	stream.linear.gather [hbm4b:s9+s3], $0x80, $0x38;
	[tilespmem:$0x18100] =	vst v63  }
0x2b: {  	_ = 	snop  }
0x2c: {  	[tilespmem:s22], [sflag:$0x3] =	stream.linear.gather [hbm4b:s10+s3], $0x4000, $0x38;
	[tilespmem:$0x18100] =	vst v63  }
0x2d: {  	_ =	swait.ge [sflag:s23], $0x80  }
0x2e: {  	[sflag:s23] =	ssyncset.done $0x0  }
0x2f: {  	[sflag:s23] =	ssyncadd.s32 $0xFFFFFF80  }
0x30: {  	_ =	swait.ge [sflag:s24], $0x4000  }
0x31: {  	[sflag:s24] =	ssyncset.done $0x0  }
0x32: {  	s17 =	sadd.s32 $0x0, s18;
	[sflag:s24] =	ssyncadd.s32 $0xFFFFC000  }
0x33: {  	[tilespmem:s25], [sflag:$0x2] =	stream.linear.gather [hbm4b:s17+s3], $0x80, $0x38;
	[tilespmem:$0x18100] =	vst v63  }
0x34: {  	_ = 	snop  }
0x35: {  	[tilespmem:s26], [sflag:$0x4] =	stream.linear.gather [hbm4b:s0+s3], $0x4000, $0x38;
	[tilespmem:$0x18100] =	vst v63  }
0x36: {  	_ = 	snop  }
0x37: {  	[spmem:s1] =	stream.indirect.scatter.add.f32 [tilespmem:s22], [sflag:$0x5], $0x80, s3, s25, $0xb8;
	[tilespmem:$0x18100] =	vst v63  }
0x38: {  	_ =	swait.ge [sflag:s21], $0x4000  }
0x39: {  	[sflag:s21] =	ssyncset.done $0x0  }
0x3a: {  	[sflag:s21] =	ssyncadd.s32 $0xFFFFC000  }
0x3b: {  	_ =	swait.ge [sflag:s28], $0x80  }
0x3c: {  	[sflag:s28] =	ssyncset.done $0x0  }
0x3d: {  	[sflag:s28] =	ssyncadd.s32 $0xFFFFFF80  }
0x3e: {  	_ =	swait.ge [sflag:s29], $0x4000  }
0x3f: {  	s5 =	sshrl.u32 s2, $0x3;
	[sflag:s29] =	ssyncset.done $0x0  }
0x40: {  	s17 =	sadd.s32 s4, s5;
	[sflag:s29] =	ssyncadd.s32 $0xFFFFC000  }
0x41: {  	[tilespmem:s3], [sflag:$0x1] =	stream.linear.gather [hbm4b:s17+s3], $0x80, $0x38;
	[tilespmem:$0x18100] =	vst v63  }
0x42: {  	s19 =	sadd.s32 $0x800, s0  }
0x43: {  	[tilespmem:s22], [sflag:$0x3] =	stream.linear.gather [hbm4b:s19+s3], $0x4000, $0x38;
	[tilespmem:$0x18100] =	vst v63  }
0x44: {  	_ = 	snop  }
0x45: {  	[spmem:s1] =	stream.indirect.scatter.add.f32 [tilespmem:s26], [sflag:$0x5], $0x80, s25, s25, $0xb8;
	[tilespmem:$0x18100] =	vst v63  }
0x46: {  	s31 =	simm.s32 $0x40;
	_ =	swait.ge [sflag:s21], $0x4000  }
0x47: {  	s17 =	smov.u32 s0;
	s19 =	smov.u32 s2;
	[sflag:s21] =	ssyncset.done $0x0  }
.LBB2_2:
0x48: {  	[sflag:s21] =	ssyncadd.s32 $0xFFFFC000;
	s17 =	sadd.s32 $0x1000, s17;
	s19 =	sadd.s32 $0x200, s19  }
0x49: {  	p0 =	sne.s32 s31, $0x1380;
	s5 =	smov.u32 s31;
	s31 =	sadd.s32 $0x40, s31  }
0x4a: {  	_ =	swait.ge [sflag:s23], $0x80  }
0x4b: {  	[sflag:s23] =	ssyncset.done $0x0  }
0x4c: {  	[sflag:s23] =	ssyncadd.s32 $0xFFFFFF80  }
0x4d: {  	_ =	swait.ge [sflag:s24], $0x4000  }
0x4e: {  	[sflag:s24] =	ssyncset.done $0x0  }
0x4f: {  	s5 =	sadd.s32 s5, s18;
	[sflag:s24] =	ssyncadd.s32 $0xFFFFC000  }
0x50: {  	[tilespmem:s25], [sflag:$0x2] =	stream.linear.gather [hbm4b:s5+s3], $0x80, $0x38;
	[tilespmem:$0x18100] =	vst v63  }
0x51: {  	_ = 	snop  }
0x52: {  	[tilespmem:s26], [sflag:$0x4] =	stream.linear.gather [hbm4b:s17+s3], $0x4000, $0x38;
	[tilespmem:$0x18100] =	vst v63  }
0x53: {  	_ = 	snop  }
0x54: {  	[spmem:s1] =	stream.indirect.scatter.add.f32 [tilespmem:s22], [sflag:$0x5], $0x80, s3, s25, $0xb8;
	[tilespmem:$0x18100] =	vst v63  }
0x55: {  	_ =	swait.ge [sflag:s21], $0x4000  }
0x56: {  	[sflag:s21] =	ssyncset.done $0x0  }
0x57: {  	[sflag:s21] =	ssyncadd.s32 $0xFFFFC000  }
0x58: {  	_ =	swait.ge [sflag:s28], $0x80  }
0x59: {  	[sflag:s28] =	ssyncset.done $0x0  }
0x5a: {  	[sflag:s28] =	ssyncadd.s32 $0xFFFFFF80  }
0x5b: {  	_ =	swait.ge [sflag:s29], $0x4000  }
0x5c: {  	s5 =	sshrl.u32 s19, $0x3;
	[sflag:s29] =	ssyncset.done $0x0  }
0x5d: {  	s5 =	sadd.s32 s4, s5;
	[sflag:s29] =	ssyncadd.s32 $0xFFFFC000  }
0x5e: {  	[tilespmem:s3], [sflag:$0x1] =	stream.linear.gather [hbm4b:s5+s3], $0x80, $0x38;
	[tilespmem:$0x18100] =	vst v63  }
0x5f: {  	s5 =	sadd.s32 $0x800, s17  }
0x60: {  	[tilespmem:s22], [sflag:$0x3] =	stream.linear.gather [hbm4b:s5+s3], $0x4000, $0x38;
	[tilespmem:$0x18100] =	vst v63  }
.Ltmp0:
0x61: {  	_ = 	snop;
	(pc) =	sbr.rel @p0 .LBB2_2-.Ltmp0, $4  }
0x62: {  	_ = 	snop  }
0x63: {  	[spmem:s1] =	stream.indirect.scatter.add.f32 [tilespmem:s26], [sflag:$0x5], $0x80, s25, s25, $0xb8;
	[tilespmem:$0x18100] =	vst v63  }
0x64: {  	_ =	swait.ge [sflag:s21], $0x4000  }
0x65: {  	[sflag:s21] =	ssyncset.done $0x0  }
0x66: {  	[sflag:s21] =	ssyncadd.s32 $0xFFFFC000  }
0x67: {  	_ =	swait.ge [sflag:s23], $0x80  }
0x68: {  	[sflag:s23] =	ssyncset.done $0x0  }
0x69: {  	[sflag:s23] =	ssyncadd.s32 $0xFFFFFF80  }
0x6a: {  	_ =	swait.ge [sflag:s24], $0x4000  }
0x6b: {  	[sflag:s24] =	ssyncset.done $0x0  }
0x6c: {  	[sflag:s24] =	ssyncadd.s32 $0xFFFFC000  }
0x6d: {  	[tilespmem:s25], [sflag:$0x2] =	stream.linear.gather [hbm4b:s15+s3], $0x80, $0x38;
	[tilespmem:$0x18100] =	vst v63  }
0x6e: {  	_ = 	snop  }
0x6f: {  	[tilespmem:s26], [sflag:$0x4] =	stream.linear.gather [hbm4b:s16+s3], $0x4000, $0x38;
	[tilespmem:$0x18100] =	vst v63  }
0x70: {  	_ = 	snop  }
0x71: {  	[spmem:s1] =	stream.indirect.scatter.add.f32 [tilespmem:s22], [sflag:$0x5], $0x80, s3, s25, $0xb8;
	[tilespmem:$0x18100] =	vst v63  }
0x72: {  	_ =	swait.ge [sflag:s21], $0x4000  }
0x73: {  	[sflag:s21] =	ssyncset.done $0x0  }
0x74: {  	[sflag:s21] =	ssyncadd.s32 $0xFFFFC000  }
0x75: {  	_ =	swait.ge [sflag:s28], $0x80  }
0x76: {  	[sflag:s28] =	ssyncset.done $0x0  }
0x77: {  	[sflag:s28] =	ssyncadd.s32 $0xFFFFFF80  }
0x78: {  	_ =	swait.ge [sflag:s29], $0x4000  }
0x79: {  	[sflag:s29] =	ssyncset.done $0x0  }
0x7a: {  	[sflag:s29] =	ssyncadd.s32 $0xFFFFC000  }
0x7b: {  	[tilespmem:s3], [sflag:$0x1] =	stream.linear.gather [hbm4b:s9+s3], $0x80, $0x38;
	[tilespmem:$0x18100] =	vst v63  }
0x7c: {  	_ = 	snop  }
0x7d: {  	[tilespmem:s22], [sflag:$0x3] =	stream.linear.gather [hbm4b:s10+s3], $0x4000, $0x38;
	[tilespmem:$0x18100] =	vst v63  }
0x7e: {  	_ = 	snop  }
0x7f: {  	[spmem:s1] =	stream.indirect.scatter.add.f32 [tilespmem:s26], [sflag:$0x5], $0x80, s25, s25, $0xb8;
	[tilespmem:$0x18100] =	vst v63  }
0x80: {  	_ =	swait.ge [sflag:s21], $0x4000  }
0x81: {  	[sflag:s21] =	ssyncset.done $0x0  }
0x82: {  	[sflag:s21] =	ssyncadd.s32 $0xFFFFC000  }
0x83: {  	_ =	swait.ge [sflag:s23], $0x80  }
0x84: {  	[sflag:s23] =	ssyncset.done $0x0  }
0x85: {  	[sflag:s23] =	ssyncadd.s32 $0xFFFFFF80  }
0x86: {  	_ =	swait.ge [sflag:s24], $0x4000  }
0x87: {  	[sflag:s24] =	ssyncset.done $0x0  }
0x88: {  	[sflag:s24] =	ssyncadd.s32 $0xFFFFC000  }
0x89: {  	[bflag:$0x0] =	sbarrier.arrive $0xFFFF  }
0x8a: {  	[tilespmem:s20], [sflag:$0x5] =	stream.linear.gather [spmem:s6], $0x4000, $0x38;
	[tilespmem:$0x18100] =	vst v63  }
0x8b: {  	_ =	swait.ge [sflag:s21], $0x4000  }
0x8c: {  	[sflag:s21] =	ssyncset.done $0x0  }
0x8d: {  	[sflag:s21] =	ssyncadd.s32 $0xFFFFC000  }
0x8e: {  	[hbm4b:s11+s3] =	stream.linear.scatter [tilespmem:s20], [sflag:$0x5], $0x4000, $0x38;
	[tilespmem:$0x18100] =	vst v63  }
0x8f: {  	_ =	swait.ge [sflag:s21], $0x4000  }
0x90: {  	[sflag:s21] =	ssyncset.done $0x0  }
0x91: {  	[sflag:s21] =	ssyncadd.s32 $0xFFFFC000  }
0x92: {  	[tilespmem:s20], [sflag:$0x5] =	stream.linear.gather [spmem:s7], $0x4000, $0x38;
	[tilespmem:$0x18100] =	vst v63  }
0x93: {  	_ =	swait.ge [sflag:s21], $0x4000  }
0x94: {  	[sflag:s21] =	ssyncset.done $0x0  }
0x95: {  	[sflag:s21] =	ssyncadd.s32 $0xFFFFC000  }
0x96: {  	[hbm4b:s12+s3] =	stream.linear.scatter [tilespmem:s20], [sflag:$0x5], $0x4000, $0x38;
	[tilespmem:$0x18100] =	vst v63  }
0x97: {  	_ =	swait.ge [sflag:s21], $0x4000  }
0x98: {  	[sflag:s21] =	ssyncset.done $0x0  }
0x99: {  	[sflag:s21] =	ssyncadd.s32 $0xFFFFC000  }
0x9a: {  	[tilespmem:s20], [sflag:$0x5] =	stream.linear.gather [spmem:s8], $0x4000, $0x38;
	[tilespmem:$0x18100] =	vst v63  }
0x9b: {  	s30 =	sadd.s32 $0x1, s30;
	_ =	swait.ge [sflag:s21], $0x4000  }
0x9c: {  	p0 =	sne.s32 s30, s14;
	[sflag:s21] =	ssyncset.done $0x0  }
.Ltmp1:
0x9d: {  	[sflag:s21] =	ssyncadd.s32 $0xFFFFC000;
	(pc) =	sbr.rel @p0 .LBB2_1-.Ltmp1, $4  }
0x9e: {  	[hbm4b:s13+s3] =	stream.linear.scatter [tilespmem:s20], [sflag:$0x5], $0x4000, $0x38;
	[tilespmem:$0x18100] =	vst v63  }
0x9f: {  	_ =	swait.ge [sflag:s21], $0x4000  }
0xa0: {  	[sflag:s21] =	ssyncset.done $0x0  }
0xa1: {  	[sflag:s21] =	ssyncadd.s32 $0xFFFFC000  }
0xa2: {  	_ =	sfence.sel $0x180000  }
0xa3: {  	[bflag:$0x0] =	sbarrier.arrive $0xFFFF  }
0xa4: {  	_ =	strace $0x9000004D  }
0xa5: {  	s0 =	stileid.u32;
	[bflag:$0x2] =	sbarrier.arrive $0xFFFF  }
0xa6: {  	p0 =	sne.s32 s0, $0x0;
	s0 =	rddreg [dreg:$0x2]  }
0xa7: {  	s0 =	sadd.s32 @!p0 $0x100000, s0  }
0xa8: {  	[sflag:s0] =	ssyncadd.tile.s32 @!p0 $0x1;
	_ =	shalt  }
.Lfunc_end2:
_tile_overlayer_lowered:
.L_overlay_start_2:
0xa9: {  	(tag) =	ssettag $0x2  }
0xaa: {  	s0 =	rddreg [dreg:$0x0];
	s2 =	stileid.u32  }
0xab: {  	s1 =	rddreg [dreg:$0x1];
	p0 =	sne.s32 s2, $0x0  }
0xac: {  	s3 =	rddreg [dreg:$0x2];
	[bflag:$0x3] =	sbarrier.arrive $0xFFFF;
	s2 =	simm.s32 @!p0 $0x1C05  }
0xad: {  	[timem:s3], [sflag:s2] =	dma.local @!p0 [hbm:s0], s1  }
0xae: {  	s0 =	simm.s32 @!p0 $0x5  }
0xaf: {  	_ =	swait.ge @!p0 [sflag:s0], s1  }
0xb0: {  	s1 =	ssub.s32 @!p0 $0x0, s1;
	[sflag:s0] =	ssyncset.done @!p0 $0x0  }
0xb1: {  	[sflag:s0] =	ssyncadd.s32 @!p0 s1  }
0xb2: {  	[bflag:$0x3] =	sbarrier.arrive $0xFFFF  }
0xb3: {  	_ =	shalt  }

// kernel: kernel.6.cloned.1.call-start
scs
__scs_entry_jumppad:
0x0: {  	(pc) =	sbr.rel $0x88, $3  }
0x1: {  	(tag) =	ssettag $0x0;
	lr =	simm.s32 $0x1  }
0x2: {  	[smem:$0x3F56] =	sst lr;
	_ =	strace $0xD0000000  }
0x3: {  	_ = 	snop  }
0x4: {  	_ = 	snop  }
0x5: {  	_ = 	snop  }
0x6: {  	_ = 	snop  }
0x7: {  	_ = 	snop  }
__scs_overlays_trampoline_lowered:
0x8: {  	[smem:$0x3F65] =	sst s0  }
0x9: {  	[smem:$0x3F66] =	sst s1  }
0xa: {  	[smem:$0x3F67] =	sst s2  }
0xb: {  	[smem:$0x3F68] =	sst s3  }
0xc: {  	[smem:$0x3F69] =	sst s4  }
0xd: {  	[smem:$0x3F6A] =	sst s5  }
0xe: {  	[smem:$0x3F6B] =	sst s6  }
0xf: {  	[smem:$0x3F6C] =	sst s7  }
0x10: {  	[smem:$0x3F6D] =	sst s8  }
0x11: {  	[smem:$0x3F6E] =	sst s9;
	s0 =	simm.s32 @!p0 $0x0  }
0x12: {  	s1 =	sld [smem:$0x3F54];
	s0 =	simm.s32 @p0 $0x1  }
0x13: {  	[smem:$0x3F6F] =	sst s0;
	s0 =	simm.s32 @!p1 $0x0  }
0x14: {  	s2 =	sld [smem:$0x3F53];
	s0 =	simm.s32 @p1 $0x1  }
0x15: {  	[smem:$0x3F70] =	sst s0;
	s0 =	simm.s32 @!p2 $0x0  }
0x16: {  	s3 =	sld [smem:$0x3FDB];
	s0 =	simm.s32 @p2 $0x1  }
0x17: {  	s4 =	simm.s32 $0x1BF5;
	[smem:$0x3F72] =	sst s0  }
0x18: {  	s0 =	sld [smem:$0x3F55];
	_ =	swait.ge [sflag:s4], $0x0  }
0x19: {  	s7 =	sld [smem:$0x3F56]  }
0x1a: {  	s8 =	sadd.s32 $0xFFFFE003, lr  }
0x1b: {  	s9 =	sadd.s32 $0xFFFFFEF7, lr;
	s5 =	simm.s32 $0xFFFFFFFF;
	p2 =	slt.u32 s8, $0xFFFFF086  }
0x1c: {  	p1 =	slt.u32 s9, $0xF7A;
	s5 =	simm.s32 @!p2 $0x0  }
0x1d: {  	s5 =	simm.s32 @p1 $0x1;
	p0 =	seq.s32 s7, s2  }
0x1e: {  	s7 =	smul.u32 @!p0 $0xF7A, s2;
	p2 =	seq.s32 @!p0 s5, $0x0  }
0x1f: {  	s9 =	smul.u32 $0xF7A, s1;
	s8 =	simm.s32 @!p0 $0x1BF5;
	p2 =	por !p2, p0  }
0x20: {  	[sflag:s8] =	ssyncset.s32 @!p0 $0xFFFFF086;
	s6 =	sadd.s32 @!p0 s3, s7;
	s7 =	simm.s32 @!p0 $0x108  }
0x21: {  	s3 =	sadd.s32 s3, s9;
	s6 =	sadd.s32 @!p0 $0x88, s6;
	s7 =	simm.s32 @p2 $0x1082  }
0x22: {  	[simem:s7], [sflag:s8] =	dma.local @!p0 [hbm:s6], $0xF7A  }
0x23: {  	s9 =	sor.u32 $0xD0000000, s2;
	s6 =	simm.s32 $0x108;
	_ =	swait.ge @!p0 [sflag:s8], $0x0  }
0x24: {  	s3 =	sadd.s32 $0x88, s3;
	s6 =	simm.s32 @!p1 $0x1082;
	[sflag:s4] =	ssyncset.s32 $0xFFFFF086  }
0x25: {  	[simem:s6], [sflag:s4] =	dma.local [hbm:s3], $0xF7A  }
0x26: {  	[smem:$0x3F56] =	sst s1;
	(tag) =	ssettag s2;
	_ =	strace s9  }
0x27: {  	s1 =	sld [smem:$0x3F66]  }
0x28: {  	s2 =	sld [smem:$0x3F67]  }
0x29: {  	s4 =	sld [smem:$0x3F69]  }
0x2a: {  	p0 =	seq.s32 s5, $0x0;
	s5 =	sld [smem:$0x3F6A]  }
0x2b: {  	s6 =	sld [smem:$0x3F6B]  }
0x2c: {  	s7 =	sld [smem:$0x3F6C]  }
0x2d: {  	s3 =	simm.s32 $0x108;
	s8 =	sld [smem:$0x3F6D]  }
0x2e: {  	s3 =	simm.s32 @!p0 $0x1082;
	s9 =	sld [smem:$0x3F6E]  }
0x2f: {  	lr =	sadd.s32 s0, s3;
	s0 =	sld [smem:$0x3F65]  }
0x30: {  	s3 =	sld [smem:$0x3F68]  }
0x31: {  	[smem:$0x3F71] =	sst s10  }
0x32: {  	s10 =	sld [smem:$0x3F6F];
	_ =	sdelay $0x3  }
0x33: {  	p0 =	seq.s32 s10, $0x1;
	s10 =	sld [smem:$0x3F71];
	_ =	sdelay $0x3  }
0x34: {  	[smem:$0x3F71] =	sst s10  }
0x35: {  	s10 =	sld [smem:$0x3F70];
	_ =	sdelay $0x3  }
0x36: {  	p1 =	seq.s32 s10, $0x1;
	s10 =	sld [smem:$0x3F71];
	_ =	sdelay $0x3  }
0x37: {  	[smem:$0x3F71] =	sst s10  }
0x38: {  	s10 =	sld [smem:$0x3F72]  }
0x39: {  	_ = 	snop;
	(pc) =	sbr.ind lr, $3  }
0x3a: {  	_ = 	snop  }
0x3b: {  	_ = 	snop  }
0x3c: {  	p2 =	seq.s32 s10, $0x1;
	s10 =	sld [smem:$0x3F71]  }
0x3d: {  	_ =	shalt  }
0x3e: {  	_ =	shalt  }
0x3f: {  	_ =	shalt  }
0x40: {  	_ =	shalt  }
0x41: {  	_ =	shalt  }
0x42: {  	_ =	shalt  }
0x43: {  	_ =	shalt  }
0x44: {  	_ =	shalt  }
0x45: {  	_ =	shalt  }
0x46: {  	_ =	shalt  }
0x47: {  	_ =	shalt  }
0x48: {  	_ =	shalt  }
0x49: {  	_ =	shalt  }
0x4a: {  	_ =	shalt  }
0x4b: {  	_ =	shalt  }
0x4c: {  	_ =	shalt  }
0x4d: {  	_ =	shalt  }
0x4e: {  	_ =	shalt  }
0x4f: {  	_ =	shalt  }
0x50: {  	_ =	shalt  }
0x51: {  	_ =	shalt  }
0x52: {  	_ =	shalt  }
0x53: {  	_ =	shalt  }
0x54: {  	_ =	shalt  }
0x55: {  	_ =	shalt  }
0x56: {  	_ =	shalt  }
0x57: {  	_ =	shalt  }
0x58: {  	_ =	shalt  }
0x59: {  	_ =	shalt  }
0x5a: {  	_ =	shalt  }
0x5b: {  	_ =	shalt  }
0x5c: {  	_ =	shalt  }
0x5d: {  	_ =	shalt  }
0x5e: {  	_ =	shalt  }
0x5f: {  	_ =	shalt  }
0x60: {  	_ =	shalt  }
0x61: {  	_ =	shalt  }
0x62: {  	_ =	shalt  }
0x63: {  	_ =	shalt  }
0x64: {  	_ =	shalt  }
0x65: {  	_ =	shalt  }
0x66: {  	_ =	shalt  }
0x67: {  	_ =	shalt  }
0x68: {  	_ =	shalt  }
0x69: {  	_ =	shalt  }
0x6a: {  	_ =	shalt  }
0x6b: {  	_ =	shalt  }
0x6c: {  	_ =	shalt  }
0x6d: {  	_ =	shalt  }
0x6e: {  	_ =	shalt  }
0x6f: {  	_ =	shalt  }
0x70: {  	_ =	shalt  }
0x71: {  	_ =	shalt  }
0x72: {  	_ =	shalt  }
0x73: {  	_ =	shalt  }
0x74: {  	_ =	shalt  }
0x75: {  	_ =	shalt  }
0x76: {  	_ =	shalt  }
0x77: {  	_ =	shalt  }
0x78: {  	_ =	shalt  }
0x79: {  	_ =	shalt  }
0x7a: {  	_ =	shalt  }
0x7b: {  	_ =	shalt  }
0x7c: {  	_ =	shalt  }
0x7d: {  	_ =	shalt  }
0x7e: {  	_ =	shalt  }
0x7f: {  	_ =	shalt  }
0x80: {  	_ =	shalt  }
0x81: {  	_ =	shalt  }
0x82: {  	_ =	shalt  }
0x83: {  	_ =	shalt  }
0x84: {  	_ =	shalt  }
0x85: {  	_ =	shalt  }
0x86: {  	_ =	shalt  }
0x87: {  	_ =	shalt  }
.Lfunc_end0:
.L_simem_size_0:
called_computation.2_lowered:
.L_overlay_start_0:
0x88: {  	s2 =	sld [smem:$0x3FD9]  }
0x89: {  	s3 =	sld [smem:$0x3FFE];
	_ =	sdelay $0x1  }
0x8a: {  	s1 =	srdreg.scid  }
0x8b: {  	s0 =	sand.u32 $0x1, s1  }
0x8c: {  	s16 =	sshll.u32 s0, $0xA;
	s2 =	sadd.s32 s3, s2  }
0x8d: {  	s2 =	sadd.s32 s2, s16  }
0x8e: {  	[smem:$0x3F7D] =	sst s2  }
0x8f: {  	_ = 	snop  }
0x90: {  	(tm) =	ssettm $0x1  }
0x91: {  	s17 =	sld [smem:$0x3FFB];
	_ =	sdelay $0x3  }
0x92: {  	_ =	strace s17  }
0x93: {  	s2 =	sld [smem:$0x3FFC];
	_ =	sdelay $0x3  }
0x94: {  	_ =	strace s2  }
0x95: {  	s2 =	sld [smem:$0x3FFD];
	_ =	sdelay $0x3  }
0x96: {  	_ =	strace s2  }
0x97: {  	_ =	strace $0x8FFFFFFF  }
0x98: {  	s18 =	sld [smem:$0x3FDB];
	_ =	sdelay $0x1  }
0x99: {  	s19 =	simm.s32 $_scs_section_size  }
0x9a: {  	s4 =	simm.s32 $_size__tile_overlayer_lowered;
	s5 =	simm.s32 $_tile_overlayer_lowered  }
0x9b: {  	s22 =	simm.s32 $0x1BFF;
	s21 =	sshll.u32 s5, $0x1;
	s2 =	sadd.s32 s19, s18  }
0x9c: {  	s6 =	simm.s32 $0x0;
	s20 =	sshll.u32 s4, $0x1;
	s4 =	sadd.s32 s21, s2  }
0x9d: {  	[timem:s6], [sflag:s22] =	dma.local [hbm:s4], s20  }
0x9e: {  	_ =	swait.ge [sflag:s22], s20  }
0x9f: {  	s3 =	ssub.s32 $0x0, s20;
	[sflag:s22] =	ssyncset.done $0x0  }
0xa0: {  	[sflag:s22] =	ssyncadd.s32 s3;
	_ =	sdelay $0x1  }
0xa1: {  	s23 =	simm.s32 $0x1B8B  }
0xa2: {  	_ =	swait.ge [sflag:s23], $0x1  }
0xa3: {  	[sflag:s23] =	ssyncset.done $0x0  }
0xa4: {  	s25 =	simm.s32 $0x1B8E;
	s24 =	sld [smem:$0x3FFE];
	[sflag:s23] =	ssyncadd.s32 $0xFFFFFFFF  }
0xa5: {  	s26 =	simm.s32 $execute0_lowered;
	[smem:$0x3FD2] =	sst s25  }
0xa6: {  	s4 =	sshll.u32 s26, $0x1;
	_ =	strace $0x80000046;
	[dreg:$0x1] =	wrdreg $0xFFFFFFFF  }
0xa7: {  	s28 =	simm.s32 $_size_execute0_lowered;
	s2 =	sadd.s32 s2, s4;
	[dreg:$0x0] =	wrdreg $0x0  }
0xa8: {  	s4 =	sshll.u32 s28, $0x1;
	[dreg:$0x2] =	wrdreg s2  }
0xa9: {  	[dreg:$0x3] =	wrdreg s4  }
0xaa: {  	[dreg:$0x4] =	wrdreg $0xC0  }
0xab: {  	_ =	task [dreg:s6], $0x5FFFF  }
0xac: {  	[dreg:$0x1] =	wrdreg $0xFFFFFFFF  }
0xad: {  	[dreg:$0x0] =	wrdreg $0x60  }
0xae: {  	[dreg:$0x2] =	wrdreg s24  }
0xaf: {  	[dreg:$0x3] =	wrdreg $0x9  }
0xb0: {  	_ =	task.clear_ibuf [dreg:s6], $0x4FFFF;
	_ =	strace $0x90000046  }
0xb1: {  	s29 =	simm.s32 $0x9;
	_ =	strace $0x80000048  }
0xb2: {  	_ =	swait.ge [sflag:s29], $0x1  }
0xb3: {  	[sflag:s29] =	ssyncadd.s32 $0xFFFFFFFF  }
0xb4: {  	_ =	strace $0x90000048  }
0xb5: {  	_ =	sfence  }
0xb6: {  	s30 =	sld [smem:$0x0];
	_ =	sdelay $0x2  }
0xb7: {  	s31 =	sshll.u32 s1, $0xD;
	s1 =	sshrl.u32 s1, $0x2  }
0xb8: {  	s3 =	sand.u32 $0x4000, s31;
	s1 =	sadd.s32 s1, s30  }
0xb9: {  	s0 =	sor.u32 s3, s0;
	s1 =	sshll.u32 s1, $0x11  }
0xba: {  	s0 =	sor.u32 s1, s0  }
0xbb: {  	s0 =	sadd.s32 $0x8F2B, s0  }
0xbc: {  	[sflag:s0] =	ssyncadd.remote.s32 $0x1  }
0xbd: {  	_ =	sfence.sel $0xFFFF  }
0xbe: {  	[dreg:$0x0] =	wrdreg $0xFFFFFFFF;
	(pc) =	sbr.abs _section_cstart, $3  }
0xbf: {  	[dreg:$0x1] =	wrdreg $0xFFFFFFFF  }
0xc0: {  	_ =	task.clear_ibuf [dreg:s6], $0x2FFFF;
	_ =	strace $0x9FFFFFFF  }
0xc1: {  	(tm) =	ssettm $0x7FFFFFFF  }
tec
execute0_lowered:
.L_overlay_start_1:
0x0: {  	(tag) =	ssettag $0x1  }
0x1: {  	s0 =	rddreg [dreg:$0x0]  }
0x2: {  	s2 =	simm.s32 $0x0;
	s1 =	srdreg.scid;
	s3 =	stileid.u32  }
0x3: {  	s17 =	simm.s32 $0x100;
	s18 =	simm.s32 $0x1;
	s19 =	simm.s32 $0x80  }
0x4: {  	s20 =	simm.s32 $0x200;
	s28 =	simm.s32 $0xC200;
	s29 =	simm.s32 $0x3  }
0x5: {  	s30 =	simm.s32 $0x5;
	s31 =	simm.s32 $0x7;
	[smem:$0x7FF] =	sst s2  }
0x6: {  	s1 =	sand.u32 $0x1, s1;
	s3 =	sshll.u32 s3, $0x1;
	s5 =	sadd.s32 $0x29400, s0  }
0x7: {  	s6 =	sadd.s32 $0x1F200, s0;
	s7 =	sadd.s32 $0x5B400, s0;
	s9 =	sor.u32 s1, s3  }
0x8: {  	_ =	strace $0x80000047;
	s1 =	ssub.s32 $0x2, s1;
	s4 =	smul.u32 $0x2800, s9  }
0x9: {  	s3 =	sadd.s32 $0x33400, s0;
	s8 =	sshrl.u32 s1, $0x1;
	s11 =	smul.u32 $0x28000, s9  }
0xa: {  	s15 =	smul.u32 $0x140000, s9;
	s9 =	simm.s32 $0x8;
	s21 =	ssub.s32 s1, s8  }
0xb: {  	s8 =	sor.u32 $0x80, s4;
	s22 =	sshrl.u32 s4, $0x3;
	s25 =	sadd.s32 s7, s11  }
0xc: {  	s0 =	smax.u32 s21, $0x1;
	s21 =	simm.s32 $0x8200;
	[dreg:$0x6] =	wrdreg s25  }
0xd: {  	s11 =	simm.s32 $0x0;
	s12 =	sadd.s32 s6, s22;
	[dreg:$0x8] =	wrdreg s0  }
0xe: {  	s10 =	sshrl.u32 s8, $0x3;
	s1 =	sadd.s32 s5, s22;
	[dreg:$0x2] =	wrdreg s12  }
0xf: {  	s26 =	sshll.u32 s8, $0x4;
	[dreg:$0x3] =	wrdreg s1;
	s23 =	sadd.s32 s6, s10  }
0x10: {  	s22 =	simm.s32 $0x180;
	s24 =	sadd.s32 s5, s10;
	[dreg:$0x4] =	wrdreg s23  }
0x11: {  	s25 =	simm.s32 $0x2;
	s1 =	sadd.s32 s7, s26;
	[dreg:$0x5] =	wrdreg s24  }
0x12: {  	s0 =	simm.s32 $0x4;
	s26 =	simm.s32 $0x4200;
	[dreg:$0x7] =	wrdreg s1  }
0x13: {  	s23 =	simm.s32 $0x10200;
	s24 =	simm.s32 $0x14200;
	s1 =	simm.s32 $0x6  }
.LBB2_1:
0x14: {  	[dreg:$0x9] =	wrdreg s11  }
0x15: {  	s10 =	rddreg [dreg:$0x2]  }
0x16: {  	[tilespmem:s2], [sflag:$0x1] =	stream.linear.gather [hbm4b:s10+s2], $0x80, $0x38;
	[tilespmem:$0x18200] =	vst v63  }
0x17: {  	s11 =	rddreg [dreg:$0x3]  }
0x18: {  	[tilespmem:s17], [sflag:$0x1] =	stream.linear.gather [hbm4b:s11+s2], $0x80, $0x38;
	[tilespmem:$0x18200] =	vst v63  }
0x19: {  	_ =	swait.ge [sflag:s18], $0x80  }
0x1a: {  	[sflag:s18] =	ssyncset.done $0x0  }
0x1b: {  	[sflag:s18] =	ssyncadd.s32 $0xFFFFFF80  }
0x1c: {  	_ =	swait.ge [sflag:s18], $0x80  }
0x1d: {  	[sflag:s18] =	ssyncset.done $0x0  }
0x1e: {  	[sflag:s18] =	ssyncadd.s32 $0xFFFFFF80  }
0x1f: {  	[tilespmem:s20], [sflag:$0x3] =	stream.indirect.gather [hbm4b:s3+s19], $0x80, s17, s19, $0xb8;
	[tilespmem:$0x18200] =	vst v63  }
0x20: {  	_ = 	snop  }
0x21: {  	[tilespmem:s21], [sflag:$0x5] =	stream.indirect.gather [hbm4b:s3+s19], $0x80, s2, s19, $0xb8;
	[tilespmem:$0x18200] =	vst v63  }
0x22: {  	s12 =	rddreg [dreg:$0x4]  }
0x23: {  	[tilespmem:s19], [sflag:$0x2] =	stream.linear.gather [hbm4b:s12+s2], $0x80, $0x38;
	[tilespmem:$0x18200] =	vst v63  }
0x24: {  	s13 =	rddreg [dreg:$0x5]  }
0x25: {  	[tilespmem:s22], [sflag:$0x2] =	stream.linear.gather [hbm4b:s13+s2], $0x80, $0x38;
	[tilespmem:$0x18200] =	vst v63  }
0x26: {  	s14 =	rddreg [dreg:$0x6]  }
0x27: {  	[hbm4b:s14+s2] =	stream.linear.scatter [tilespmem:s23], [sflag:$0x7], $0x4000, $0x38;
	[tilespmem:$0x18200] =	vst v63  }
0x28: {  	s11 =	simm.s32 $0x0;
	s16 =	rddreg [dreg:$0x7]  }
0x29: {  	[hbm4b:s16+s2] =	stream.linear.scatter [tilespmem:s24], [sflag:$0x8], $0x4000, $0x38;
	[tilespmem:$0x18200] =	vst v63  }
.LBB2_2:
0x2a: {  	_ =	swait.ge [sflag:s25], $0x80  }
0x2b: {  	[sflag:s25] =	ssyncset.done $0x0  }
0x2c: {  	[sflag:s25] =	ssyncadd.s32 $0xFFFFFF80  }
0x2d: {  	_ =	swait.ge [sflag:s25], $0x80  }
0x2e: {  	[sflag:s25] =	ssyncset.done $0x0  }
0x2f: {  	[sflag:s25] =	ssyncadd.s32 $0xFFFFFF80  }
0x30: {  	[tilespmem:s26], [sflag:$0x4] =	stream.indirect.gather [hbm4b:s3+s19], $0x80, s22, s19, $0xb8;
	[tilespmem:$0x18200] =	vst v63  }
0x31: {  	_ = 	snop  }
0x32: {  	[tilespmem:s28], [sflag:$0x6] =	stream.indirect.gather [hbm4b:s3+s19], $0x80, s19, s19, $0xb8;
	[tilespmem:$0x18200] =	vst v63  }
0x33: {  	s12 =	sshll.u32 s11, $0x8;
	_ =	swait.ge [sflag:s29], $0x4000  }
0x34: {  	p0 =	seq.s32 s11, $0x27;
	s10 =	sadd.s32 $0x100, s12;
	[sflag:s29] =	ssyncset.done $0x0  }
0x35: {  	s10 =	simm.s32 @p0 $0x0;
	[sflag:s29] =	ssyncadd.s32 $0xFFFFC000  }
0x36: {  	s10 =	sadd.s32 s4, s10;
	_ =	swait.ge [sflag:s30], $0x4000  }
0x37: {  	s10 =	sshrl.u32 s10, $0x3;
	[sflag:s30] =	ssyncset.done $0x0  }
0x38: {  	s13 =	sadd.s32 s6, s10;
	[sflag:s30] =	ssyncadd.s32 $0xFFFFC000  }
0x39: {  	[tilespmem:s2], [sflag:$0x1] =	stream.linear.gather [hbm4b:s13+s2], $0x80, $0x38;
	[tilespmem:$0x18200] =	vst v63  }
0x3a: {  	s10 =	sadd.s32 s5, s10  }
0x3b: {  	[tilespmem:s17], [sflag:$0x1] =	stream.linear.gather [hbm4b:s10+s2], $0x80, $0x38;
	[tilespmem:$0x18200] =	vst v63  }
0x3c: {  	_ =	swait.ge [sflag:s31], $0x4000  }
0x3d: {  	[sflag:s31] =	ssyncset.done $0x0  }
0x3e: {  	s10 =	simm.s32 $0x8300;
	[sflag:s31] =	ssyncadd.s32 $0xFFFFC000  }
0x3f: {  	s14 =	simm.s32 $0x300;
	v5 =	vld [tilespmem:s10+$0x80]  }
0x40: {  	v6 =	vld [tilespmem:s14+$0x80]  }
0x41: {  	v2 =	vld [tilespmem:s14+$0xFFFFFF00]  }
0x42: {  	v0 =	vld [tilespmem:s10+$0xFFFFFF80]  }
0x43: {  	v4 =	vld [tilespmem:s14+$0xFFFFFF80]  }
0x44: {  	v1 =	vld [tilespmem:s10+$0x0]  }
0x45: {  	v3 =	vld [tilespmem:s14+$0x0];
	v6 =	vsub.f32 v5, v6  }
0x46: {  	s16 =	simm.s32 $0x0;
	s13 =	simm.s32 $0x10300;
	v5 =	vld [tilespmem:s10+$0xFFFFFF00];
	s10 =	simm.s32 $0x8500  }
.LBB2_3:
0x47: {  	v7 =	vld [tilespmem:s10+$0x80];
	[tilespmem:s13+$0x80] =	vst v6;
	s14 =	sadd.s32 $0x200, s14  }
0x48: {  	s16 =	sadd.s32 $0x4, s16;
	v6 =	vld [tilespmem:s14+$0x80];
	v4 =	vsub.f32 v0, v4  }
0x49: {  	p1 =	slt.u32 s16, $0x7C;
	v8 =	vld [tilespmem:s14+$0xFFFFFF00]  }
.Ltmp0:
0x4a: {  	v0 =	vld [tilespmem:s10+$0xFFFFFF80];
	[tilespmem:s13+$0xFFFFFF80] =	vst v4;
	v3 =	vsub.f32 v1, v3;
	(pc) =	sbr.rel @p1 .LBB2_3-.Ltmp0, $4  }
0x4b: {  	v4 =	vld [tilespmem:s14+$0xFFFFFF80];
	v9 =	vsub.f32 v5, v2  }
0x4c: {  	v1 =	vld [tilespmem:s10+$0x0];
	[tilespmem:s13+$0x0] =	vst v3  }
0x4d: {  	v3 =	vld [tilespmem:s14+$0x0];
	v6 =	vsub.f32 v7, v6;
	[tilespmem:s13+$0xFFFFFF00] =	vst v9  }
0x4e: {  	s13 =	sadd.s32 $0x200, s13;
	v5 =	vld [tilespmem:s10+$0xFFFFFF00];
	s10 =	sadd.s32 $0x200, s10;
	v2 =	vmov v8  }
0x4f: {  	_ =	sdelay $0x1  }
0x50: {  	v0 =	vsub.f32 v0, v4  }
0x51: {  	[tilespmem:s13+$0x80] =	vst v6;
	s10 =	sshll.u32 s11, $0xF;
	v1 =	vsub.f32 v1, v3  }
0x52: {  	s10 =	sadd.s32 s15, s10;
	[tilespmem:s13+$0xFFFFFF80] =	vst v0;
	v0 =	vsub.f32 v5, v2  }
0x53: {  	s10 =	sshrl.u32 s10, $0x3;
	[tilespmem:s13+$0x0] =	vst v1  }
0x54: {  	s10 =	sadd.s32 s7, s10;
	[tilespmem:s13+$0xFFFFFF00] =	vst v0  }
0x55: {  	[hbm4b:s10+s2] =	stream.linear.scatter [tilespmem:s23], [sflag:$0x7], $0x4000, $0x38;
	[tilespmem:$0x18200] =	vst v63  }
0x56: {  	_ =	swait.ge [sflag:s18], $0x80  }
0x57: {  	[sflag:s18] =	ssyncset.done $0x0  }
0x58: {  	[sflag:s18] =	ssyncadd.s32 $0xFFFFFF80  }
0x59: {  	_ =	swait.ge [sflag:s18], $0x80  }
0x5a: {  	[sflag:s18] =	ssyncset.done $0x0  }
0x5b: {  	[sflag:s18] =	ssyncadd.s32 $0xFFFFFF80  }
0x5c: {  	[tilespmem:s20], [sflag:$0x3] =	stream.indirect.gather [hbm4b:s3+s19], $0x80, s17, s19, $0xb8;
	[tilespmem:$0x18200] =	vst v63  }
0x5d: {  	_ = 	snop  }
0x5e: {  	[tilespmem:s21], [sflag:$0x5] =	stream.indirect.gather [hbm4b:s3+s19], $0x80, s2, s19, $0xb8;
	[tilespmem:$0x18200] =	vst v63  }
0x5f: {  	_ =	swait.ge [sflag:s0], $0x4000  }
0x60: {  	s10 =	sadd.s32 $0x180, s12;
	[sflag:s0] =	ssyncset.done $0x0  }
0x61: {  	s10 =	simm.s32 @p0 $0x80;
	[sflag:s0] =	ssyncadd.s32 $0xFFFFC000  }
0x62: {  	s10 =	sadd.s32 s4, s10;
	_ =	swait.ge [sflag:s1], $0x4000  }
0x63: {  	s10 =	sshrl.u32 s10, $0x3;
	[sflag:s1] =	ssyncset.done $0x0  }
0x64: {  	s16 =	sadd.s32 s6, s10;
	[sflag:s1] =	ssyncadd.s32 $0xFFFFC000  }
0x65: {  	[tilespmem:s19], [sflag:$0x2] =	stream.linear.gather [hbm4b:s16+s2], $0x80, $0x38;
	[tilespmem:$0x18200] =	vst v63  }
0x66: {  	s10 =	sadd.s32 s5, s10  }
0x67: {  	[tilespmem:s22], [sflag:$0x2] =	stream.linear.gather [hbm4b:s10+s2], $0x80, $0x38;
	[tilespmem:$0x18200] =	vst v63  }
0x68: {  	_ =	swait.ge [sflag:s9], $0x4000  }
0x69: {  	[sflag:s9] =	ssyncset.done $0x0  }
0x6a: {  	s10 =	simm.s32 $0xC300;
	[sflag:s9] =	ssyncadd.s32 $0xFFFFC000  }
0x6b: {  	s14 =	simm.s32 $0x4300;
	v5 =	vld [tilespmem:s10+$0x80]  }
0x6c: {  	v6 =	vld [tilespmem:s14+$0x80]  }
0x6d: {  	v2 =	vld [tilespmem:s14+$0xFFFFFF00]  }
0x6e: {  	v0 =	vld [tilespmem:s10+$0xFFFFFF80]  }
0x6f: {  	v4 =	vld [tilespmem:s14+$0xFFFFFF80]  }
0x70: {  	v1 =	vld [tilespmem:s10+$0x0]  }
0x71: {  	v3 =	vld [tilespmem:s14+$0x0];
	v6 =	vsub.f32 v5, v6  }
0x72: {  	s13 =	simm.s32 $0x14300;
	s16 =	simm.s32 $0x0;
	v5 =	vld [tilespmem:s10+$0xFFFFFF00];
	s10 =	simm.s32 $0xC500  }
.LBB2_5:
0x73: {  	v7 =	vld [tilespmem:s10+$0x80];
	[tilespmem:s13+$0x80] =	vst v6;
	s14 =	sadd.s32 $0x200, s14  }
0x74: {  	s16 =	sadd.s32 $0x4, s16;
	v6 =	vld [tilespmem:s14+$0x80];
	v4 =	vsub.f32 v0, v4  }
0x75: {  	p0 =	slt.u32 s16, $0x7C;
	v8 =	vld [tilespmem:s14+$0xFFFFFF00]  }
.Ltmp1:
0x76: {  	v0 =	vld [tilespmem:s10+$0xFFFFFF80];
	[tilespmem:s13+$0xFFFFFF80] =	vst v4;
	v3 =	vsub.f32 v1, v3;
	(pc) =	sbr.rel @p0 .LBB2_5-.Ltmp1, $4  }
0x77: {  	v4 =	vld [tilespmem:s14+$0xFFFFFF80];
	v9 =	vsub.f32 v5, v2  }
0x78: {  	v1 =	vld [tilespmem:s10+$0x0];
	[tilespmem:s13+$0x0] =	vst v3  }
0x79: {  	v3 =	vld [tilespmem:s14+$0x0];
	v6 =	vsub.f32 v7, v6;
	[tilespmem:s13+$0xFFFFFF00] =	vst v9  }
0x7a: {  	s13 =	sadd.s32 $0x200, s13;
	v5 =	vld [tilespmem:s10+$0xFFFFFF00];
	s10 =	sadd.s32 $0x200, s10;
	v2 =	vmov v8  }
0x7b: {  	_ = 	snop  }
0x7c: {  	s11 =	sadd.s32 $0x1, s11  }
0x7d: {  	v0 =	vsub.f32 v0, v4;
	p0 =	sne.s32 s11, $0x28  }
.Ltmp2:
0x7e: {  	[tilespmem:s13+$0x80] =	vst v6;
	v1 =	vsub.f32 v1, v3;
	(pc) =	sbr.rel @p0 .LBB2_2-.Ltmp2, $4  }
0x7f: {  	s10 =	sadd.s32 s12, s8;
	[tilespmem:s13+$0xFFFFFF80] =	vst v0;
	v63 =	vsub.f32 v5, v2  }
0x80: {  	s10 =	sshll.u32 s10, $0x4;
	[tilespmem:s13+$0x0] =	vst v1  }
0x81: {  	s10 =	sadd.s32 s7, s10;
	[tilespmem:s13+$0xFFFFFF00] =	vst v63  }
0x82: {  	[hbm4b:s10+s2] =	stream.linear.scatter [tilespmem:s24], [sflag:$0x8], $0x4000, $0x38;
	[tilespmem:$0x18200] =	vst v63  }
0x83: {  	_ =	swait.ge [sflag:s25], $0x80  }
0x84: {  	[sflag:s25] =	ssyncset.done $0x0  }
0x85: {  	[sflag:s25] =	ssyncadd.s32 $0xFFFFFF80  }
0x86: {  	_ =	swait.ge [sflag:s25], $0x80  }
0x87: {  	[sflag:s25] =	ssyncset.done $0x0  }
0x88: {  	[sflag:s25] =	ssyncadd.s32 $0xFFFFFF80  }
0x89: {  	_ =	swait.ge [sflag:s29], $0x4000  }
0x8a: {  	[sflag:s29] =	ssyncset.done $0x0  }
0x8b: {  	[sflag:s29] =	ssyncadd.s32 $0xFFFFC000  }
0x8c: {  	_ =	swait.ge [sflag:s30], $0x4000  }
0x8d: {  	[sflag:s30] =	ssyncset.done $0x0  }
0x8e: {  	[sflag:s30] =	ssyncadd.s32 $0xFFFFC000  }
0x8f: {  	_ =	swait.ge [sflag:s31], $0x4000  }
0x90: {  	[sflag:s31] =	ssyncset.done $0x0  }
0x91: {  	[sflag:s31] =	ssyncadd.s32 $0xFFFFC000  }
0x92: {  	_ =	swait.ge [sflag:s9], $0x4000  }
0x93: {  	s11 =	rddreg [dreg:$0x9]  }
0x94: {  	s10 =	rddreg [dreg:$0x8];
	s11 =	sadd.s32 $0x1, s11  }
0x95: {  	p0 =	sne.s32 s11, s10  }
.Ltmp3:
0x96: {  	_ = 	snop;
	(pc) =	sbr.rel @p0 .LBB2_1-.Ltmp3, $3  }
0x97: {  	_ =	sdelay $0x1  }
0x98: {  	[sflag:s9] =	ssyncset.done $0x0  }
0x99: {  	[sflag:s9] =	ssyncadd.s32 $0xFFFFC000  }
0x9a: {  	_ =	sfence.sel $0x180000  }
0x9b: {  	[bflag:$0x0] =	sbarrier.arrive $0xFFFF  }
0x9c: {  	_ =	strace $0x90000047  }
0x9d: {  	s0 =	stileid.u32;
	[bflag:$0x2] =	sbarrier.arrive $0xFFFF  }
0x9e: {  	p0 =	sne.s32 s0, $0x0;
	s0 =	rddreg [dreg:$0x1]  }
0x9f: {  	s0 =	sadd.s32 @!p0 $0x100000, s0  }
0xa0: {  	[sflag:s0] =	ssyncadd.tile.s32 @!p0 $0x1;
	_ =	shalt  }
.Lfunc_end2:
_tile_overlayer_lowered:
.L_overlay_start_2:
0xa1: {  	(tag) =	ssettag $0x2  }
0xa2: {  	s0 =	rddreg [dreg:$0x0];
	s2 =	stileid.u32  }
0xa3: {  	s1 =	rddreg [dreg:$0x1];
	p0 =	sne.s32 s2, $0x0  }
0xa4: {  	s3 =	rddreg [dreg:$0x2];
	[bflag:$0x3] =	sbarrier.arrive $0xFFFF;
	s2 =	simm.s32 @!p0 $0x1C09  }
0xa5: {  	[timem:s3], [sflag:s2] =	dma.local @!p0 [hbm:s0], s1  }
0xa6: {  	s0 =	simm.s32 @!p0 $0x9  }
0xa7: {  	_ =	swait.ge @!p0 [sflag:s0], s1  }
0xa8: {  	s1 =	ssub.s32 @!p0 $0x0, s1;
	[sflag:s0] =	ssyncset.done @!p0 $0x0  }
0xa9: {  	[sflag:s0] =	ssyncadd.s32 @!p0 s1  }
0xaa: {  	[bflag:$0x3] =	sbarrier.arrive $0xFFFF  }
0xab: {  	_ =	shalt  }

</sc_bundles>
